<compile_context>
chip_gen: v7x
topology: tpu7x:2x2x1
jax: 0.10.2.dev20260603
libtpu: 0.0.44.dev20260713+nightly
codegen_flags: <defaults>
</compile_context>

<pallas_src>
import functools

import jax
import jax.numpy as jnp
from jax import lax
from jax.experimental import pallas as pl
from jax.experimental.pallas import tpu as pltpu
from jax.experimental.pallas import tpu_sc as plsc

INP = 16384
OUT = 1024
NNZ = 268435
NT = 32
RPT = INP // NT
C = 16
BIGC = 1024
PAD = 2 * BIGC + 128
G = OUT // 16
NBUF = 4


def _zero_ref(ref, n):
    z = jnp.zeros((16,), jnp.float32)

    @plsc.parallel_loop(0, n, unroll=8)
    def zb(i):
        ref[pl.ds(i * 16, 16)] = z


def _body(slin, bal, bend, emb, out, bal_v, bend_v, lin_big, lin_sh,
          idxA, idxB, idxC, idxD, rstA, rstB, rstC, rstD,
          dstA, dstB, dstC, dstD, pstA, pstB, pstC, pstD,
          gbufA, gbufB, gbufC, gbufD, acc, zbuf,
          gsemA, gsemB, gsemC, gsemD, fsem):
    t = lax.axis_index("s") * 2 + lax.axis_index("c")
    row_base = t * RPT
    iota = lax.iota(jnp.int32, 16)

    pltpu.sync_copy(bal, bal_v)
    pltpu.sync_copy(bend, bend_v)
    s0 = bal_v[pl.ds(t, 16)][0]
    e0 = bend_v[pl.ds(t, 16)][0]
    nch = (e0 - s0 + (C - 1)) // C
    nch2 = (nch + 1) // 2

    _zero_ref(acc, NBUF * G)
    _zero_ref(zbuf, 8 * G)

    def zrow(i, _):
        pltpu.sync_copy(
            zbuf,
            out.at[pl.ds(pl.multiple_of((row_base + i * 8) * OUT, 8), 8 * OUT)])
        return 0

    lax.fori_loop(0, RPT // 8, zrow, 0, unroll=False)

    def meta(j, idx_r, rst_r, dst_r, pst_r, gbuf_r, gsem_r,
             prev_lin, prev_c, pbase):
        def loadbig(_):
            pltpu.sync_copy(
                slin.at[pl.ds(pl.multiple_of(s0 + j * C, 8), BIGC)], lin_big)
            return 0

        lax.cond((j & (BIGC // C - 1)) == 0, loadbig, lambda _: 0, 0)
        cur = lin_big[pl.ds((j & (BIGC // C - 1)) * C, 16)]
        lin_sh[pl.ds(0, 16)] = jnp.broadcast_to(prev_lin, (16,))
        lin_sh[pl.ds(1, 16)] = cur
        prv = lin_sh[pl.ds(0, 16)]
        eq = cur == prv
        base = jnp.where(eq, jnp.int32(-(2 ** 29)), iota)
        base = jnp.where((iota == 0) & eq, -prev_c, base)
        lasth = plsc.cummax(base)
        cc = iota - lasth + 1
        rowsv = lax.shift_right_logical(cur, 14)
        colsv = lax.bitwise_and(cur, jnp.int32(INP - 1))
        valid = (rowsv >= row_base) & (rowsv < row_base + RPT)
        cf = cc.astype(jnp.float32)
        ec = jnp.exp(cf)
        d = jnp.where(cc == 1, ec, ec - jnp.exp(cf - 1.0))
        d = jnp.where(valid, d, jnp.float32(0.0))
        pref = plsc.cumsum(d) + jnp.broadcast_to(pbase, (16,))
        idx_r[...] = colsv
        rst_r[pl.ds(0, 16)] = rowsv
        dst_r[pl.ds(0, 16)] = d
        pst_r[pl.ds(0, 16)] = pref
        new_prev_lin = cur[15]
        new_prev_c = cc[15]
        new_pbase = pref[15]
        pltpu.async_copy(emb.at[idx_r], gbuf_r, gsem_r)
        return new_prev_lin, new_prev_c, new_pbase

    def issue_flush(ab, row):
        pltpu.async_copy(
            acc.at[pl.ds(pl.multiple_of(ab * OUT, 8), OUT)],
            out.at[pl.ds(pl.multiple_of(row * OUT, 8), OUT)], fsem)

    def wait_flush_unit():
        pltpu.make_async_copy(
            acc.at[pl.ds(0, OUT)], out.at[pl.ds(0, OUT)], fsem).wait()

    def flush_row(ab, fcnt, cur_row, inv):
        abase = ab * OUT

        @plsc.parallel_loop(0, G, unroll=8)
        def sc(g):
            a = acc[pl.ds(abase + g * 16, 16)]
            acc[pl.ds(abase + g * 16, 16)] = a * inv

        issue_flush(ab, cur_row)
        fcnt = fcnt + 1
        lax.cond(fcnt >= NBUF, lambda _: wait_flush_unit() or 0,
                 lambda _: 0, 0)
        nab = lax.rem(ab + 1, NBUF)
        nbase = nab * OUT
        zv = jnp.zeros((16,), jnp.float32)

        @plsc.parallel_loop(0, G, unroll=8)
        def zc(g):
            acc[pl.ds(nbase + g * 16, 16)] = zv

        return nab, fcnt

    def accum(rst_r, dst_r, pst_r, gbuf_r, last_pref, cur_row, zbase, ab,
              fcnt):
        def lane(l, carry):
            cur_row, zbase, ab, fcnt = carry
            r = rst_r[pl.ds(l, 16)][0]
            own = (r >= row_base) & (r < row_base + RPT)

            def do(carry):
                cur_row, zbase, ab, fcnt = carry
                send = jnp.where(
                    l == 0, last_pref,
                    pst_r[pl.ds(jnp.maximum(l - 1, 0), 16)][0])

                def changed(args):
                    cur_row, zbase, ab, fcnt = args

                    def wflush(_):
                        bz = (jnp.broadcast_to(send, (16,))
                              - jnp.broadcast_to(zbase, (16,)))
                        inv = jnp.broadcast_to(jnp.float32(1.0), (16,)) / bz
                        return flush_row(ab, fcnt, cur_row, inv)

                    ab, fcnt = lax.cond(cur_row >= 0, wflush,
                                        lambda _: (ab, fcnt), 0)
                    return r, send, ab, fcnt

                cur_row, zbase, ab, fcnt = lax.cond(
                    r != cur_row, changed, lambda a: a,
                    (cur_row, zbase, ab, fcnt))

                dv = jnp.broadcast_to(dst_r[pl.ds(l, 16)][0], (16,))
                abase = ab * OUT

                @plsc.parallel_loop(0, G, unroll=8)
                def ag(g):
                    gv = gbuf_r[l, pl.ds(g * 16, 16)]
                    plsc.addupdate(acc.at[pl.ds(abase + g * 16, 16)],
                                   dv * gv)

                return cur_row, zbase, ab, fcnt

            carry = lax.cond(own, do, lambda c: c, (cur_row, zbase, ab, fcnt))
            return carry

        cur_row, zbase, ab, fcnt = lax.fori_loop(
            0, 16, lane, (cur_row, zbase, ab, fcnt), unroll=False)
        return pst_r[pl.ds(15, 16)][0], cur_row, zbase, ab, fcnt

    def waitg(idx_r, gbuf_r, gsem_r):
        pltpu.make_async_copy(emb.at[idx_r], gbuf_r, gsem_r).wait()

    bufs = [(idxA, rstA, dstA, pstA, gbufA, gsemA),
            (idxB, rstB, dstB, pstB, gbufB, gsemB),
            (idxC, rstC, dstC, pstC, gbufC, gsemC),
            (idxD, rstD, dstD, pstD, gbufD, gsemD)]
    DEPTH = 4
    nch4 = (nch + DEPTH - 1) // DEPTH

    mcar = (jnp.int32(-1), jnp.int32(0), jnp.float32(0.0))
    for _p in range(DEPTH - 1):
        mcar = meta(jnp.int32(_p), *bufs[_p], *mcar)

    def step(j4, carry):
        mc0, mc1, mc2, last_pref, cur_row, zbase, ab, fcnt = carry
        mcar = (mc0, mc1, mc2)
        acar = (last_pref, cur_row, zbase, ab, fcnt)
        for b in range(DEPTH):
            j = DEPTH * j4 + b
            mcar = meta(j + DEPTH - 1, *bufs[(b + DEPTH - 1) % DEPTH], *mcar)
            waitg(bufs[b][0], bufs[b][4], bufs[b][5])
            acar = accum(bufs[b][1], bufs[b][2], bufs[b][3], bufs[b][4],
                         *acar)
        return (*mcar, *acar)

    carry0 = (*mcar, jnp.float32(0.0), jnp.int32(-1),
              jnp.float32(0.0), jnp.int32(0), jnp.int32(0))
    carry = lax.fori_loop(0, nch4, step, carry0, unroll=False)
    _, _, _, last_pref, cur_row, zbase, ab, fcnt = carry

    for _p in range(DEPTH - 1):
        waitg(bufs[_p][0], bufs[_p][4], bufs[_p][5])

    def final(args):
        abv, fcv = args
        bz = (jnp.broadcast_to(last_pref, (16,))
              - jnp.broadcast_to(zbase, (16,)))
        inv = jnp.broadcast_to(jnp.float32(1.0), (16,)) / bz
        return flush_row(abv, fcv, cur_row, inv)

    ab, fcnt = lax.cond(cur_row >= 0, final, lambda a: a, (ab, fcnt))
    outst = jnp.minimum(fcnt, NBUF - 1)
    for _db in range(NBUF - 1):
        lax.cond(outst > _db, lambda _: wait_flush_unit() or 0,
                 lambda _: 0, 0)


_mesh = plsc.VectorSubcoreMesh(core_axis_name="c", subcore_axis_name="s",
                               num_cores=2, num_subcores=16)

_sc_call = functools.partial(
    pl.kernel,
    out_type=jax.ShapeDtypeStruct((INP * OUT,), jnp.float32),
    mesh=_mesh,
    scratch_types=[
        pltpu.VMEM((48,), jnp.int32),
        pltpu.VMEM((48,), jnp.int32),
        pltpu.VMEM((BIGC,), jnp.int32),
        pltpu.VMEM((24,), jnp.int32),
        pltpu.VMEM((16,), jnp.int32),
        pltpu.VMEM((16,), jnp.int32),
        pltpu.VMEM((16,), jnp.int32),
        pltpu.VMEM((16,), jnp.int32),
        pltpu.VMEM((32,), jnp.int32),
        pltpu.VMEM((32,), jnp.int32),
        pltpu.VMEM((32,), jnp.int32),
        pltpu.VMEM((32,), jnp.int32),
        pltpu.VMEM((32,), jnp.float32),
        pltpu.VMEM((32,), jnp.float32),
        pltpu.VMEM((32,), jnp.float32),
        pltpu.VMEM((32,), jnp.float32),
        pltpu.VMEM((32,), jnp.float32),
        pltpu.VMEM((32,), jnp.float32),
        pltpu.VMEM((32,), jnp.float32),
        pltpu.VMEM((32,), jnp.float32),
        pltpu.VMEM((16, OUT), jnp.float32),
        pltpu.VMEM((16, OUT), jnp.float32),
        pltpu.VMEM((16, OUT), jnp.float32),
        pltpu.VMEM((16, OUT), jnp.float32),
        pltpu.VMEM((NBUF * OUT,), jnp.float32),
        pltpu.VMEM((8 * OUT,), jnp.float32),
        pltpu.SemaphoreType.DMA,
        pltpu.SemaphoreType.DMA,
        pltpu.SemaphoreType.DMA,
        pltpu.SemaphoreType.DMA,
        pltpu.SemaphoreType.DMA,
    ],
    compiler_params=pltpu.CompilerParams(needs_layout_passes=False),
)(_body)


def kernel(indices, emb_weight):
    rows = indices[0].astype(jnp.int32)
    cols = indices[1].astype(jnp.int32)
    lin = rows * INP + cols
    slin = jnp.sort(lin)
    marks = (jnp.arange(NT + 1, dtype=jnp.int32) * (RPT * INP)).astype(jnp.int32)
    b = jnp.searchsorted(slin, marks, side="left").astype(jnp.int32)
    bal = jnp.bitwise_and(b[:NT], jnp.int32(-8))
    bend = b[1:]
    pad16 = jnp.zeros((16,), jnp.int32)
    bal48 = jnp.concatenate([bal, pad16])
    bend48 = jnp.concatenate([bend, pad16])
    slin_p = jnp.concatenate(
        [slin, jnp.full((PAD,), jnp.int32(1 << 28), dtype=jnp.int32)])
    out = _sc_call(slin_p, bal48, bend48, emb_weight)
    return out.reshape(INP, OUT)

# --- scband reference (transcript-rebuilt; emitter-appended) ---
"""Pipeline reference for scband-contextual-embedding-21337397526693 (READ-ONLY COPY).

The authoritative reference and input builder live on the scoring server;
editing this copy changes nothing except your own understanding.
"""

import jax, jax.numpy as jnp
import numpy as np

INP_DIM = 16384
OTHER_DIM = 16384
OUT_DIM = 1024
NNZ = 268435


def setup_inputs(seed: int = 0) -> dict:
    key = jax.random.key(seed)
    k1, k2 = jax.random.split(key)
    indices = jax.random.randint(k1, (2, NNZ), 0, INP_DIM, dtype=jnp.int32)
    # learned parameter: nn.Embedding(other_dim, out_dim).weight
    emb_weight = jax.random.normal(k2, (OTHER_DIM, OUT_DIM), dtype=jnp.float32) * 0.02
    return {"indices": indices, "emb_weight": emb_weight}


def reference(indices, emb_weight):
    # x = embedding(arange(other_dim)) is simply the full embedding table
    rows = indices[0].astype(jnp.int32)
    cols = indices[1].astype(jnp.int32)
    # torch.sparse_coo_tensor with duplicate coordinates sums values on coalesce
    # (softmax/mm operate on the coalesced tensor), so coalesce explicitly.
    lin = rows * OTHER_DIM + cols  # max 16384*16384-1 < 2**31, int32 safe
    sorted_lin = jnp.sort(lin)
    flags = jnp.concatenate(
        [jnp.ones((1,), dtype=jnp.int32),
         (sorted_lin[1:] != sorted_lin[:-1]).astype(jnp.int32)]
    )
    gid = jnp.cumsum(flags) - 1
    vals = jax.ops.segment_sum(jnp.ones(NNZ, dtype=jnp.float32), gid, num_segments=NNZ)
    uniq = jax.ops.segment_max(sorted_lin, gid, num_segments=NNZ)
    valid = vals > 0
    u_rows = jnp.where(valid, uniq // OTHER_DIM, INP_DIM)
    u_cols = jnp.where(valid, uniq % OTHER_DIM, 0)
    # torch.sparse.softmax over dim=1: softmax over specified entries of each row;
    # unspecified entries are treated as -inf (excluded); empty rows stay zero.
    row_max = jax.ops.segment_max(vals, u_rows, num_segments=INP_DIM)
    e = jnp.exp(vals - row_max[u_rows])
    row_sum = jax.ops.segment_sum(e, u_rows, num_segments=INP_DIM)
    p = jnp.where(valid, e / row_sum[u_rows], 0.0)
    # torch.sparse.mm(indices_sm, x): SpMM = gather rows of x by col index, scale, scatter-add by row
    contrib = p[:, None] * jnp.take(emb_weight, u_cols, axis=0)
    out = jax.ops.segment_sum(contrib, u_rows, num_segments=INP_DIM)
    return out

if __name__ == "__main__":
    import jax
    _d = setup_inputs()
    print(jax.jit(kernel)(*tuple(_d.values())))

</pallas_src>

<mosaic_0001>
#map = affine_map<(d0, d1) -> (0)>
#map1 = affine_map<(d0, d1) -> (0, 0)>
module attributes {stable_mosaic.version = 14 : i64} {
  func.func @_body(%arg0: i32, %arg1: i32, %arg2: memref<270611xi32, #tpu.memory_space<hbm>>, %arg3: memref<48xi32, #tpu.memory_space<hbm>>, %arg4: memref<48xi32, #tpu.memory_space<hbm>>, %arg5: memref<16384x1024xf32, #tpu.memory_space<hbm>>, %arg6: memref<16777216xf32, #tpu.memory_space<hbm>>, %arg7: memref<48xi32, #tpu.memory_space<vmem>>, %arg8: memref<48xi32, #tpu.memory_space<vmem>>, %arg9: memref<1024xi32, #tpu.memory_space<vmem>>, %arg10: memref<24xi32, #tpu.memory_space<vmem>>, %arg11: memref<16xi32, #tpu.memory_space<vmem>>, %arg12: memref<16xi32, #tpu.memory_space<vmem>>, %arg13: memref<16xi32, #tpu.memory_space<vmem>>, %arg14: memref<16xi32, #tpu.memory_space<vmem>>, %arg15: memref<32xi32, #tpu.memory_space<vmem>>, %arg16: memref<32xi32, #tpu.memory_space<vmem>>, %arg17: memref<32xi32, #tpu.memory_space<vmem>>, %arg18: memref<32xi32, #tpu.memory_space<vmem>>, %arg19: memref<32xf32, #tpu.memory_space<vmem>>, %arg20: memref<32xf32, #tpu.memory_space<vmem>>, %arg21: memref<32xf32, #tpu.memory_space<vmem>>, %arg22: memref<32xf32, #tpu.memory_space<vmem>>, %arg23: memref<32xf32, #tpu.memory_space<vmem>>, %arg24: memref<32xf32, #tpu.memory_space<vmem>>, %arg25: memref<32xf32, #tpu.memory_space<vmem>>, %arg26: memref<32xf32, #tpu.memory_space<vmem>>, %arg27: memref<16x1024xf32, #tpu.memory_space<vmem>>, %arg28: memref<16x1024xf32, #tpu.memory_space<vmem>>, %arg29: memref<16x1024xf32, #tpu.memory_space<vmem>>, %arg30: memref<16x1024xf32, #tpu.memory_space<vmem>>, %arg31: memref<4096xf32, #tpu.memory_space<vmem>>, %arg32: memref<8192xf32, #tpu.memory_space<vmem>>, %arg33: memref<!tpu.dma_semaphore, #tpu.memory_space<semaphore_mem>>, %arg34: memref<!tpu.dma_semaphore, #tpu.memory_space<semaphore_mem>>, %arg35: memref<!tpu.dma_semaphore, #tpu.memory_space<semaphore_mem>>, %arg36: memref<!tpu.dma_semaphore, #tpu.memory_space<semaphore_mem>>, %arg37: memref<!tpu.dma_semaphore, #tpu.memory_space<semaphore_mem>>) attributes {dimension_semantics = [#tpu.dimension_semantics<core_parallel>, #tpu.dimension_semantics<subcore_parallel>], iteration_bounds = array<i64: 2, 16>, scalar_prefetch = 0 : i64, scratch_operands = 31 : i64, tpu.core_type = #tpu.core_type<sc_vector_subcore>, window_params = [{transform_indices = #map}, {transform_indices = #map}, {transform_indices = #map}, {transform_indices = #map1}, {transform_indices = #map}]} {
    %mul3A = arith.constant 2 : i32
    %mul3A_0 = arith.muli %arg1, %mul3A : i32
    %add3A = arith.addi %mul3A_0, %arg0 : i32
    %mul3A_1 = arith.constant 512 : i32
    %mul3A_2 = arith.muli %add3A, %mul3A_1 : i32
    %iota3A = tpu.iota {dimensions = array<i32: 0>} : vector<16xi32>
    "tpu.region"() ({
      %run_scoped3A = tpu.sem_alloc : memref<!tpu.dma_semaphore, #tpu.memory_space<semaphore_mem>>
      tpu.enqueue_dma source(%arg3 : memref<48xi32, #tpu.memory_space<hbm>>) target(%arg7 : memref<48xi32, #tpu.memory_space<vmem>>) target_semaphore(%run_scoped3A : memref<!tpu.dma_semaphore, #tpu.memory_space<semaphore_mem>>)
      tpu.wait_dma2 semaphore(%run_scoped3A : memref<!tpu.dma_semaphore, #tpu.memory_space<semaphore_mem>>) src(%arg3 : memref<48xi32, #tpu.memory_space<hbm>>) dst(%arg7 : memref<48xi32, #tpu.memory_space<vmem>>)
      tpu.yield
    }) : () -> ()
    "tpu.region"() ({
      %run_scoped3A = tpu.sem_alloc : memref<!tpu.dma_semaphore, #tpu.memory_space<semaphore_mem>>
      tpu.enqueue_dma source(%arg4 : memref<48xi32, #tpu.memory_space<hbm>>) target(%arg8 : memref<48xi32, #tpu.memory_space<vmem>>) target_semaphore(%run_scoped3A : memref<!tpu.dma_semaphore, #tpu.memory_space<semaphore_mem>>)
      tpu.wait_dma2 semaphore(%run_scoped3A : memref<!tpu.dma_semaphore, #tpu.memory_space<semaphore_mem>>) src(%arg4 : memref<48xi32, #tpu.memory_space<hbm>>) dst(%arg8 : memref<48xi32, #tpu.memory_space<vmem>>)
      tpu.yield
    }) : () -> ()
    %get3A = arith.index_cast %add3A : i32 to index
    %get3A_3 = tpu.vector_load %arg7[%get3A] {strides = array<i32>} : memref<48xi32, #tpu.memory_space<vmem>>, vector<16xi32>,
    %slice3A = vector.extract_strided_slice %get3A_3 {offsets = [0], sizes = [1], strides = [1]} : vector<16xi32> to vector<1xi32>
    %squeeze3A = vector.extract %slice3A[0] : i32 from vector<1xi32>
    %get3A_4 = arith.index_cast %add3A : i32 to index
    %get3A_5 = tpu.vector_load %arg8[%get3A_4] {strides = array<i32>} : memref<48xi32, #tpu.memory_space<vmem>>, vector<16xi32>,
    %slice3A_6 = vector.extract_strided_slice %get3A_5 {offsets = [0], sizes = [1], strides = [1]} : vector<16xi32> to vector<1xi32>
    %squeeze3A_7 = vector.extract %slice3A_6[0] : i32 from vector<1xi32>
    %sub3A = arith.subi %squeeze3A_7, %squeeze3A : i32
    %add3A_8 = arith.constant 15 : i32
    %add3A_9 = arith.addi %sub3A, %add3A_8 : i32
    %jit3A = arith.constant 16 : i32
    %div3A = arith.divsi %add3A_9, %jit3A : i32
    %sign3A = arith.constant 0 : i32
    %sign3A_10 = arith.cmpi sgt, %add3A_9, %sign3A : i32
    %sign3A_11 = arith.extui %sign3A_10 : i1 to i32
    %sign3A_12 = arith.constant 0 : i32
    %sign3A_13 = arith.cmpi slt, %add3A_9, %sign3A_12 : i32
    %sign3A_14 = arith.extui %sign3A_13 : i1 to i32
    %sign3A_15 = arith.subi %sign3A_11, %sign3A_14 : i32
    %sign3A_16 = arith.constant 0 : i32
    %sign3A_17 = arith.cmpi sgt, %jit3A, %sign3A_16 : i32
    %sign3A_18 = arith.extui %sign3A_17 : i1 to i32
    %sign3A_19 = arith.constant 0 : i32
    %sign3A_20 = arith.cmpi slt, %jit3A, %sign3A_19 : i32
    %sign3A_21 = arith.extui %sign3A_20 : i1 to i32
    %sign3A_22 = arith.subi %sign3A_18, %sign3A_21 : i32
    %ne3A = arith.cmpi ne, %sign3A_15, %sign3A_22 : i32
    %rem3A = arith.remsi %add3A_9, %jit3A : i32
    %ne3A_23 = arith.constant 0 : i32
    %ne3A_24 = arith.cmpi ne, %rem3A, %ne3A_23 : i32
    %and3A = arith.andi %ne3A, %ne3A_24 : i1
    %sub3A_25 = arith.constant 1 : i32
    %sub3A_26 = arith.subi %div3A, %sub3A_25 : i32
    %select_n3A = arith.select %and3A, %sub3A_26, %div3A : i32
    %add3A_27 = arith.constant 1 : i32
    %add3A_28 = arith.addi %select_n3A, %add3A_27 : i32
    %jit3A_29 = arith.constant 2 : i32
    %div3A_30 = arith.divsi %add3A_28, %jit3A_29 : i32
    %sign3A_31 = arith.constant 0 : i32
    %sign3A_32 = arith.cmpi sgt, %add3A_28, %sign3A_31 : i32
    %sign3A_33 = arith.extui %sign3A_32 : i1 to i32
    %sign3A_34 = arith.constant 0 : i32
    %sign3A_35 = arith.cmpi slt, %add3A_28, %sign3A_34 : i32
    %sign3A_36 = arith.extui %sign3A_35 : i1 to i32
    %sign3A_37 = arith.subi %sign3A_33, %sign3A_36 : i32
    %sign3A_38 = arith.constant 0 : i32
    %sign3A_39 = arith.cmpi sgt, %jit3A_29, %sign3A_38 : i32
    %sign3A_40 = arith.extui %sign3A_39 : i1 to i32
    %sign3A_41 = arith.constant 0 : i32
    %sign3A_42 = arith.cmpi slt, %jit3A_29, %sign3A_41 : i32
    %sign3A_43 = arith.extui %sign3A_42 : i1 to i32
    %sign3A_44 = arith.subi %sign3A_40, %sign3A_43 : i32
    %ne3A_45 = arith.cmpi ne, %sign3A_37, %sign3A_44 : i32
    %rem3A_46 = arith.remsi %add3A_28, %jit3A_29 : i32
    %ne3A_47 = arith.constant 0 : i32
    %ne3A_48 = arith.cmpi ne, %rem3A_46, %ne3A_47 : i32
    %and3A_49 = arith.andi %ne3A_45, %ne3A_48 : i1
    %sub3A_50 = arith.constant 1 : i32
    %sub3A_51 = arith.subi %div3A_30, %sub3A_50 : i32
    %select_n3A_52 = arith.select %and3A_49, %sub3A_51, %div3A_30 : i32
    %broadcast_in_dim3A = arith.constant 0.000000e+00 : f32
    %broadcast_in_dim3A_53 = vector.broadcast %broadcast_in_dim3A : f32 to vector<16xf32>
    %parallel_loop3A = arith.constant 0 : i32
    %parallel_loop3A_54 = arith.constant 256 : i32
    %parallel_loop3A_55 = arith.constant 1 : i32
    scf.for %parallel_loop3A_427 = %parallel_loop3A to %parallel_loop3A_54 step %parallel_loop3A_55  : i32 {
      %parallel_loop3A_428 = arith.constant 16 : i32
      %parallel_loop3A_429 = arith.muli %parallel_loop3A_427, %parallel_loop3A_428 : i32
      %parallel_loop3A_430 = arith.index_cast %parallel_loop3A_429 : i32 to index
      %parallel_loop3A_431 = tpu.vector_load %arg31[%parallel_loop3A_430] {strides = array<i32>} : memref<4096xf32, #tpu.memory_space<vmem>>, vector<16xf32>,
      tpu.vector_store %arg31[%parallel_loop3A_430], %broadcast_in_dim3A_53 {strides = array<i32>} : memref<4096xf32, #tpu.memory_space<vmem>>, vector<16xf32>,
    } {sc.loop_unroll_factor = 8 : i64, sc.parallel_access}
    %broadcast_in_dim3A_56 = arith.constant 0.000000e+00 : f32
    %broadcast_in_dim3A_57 = vector.broadcast %broadcast_in_dim3A_56 : f32 to vector<16xf32>
    %parallel_loop3A_58 = arith.constant 0 : i32
    %parallel_loop3A_59 = arith.constant 512 : i32
    %parallel_loop3A_60 = arith.constant 1 : i32
    scf.for %parallel_loop3A_427 = %parallel_loop3A_58 to %parallel_loop3A_59 step %parallel_loop3A_60  : i32 {
      %parallel_loop3A_428 = arith.constant 16 : i32
      %parallel_loop3A_429 = arith.muli %parallel_loop3A_427, %parallel_loop3A_428 : i32
      %parallel_loop3A_430 = arith.index_cast %parallel_loop3A_429 : i32 to index
      %parallel_loop3A_431 = tpu.vector_load %arg32[%parallel_loop3A_430] {strides = array<i32>} : memref<8192xf32, #tpu.memory_space<vmem>>, vector<16xf32>,
      tpu.vector_store %arg32[%parallel_loop3A_430], %broadcast_in_dim3A_57 {strides = array<i32>} : memref<8192xf32, #tpu.memory_space<vmem>>, vector<16xf32>,
    } {sc.loop_unroll_factor = 8 : i64, sc.parallel_access}
    %scan3A = arith.constant 0 : i32
    %scan3A_61 = arith.constant 0 : i32
    %scan3A_62 = arith.constant 64 : i32
    %scan3A_63 = arith.addi %scan3A_61, %scan3A_62 : i32
    %scan3A_64 = arith.constant 1 : i32
    %scan3A_65 = scf.for %scan3A_427 = %scan3A_61 to %scan3A_63 step %scan3A_64 iter_args(%scan3A_428 = %scan3A) -> (i32)  : i32 {
      %mul3A_429 = arith.constant 8 : i32
      %mul3A_430 = arith.muli %scan3A_427, %mul3A_429 : i32
      %add3A_431 = arith.addi %mul3A_2, %mul3A_430 : i32
      %mul3A_432 = arith.constant 1024 : i32
      %mul3A_433 = arith.muli %add3A_431, %mul3A_432 : i32
      %multiple_of3A = tpu.assume_multiple %mul3A_433, 8 : i32
      "tpu.region"() ({
        %run_scoped3A = tpu.sem_alloc : memref<!tpu.dma_semaphore, #tpu.memory_space<semaphore_mem>>
        %dma_start3A_435 = tpu.memref_slice %arg6[%multiple_of3A] : memref<16777216xf32, #tpu.memory_space<hbm>> -> memref<8192xf32, #tpu.memory_space<hbm>>
        %dma_start3A_436 = tpu.memref_slice %arg6[%multiple_of3A] : memref<16777216xf32, #tpu.memory_space<hbm>> -> memref<8192xf32, #tpu.memory_space<hbm>>
        tpu.enqueue_dma source(%arg32 : memref<8192xf32, #tpu.memory_space<vmem>>) target(%dma_start3A_436 : memref<8192xf32, #tpu.memory_space<hbm>>) target_semaphore(%run_scoped3A : memref<!tpu.dma_semaphore, #tpu.memory_space<semaphore_mem>>)
        %dma_wait3A_437 = tpu.memref_slice %arg6[%multiple_of3A] : memref<16777216xf32, #tpu.memory_space<hbm>> -> memref<8192xf32, #tpu.memory_space<hbm>>
        %dma_wait3A_438 = tpu.memref_slice %arg6[%multiple_of3A] : memref<16777216xf32, #tpu.memory_space<hbm>> -> memref<8192xf32, #tpu.memory_space<hbm>>
        tpu.wait_dma2 semaphore(%run_scoped3A : memref<!tpu.dma_semaphore, #tpu.memory_space<semaphore_mem>>) src(%arg32 : memref<8192xf32, #tpu.memory_space<vmem>>) dst(%dma_wait3A_438 : memref<8192xf32, #tpu.memory_space<hbm>>)
        tpu.yield
      }) : () -> ()
      %scan3A_434 = arith.constant 0 : i32
      scf.yield %scan3A_434 : i32
    }
    %scan3A_66 = arith.constant 64 : i32
    %add3A_67 = arith.constant 4 : i32
    %add3A_68 = arith.addi %select_n3A, %add3A_67 : i32
    %sub3A_69 = arith.constant 1 : i32
    %sub3A_70 = arith.subi %add3A_68, %sub3A_69 : i32
    %jit3A_71 = arith.constant 4 : i32
    %div3A_72 = arith.divsi %sub3A_70, %jit3A_71 : i32
    %sign3A_73 = arith.constant 0 : i32
    %sign3A_74 = arith.cmpi sgt, %sub3A_70, %sign3A_73 : i32
    %sign3A_75 = arith.extui %sign3A_74 : i1 to i32
    %sign3A_76 = arith.constant 0 : i32
    %sign3A_77 = arith.cmpi slt, %sub3A_70, %sign3A_76 : i32
    %sign3A_78 = arith.extui %sign3A_77 : i1 to i32
    %sign3A_79 = arith.subi %sign3A_75, %sign3A_78 : i32
    %sign3A_80 = arith.constant 0 : i32
    %sign3A_81 = arith.cmpi sgt, %jit3A_71, %sign3A_80 : i32
    %sign3A_82 = arith.extui %sign3A_81 : i1 to i32
    %sign3A_83 = arith.constant 0 : i32
    %sign3A_84 = arith.cmpi slt, %jit3A_71, %sign3A_83 : i32
    %sign3A_85 = arith.extui %sign3A_84 : i1 to i32
    %sign3A_86 = arith.subi %sign3A_82, %sign3A_85 : i32
    %ne3A_87 = arith.cmpi ne, %sign3A_79, %sign3A_86 : i32
    %rem3A_88 = arith.remsi %sub3A_70, %jit3A_71 : i32
    %ne3A_89 = arith.constant 0 : i32
    %ne3A_90 = arith.cmpi ne, %rem3A_88, %ne3A_89 : i32
    %and3A_91 = arith.andi %ne3A_87, %ne3A_90 : i1
    %sub3A_92 = arith.constant 1 : i32
    %sub3A_93 = arith.subi %div3A_72, %sub3A_92 : i32
    %select_n3A_94 = arith.select %and3A_91, %sub3A_93, %div3A_72 : i32
    %and3A_95 = arith.constant 0 : i32
    %and3A_96 = arith.constant 63 : i32
    %and3A_97 = arith.andi %and3A_95, %and3A_96 : i32
    %eq3A = arith.constant 0 : i32
    %eq3A_98 = arith.cmpi eq, %and3A_97, %eq3A : i32
    %convert_element_type3A = arith.extui %eq3A_98 : i1 to i32
    %cond3A = arith.constant 0 : i32
    %cond3A_99 = arith.constant 0 : i32
    %cond3A_100 = arith.constant 0 : i32
    %cond3A_101 = arith.cmpi ne, %convert_element_type3A, %cond3A_100 : i32
    %cond3A_102 = scf.if %cond3A_101 -> (i32) {
      %mul3A_427 = arith.constant 16 : i32
      %mul3A_428 = arith.muli %cond3A, %mul3A_427 : i32
      %add3A_429 = arith.addi %squeeze3A, %mul3A_428 : i32
      %multiple_of3A = tpu.assume_multiple %add3A_429, 8 : i32
      "tpu.region"() ({
        %run_scoped3A = tpu.sem_alloc : memref<!tpu.dma_semaphore, #tpu.memory_space<semaphore_mem>>
        %dma_start3A_431 = tpu.memref_slice %arg2[%multiple_of3A] : memref<270611xi32, #tpu.memory_space<hbm>> -> memref<1024xi32, #tpu.memory_space<hbm>>
        %dma_start3A_432 = tpu.memref_slice %arg2[%multiple_of3A] : memref<270611xi32, #tpu.memory_space<hbm>> -> memref<1024xi32, #tpu.memory_space<hbm>>
        tpu.enqueue_dma source(%dma_start3A_432 : memref<1024xi32, #tpu.memory_space<hbm>>) target(%arg9 : memref<1024xi32, #tpu.memory_space<vmem>>) target_semaphore(%run_scoped3A : memref<!tpu.dma_semaphore, #tpu.memory_space<semaphore_mem>>)
        %dma_wait3A_433 = tpu.memref_slice %arg2[%multiple_of3A] : memref<270611xi32, #tpu.memory_space<hbm>> -> memref<1024xi32, #tpu.memory_space<hbm>>
        %dma_wait3A_434 = tpu.memref_slice %arg2[%multiple_of3A] : memref<270611xi32, #tpu.memory_space<hbm>> -> memref<1024xi32, #tpu.memory_space<hbm>>
        tpu.wait_dma2 semaphore(%run_scoped3A : memref<!tpu.dma_semaphore, #tpu.memory_space<semaphore_mem>>) src(%dma_wait3A_434 : memref<1024xi32, #tpu.memory_space<hbm>>) dst(%arg9 : memref<1024xi32, #tpu.memory_space<vmem>>)
        tpu.yield
      }) : () -> ()
      %cond3A_430 = arith.constant 0 : i32
      scf.yield %cond3A_430 : i32
    } else {
      %cond3A_427 = arith.constant 0 : i32
      scf.yield %cond3A_427 : i32
    }
    %and3A_103 = arith.constant 0 : i32
    %and3A_104 = arith.constant 63 : i32
    %and3A_105 = arith.andi %and3A_103, %and3A_104 : i32
    %mul3A_106 = arith.constant 16 : i32
    %mul3A_107 = arith.muli %and3A_105, %mul3A_106 : i32
    %get3A_108 = arith.index_cast %mul3A_107 : i32 to index
    %get3A_109 = tpu.vector_load %arg9[%get3A_108] {strides = array<i32>} : memref<1024xi32, #tpu.memory_space<vmem>>, vector<16xi32>,
    %broadcast_in_dim3A_110 = arith.constant -1 : i32
    %broadcast_in_dim3A_111 = vector.broadcast %broadcast_in_dim3A_110 : i32 to vector<16xi32>
    %swap3A = arith.constant 0 : index
    %swap3A_112 = tpu.vector_load %arg10[%swap3A] {strides = array<i32>} : memref<24xi32, #tpu.memory_space<vmem>>, vector<16xi32>,
    tpu.vector_store %arg10[%swap3A], %broadcast_in_dim3A_111 {strides = array<i32>} : memref<24xi32, #tpu.memory_space<vmem>>, vector<16xi32>,
    %swap3A_113 = arith.constant 1 : index
    %swap3A_114 = tpu.vector_load %arg10[%swap3A_113] {strides = array<i32>} : memref<24xi32, #tpu.memory_space<vmem>>, vector<16xi32>,
    tpu.vector_store %arg10[%swap3A_113], %get3A_109 {strides = array<i32>} : memref<24xi32, #tpu.memory_space<vmem>>, vector<16xi32>,
    %get3A_115 = arith.constant 0 : index
    %get3A_116 = tpu.vector_load %arg10[%get3A_115] {strides = array<i32>} : memref<24xi32, #tpu.memory_space<vmem>>, vector<16xi32>,
    %eq3A_117 = arith.cmpi eq, %get3A_109, %get3A_116 : vector<16xi32>
    %jit3A_118 = arith.constant -536870912 : i32
    %broadcast_in_dim3A_119 = vector.broadcast %jit3A_118 : i32 to vector<16xi32>
    %select_n3A_120 = arith.select %eq3A_117, %broadcast_in_dim3A_119, %iota3A : vector<16xi1>, vector<16xi32>
    %eq3A_121 = arith.constant 0 : i32
    %eq3A_122 = vector.broadcast %eq3A_121 : i32 to vector<16xi32>
    %eq3A_123 = arith.cmpi eq, %iota3A, %eq3A_122 : vector<16xi32>
    %and3A_124 = arith.andi %eq3A_123, %eq3A_117 : vector<16xi1>
    %neg3A = arith.constant 0 : i32
    %neg3A_125 = arith.constant 0 : i32
    %neg3A_126 = arith.subi %neg3A, %neg3A_125 : i32
    %broadcast_in_dim3A_127 = vector.broadcast %neg3A_126 : i32 to vector<16xi32>
    %select_n3A_128 = arith.select %and3A_124, %broadcast_in_dim3A_127, %select_n3A_120 : vector<16xi1>, vector<16xi32>
    %broadcast_in_dim3A_129 = arith.constant true
    %broadcast_in_dim3A_130 = vector.broadcast %broadcast_in_dim3A_129 : i1 to vector<16xi1>
    %masked_cummax3A = arith.constant -2147483648 : i32
    %masked_cummax3A_131 = vector.broadcast %masked_cummax3A : i32 to vector<16xi32>
    %masked_cummax3A_132 = arith.xori %select_n3A_128, %masked_cummax3A_131 : vector<16xi32>
    %masked_cummax3A_133 = tpu.scan <max>, %masked_cummax3A_132 masked %broadcast_in_dim3A_130 : vector<16xi32>, vector<16xi1> -> vector<16xi32>
    %masked_cummax3A_134 = arith.xori %masked_cummax3A_133, %masked_cummax3A_131 : vector<16xi32>
    %sub3A_135 = arith.subi %iota3A, %masked_cummax3A_134 : vector<16xi32>
    %add3A_136 = arith.constant 1 : i32
    %add3A_137 = vector.broadcast %add3A_136 : i32 to vector<16xi32>
    %add3A_138 = arith.addi %sub3A_135, %add3A_137 : vector<16xi32>
    %shift_right_logical3A = arith.constant 14 : i32
    %shift_right_logical3A_139 = vector.broadcast %shift_right_logical3A : i32 to vector<16xi32>
    %shift_right_logical3A_140 = arith.shrui %get3A_109, %shift_right_logical3A_139 : vector<16xi32>
    %and3A_141 = arith.constant 16383 : i32
    %and3A_142 = vector.broadcast %and3A_141 : i32 to vector<16xi32>
    %and3A_143 = arith.andi %get3A_109, %and3A_142 : vector<16xi32>
    %ge3A = vector.broadcast %mul3A_2 : i32 to vector<16xi32>
    %ge3A_144 = arith.cmpi sge, %shift_right_logical3A_140, %ge3A : vector<16xi32>
    %add3A_145 = arith.constant 512 : i32
    %add3A_146 = arith.addi %mul3A_2, %add3A_145 : i32
    %lt3A = vector.broadcast %add3A_146 : i32 to vector<16xi32>
    %lt3A_147 = arith.cmpi slt, %shift_right_logical3A_140, %lt3A : vector<16xi32>
    %and3A_148 = arith.andi %ge3A_144, %lt3A_147 : vector<16xi1>
    %convert_element_type3A_149 = arith.sitofp %add3A_138 : vector<16xi32> to vector<16xf32>
    %exp3A = math.exp %convert_element_type3A_149 : vector<16xf32>
    %eq3A_150 = arith.constant 1 : i32
    %eq3A_151 = vector.broadcast %eq3A_150 : i32 to vector<16xi32>
    %eq3A_152 = arith.cmpi eq, %add3A_138, %eq3A_151 : vector<16xi32>
    %sub3A_153 = arith.constant 1.000000e+00 : f32
    %sub3A_154 = vector.broadcast %sub3A_153 : f32 to vector<16xf32>
    %sub3A_155 = arith.subf %convert_element_type3A_149, %sub3A_154 : vector<16xf32>
    %exp3A_156 = math.exp %sub3A_155 : vector<16xf32>
    %sub3A_157 = arith.subf %exp3A, %exp3A_156 : vector<16xf32>
    %select_n3A_158 = arith.select %eq3A_152, %exp3A, %sub3A_157 : vector<16xi1>, vector<16xf32>
    %jit3A_159 = arith.constant 0.000000e+00 : f32
    %broadcast_in_dim3A_160 = vector.broadcast %jit3A_159 : f32 to vector<16xf32>
    %select_n3A_161 = arith.select %and3A_148, %select_n3A_158, %broadcast_in_dim3A_160 : vector<16xi1>, vector<16xf32>
    %broadcast_in_dim3A_162 = arith.constant true
    %broadcast_in_dim3A_163 = vector.broadcast %broadcast_in_dim3A_162 : i1 to vector<16xi1>
    %masked_cumsum3A = tpu.scan <sum>, %select_n3A_161 masked %broadcast_in_dim3A_163 : vector<16xf32>, vector<16xi1> -> vector<16xf32>
    %broadcast_in_dim3A_164 = arith.constant 0.000000e+00 : f32
    %broadcast_in_dim3A_165 = vector.broadcast %broadcast_in_dim3A_164 : f32 to vector<16xf32>
    %add3A_166 = arith.addf %masked_cumsum3A, %broadcast_in_dim3A_165 : vector<16xf32>
    %swap3A_167 = arith.constant 0 : index
    %swap3A_168 = tpu.vector_load %arg11[%swap3A_167] {strides = array<i32>} : memref<16xi32, #tpu.memory_space<vmem>>, vector<16xi32>,
    tpu.vector_store %arg11[%swap3A_167], %and3A_143 {strides = array<i32>} : memref<16xi32, #tpu.memory_space<vmem>>, vector<16xi32>,
    %swap3A_169 = arith.constant 0 : index
    %swap3A_170 = tpu.vector_load %arg15[%swap3A_169] {strides = array<i32>} : memref<32xi32, #tpu.memory_space<vmem>>, vector<16xi32>,
    tpu.vector_store %arg15[%swap3A_169], %shift_right_logical3A_140 {strides = array<i32>} : memref<32xi32, #tpu.memory_space<vmem>>, vector<16xi32>,
    %swap3A_171 = arith.constant 0 : index
    %swap3A_172 = tpu.vector_load %arg19[%swap3A_171] {strides = array<i32>} : memref<32xf32, #tpu.memory_space<vmem>>, vector<16xf32>,
    tpu.vector_store %arg19[%swap3A_171], %select_n3A_161 {strides = array<i32>} : memref<32xf32, #tpu.memory_space<vmem>>, vector<16xf32>,
    %swap3A_173 = arith.constant 0 : index
    %swap3A_174 = tpu.vector_load %arg23[%swap3A_173] {strides = array<i32>} : memref<32xf32, #tpu.memory_space<vmem>>, vector<16xf32>,
    tpu.vector_store %arg23[%swap3A_173], %add3A_166 {strides = array<i32>} : memref<32xf32, #tpu.memory_space<vmem>>, vector<16xf32>,
    %slice3A_175 = vector.extract_strided_slice %get3A_109 {offsets = [15], sizes = [1], strides = [1]} : vector<16xi32> to vector<1xi32>
    %squeeze3A_176 = vector.extract %slice3A_175[0] : i32 from vector<1xi32>
    %slice3A_177 = vector.extract_strided_slice %add3A_138 {offsets = [15], sizes = [1], strides = [1]} : vector<16xi32> to vector<1xi32>
    %squeeze3A_178 = vector.extract %slice3A_177[0] : i32 from vector<1xi32>
    %slice3A_179 = vector.extract_strided_slice %add3A_166 {offsets = [15], sizes = [1], strides = [1]} : vector<16xf32> to vector<1xf32>
    %squeeze3A_180 = vector.extract %slice3A_179[0] : f32 from vector<1xf32>
    %dma_start3A = arith.constant 0 : i32
    %dma_start3A_181 = arith.constant 0 : i32
    %dma_start3A_182 = tpu.memref_slice %arg5[%dma_start3A, %dma_start3A_181] : memref<16384x1024xf32, #tpu.memory_space<hbm>> -> memref<16384x1024xf32, #tpu.memory_space<hbm>>
    tpu.enqueue_indirect_dma source(%dma_start3A_182 : memref<16384x1024xf32, #tpu.memory_space<hbm>>) target(%arg27 : memref<16x1024xf32, #tpu.memory_space<vmem>>) offsets(%arg11 : memref<16xi32, #tpu.memory_space<vmem>>) semaphore(%arg33 : memref<!tpu.dma_semaphore, #tpu.memory_space<semaphore_mem>>)
    %and3A_183 = arith.constant 1 : i32
    %and3A_184 = arith.constant 63 : i32
    %and3A_185 = arith.andi %and3A_183, %and3A_184 : i32
    %eq3A_186 = arith.constant 0 : i32
    %eq3A_187 = arith.cmpi eq, %and3A_185, %eq3A_186 : i32
    %convert_element_type3A_188 = arith.extui %eq3A_187 : i1 to i32
    %cond3A_189 = arith.constant 1 : i32
    %cond3A_190 = arith.constant 0 : i32
    %cond3A_191 = arith.constant 0 : i32
    %cond3A_192 = arith.cmpi ne, %convert_element_type3A_188, %cond3A_191 : i32
    %cond3A_193 = scf.if %cond3A_192 -> (i32) {
      %mul3A_427 = arith.constant 16 : i32
      %mul3A_428 = arith.muli %cond3A_189, %mul3A_427 : i32
      %add3A_429 = arith.addi %squeeze3A, %mul3A_428 : i32
      %multiple_of3A = tpu.assume_multiple %add3A_429, 8 : i32
      "tpu.region"() ({
        %run_scoped3A = tpu.sem_alloc : memref<!tpu.dma_semaphore, #tpu.memory_space<semaphore_mem>>
        %dma_start3A_431 = tpu.memref_slice %arg2[%multiple_of3A] : memref<270611xi32, #tpu.memory_space<hbm>> -> memref<1024xi32, #tpu.memory_space<hbm>>
        %dma_start3A_432 = tpu.memref_slice %arg2[%multiple_of3A] : memref<270611xi32, #tpu.memory_space<hbm>> -> memref<1024xi32, #tpu.memory_space<hbm>>
        tpu.enqueue_dma source(%dma_start3A_432 : memref<1024xi32, #tpu.memory_space<hbm>>) target(%arg9 : memref<1024xi32, #tpu.memory_space<vmem>>) target_semaphore(%run_scoped3A : memref<!tpu.dma_semaphore, #tpu.memory_space<semaphore_mem>>)
        %dma_wait3A_433 = tpu.memref_slice %arg2[%multiple_of3A] : memref<270611xi32, #tpu.memory_space<hbm>> -> memref<1024xi32, #tpu.memory_space<hbm>>
        %dma_wait3A_434 = tpu.memref_slice %arg2[%multiple_of3A] : memref<270611xi32, #tpu.memory_space<hbm>> -> memref<1024xi32, #tpu.memory_space<hbm>>
        tpu.wait_dma2 semaphore(%run_scoped3A : memref<!tpu.dma_semaphore, #tpu.memory_space<semaphore_mem>>) src(%dma_wait3A_434 : memref<1024xi32, #tpu.memory_space<hbm>>) dst(%arg9 : memref<1024xi32, #tpu.memory_space<vmem>>)
        tpu.yield
      }) : () -> ()
      %cond3A_430 = arith.constant 0 : i32
      scf.yield %cond3A_430 : i32
    } else {
      %cond3A_427 = arith.constant 0 : i32
      scf.yield %cond3A_427 : i32
    }
    %and3A_194 = arith.constant 1 : i32
    %and3A_195 = arith.constant 63 : i32
    %and3A_196 = arith.andi %and3A_194, %and3A_195 : i32
    %mul3A_197 = arith.constant 16 : i32
    %mul3A_198 = arith.muli %and3A_196, %mul3A_197 : i32
    %get3A_199 = arith.index_cast %mul3A_198 : i32 to index
    %get3A_200 = tpu.vector_load %arg9[%get3A_199] {strides = array<i32>} : memref<1024xi32, #tpu.memory_space<vmem>>, vector<16xi32>,
    %broadcast_in_dim3A_201 = vector.broadcast %squeeze3A_176 : i32 to vector<16xi32>
    %swap3A_202 = arith.constant 0 : index
    %swap3A_203 = tpu.vector_load %arg10[%swap3A_202] {strides = array<i32>} : memref<24xi32, #tpu.memory_space<vmem>>, vector<16xi32>,
    tpu.vector_store %arg10[%swap3A_202], %broadcast_in_dim3A_201 {strides = array<i32>} : memref<24xi32, #tpu.memory_space<vmem>>, vector<16xi32>,
    %swap3A_204 = arith.constant 1 : index
    %swap3A_205 = tpu.vector_load %arg10[%swap3A_204] {strides = array<i32>} : memref<24xi32, #tpu.memory_space<vmem>>, vector<16xi32>,
    tpu.vector_store %arg10[%swap3A_204], %get3A_200 {strides = array<i32>} : memref<24xi32, #tpu.memory_space<vmem>>, vector<16xi32>,
    %get3A_206 = arith.constant 0 : index
    %get3A_207 = tpu.vector_load %arg10[%get3A_206] {strides = array<i32>} : memref<24xi32, #tpu.memory_space<vmem>>, vector<16xi32>,
    %eq3A_208 = arith.cmpi eq, %get3A_200, %get3A_207 : vector<16xi32>
    %jit3A_209 = arith.constant -536870912 : i32
    %broadcast_in_dim3A_210 = vector.broadcast %jit3A_209 : i32 to vector<16xi32>
    %select_n3A_211 = arith.select %eq3A_208, %broadcast_in_dim3A_210, %iota3A : vector<16xi1>, vector<16xi32>
    %eq3A_212 = arith.constant 0 : i32
    %eq3A_213 = vector.broadcast %eq3A_212 : i32 to vector<16xi32>
    %eq3A_214 = arith.cmpi eq, %iota3A, %eq3A_213 : vector<16xi32>
    %and3A_215 = arith.andi %eq3A_214, %eq3A_208 : vector<16xi1>
    %neg3A_216 = arith.constant 0 : i32
    %neg3A_217 = arith.subi %neg3A_216, %squeeze3A_178 : i32
    %broadcast_in_dim3A_218 = vector.broadcast %neg3A_217 : i32 to vector<16xi32>
    %select_n3A_219 = arith.select %and3A_215, %broadcast_in_dim3A_218, %select_n3A_211 : vector<16xi1>, vector<16xi32>
    %broadcast_in_dim3A_220 = arith.constant true
    %broadcast_in_dim3A_221 = vector.broadcast %broadcast_in_dim3A_220 : i1 to vector<16xi1>
    %masked_cummax3A_222 = arith.constant -2147483648 : i32
    %masked_cummax3A_223 = vector.broadcast %masked_cummax3A_222 : i32 to vector<16xi32>
    %masked_cummax3A_224 = arith.xori %select_n3A_219, %masked_cummax3A_223 : vector<16xi32>
    %masked_cummax3A_225 = tpu.scan <max>, %masked_cummax3A_224 masked %broadcast_in_dim3A_221 : vector<16xi32>, vector<16xi1> -> vector<16xi32>
    %masked_cummax3A_226 = arith.xori %masked_cummax3A_225, %masked_cummax3A_223 : vector<16xi32>
    %sub3A_227 = arith.subi %iota3A, %masked_cummax3A_226 : vector<16xi32>
    %add3A_228 = arith.constant 1 : i32
    %add3A_229 = vector.broadcast %add3A_228 : i32 to vector<16xi32>
    %add3A_230 = arith.addi %sub3A_227, %add3A_229 : vector<16xi32>
    %shift_right_logical3A_231 = arith.constant 14 : i32
    %shift_right_logical3A_232 = vector.broadcast %shift_right_logical3A_231 : i32 to vector<16xi32>
    %shift_right_logical3A_233 = arith.shrui %get3A_200, %shift_right_logical3A_232 : vector<16xi32>
    %and3A_234 = arith.constant 16383 : i32
    %and3A_235 = vector.broadcast %and3A_234 : i32 to vector<16xi32>
    %and3A_236 = arith.andi %get3A_200, %and3A_235 : vector<16xi32>
    %ge3A_237 = vector.broadcast %mul3A_2 : i32 to vector<16xi32>
    %ge3A_238 = arith.cmpi sge, %shift_right_logical3A_233, %ge3A_237 : vector<16xi32>
    %add3A_239 = arith.constant 512 : i32
    %add3A_240 = arith.addi %mul3A_2, %add3A_239 : i32
    %lt3A_241 = vector.broadcast %add3A_240 : i32 to vector<16xi32>
    %lt3A_242 = arith.cmpi slt, %shift_right_logical3A_233, %lt3A_241 : vector<16xi32>
    %and3A_243 = arith.andi %ge3A_238, %lt3A_242 : vector<16xi1>
    %convert_element_type3A_244 = arith.sitofp %add3A_230 : vector<16xi32> to vector<16xf32>
    %exp3A_245 = math.exp %convert_element_type3A_244 : vector<16xf32>
    %eq3A_246 = arith.constant 1 : i32
    %eq3A_247 = vector.broadcast %eq3A_246 : i32 to vector<16xi32>
    %eq3A_248 = arith.cmpi eq, %add3A_230, %eq3A_247 : vector<16xi32>
    %sub3A_249 = arith.constant 1.000000e+00 : f32
    %sub3A_250 = vector.broadcast %sub3A_249 : f32 to vector<16xf32>
    %sub3A_251 = arith.subf %convert_element_type3A_244, %sub3A_250 : vector<16xf32>
    %exp3A_252 = math.exp %sub3A_251 : vector<16xf32>
    %sub3A_253 = arith.subf %exp3A_245, %exp3A_252 : vector<16xf32>
    %select_n3A_254 = arith.select %eq3A_248, %exp3A_245, %sub3A_253 : vector<16xi1>, vector<16xf32>
    %jit3A_255 = arith.constant 0.000000e+00 : f32
    %broadcast_in_dim3A_256 = vector.broadcast %jit3A_255 : f32 to vector<16xf32>
    %select_n3A_257 = arith.select %and3A_243, %select_n3A_254, %broadcast_in_dim3A_256 : vector<16xi1>, vector<16xf32>
    %broadcast_in_dim3A_258 = arith.constant true
    %broadcast_in_dim3A_259 = vector.broadcast %broadcast_in_dim3A_258 : i1 to vector<16xi1>
    %masked_cumsum3A_260 = tpu.scan <sum>, %select_n3A_257 masked %broadcast_in_dim3A_259 : vector<16xf32>, vector<16xi1> -> vector<16xf32>
    %broadcast_in_dim3A_261 = vector.broadcast %squeeze3A_180 : f32 to vector<16xf32>
    %add3A_262 = arith.addf %masked_cumsum3A_260, %broadcast_in_dim3A_261 : vector<16xf32>
    %swap3A_263 = arith.constant 0 : index
    %swap3A_264 = tpu.vector_load %arg12[%swap3A_263] {strides = array<i32>} : memref<16xi32, #tpu.memory_space<vmem>>, vector<16xi32>,
    tpu.vector_store %arg12[%swap3A_263], %and3A_236 {strides = array<i32>} : memref<16xi32, #tpu.memory_space<vmem>>, vector<16xi32>,
    %swap3A_265 = arith.constant 0 : index
    %swap3A_266 = tpu.vector_load %arg16[%swap3A_265] {strides = array<i32>} : memref<32xi32, #tpu.memory_space<vmem>>, vector<16xi32>,
    tpu.vector_store %arg16[%swap3A_265], %shift_right_logical3A_233 {strides = array<i32>} : memref<32xi32, #tpu.memory_space<vmem>>, vector<16xi32>,
    %swap3A_267 = arith.constant 0 : index
    %swap3A_268 = tpu.vector_load %arg20[%swap3A_267] {strides = array<i32>} : memref<32xf32, #tpu.memory_space<vmem>>, vector<16xf32>,
    tpu.vector_store %arg20[%swap3A_267], %select_n3A_257 {strides = array<i32>} : memref<32xf32, #tpu.memory_space<vmem>>, vector<16xf32>,
    %swap3A_269 = arith.constant 0 : index
    %swap3A_270 = tpu.vector_load %arg24[%swap3A_269] {strides = array<i32>} : memref<32xf32, #tpu.memory_space<vmem>>, vector<16xf32>,
    tpu.vector_store %arg24[%swap3A_269], %add3A_262 {strides = array<i32>} : memref<32xf32, #tpu.memory_space<vmem>>, vector<16xf32>,
    %slice3A_271 = vector.extract_strided_slice %get3A_200 {offsets = [15], sizes = [1], strides = [1]} : vector<16xi32> to vector<1xi32>
    %squeeze3A_272 = vector.extract %slice3A_271[0] : i32 from vector<1xi32>
    %slice3A_273 = vector.extract_strided_slice %add3A_230 {offsets = [15], sizes = [1], strides = [1]} : vector<16xi32> to vector<1xi32>
    %squeeze3A_274 = vector.extract %slice3A_273[0] : i32 from vector<1xi32>
    %slice3A_275 = vector.extract_strided_slice %add3A_262 {offsets = [15], sizes = [1], strides = [1]} : vector<16xf32> to vector<1xf32>
    %squeeze3A_276 = vector.extract %slice3A_275[0] : f32 from vector<1xf32>
    %dma_start3A_277 = arith.constant 0 : i32
    %dma_start3A_278 = arith.constant 0 : i32
    %dma_start3A_279 = tpu.memref_slice %arg5[%dma_start3A_277, %dma_start3A_278] : memref<16384x1024xf32, #tpu.memory_space<hbm>> -> memref<16384x1024xf32, #tpu.memory_space<hbm>>
    tpu.enqueue_indirect_dma source(%dma_start3A_279 : memref<16384x1024xf32, #tpu.memory_space<hbm>>) target(%arg28 : memref<16x1024xf32, #tpu.memory_space<vmem>>) offsets(%arg12 : memref<16xi32, #tpu.memory_space<vmem>>) semaphore(%arg34 : memref<!tpu.dma_semaphore, #tpu.memory_space<semaphore_mem>>)
    %and3A_280 = arith.constant 2 : i32
    %and3A_281 = arith.constant 63 : i32
    %and3A_282 = arith.andi %and3A_280, %and3A_281 : i32
    %eq3A_283 = arith.constant 0 : i32
    %eq3A_284 = arith.cmpi eq, %and3A_282, %eq3A_283 : i32
    %convert_element_type3A_285 = arith.extui %eq3A_284 : i1 to i32
    %cond3A_286 = arith.constant 2 : i32
    %cond3A_287 = arith.constant 0 : i32
    %cond3A_288 = arith.constant 0 : i32
    %cond3A_289 = arith.cmpi ne, %convert_element_type3A_285, %cond3A_288 : i32
    %cond3A_290 = scf.if %cond3A_289 -> (i32) {
      %mul3A_427 = arith.constant 16 : i32
      %mul3A_428 = arith.muli %cond3A_286, %mul3A_427 : i32
      %add3A_429 = arith.addi %squeeze3A, %mul3A_428 : i32
      %multiple_of3A = tpu.assume_multiple %add3A_429, 8 : i32
      "tpu.region"() ({
        %run_scoped3A = tpu.sem_alloc : memref<!tpu.dma_semaphore, #tpu.memory_space<semaphore_mem>>
        %dma_start3A_431 = tpu.memref_slice %arg2[%multiple_of3A] : memref<270611xi32, #tpu.memory_space<hbm>> -> memref<1024xi32, #tpu.memory_space<hbm>>
        %dma_start3A_432 = tpu.memref_slice %arg2[%multiple_of3A] : memref<270611xi32, #tpu.memory_space<hbm>> -> memref<1024xi32, #tpu.memory_space<hbm>>
        tpu.enqueue_dma source(%dma_start3A_432 : memref<1024xi32, #tpu.memory_space<hbm>>) target(%arg9 : memref<1024xi32, #tpu.memory_space<vmem>>) target_semaphore(%run_scoped3A : memref<!tpu.dma_semaphore, #tpu.memory_space<semaphore_mem>>)
        %dma_wait3A_433 = tpu.memref_slice %arg2[%multiple_of3A] : memref<270611xi32, #tpu.memory_space<hbm>> -> memref<1024xi32, #tpu.memory_space<hbm>>
        %dma_wait3A_434 = tpu.memref_slice %arg2[%multiple_of3A] : memref<270611xi32, #tpu.memory_space<hbm>> -> memref<1024xi32, #tpu.memory_space<hbm>>
        tpu.wait_dma2 semaphore(%run_scoped3A : memref<!tpu.dma_semaphore, #tpu.memory_space<semaphore_mem>>) src(%dma_wait3A_434 : memref<1024xi32, #tpu.memory_space<hbm>>) dst(%arg9 : memref<1024xi32, #tpu.memory_space<vmem>>)
        tpu.yield
      }) : () -> ()
      %cond3A_430 = arith.constant 0 : i32
      scf.yield %cond3A_430 : i32
    } else {
      %cond3A_427 = arith.constant 0 : i32
      scf.yield %cond3A_427 : i32
    }
    %and3A_291 = arith.constant 2 : i32
    %and3A_292 = arith.constant 63 : i32
    %and3A_293 = arith.andi %and3A_291, %and3A_292 : i32
    %mul3A_294 = arith.constant 16 : i32
    %mul3A_295 = arith.muli %and3A_293, %mul3A_294 : i32
    %get3A_296 = arith.index_cast %mul3A_295 : i32 to index
    %get3A_297 = tpu.vector_load %arg9[%get3A_296] {strides = array<i32>} : memref<1024xi32, #tpu.memory_space<vmem>>, vector<16xi32>,
    %broadcast_in_dim3A_298 = vector.broadcast %squeeze3A_272 : i32 to vector<16xi32>
    %swap3A_299 = arith.constant 0 : index
    %swap3A_300 = tpu.vector_load %arg10[%swap3A_299] {strides = array<i32>} : memref<24xi32, #tpu.memory_space<vmem>>, vector<16xi32>,
    tpu.vector_store %arg10[%swap3A_299], %broadcast_in_dim3A_298 {strides = array<i32>} : memref<24xi32, #tpu.memory_space<vmem>>, vector<16xi32>,
    %swap3A_301 = arith.constant 1 : index
    %swap3A_302 = tpu.vector_load %arg10[%swap3A_301] {strides = array<i32>} : memref<24xi32, #tpu.memory_space<vmem>>, vector<16xi32>,
    tpu.vector_store %arg10[%swap3A_301], %get3A_297 {strides = array<i32>} : memref<24xi32, #tpu.memory_space<vmem>>, vector<16xi32>,
    %get3A_303 = arith.constant 0 : index
    %get3A_304 = tpu.vector_load %arg10[%get3A_303] {strides = array<i32>} : memref<24xi32, #tpu.memory_space<vmem>>, vector<16xi32>,
    %eq3A_305 = arith.cmpi eq, %get3A_297, %get3A_304 : vector<16xi32>
    %jit3A_306 = arith.constant -536870912 : i32
    %broadcast_in_dim3A_307 = vector.broadcast %jit3A_306 : i32 to vector<16xi32>
    %select_n3A_308 = arith.select %eq3A_305, %broadcast_in_dim3A_307, %iota3A : vector<16xi1>, vector<16xi32>
    %eq3A_309 = arith.constant 0 : i32
    %eq3A_310 = vector.broadcast %eq3A_309 : i32 to vector<16xi32>
    %eq3A_311 = arith.cmpi eq, %iota3A, %eq3A_310 : vector<16xi32>
    %and3A_312 = arith.andi %eq3A_311, %eq3A_305 : vector<16xi1>
    %neg3A_313 = arith.constant 0 : i32
    %neg3A_314 = arith.subi %neg3A_313, %squeeze3A_274 : i32
    %broadcast_in_dim3A_315 = vector.broadcast %neg3A_314 : i32 to vector<16xi32>
    %select_n3A_316 = arith.select %and3A_312, %broadcast_in_dim3A_315, %select_n3A_308 : vector<16xi1>, vector<16xi32>
    %broadcast_in_dim3A_317 = arith.constant true
    %broadcast_in_dim3A_318 = vector.broadcast %broadcast_in_dim3A_317 : i1 to vector<16xi1>
    %masked_cummax3A_319 = arith.constant -2147483648 : i32
    %masked_cummax3A_320 = vector.broadcast %masked_cummax3A_319 : i32 to vector<16xi32>
    %masked_cummax3A_321 = arith.xori %select_n3A_316, %masked_cummax3A_320 : vector<16xi32>
    %masked_cummax3A_322 = tpu.scan <max>, %masked_cummax3A_321 masked %broadcast_in_dim3A_318 : vector<16xi32>, vector<16xi1> -> vector<16xi32>
    %masked_cummax3A_323 = arith.xori %masked_cummax3A_322, %masked_cummax3A_320 : vector<16xi32>
    %sub3A_324 = arith.subi %iota3A, %masked_cummax3A_323 : vector<16xi32>
    %add3A_325 = arith.constant 1 : i32
    %add3A_326 = vector.broadcast %add3A_325 : i32 to vector<16xi32>
    %add3A_327 = arith.addi %sub3A_324, %add3A_326 : vector<16xi32>
    %shift_right_logical3A_328 = arith.constant 14 : i32
    %shift_right_logical3A_329 = vector.broadcast %shift_right_logical3A_328 : i32 to vector<16xi32>
    %shift_right_logical3A_330 = arith.shrui %get3A_297, %shift_right_logical3A_329 : vector<16xi32>
    %and3A_331 = arith.constant 16383 : i32
    %and3A_332 = vector.broadcast %and3A_331 : i32 to vector<16xi32>
    %and3A_333 = arith.andi %get3A_297, %and3A_332 : vector<16xi32>
    %ge3A_334 = vector.broadcast %mul3A_2 : i32 to vector<16xi32>
    %ge3A_335 = arith.cmpi sge, %shift_right_logical3A_330, %ge3A_334 : vector<16xi32>
    %add3A_336 = arith.constant 512 : i32
    %add3A_337 = arith.addi %mul3A_2, %add3A_336 : i32
    %lt3A_338 = vector.broadcast %add3A_337 : i32 to vector<16xi32>
    %lt3A_339 = arith.cmpi slt, %shift_right_logical3A_330, %lt3A_338 : vector<16xi32>
    %and3A_340 = arith.andi %ge3A_335, %lt3A_339 : vector<16xi1>
    %convert_element_type3A_341 = arith.sitofp %add3A_327 : vector<16xi32> to vector<16xf32>
    %exp3A_342 = math.exp %convert_element_type3A_341 : vector<16xf32>
    %eq3A_343 = arith.constant 1 : i32
    %eq3A_344 = vector.broadcast %eq3A_343 : i32 to vector<16xi32>
    %eq3A_345 = arith.cmpi eq, %add3A_327, %eq3A_344 : vector<16xi32>
    %sub3A_346 = arith.constant 1.000000e+00 : f32
    %sub3A_347 = vector.broadcast %sub3A_346 : f32 to vector<16xf32>
    %sub3A_348 = arith.subf %convert_element_type3A_341, %sub3A_347 : vector<16xf32>
    %exp3A_349 = math.exp %sub3A_348 : vector<16xf32>
    %sub3A_350 = arith.subf %exp3A_342, %exp3A_349 : vector<16xf32>
    %select_n3A_351 = arith.select %eq3A_345, %exp3A_342, %sub3A_350 : vector<16xi1>, vector<16xf32>
    %jit3A_352 = arith.constant 0.000000e+00 : f32
    %broadcast_in_dim3A_353 = vector.broadcast %jit3A_352 : f32 to vector<16xf32>
    %select_n3A_354 = arith.select %and3A_340, %select_n3A_351, %broadcast_in_dim3A_353 : vector<16xi1>, vector<16xf32>
    %broadcast_in_dim3A_355 = arith.constant true
    %broadcast_in_dim3A_356 = vector.broadcast %broadcast_in_dim3A_355 : i1 to vector<16xi1>
    %masked_cumsum3A_357 = tpu.scan <sum>, %select_n3A_354 masked %broadcast_in_dim3A_356 : vector<16xf32>, vector<16xi1> -> vector<16xf32>
    %broadcast_in_dim3A_358 = vector.broadcast %squeeze3A_276 : f32 to vector<16xf32>
    %add3A_359 = arith.addf %masked_cumsum3A_357, %broadcast_in_dim3A_358 : vector<16xf32>
    %swap3A_360 = arith.constant 0 : index
    %swap3A_361 = tpu.vector_load %arg13[%swap3A_360] {strides = array<i32>} : memref<16xi32, #tpu.memory_space<vmem>>, vector<16xi32>,
    tpu.vector_store %arg13[%swap3A_360], %and3A_333 {strides = array<i32>} : memref<16xi32, #tpu.memory_space<vmem>>, vector<16xi32>,
    %swap3A_362 = arith.constant 0 : index
    %swap3A_363 = tpu.vector_load %arg17[%swap3A_362] {strides = array<i32>} : memref<32xi32, #tpu.memory_space<vmem>>, vector<16xi32>,
    tpu.vector_store %arg17[%swap3A_362], %shift_right_logical3A_330 {strides = array<i32>} : memref<32xi32, #tpu.memory_space<vmem>>, vector<16xi32>,
    %swap3A_364 = arith.constant 0 : index
    %swap3A_365 = tpu.vector_load %arg21[%swap3A_364] {strides = array<i32>} : memref<32xf32, #tpu.memory_space<vmem>>, vector<16xf32>,
    tpu.vector_store %arg21[%swap3A_364], %select_n3A_354 {strides = array<i32>} : memref<32xf32, #tpu.memory_space<vmem>>, vector<16xf32>,
    %swap3A_366 = arith.constant 0 : index
    %swap3A_367 = tpu.vector_load %arg25[%swap3A_366] {strides = array<i32>} : memref<32xf32, #tpu.memory_space<vmem>>, vector<16xf32>,
    tpu.vector_store %arg25[%swap3A_366], %add3A_359 {strides = array<i32>} : memref<32xf32, #tpu.memory_space<vmem>>, vector<16xf32>,
    %slice3A_368 = vector.extract_strided_slice %get3A_297 {offsets = [15], sizes = [1], strides = [1]} : vector<16xi32> to vector<1xi32>
    %squeeze3A_369 = vector.extract %slice3A_368[0] : i32 from vector<1xi32>
    %slice3A_370 = vector.extract_strided_slice %add3A_327 {offsets = [15], sizes = [1], strides = [1]} : vector<16xi32> to vector<1xi32>
    %squeeze3A_371 = vector.extract %slice3A_370[0] : i32 from vector<1xi32>
    %slice3A_372 = vector.extract_strided_slice %add3A_359 {offsets = [15], sizes = [1], strides = [1]} : vector<16xf32> to vector<1xf32>
    %squeeze3A_373 = vector.extract %slice3A_372[0] : f32 from vector<1xf32>
    %dma_start3A_374 = arith.constant 0 : i32
    %dma_start3A_375 = arith.constant 0 : i32
    %dma_start3A_376 = tpu.memref_slice %arg5[%dma_start3A_374, %dma_start3A_375] : memref<16384x1024xf32, #tpu.memory_space<hbm>> -> memref<16384x1024xf32, #tpu.memory_space<hbm>>
    tpu.enqueue_indirect_dma source(%dma_start3A_376 : memref<16384x1024xf32, #tpu.memory_space<hbm>>) target(%arg29 : memref<16x1024xf32, #tpu.memory_space<vmem>>) offsets(%arg13 : memref<16xi32, #tpu.memory_space<vmem>>) semaphore(%arg35 : memref<!tpu.dma_semaphore, #tpu.memory_space<semaphore_mem>>)
    %while3A = arith.constant 0 : i32
    %while3A_377 = arith.constant 0.000000e+00 : f32
    %while3A_378 = arith.constant -1 : i32
    %while3A_379 = arith.constant 0.000000e+00 : f32
    %while3A_380 = arith.constant 0 : i32
    %while3A_381 = arith.constant 0 : i32
    %while3A_382 = arith.subi %select_n3A_94, %while3A : i32
    %while3A_383 = arith.addi %while3A, %while3A_382 : i32
    %while3A_384 = arith.constant 1 : i32
    %while3A_385 = arith.divsi %while3A_382, %while3A_384 : i32
    %while3A_386 = arith.muli %while3A_385, %while3A_384 : i32
    %while3A_387 = arith.addi %while3A, %while3A_386 : i32
    %while3A_388 = arith.constant 1 : i32
    %while3A_389:8 = scf.for %while3A_427 = %while3A to %while3A_387 step %while3A_388 iter_args(%while3A_428 = %squeeze3A_369, %while3A_429 = %squeeze3A_371, %while3A_430 = %squeeze3A_373, %while3A_431 = %while3A_377, %while3A_432 = %while3A_378, %while3A_433 = %while3A_379, %while3A_434 = %while3A_380, %while3A_435 = %while3A_381) -> (i32, i32, f32, f32, i32, f32, i32, i32)  : i32 {
      %mul3A_436 = arith.constant 4 : i32
      %mul3A_437 = arith.muli %mul3A_436, %while3A_427 : i32
      %add3A_438 = arith.constant 0 : i32
      %add3A_439 = arith.addi %mul3A_437, %add3A_438 : i32
      %add3A_440 = arith.constant 4 : i32
      %add3A_441 = arith.addi %add3A_439, %add3A_440 : i32
      %sub3A_442 = arith.constant 1 : i32
      %sub3A_443 = arith.subi %add3A_441, %sub3A_442 : i32
      %and3A_444 = arith.constant 63 : i32
      %and3A_445 = arith.andi %sub3A_443, %and3A_444 : i32
      %eq3A_446 = arith.constant 0 : i32
      %eq3A_447 = arith.cmpi eq, %and3A_445, %eq3A_446 : i32
      %convert_element_type3A_448 = arith.extui %eq3A_447 : i1 to i32
      %cond3A_449 = arith.constant 0 : i32
      %cond3A_450 = arith.constant 0 : i32
      %cond3A_451 = arith.cmpi ne, %convert_element_type3A_448, %cond3A_450 : i32
      %cond3A_452 = scf.if %cond3A_451 -> (i32) {
        %mul3A_896 = arith.constant 16 : i32
        %mul3A_897 = arith.muli %sub3A_443, %mul3A_896 : i32
        %add3A_898 = arith.addi %squeeze3A, %mul3A_897 : i32
        %multiple_of3A = tpu.assume_multiple %add3A_898, 8 : i32
        "tpu.region"() ({
          %run_scoped3A = tpu.sem_alloc : memref<!tpu.dma_semaphore, #tpu.memory_space<semaphore_mem>>
          %dma_start3A_900 = tpu.memref_slice %arg2[%multiple_of3A] : memref<270611xi32, #tpu.memory_space<hbm>> -> memref<1024xi32, #tpu.memory_space<hbm>>
          %dma_start3A_901 = tpu.memref_slice %arg2[%multiple_of3A] : memref<270611xi32, #tpu.memory_space<hbm>> -> memref<1024xi32, #tpu.memory_space<hbm>>
          tpu.enqueue_dma source(%dma_start3A_901 : memref<1024xi32, #tpu.memory_space<hbm>>) target(%arg9 : memref<1024xi32, #tpu.memory_space<vmem>>) target_semaphore(%run_scoped3A : memref<!tpu.dma_semaphore, #tpu.memory_space<semaphore_mem>>)
          %dma_wait3A_902 = tpu.memref_slice %arg2[%multiple_of3A] : memref<270611xi32, #tpu.memory_space<hbm>> -> memref<1024xi32, #tpu.memory_space<hbm>>
          %dma_wait3A_903 = tpu.memref_slice %arg2[%multiple_of3A] : memref<270611xi32, #tpu.memory_space<hbm>> -> memref<1024xi32, #tpu.memory_space<hbm>>
          tpu.wait_dma2 semaphore(%run_scoped3A : memref<!tpu.dma_semaphore, #tpu.memory_space<semaphore_mem>>) src(%dma_wait3A_903 : memref<1024xi32, #tpu.memory_space<hbm>>) dst(%arg9 : memref<1024xi32, #tpu.memory_space<vmem>>)
          tpu.yield
        }) : () -> ()
        %cond3A_899 = arith.constant 0 : i32
        scf.yield %cond3A_899 : i32
      } else {
        %cond3A_896 = arith.constant 0 : i32
        scf.yield %cond3A_896 : i32
      }
      %and3A_453 = arith.constant 63 : i32
      %and3A_454 = arith.andi %sub3A_443, %and3A_453 : i32
      %mul3A_455 = arith.constant 16 : i32
      %mul3A_456 = arith.muli %and3A_454, %mul3A_455 : i32
      %get3A_457 = arith.index_cast %mul3A_456 : i32 to index
      %get3A_458 = tpu.vector_load %arg9[%get3A_457] {strides = array<i32>} : memref<1024xi32, #tpu.memory_space<vmem>>, vector<16xi32>,
      %broadcast_in_dim3A_459 = vector.broadcast %while3A_428 : i32 to vector<16xi32>
      %swap3A_460 = arith.constant 0 : index
      %swap3A_461 = tpu.vector_load %arg10[%swap3A_460] {strides = array<i32>} : memref<24xi32, #tpu.memory_space<vmem>>, vector<16xi32>,
      tpu.vector_store %arg10[%swap3A_460], %broadcast_in_dim3A_459 {strides = array<i32>} : memref<24xi32, #tpu.memory_space<vmem>>, vector<16xi32>,
      %swap3A_462 = arith.constant 1 : index
      %swap3A_463 = tpu.vector_load %arg10[%swap3A_462] {strides = array<i32>} : memref<24xi32, #tpu.memory_space<vmem>>, vector<16xi32>,
      tpu.vector_store %arg10[%swap3A_462], %get3A_458 {strides = array<i32>} : memref<24xi32, #tpu.memory_space<vmem>>, vector<16xi32>,
      %get3A_464 = arith.constant 0 : index
      %get3A_465 = tpu.vector_load %arg10[%get3A_464] {strides = array<i32>} : memref<24xi32, #tpu.memory_space<vmem>>, vector<16xi32>,
      %eq3A_466 = arith.cmpi eq, %get3A_458, %get3A_465 : vector<16xi32>
      %jit3A_467 = arith.constant -536870912 : i32
      %broadcast_in_dim3A_468 = vector.broadcast %jit3A_467 : i32 to vector<16xi32>
      %select_n3A_469 = arith.select %eq3A_466, %broadcast_in_dim3A_468, %iota3A : vector<16xi1>, vector<16xi32>
      %eq3A_470 = arith.constant 0 : i32
      %eq3A_471 = vector.broadcast %eq3A_470 : i32 to vector<16xi32>
      %eq3A_472 = arith.cmpi eq, %iota3A, %eq3A_471 : vector<16xi32>
      %and3A_473 = arith.andi %eq3A_472, %eq3A_466 : vector<16xi1>
      %neg3A_474 = arith.constant 0 : i32
      %neg3A_475 = arith.subi %neg3A_474, %while3A_429 : i32
      %broadcast_in_dim3A_476 = vector.broadcast %neg3A_475 : i32 to vector<16xi32>
      %select_n3A_477 = arith.select %and3A_473, %broadcast_in_dim3A_476, %select_n3A_469 : vector<16xi1>, vector<16xi32>
      %broadcast_in_dim3A_478 = arith.constant true
      %broadcast_in_dim3A_479 = vector.broadcast %broadcast_in_dim3A_478 : i1 to vector<16xi1>
      %masked_cummax3A_480 = arith.constant -2147483648 : i32
      %masked_cummax3A_481 = vector.broadcast %masked_cummax3A_480 : i32 to vector<16xi32>
      %masked_cummax3A_482 = arith.xori %select_n3A_477, %masked_cummax3A_481 : vector<16xi32>
      %masked_cummax3A_483 = tpu.scan <max>, %masked_cummax3A_482 masked %broadcast_in_dim3A_479 : vector<16xi32>, vector<16xi1> -> vector<16xi32>
      %masked_cummax3A_484 = arith.xori %masked_cummax3A_483, %masked_cummax3A_481 : vector<16xi32>
      %sub3A_485 = arith.subi %iota3A, %masked_cummax3A_484 : vector<16xi32>
      %add3A_486 = arith.constant 1 : i32
      %add3A_487 = vector.broadcast %add3A_486 : i32 to vector<16xi32>
      %add3A_488 = arith.addi %sub3A_485, %add3A_487 : vector<16xi32>
      %shift_right_logical3A_489 = arith.constant 14 : i32
      %shift_right_logical3A_490 = vector.broadcast %shift_right_logical3A_489 : i32 to vector<16xi32>
      %shift_right_logical3A_491 = arith.shrui %get3A_458, %shift_right_logical3A_490 : vector<16xi32>
      %and3A_492 = arith.constant 16383 : i32
      %and3A_493 = vector.broadcast %and3A_492 : i32 to vector<16xi32>
      %and3A_494 = arith.andi %get3A_458, %and3A_493 : vector<16xi32>
      %ge3A_495 = vector.broadcast %mul3A_2 : i32 to vector<16xi32>
      %ge3A_496 = arith.cmpi sge, %shift_right_logical3A_491, %ge3A_495 : vector<16xi32>
      %add3A_497 = arith.constant 512 : i32
      %add3A_498 = arith.addi %mul3A_2, %add3A_497 : i32
      %lt3A_499 = vector.broadcast %add3A_498 : i32 to vector<16xi32>
      %lt3A_500 = arith.cmpi slt, %shift_right_logical3A_491, %lt3A_499 : vector<16xi32>
      %and3A_501 = arith.andi %ge3A_496, %lt3A_500 : vector<16xi1>
      %convert_element_type3A_502 = arith.sitofp %add3A_488 : vector<16xi32> to vector<16xf32>
      %exp3A_503 = math.exp %convert_element_type3A_502 : vector<16xf32>
      %eq3A_504 = arith.constant 1 : i32
      %eq3A_505 = vector.broadcast %eq3A_504 : i32 to vector<16xi32>
      %eq3A_506 = arith.cmpi eq, %add3A_488, %eq3A_505 : vector<16xi32>
      %sub3A_507 = arith.constant 1.000000e+00 : f32
      %sub3A_508 = vector.broadcast %sub3A_507 : f32 to vector<16xf32>
      %sub3A_509 = arith.subf %convert_element_type3A_502, %sub3A_508 : vector<16xf32>
      %exp3A_510 = math.exp %sub3A_509 : vector<16xf32>
      %sub3A_511 = arith.subf %exp3A_503, %exp3A_510 : vector<16xf32>
      %select_n3A_512 = arith.select %eq3A_506, %exp3A_503, %sub3A_511 : vector<16xi1>, vector<16xf32>
      %jit3A_513 = arith.constant 0.000000e+00 : f32
      %broadcast_in_dim3A_514 = vector.broadcast %jit3A_513 : f32 to vector<16xf32>
      %select_n3A_515 = arith.select %and3A_501, %select_n3A_512, %broadcast_in_dim3A_514 : vector<16xi1>, vector<16xf32>
      %broadcast_in_dim3A_516 = arith.constant true
      %broadcast_in_dim3A_517 = vector.broadcast %broadcast_in_dim3A_516 : i1 to vector<16xi1>
      %masked_cumsum3A_518 = tpu.scan <sum>, %select_n3A_515 masked %broadcast_in_dim3A_517 : vector<16xf32>, vector<16xi1> -> vector<16xf32>
      %broadcast_in_dim3A_519 = vector.broadcast %while3A_430 : f32 to vector<16xf32>
      %add3A_520 = arith.addf %masked_cumsum3A_518, %broadcast_in_dim3A_519 : vector<16xf32>
      %swap3A_521 = arith.constant 0 : index
      %swap3A_522 = tpu.vector_load %arg14[%swap3A_521] {strides = array<i32>} : memref<16xi32, #tpu.memory_space<vmem>>, vector<16xi32>,
      tpu.vector_store %arg14[%swap3A_521], %and3A_494 {strides = array<i32>} : memref<16xi32, #tpu.memory_space<vmem>>, vector<16xi32>,
      %swap3A_523 = arith.constant 0 : index
      %swap3A_524 = tpu.vector_load %arg18[%swap3A_523] {strides = array<i32>} : memref<32xi32, #tpu.memory_space<vmem>>, vector<16xi32>,
      tpu.vector_store %arg18[%swap3A_523], %shift_right_logical3A_491 {strides = array<i32>} : memref<32xi32, #tpu.memory_space<vmem>>, vector<16xi32>,
      %swap3A_525 = arith.constant 0 : index
      %swap3A_526 = tpu.vector_load %arg22[%swap3A_525] {strides = array<i32>} : memref<32xf32, #tpu.memory_space<vmem>>, vector<16xf32>,
      tpu.vector_store %arg22[%swap3A_525], %select_n3A_515 {strides = array<i32>} : memref<32xf32, #tpu.memory_space<vmem>>, vector<16xf32>,
      %swap3A_527 = arith.constant 0 : index
      %swap3A_528 = tpu.vector_load %arg26[%swap3A_527] {strides = array<i32>} : memref<32xf32, #tpu.memory_space<vmem>>, vector<16xf32>,
      tpu.vector_store %arg26[%swap3A_527], %add3A_520 {strides = array<i32>} : memref<32xf32, #tpu.memory_space<vmem>>, vector<16xf32>,
      %slice3A_529 = vector.extract_strided_slice %get3A_458 {offsets = [15], sizes = [1], strides = [1]} : vector<16xi32> to vector<1xi32>
      %squeeze3A_530 = vector.extract %slice3A_529[0] : i32 from vector<1xi32>
      %slice3A_531 = vector.extract_strided_slice %add3A_488 {offsets = [15], sizes = [1], strides = [1]} : vector<16xi32> to vector<1xi32>
      %squeeze3A_532 = vector.extract %slice3A_531[0] : i32 from vector<1xi32>
      %slice3A_533 = vector.extract_strided_slice %add3A_520 {offsets = [15], sizes = [1], strides = [1]} : vector<16xf32> to vector<1xf32>
      %squeeze3A_534 = vector.extract %slice3A_533[0] : f32 from vector<1xf32>
      %dma_start3A_535 = arith.constant 0 : i32
      %dma_start3A_536 = arith.constant 0 : i32
      %dma_start3A_537 = tpu.memref_slice %arg5[%dma_start3A_535, %dma_start3A_536] : memref<16384x1024xf32, #tpu.memory_space<hbm>> -> memref<16384x1024xf32, #tpu.memory_space<hbm>>
      tpu.enqueue_indirect_dma source(%dma_start3A_537 : memref<16384x1024xf32, #tpu.memory_space<hbm>>) target(%arg30 : memref<16x1024xf32, #tpu.memory_space<vmem>>) offsets(%arg14 : memref<16xi32, #tpu.memory_space<vmem>>) semaphore(%arg36 : memref<!tpu.dma_semaphore, #tpu.memory_space<semaphore_mem>>)
      %dma_wait3A_538 = arith.constant 0 : i32
      %dma_wait3A_539 = arith.constant 0 : i32
      %dma_wait3A_540 = tpu.memref_slice %arg5[%dma_wait3A_538, %dma_wait3A_539] : memref<16384x1024xf32, #tpu.memory_space<hbm>> -> memref<16384x1024xf32, #tpu.memory_space<hbm>>
      tpu.wait_indirect_dma semaphore(%arg33 : memref<!tpu.dma_semaphore, #tpu.memory_space<semaphore_mem>>) src(%dma_wait3A_540 : memref<16384x1024xf32, #tpu.memory_space<hbm>>) dst(%arg27 : memref<16x1024xf32, #tpu.memory_space<vmem>>)
      %scan3A_541 = arith.constant 0 : i32
      %scan3A_542 = arith.constant 16 : i32
      %scan3A_543 = arith.addi %scan3A_541, %scan3A_542 : i32
      %scan3A_544 = arith.constant 1 : i32
      %scan3A_545:4 = scf.for %scan3A_896 = %scan3A_541 to %scan3A_543 step %scan3A_544 iter_args(%scan3A_897 = %while3A_432, %scan3A_898 = %while3A_433, %scan3A_899 = %while3A_434, %scan3A_900 = %while3A_435) -> (i32, f32, i32, i32)  : i32 {
        %get3A_901 = arith.index_cast %scan3A_896 : i32 to index
        %get3A_902 = tpu.vector_load %arg15[%get3A_901] {strides = array<i32>} : memref<32xi32, #tpu.memory_space<vmem>>, vector<16xi32>,
        %slice3A_903 = vector.extract_strided_slice %get3A_902 {offsets = [0], sizes = [1], strides = [1]} : vector<16xi32> to vector<1xi32>
        %squeeze3A_904 = vector.extract %slice3A_903[0] : i32 from vector<1xi32>
        %ge3A_905 = arith.cmpi sge, %squeeze3A_904, %mul3A_2 : i32
        %add3A_906 = arith.constant 512 : i32
        %add3A_907 = arith.addi %mul3A_2, %add3A_906 : i32
        %lt3A_908 = arith.cmpi slt, %squeeze3A_904, %add3A_907 : i32
        %and3A_909 = arith.andi %ge3A_905, %lt3A_908 : i1
        %convert_element_type3A_910 = arith.extui %and3A_909 : i1 to i32
        %cond3A_911 = arith.constant 0 : i32
        %cond3A_912 = arith.cmpi ne, %convert_element_type3A_910, %cond3A_911 : i32
        %cond3A_913:4 = scf.if %cond3A_912 -> (i32, f32, i32, i32) {
          %eq3A_914 = arith.constant 0 : i32
          %eq3A_915 = arith.cmpi eq, %scan3A_896, %eq3A_914 : i32
          %sub3A_916 = arith.constant 1 : i32
          %sub3A_917 = arith.subi %scan3A_896, %sub3A_916 : i32
          %max3A = arith.constant 0 : i32
          %max3A_918 = arith.maxsi %sub3A_917, %max3A : i32
          %get3A_919 = arith.index_cast %max3A_918 : i32 to index
          %get3A_920 = tpu.vector_load %arg23[%get3A_919] {strides = array<i32>} : memref<32xf32, #tpu.memory_space<vmem>>, vector<16xf32>,
          %slice3A_921 = vector.extract_strided_slice %get3A_920 {offsets = [0], sizes = [1], strides = [1]} : vector<16xf32> to vector<1xf32>
          %squeeze3A_922 = vector.extract %slice3A_921[0] : f32 from vector<1xf32>
          %select_n3A_923 = arith.select %eq3A_915, %while3A_431, %squeeze3A_922 : f32
          %ne3A_924 = arith.cmpi ne, %squeeze3A_904, %scan3A_897 : i32
          %convert_element_type3A_925 = arith.extui %ne3A_924 : i1 to i32
          %cond3A_926 = arith.constant 0 : i32
          %cond3A_927 = arith.cmpi ne, %convert_element_type3A_925, %cond3A_926 : i32
          %cond3A_928:4 = scf.if %cond3A_927 -> (i32, f32, i32, i32) {
            %ge3A_939 = arith.constant 0 : i32
            %ge3A_940 = arith.cmpi sge, %scan3A_897, %ge3A_939 : i32
            %convert_element_type3A_941 = arith.extui %ge3A_940 : i1 to i32
            %cond3A_942 = arith.constant 0 : i32
            %cond3A_943 = arith.constant 0 : i32
            %cond3A_944 = arith.cmpi ne, %convert_element_type3A_941, %cond3A_943 : i32
            %cond3A_945:2 = scf.if %cond3A_944 -> (i32, i32) {
              %broadcast_in_dim3A_946 = vector.broadcast %select_n3A_923 : f32 to vector<16xf32>
              %broadcast_in_dim3A_947 = vector.broadcast %scan3A_898 : f32 to vector<16xf32>
              %sub3A_948 = arith.subf %broadcast_in_dim3A_946, %broadcast_in_dim3A_947 : vector<16xf32>
              %broadcast_in_dim3A_949 = arith.constant 1.000000e+00 : f32
              %broadcast_in_dim3A_950 = vector.broadcast %broadcast_in_dim3A_949 : f32 to vector<16xf32>
              %div3A_951 = arith.divf %broadcast_in_dim3A_950, %sub3A_948 : vector<16xf32>
              %mul3A_952 = arith.constant 1024 : i32
              %mul3A_953 = arith.muli %scan3A_899, %mul3A_952 : i32
              %parallel_loop3A_954 = arith.constant 0 : i32
              %parallel_loop3A_955 = arith.constant 64 : i32
              %parallel_loop3A_956 = arith.constant 1 : i32
              scf.for %parallel_loop3A_986 = %parallel_loop3A_954 to %parallel_loop3A_955 step %parallel_loop3A_956  : i32 {
                %parallel_loop3A_987 = arith.constant 16 : i32
                %parallel_loop3A_988 = arith.muli %parallel_loop3A_986, %parallel_loop3A_987 : i32
                %parallel_loop3A_989 = arith.addi %mul3A_953, %parallel_loop3A_988 : i32
                %parallel_loop3A_990 = arith.index_cast %parallel_loop3A_989 : i32 to index
                %parallel_loop3A_991 = tpu.vector_load %arg31[%parallel_loop3A_990] {strides = array<i32>} : memref<4096xf32, #tpu.memory_space<vmem>>, vector<16xf32>,
                %parallel_loop3A_992 = arith.mulf %parallel_loop3A_991, %div3A_951 : vector<16xf32>
                %parallel_loop3A_993 = arith.constant 16 : i32
                %parallel_loop3A_994 = arith.muli %parallel_loop3A_986, %parallel_loop3A_993 : i32
                %parallel_loop3A_995 = arith.addi %mul3A_953, %parallel_loop3A_994 : i32
                %parallel_loop3A_996 = arith.index_cast %parallel_loop3A_995 : i32 to index
                %parallel_loop3A_997 = tpu.vector_load %arg31[%parallel_loop3A_996] {strides = array<i32>} : memref<4096xf32, #tpu.memory_space<vmem>>, vector<16xf32>,
                tpu.vector_store %arg31[%parallel_loop3A_996], %parallel_loop3A_992 {strides = array<i32>} : memref<4096xf32, #tpu.memory_space<vmem>>, vector<16xf32>,
              } {sc.loop_unroll_factor = 8 : i64, sc.parallel_access}
              %mul3A_957 = arith.constant 1024 : i32
              %mul3A_958 = arith.muli %scan3A_899, %mul3A_957 : i32
              %multiple_of3A = tpu.assume_multiple %mul3A_958, 8 : i32
              %mul3A_959 = arith.constant 1024 : i32
              %mul3A_960 = arith.muli %scan3A_897, %mul3A_959 : i32
              %multiple_of3A_961 = tpu.assume_multiple %mul3A_960, 8 : i32
              %dma_start3A_962 = tpu.memref_slice %arg31[%multiple_of3A] : memref<4096xf32, #tpu.memory_space<vmem>> -> memref<1024xf32, #tpu.memory_space<vmem>>
              %dma_start3A_963 = tpu.memref_slice %arg6[%multiple_of3A_961] : memref<16777216xf32, #tpu.memory_space<hbm>> -> memref<1024xf32, #tpu.memory_space<hbm>>
              %dma_start3A_964 = tpu.memref_slice %arg6[%multiple_of3A_961] : memref<16777216xf32, #tpu.memory_space<hbm>> -> memref<1024xf32, #tpu.memory_space<hbm>>
              %dma_start3A_965 = tpu.memref_slice %arg31[%multiple_of3A] : memref<4096xf32, #tpu.memory_space<vmem>> -> memref<1024xf32, #tpu.memory_space<vmem>>
              tpu.enqueue_dma source(%dma_start3A_965 : memref<1024xf32, #tpu.memory_space<vmem>>) target(%dma_start3A_964 : memref<1024xf32, #tpu.memory_space<hbm>>) target_semaphore(%arg37 : memref<!tpu.dma_semaphore, #tpu.memory_space<semaphore_mem>>)
              %add3A_966 = arith.constant 1 : i32
              %add3A_967 = arith.addi %scan3A_900, %add3A_966 : i32
              %ge3A_968 = arith.constant 4 : i32
              %ge3A_969 = arith.cmpi sge, %add3A_967, %ge3A_968 : i32
              %convert_element_type3A_970 = arith.extui %ge3A_969 : i1 to i32
              %cond3A_971 = arith.constant 0 : i32
              %cond3A_972 = arith.constant 0 : i32
              %cond3A_973 = arith.cmpi ne, %convert_element_type3A_970, %cond3A_972 : i32
              %cond3A_974 = scf.if %cond3A_973 -> (i32) {
                %dma_wait3A_986 = arith.constant 0 : i32
                %dma_wait3A_987 = tpu.memref_slice %arg31[%dma_wait3A_986] : memref<4096xf32, #tpu.memory_space<vmem>> -> memref<1024xf32, #tpu.memory_space<vmem>>
                %dma_wait3A_988 = arith.constant 0 : i32
                %dma_wait3A_989 = tpu.memref_slice %arg6[%dma_wait3A_988] : memref<16777216xf32, #tpu.memory_space<hbm>> -> memref<1024xf32, #tpu.memory_space<hbm>>
                %dma_wait3A_990 = arith.constant 0 : i32
                %dma_wait3A_991 = tpu.memref_slice %arg6[%dma_wait3A_990] : memref<16777216xf32, #tpu.memory_space<hbm>> -> memref<1024xf32, #tpu.memory_space<hbm>>
                %dma_wait3A_992 = arith.constant 0 : i32
                %dma_wait3A_993 = tpu.memref_slice %arg31[%dma_wait3A_992] : memref<4096xf32, #tpu.memory_space<vmem>> -> memref<1024xf32, #tpu.memory_space<vmem>>
                tpu.wait_dma2 semaphore(%arg37 : memref<!tpu.dma_semaphore, #tpu.memory_space<semaphore_mem>>) src(%dma_wait3A_993 : memref<1024xf32, #tpu.memory_space<vmem>>) dst(%dma_wait3A_991 : memref<1024xf32, #tpu.memory_space<hbm>>)
                %cond3A_994 = arith.constant 0 : i32
                scf.yield %cond3A_994 : i32
              } else {
                %cond3A_986 = arith.constant 0 : i32
                scf.yield %cond3A_986 : i32
              }
              %add3A_975 = arith.constant 1 : i32
              %add3A_976 = arith.addi %scan3A_899, %add3A_975 : i32
              %rem3A_977 = arith.constant 4 : i32
              %rem3A_978 = arith.remsi %add3A_976, %rem3A_977 : i32
              %mul3A_979 = arith.constant 1024 : i32
              %mul3A_980 = arith.muli %rem3A_978, %mul3A_979 : i32
              %broadcast_in_dim3A_981 = arith.constant 0.000000e+00 : f32
              %broadcast_in_dim3A_982 = vector.broadcast %broadcast_in_dim3A_981 : f32 to vector<16xf32>
              %parallel_loop3A_983 = arith.constant 0 : i32
              %parallel_loop3A_984 = arith.constant 64 : i32
              %parallel_loop3A_985 = arith.constant 1 : i32
              scf.for %parallel_loop3A_986 = %parallel_loop3A_983 to %parallel_loop3A_984 step %parallel_loop3A_985  : i32 {
                %parallel_loop3A_987 = arith.constant 16 : i32
                %parallel_loop3A_988 = arith.muli %parallel_loop3A_986, %parallel_loop3A_987 : i32
                %parallel_loop3A_989 = arith.addi %mul3A_980, %parallel_loop3A_988 : i32
                %parallel_loop3A_990 = arith.index_cast %parallel_loop3A_989 : i32 to index
                %parallel_loop3A_991 = tpu.vector_load %arg31[%parallel_loop3A_990] {strides = array<i32>} : memref<4096xf32, #tpu.memory_space<vmem>>, vector<16xf32>,
                tpu.vector_store %arg31[%parallel_loop3A_990], %broadcast_in_dim3A_982 {strides = array<i32>} : memref<4096xf32, #tpu.memory_space<vmem>>, vector<16xf32>,
              } {sc.loop_unroll_factor = 8 : i64, sc.parallel_access}
              scf.yield %rem3A_978, %add3A_967 : i32, i32
            } else {
              scf.yield %scan3A_899, %scan3A_900 : i32, i32
            }
            scf.yield %squeeze3A_904, %select_n3A_923, %cond3A_945#0, %cond3A_945#1 : i32, f32, i32, i32
          } else {
            scf.yield %scan3A_897, %scan3A_898, %scan3A_899, %scan3A_900 : i32, f32, i32, i32
          }
          %get3A_929 = arith.index_cast %scan3A_896 : i32 to index
          %get3A_930 = tpu.vector_load %arg19[%get3A_929] {strides = array<i32>} : memref<32xf32, #tpu.memory_space<vmem>>, vector<16xf32>,
          %slice3A_931 = vector.extract_strided_slice %get3A_930 {offsets = [0], sizes = [1], strides = [1]} : vector<16xf32> to vector<1xf32>
          %squeeze3A_932 = vector.extract %slice3A_931[0] : f32 from vector<1xf32>
          %broadcast_in_dim3A_933 = vector.broadcast %squeeze3A_932 : f32 to vector<16xf32>
          %mul3A_934 = arith.constant 1024 : i32
          %mul3A_935 = arith.muli %cond3A_928#2, %mul3A_934 : i32
          %parallel_loop3A_936 = arith.constant 0 : i32
          %parallel_loop3A_937 = arith.constant 64 : i32
          %parallel_loop3A_938 = arith.constant 1 : i32
          scf.for %parallel_loop3A_939 = %parallel_loop3A_936 to %parallel_loop3A_937 step %parallel_loop3A_938  : i32 {
            %parallel_loop3A_940 = arith.constant 16 : i32
            %parallel_loop3A_941 = arith.muli %parallel_loop3A_939, %parallel_loop3A_940 : i32
            %parallel_loop3A_942 = arith.index_cast %scan3A_896 : i32 to index
            %parallel_loop3A_943 = arith.index_cast %parallel_loop3A_941 : i32 to index
            %parallel_loop3A_944 = tpu.vector_load %arg27[%parallel_loop3A_942, %parallel_loop3A_943] {strides = array<i32>} : memref<16x1024xf32, #tpu.memory_space<vmem>>, vector<16xf32>,
            %parallel_loop3A_945 = arith.constant 16 : i32
            %parallel_loop3A_946 = arith.muli %parallel_loop3A_939, %parallel_loop3A_945 : i32
            %parallel_loop3A_947 = arith.addi %mul3A_935, %parallel_loop3A_946 : i32
            %parallel_loop3A_948 = arith.mulf %broadcast_in_dim3A_933, %parallel_loop3A_944 : vector<16xf32>
            %parallel_loop3A_949 = arith.index_cast %parallel_loop3A_947 : i32 to index
            %parallel_loop3A_950 = tpu.vector_load %arg31[%parallel_loop3A_949] {strides = array<i32>} : memref<4096xf32, #tpu.memory_space<vmem>>, vector<16xf32>,
            tpu.vector_store %arg31[%parallel_loop3A_949], %parallel_loop3A_948 {add = true, strides = array<i32>} : memref<4096xf32, #tpu.memory_space<vmem>>, vector<16xf32>,
          } {sc.loop_unroll_factor = 8 : i64, sc.parallel_access}
          scf.yield %cond3A_928#0, %cond3A_928#1, %cond3A_928#2, %cond3A_928#3 : i32, f32, i32, i32
        } else {
          scf.yield %scan3A_897, %scan3A_898, %scan3A_899, %scan3A_900 : i32, f32, i32, i32
        }
        scf.yield %cond3A_913#0, %cond3A_913#1, %cond3A_913#2, %cond3A_913#3 : i32, f32, i32, i32
      }
      %scan3A_546 = arith.constant 16 : i32
      %get3A_547 = arith.constant 15 : index
      %get3A_548 = tpu.vector_load %arg23[%get3A_547] {strides = array<i32>} : memref<32xf32, #tpu.memory_space<vmem>>, vector<16xf32>,
      %slice3A_549 = vector.extract_strided_slice %get3A_548 {offsets = [0], sizes = [1], strides = [1]} : vector<16xf32> to vector<1xf32>
      %squeeze3A_550 = vector.extract %slice3A_549[0] : f32 from vector<1xf32>
      %mul3A_551 = arith.constant 4 : i32
      %mul3A_552 = arith.muli %mul3A_551, %while3A_427 : i32
      %add3A_553 = arith.constant 1 : i32
      %add3A_554 = arith.addi %mul3A_552, %add3A_553 : i32
      %add3A_555 = arith.constant 4 : i32
      %add3A_556 = arith.addi %add3A_554, %add3A_555 : i32
      %sub3A_557 = arith.constant 1 : i32
      %sub3A_558 = arith.subi %add3A_556, %sub3A_557 : i32
      %and3A_559 = arith.constant 63 : i32
      %and3A_560 = arith.andi %sub3A_558, %and3A_559 : i32
      %eq3A_561 = arith.constant 0 : i32
      %eq3A_562 = arith.cmpi eq, %and3A_560, %eq3A_561 : i32
      %convert_element_type3A_563 = arith.extui %eq3A_562 : i1 to i32
      %cond3A_564 = arith.constant 0 : i32
      %cond3A_565 = arith.constant 0 : i32
      %cond3A_566 = arith.cmpi ne, %convert_element_type3A_563, %cond3A_565 : i32
      %cond3A_567 = scf.if %cond3A_566 -> (i32) {
        %mul3A_896 = arith.constant 16 : i32
        %mul3A_897 = arith.muli %sub3A_558, %mul3A_896 : i32
        %add3A_898 = arith.addi %squeeze3A, %mul3A_897 : i32
        %multiple_of3A = tpu.assume_multiple %add3A_898, 8 : i32
        "tpu.region"() ({
          %run_scoped3A = tpu.sem_alloc : memref<!tpu.dma_semaphore, #tpu.memory_space<semaphore_mem>>
          %dma_start3A_900 = tpu.memref_slice %arg2[%multiple_of3A] : memref<270611xi32, #tpu.memory_space<hbm>> -> memref<1024xi32, #tpu.memory_space<hbm>>
          %dma_start3A_901 = tpu.memref_slice %arg2[%multiple_of3A] : memref<270611xi32, #tpu.memory_space<hbm>> -> memref<1024xi32, #tpu.memory_space<hbm>>
          tpu.enqueue_dma source(%dma_start3A_901 : memref<1024xi32, #tpu.memory_space<hbm>>) target(%arg9 : memref<1024xi32, #tpu.memory_space<vmem>>) target_semaphore(%run_scoped3A : memref<!tpu.dma_semaphore, #tpu.memory_space<semaphore_mem>>)
          %dma_wait3A_902 = tpu.memref_slice %arg2[%multiple_of3A] : memref<270611xi32, #tpu.memory_space<hbm>> -> memref<1024xi32, #tpu.memory_space<hbm>>
          %dma_wait3A_903 = tpu.memref_slice %arg2[%multiple_of3A] : memref<270611xi32, #tpu.memory_space<hbm>> -> memref<1024xi32, #tpu.memory_space<hbm>>
          tpu.wait_dma2 semaphore(%run_scoped3A : memref<!tpu.dma_semaphore, #tpu.memory_space<semaphore_mem>>) src(%dma_wait3A_903 : memref<1024xi32, #tpu.memory_space<hbm>>) dst(%arg9 : memref<1024xi32, #tpu.memory_space<vmem>>)
          tpu.yield
        }) : () -> ()
        %cond3A_899 = arith.constant 0 : i32
        scf.yield %cond3A_899 : i32
      } else {
        %cond3A_896 = arith.constant 0 : i32
        scf.yield %cond3A_896 : i32
      }
      %and3A_568 = arith.constant 63 : i32
      %and3A_569 = arith.andi %sub3A_558, %and3A_568 : i32
      %mul3A_570 = arith.constant 16 : i32
      %mul3A_571 = arith.muli %and3A_569, %mul3A_570 : i32
      %get3A_572 = arith.index_cast %mul3A_571 : i32 to index
      %get3A_573 = tpu.vector_load %arg9[%get3A_572] {strides = array<i32>} : memref<1024xi32, #tpu.memory_space<vmem>>, vector<16xi32>,
      %broadcast_in_dim3A_574 = vector.broadcast %squeeze3A_530 : i32 to vector<16xi32>
      %swap3A_575 = arith.constant 0 : index
      %swap3A_576 = tpu.vector_load %arg10[%swap3A_575] {strides = array<i32>} : memref<24xi32, #tpu.memory_space<vmem>>, vector<16xi32>,
      tpu.vector_store %arg10[%swap3A_575], %broadcast_in_dim3A_574 {strides = array<i32>} : memref<24xi32, #tpu.memory_space<vmem>>, vector<16xi32>,
      %swap3A_577 = arith.constant 1 : index
      %swap3A_578 = tpu.vector_load %arg10[%swap3A_577] {strides = array<i32>} : memref<24xi32, #tpu.memory_space<vmem>>, vector<16xi32>,
      tpu.vector_store %arg10[%swap3A_577], %get3A_573 {strides = array<i32>} : memref<24xi32, #tpu.memory_space<vmem>>, vector<16xi32>,
      %get3A_579 = arith.constant 0 : index
      %get3A_580 = tpu.vector_load %arg10[%get3A_579] {strides = array<i32>} : memref<24xi32, #tpu.memory_space<vmem>>, vector<16xi32>,
      %eq3A_581 = arith.cmpi eq, %get3A_573, %get3A_580 : vector<16xi32>
      %jit3A_582 = arith.constant -536870912 : i32
      %broadcast_in_dim3A_583 = vector.broadcast %jit3A_582 : i32 to vector<16xi32>
      %select_n3A_584 = arith.select %eq3A_581, %broadcast_in_dim3A_583, %iota3A : vector<16xi1>, vector<16xi32>
      %eq3A_585 = arith.constant 0 : i32
      %eq3A_586 = vector.broadcast %eq3A_585 : i32 to vector<16xi32>
      %eq3A_587 = arith.cmpi eq, %iota3A, %eq3A_586 : vector<16xi32>
      %and3A_588 = arith.andi %eq3A_587, %eq3A_581 : vector<16xi1>
      %neg3A_589 = arith.constant 0 : i32
      %neg3A_590 = arith.subi %neg3A_589, %squeeze3A_532 : i32
      %broadcast_in_dim3A_591 = vector.broadcast %neg3A_590 : i32 to vector<16xi32>
      %select_n3A_592 = arith.select %and3A_588, %broadcast_in_dim3A_591, %select_n3A_584 : vector<16xi1>, vector<16xi32>
      %broadcast_in_dim3A_593 = arith.constant true
      %broadcast_in_dim3A_594 = vector.broadcast %broadcast_in_dim3A_593 : i1 to vector<16xi1>
      %masked_cummax3A_595 = arith.constant -2147483648 : i32
      %masked_cummax3A_596 = vector.broadcast %masked_cummax3A_595 : i32 to vector<16xi32>
      %masked_cummax3A_597 = arith.xori %select_n3A_592, %masked_cummax3A_596 : vector<16xi32>
      %masked_cummax3A_598 = tpu.scan <max>, %masked_cummax3A_597 masked %broadcast_in_dim3A_594 : vector<16xi32>, vector<16xi1> -> vector<16xi32>
      %masked_cummax3A_599 = arith.xori %masked_cummax3A_598, %masked_cummax3A_596 : vector<16xi32>
      %sub3A_600 = arith.subi %iota3A, %masked_cummax3A_599 : vector<16xi32>
      %add3A_601 = arith.constant 1 : i32
      %add3A_602 = vector.broadcast %add3A_601 : i32 to vector<16xi32>
      %add3A_603 = arith.addi %sub3A_600, %add3A_602 : vector<16xi32>
      %shift_right_logical3A_604 = arith.constant 14 : i32
      %shift_right_logical3A_605 = vector.broadcast %shift_right_logical3A_604 : i32 to vector<16xi32>
      %shift_right_logical3A_606 = arith.shrui %get3A_573, %shift_right_logical3A_605 : vector<16xi32>
      %and3A_607 = arith.constant 16383 : i32
      %and3A_608 = vector.broadcast %and3A_607 : i32 to vector<16xi32>
      %and3A_609 = arith.andi %get3A_573, %and3A_608 : vector<16xi32>
      %ge3A_610 = vector.broadcast %mul3A_2 : i32 to vector<16xi32>
      %ge3A_611 = arith.cmpi sge, %shift_right_logical3A_606, %ge3A_610 : vector<16xi32>
      %add3A_612 = arith.constant 512 : i32
      %add3A_613 = arith.addi %mul3A_2, %add3A_612 : i32
      %lt3A_614 = vector.broadcast %add3A_613 : i32 to vector<16xi32>
      %lt3A_615 = arith.cmpi slt, %shift_right_logical3A_606, %lt3A_614 : vector<16xi32>
      %and3A_616 = arith.andi %ge3A_611, %lt3A_615 : vector<16xi1>
      %convert_element_type3A_617 = arith.sitofp %add3A_603 : vector<16xi32> to vector<16xf32>
      %exp3A_618 = math.exp %convert_element_type3A_617 : vector<16xf32>
      %eq3A_619 = arith.constant 1 : i32
      %eq3A_620 = vector.broadcast %eq3A_619 : i32 to vector<16xi32>
      %eq3A_621 = arith.cmpi eq, %add3A_603, %eq3A_620 : vector<16xi32>
      %sub3A_622 = arith.constant 1.000000e+00 : f32
      %sub3A_623 = vector.broadcast %sub3A_622 : f32 to vector<16xf32>
      %sub3A_624 = arith.subf %convert_element_type3A_617, %sub3A_623 : vector<16xf32>
      %exp3A_625 = math.exp %sub3A_624 : vector<16xf32>
      %sub3A_626 = arith.subf %exp3A_618, %exp3A_625 : vector<16xf32>
      %select_n3A_627 = arith.select %eq3A_621, %exp3A_618, %sub3A_626 : vector<16xi1>, vector<16xf32>
      %jit3A_628 = arith.constant 0.000000e+00 : f32
      %broadcast_in_dim3A_629 = vector.broadcast %jit3A_628 : f32 to vector<16xf32>
      %select_n3A_630 = arith.select %and3A_616, %select_n3A_627, %broadcast_in_dim3A_629 : vector<16xi1>, vector<16xf32>
      %broadcast_in_dim3A_631 = arith.constant true
      %broadcast_in_dim3A_632 = vector.broadcast %broadcast_in_dim3A_631 : i1 to vector<16xi1>
      %masked_cumsum3A_633 = tpu.scan <sum>, %select_n3A_630 masked %broadcast_in_dim3A_632 : vector<16xf32>, vector<16xi1> -> vector<16xf32>
      %broadcast_in_dim3A_634 = vector.broadcast %squeeze3A_534 : f32 to vector<16xf32>
      %add3A_635 = arith.addf %masked_cumsum3A_633, %broadcast_in_dim3A_634 : vector<16xf32>
      %swap3A_636 = arith.constant 0 : index
      %swap3A_637 = tpu.vector_load %arg11[%swap3A_636] {strides = array<i32>} : memref<16xi32, #tpu.memory_space<vmem>>, vector<16xi32>,
      tpu.vector_store %arg11[%swap3A_636], %and3A_609 {strides = array<i32>} : memref<16xi32, #tpu.memory_space<vmem>>, vector<16xi32>,
      %swap3A_638 = arith.constant 0 : index
      %swap3A_639 = tpu.vector_load %arg15[%swap3A_638] {strides = array<i32>} : memref<32xi32, #tpu.memory_space<vmem>>, vector<16xi32>,
      tpu.vector_store %arg15[%swap3A_638], %shift_right_logical3A_606 {strides = array<i32>} : memref<32xi32, #tpu.memory_space<vmem>>, vector<16xi32>,
      %swap3A_640 = arith.constant 0 : index
      %swap3A_641 = tpu.vector_load %arg19[%swap3A_640] {strides = array<i32>} : memref<32xf32, #tpu.memory_space<vmem>>, vector<16xf32>,
      tpu.vector_store %arg19[%swap3A_640], %select_n3A_630 {strides = array<i32>} : memref<32xf32, #tpu.memory_space<vmem>>, vector<16xf32>,
      %swap3A_642 = arith.constant 0 : index
      %swap3A_643 = tpu.vector_load %arg23[%swap3A_642] {strides = array<i32>} : memref<32xf32, #tpu.memory_space<vmem>>, vector<16xf32>,
      tpu.vector_store %arg23[%swap3A_642], %add3A_635 {strides = array<i32>} : memref<32xf32, #tpu.memory_space<vmem>>, vector<16xf32>,
      %slice3A_644 = vector.extract_strided_slice %get3A_573 {offsets = [15], sizes = [1], strides = [1]} : vector<16xi32> to vector<1xi32>
      %squeeze3A_645 = vector.extract %slice3A_644[0] : i32 from vector<1xi32>
      %slice3A_646 = vector.extract_strided_slice %add3A_603 {offsets = [15], sizes = [1], strides = [1]} : vector<16xi32> to vector<1xi32>
      %squeeze3A_647 = vector.extract %slice3A_646[0] : i32 from vector<1xi32>
      %slice3A_648 = vector.extract_strided_slice %add3A_635 {offsets = [15], sizes = [1], strides = [1]} : vector<16xf32> to vector<1xf32>
      %squeeze3A_649 = vector.extract %slice3A_648[0] : f32 from vector<1xf32>
      %dma_start3A_650 = arith.constant 0 : i32
      %dma_start3A_651 = arith.constant 0 : i32
      %dma_start3A_652 = tpu.memref_slice %arg5[%dma_start3A_650, %dma_start3A_651] : memref<16384x1024xf32, #tpu.memory_space<hbm>> -> memref<16384x1024xf32, #tpu.memory_space<hbm>>
      tpu.enqueue_indirect_dma source(%dma_start3A_652 : memref<16384x1024xf32, #tpu.memory_space<hbm>>) target(%arg27 : memref<16x1024xf32, #tpu.memory_space<vmem>>) offsets(%arg11 : memref<16xi32, #tpu.memory_space<vmem>>) semaphore(%arg33 : memref<!tpu.dma_semaphore, #tpu.memory_space<semaphore_mem>>)
      %dma_wait3A_653 = arith.constant 0 : i32
      %dma_wait3A_654 = arith.constant 0 : i32
      %dma_wait3A_655 = tpu.memref_slice %arg5[%dma_wait3A_653, %dma_wait3A_654] : memref<16384x1024xf32, #tpu.memory_space<hbm>> -> memref<16384x1024xf32, #tpu.memory_space<hbm>>
      tpu.wait_indirect_dma semaphore(%arg34 : memref<!tpu.dma_semaphore, #tpu.memory_space<semaphore_mem>>) src(%dma_wait3A_655 : memref<16384x1024xf32, #tpu.memory_space<hbm>>) dst(%arg28 : memref<16x1024xf32, #tpu.memory_space<vmem>>)
      %scan3A_656 = arith.constant 0 : i32
      %scan3A_657 = arith.constant 16 : i32
      %scan3A_658 = arith.addi %scan3A_656, %scan3A_657 : i32
      %scan3A_659 = arith.constant 1 : i32
      %scan3A_660:4 = scf.for %scan3A_896 = %scan3A_656 to %scan3A_658 step %scan3A_659 iter_args(%scan3A_897 = %scan3A_545#0, %scan3A_898 = %scan3A_545#1, %scan3A_899 = %scan3A_545#2, %scan3A_900 = %scan3A_545#3) -> (i32, f32, i32, i32)  : i32 {
        %get3A_901 = arith.index_cast %scan3A_896 : i32 to index
        %get3A_902 = tpu.vector_load %arg16[%get3A_901] {strides = array<i32>} : memref<32xi32, #tpu.memory_space<vmem>>, vector<16xi32>,
        %slice3A_903 = vector.extract_strided_slice %get3A_902 {offsets = [0], sizes = [1], strides = [1]} : vector<16xi32> to vector<1xi32>
        %squeeze3A_904 = vector.extract %slice3A_903[0] : i32 from vector<1xi32>
        %ge3A_905 = arith.cmpi sge, %squeeze3A_904, %mul3A_2 : i32
        %add3A_906 = arith.constant 512 : i32
        %add3A_907 = arith.addi %mul3A_2, %add3A_906 : i32
        %lt3A_908 = arith.cmpi slt, %squeeze3A_904, %add3A_907 : i32
        %and3A_909 = arith.andi %ge3A_905, %lt3A_908 : i1
        %convert_element_type3A_910 = arith.extui %and3A_909 : i1 to i32
        %cond3A_911 = arith.constant 0 : i32
        %cond3A_912 = arith.cmpi ne, %convert_element_type3A_910, %cond3A_911 : i32
        %cond3A_913:4 = scf.if %cond3A_912 -> (i32, f32, i32, i32) {
          %eq3A_914 = arith.constant 0 : i32
          %eq3A_915 = arith.cmpi eq, %scan3A_896, %eq3A_914 : i32
          %sub3A_916 = arith.constant 1 : i32
          %sub3A_917 = arith.subi %scan3A_896, %sub3A_916 : i32
          %max3A = arith.constant 0 : i32
          %max3A_918 = arith.maxsi %sub3A_917, %max3A : i32
          %get3A_919 = arith.index_cast %max3A_918 : i32 to index
          %get3A_920 = tpu.vector_load %arg24[%get3A_919] {strides = array<i32>} : memref<32xf32, #tpu.memory_space<vmem>>, vector<16xf32>,
          %slice3A_921 = vector.extract_strided_slice %get3A_920 {offsets = [0], sizes = [1], strides = [1]} : vector<16xf32> to vector<1xf32>
          %squeeze3A_922 = vector.extract %slice3A_921[0] : f32 from vector<1xf32>
          %select_n3A_923 = arith.select %eq3A_915, %squeeze3A_550, %squeeze3A_922 : f32
          %ne3A_924 = arith.cmpi ne, %squeeze3A_904, %scan3A_897 : i32
          %convert_element_type3A_925 = arith.extui %ne3A_924 : i1 to i32
          %cond3A_926 = arith.constant 0 : i32
          %cond3A_927 = arith.cmpi ne, %convert_element_type3A_925, %cond3A_926 : i32
          %cond3A_928:4 = scf.if %cond3A_927 -> (i32, f32, i32, i32) {
            %ge3A_939 = arith.constant 0 : i32
            %ge3A_940 = arith.cmpi sge, %scan3A_897, %ge3A_939 : i32
            %convert_element_type3A_941 = arith.extui %ge3A_940 : i1 to i32
            %cond3A_942 = arith.constant 0 : i32
            %cond3A_943 = arith.constant 0 : i32
            %cond3A_944 = arith.cmpi ne, %convert_element_type3A_941, %cond3A_943 : i32
            %cond3A_945:2 = scf.if %cond3A_944 -> (i32, i32) {
              %broadcast_in_dim3A_946 = vector.broadcast %select_n3A_923 : f32 to vector<16xf32>
              %broadcast_in_dim3A_947 = vector.broadcast %scan3A_898 : f32 to vector<16xf32>
              %sub3A_948 = arith.subf %broadcast_in_dim3A_946, %broadcast_in_dim3A_947 : vector<16xf32>
              %broadcast_in_dim3A_949 = arith.constant 1.000000e+00 : f32
              %broadcast_in_dim3A_950 = vector.broadcast %broadcast_in_dim3A_949 : f32 to vector<16xf32>
              %div3A_951 = arith.divf %broadcast_in_dim3A_950, %sub3A_948 : vector<16xf32>
              %mul3A_952 = arith.constant 1024 : i32
              %mul3A_953 = arith.muli %scan3A_899, %mul3A_952 : i32
              %parallel_loop3A_954 = arith.constant 0 : i32
              %parallel_loop3A_955 = arith.constant 64 : i32
              %parallel_loop3A_956 = arith.constant 1 : i32
              scf.for %parallel_loop3A_986 = %parallel_loop3A_954 to %parallel_loop3A_955 step %parallel_loop3A_956  : i32 {
                %parallel_loop3A_987 = arith.constant 16 : i32
                %parallel_loop3A_988 = arith.muli %parallel_loop3A_986, %parallel_loop3A_987 : i32
                %parallel_loop3A_989 = arith.addi %mul3A_953, %parallel_loop3A_988 : i32
                %parallel_loop3A_990 = arith.index_cast %parallel_loop3A_989 : i32 to index
                %parallel_loop3A_991 = tpu.vector_load %arg31[%parallel_loop3A_990] {strides = array<i32>} : memref<4096xf32, #tpu.memory_space<vmem>>, vector<16xf32>,
                %parallel_loop3A_992 = arith.mulf %parallel_loop3A_991, %div3A_951 : vector<16xf32>
                %parallel_loop3A_993 = arith.constant 16 : i32
                %parallel_loop3A_994 = arith.muli %parallel_loop3A_986, %parallel_loop3A_993 : i32
                %parallel_loop3A_995 = arith.addi %mul3A_953, %parallel_loop3A_994 : i32
                %parallel_loop3A_996 = arith.index_cast %parallel_loop3A_995 : i32 to index
                %parallel_loop3A_997 = tpu.vector_load %arg31[%parallel_loop3A_996] {strides = array<i32>} : memref<4096xf32, #tpu.memory_space<vmem>>, vector<16xf32>,
                tpu.vector_store %arg31[%parallel_loop3A_996], %parallel_loop3A_992 {strides = array<i32>} : memref<4096xf32, #tpu.memory_space<vmem>>, vector<16xf32>,
              } {sc.loop_unroll_factor = 8 : i64, sc.parallel_access}
              %mul3A_957 = arith.constant 1024 : i32
              %mul3A_958 = arith.muli %scan3A_899, %mul3A_957 : i32
              %multiple_of3A = tpu.assume_multiple %mul3A_958, 8 : i32
              %mul3A_959 = arith.constant 1024 : i32
              %mul3A_960 = arith.muli %scan3A_897, %mul3A_959 : i32
              %multiple_of3A_961 = tpu.assume_multiple %mul3A_960, 8 : i32
              %dma_start3A_962 = tpu.memref_slice %arg31[%multiple_of3A] : memref<4096xf32, #tpu.memory_space<vmem>> -> memref<1024xf32, #tpu.memory_space<vmem>>
              %dma_start3A_963 = tpu.memref_slice %arg6[%multiple_of3A_961] : memref<16777216xf32, #tpu.memory_space<hbm>> -> memref<1024xf32, #tpu.memory_space<hbm>>
              %dma_start3A_964 = tpu.memref_slice %arg6[%multiple_of3A_961] : memref<16777216xf32, #tpu.memory_space<hbm>> -> memref<1024xf32, #tpu.memory_space<hbm>>
              %dma_start3A_965 = tpu.memref_slice %arg31[%multiple_of3A] : memref<4096xf32, #tpu.memory_space<vmem>> -> memref<1024xf32, #tpu.memory_space<vmem>>
              tpu.enqueue_dma source(%dma_start3A_965 : memref<1024xf32, #tpu.memory_space<vmem>>) target(%dma_start3A_964 : memref<1024xf32, #tpu.memory_space<hbm>>) target_semaphore(%arg37 : memref<!tpu.dma_semaphore, #tpu.memory_space<semaphore_mem>>)
              %add3A_966 = arith.constant 1 : i32
              %add3A_967 = arith.addi %scan3A_900, %add3A_966 : i32
              %ge3A_968 = arith.constant 4 : i32
              %ge3A_969 = arith.cmpi sge, %add3A_967, %ge3A_968 : i32
              %convert_element_type3A_970 = arith.extui %ge3A_969 : i1 to i32
              %cond3A_971 = arith.constant 0 : i32
              %cond3A_972 = arith.constant 0 : i32
              %cond3A_973 = arith.cmpi ne, %convert_element_type3A_970, %cond3A_972 : i32
              %cond3A_974 = scf.if %cond3A_973 -> (i32) {
                %dma_wait3A_986 = arith.constant 0 : i32
                %dma_wait3A_987 = tpu.memref_slice %arg31[%dma_wait3A_986] : memref<4096xf32, #tpu.memory_space<vmem>> -> memref<1024xf32, #tpu.memory_space<vmem>>
                %dma_wait3A_988 = arith.constant 0 : i32
                %dma_wait3A_989 = tpu.memref_slice %arg6[%dma_wait3A_988] : memref<16777216xf32, #tpu.memory_space<hbm>> -> memref<1024xf32, #tpu.memory_space<hbm>>
                %dma_wait3A_990 = arith.constant 0 : i32
                %dma_wait3A_991 = tpu.memref_slice %arg6[%dma_wait3A_990] : memref<16777216xf32, #tpu.memory_space<hbm>> -> memref<1024xf32, #tpu.memory_space<hbm>>
                %dma_wait3A_992 = arith.constant 0 : i32
                %dma_wait3A_993 = tpu.memref_slice %arg31[%dma_wait3A_992] : memref<4096xf32, #tpu.memory_space<vmem>> -> memref<1024xf32, #tpu.memory_space<vmem>>
                tpu.wait_dma2 semaphore(%arg37 : memref<!tpu.dma_semaphore, #tpu.memory_space<semaphore_mem>>) src(%dma_wait3A_993 : memref<1024xf32, #tpu.memory_space<vmem>>) dst(%dma_wait3A_991 : memref<1024xf32, #tpu.memory_space<hbm>>)
                %cond3A_994 = arith.constant 0 : i32
                scf.yield %cond3A_994 : i32
              } else {
                %cond3A_986 = arith.constant 0 : i32
                scf.yield %cond3A_986 : i32
              }
              %add3A_975 = arith.constant 1 : i32
              %add3A_976 = arith.addi %scan3A_899, %add3A_975 : i32
              %rem3A_977 = arith.constant 4 : i32
              %rem3A_978 = arith.remsi %add3A_976, %rem3A_977 : i32
              %mul3A_979 = arith.constant 1024 : i32
              %mul3A_980 = arith.muli %rem3A_978, %mul3A_979 : i32
              %broadcast_in_dim3A_981 = arith.constant 0.000000e+00 : f32
              %broadcast_in_dim3A_982 = vector.broadcast %broadcast_in_dim3A_981 : f32 to vector<16xf32>
              %parallel_loop3A_983 = arith.constant 0 : i32
              %parallel_loop3A_984 = arith.constant 64 : i32
              %parallel_loop3A_985 = arith.constant 1 : i32
              scf.for %parallel_loop3A_986 = %parallel_loop3A_983 to %parallel_loop3A_984 step %parallel_loop3A_985  : i32 {
                %parallel_loop3A_987 = arith.constant 16 : i32
                %parallel_loop3A_988 = arith.muli %parallel_loop3A_986, %parallel_loop3A_987 : i32
                %parallel_loop3A_989 = arith.addi %mul3A_980, %parallel_loop3A_988 : i32
                %parallel_loop3A_990 = arith.index_cast %parallel_loop3A_989 : i32 to index
                %parallel_loop3A_991 = tpu.vector_load %arg31[%parallel_loop3A_990] {strides = array<i32>} : memref<4096xf32, #tpu.memory_space<vmem>>, vector<16xf32>,
                tpu.vector_store %arg31[%parallel_loop3A_990], %broadcast_in_dim3A_982 {strides = array<i32>} : memref<4096xf32, #tpu.memory_space<vmem>>, vector<16xf32>,
              } {sc.loop_unroll_factor = 8 : i64, sc.parallel_access}
              scf.yield %rem3A_978, %add3A_967 : i32, i32
            } else {
              scf.yield %scan3A_899, %scan3A_900 : i32, i32
            }
            scf.yield %squeeze3A_904, %select_n3A_923, %cond3A_945#0, %cond3A_945#1 : i32, f32, i32, i32
          } else {
            scf.yield %scan3A_897, %scan3A_898, %scan3A_899, %scan3A_900 : i32, f32, i32, i32
          }
          %get3A_929 = arith.index_cast %scan3A_896 : i32 to index
          %get3A_930 = tpu.vector_load %arg20[%get3A_929] {strides = array<i32>} : memref<32xf32, #tpu.memory_space<vmem>>, vector<16xf32>,
          %slice3A_931 = vector.extract_strided_slice %get3A_930 {offsets = [0], sizes = [1], strides = [1]} : vector<16xf32> to vector<1xf32>
          %squeeze3A_932 = vector.extract %slice3A_931[0] : f32 from vector<1xf32>
          %broadcast_in_dim3A_933 = vector.broadcast %squeeze3A_932 : f32 to vector<16xf32>
          %mul3A_934 = arith.constant 1024 : i32
          %mul3A_935 = arith.muli %cond3A_928#2, %mul3A_934 : i32
          %parallel_loop3A_936 = arith.constant 0 : i32
          %parallel_loop3A_937 = arith.constant 64 : i32
          %parallel_loop3A_938 = arith.constant 1 : i32
          scf.for %parallel_loop3A_939 = %parallel_loop3A_936 to %parallel_loop3A_937 step %parallel_loop3A_938  : i32 {
            %parallel_loop3A_940 = arith.constant 16 : i32
            %parallel_loop3A_941 = arith.muli %parallel_loop3A_939, %parallel_loop3A_940 : i32
            %parallel_loop3A_942 = arith.index_cast %scan3A_896 : i32 to index
            %parallel_loop3A_943 = arith.index_cast %parallel_loop3A_941 : i32 to index
            %parallel_loop3A_944 = tpu.vector_load %arg28[%parallel_loop3A_942, %parallel_loop3A_943] {strides = array<i32>} : memref<16x1024xf32, #tpu.memory_space<vmem>>, vector<16xf32>,
            %parallel_loop3A_945 = arith.constant 16 : i32
            %parallel_loop3A_946 = arith.muli %parallel_loop3A_939, %parallel_loop3A_945 : i32
            %parallel_loop3A_947 = arith.addi %mul3A_935, %parallel_loop3A_946 : i32
            %parallel_loop3A_948 = arith.mulf %broadcast_in_dim3A_933, %parallel_loop3A_944 : vector<16xf32>
            %parallel_loop3A_949 = arith.index_cast %parallel_loop3A_947 : i32 to index
            %parallel_loop3A_950 = tpu.vector_load %arg31[%parallel_loop3A_949] {strides = array<i32>} : memref<4096xf32, #tpu.memory_space<vmem>>, vector<16xf32>,
            tpu.vector_store %arg31[%parallel_loop3A_949], %parallel_loop3A_948 {add = true, strides = array<i32>} : memref<4096xf32, #tpu.memory_space<vmem>>, vector<16xf32>,
          } {sc.loop_unroll_factor = 8 : i64, sc.parallel_access}
          scf.yield %cond3A_928#0, %cond3A_928#1, %cond3A_928#2, %cond3A_928#3 : i32, f32, i32, i32
        } else {
          scf.yield %scan3A_897, %scan3A_898, %scan3A_899, %scan3A_900 : i32, f32, i32, i32
        }
        scf.yield %cond3A_913#0, %cond3A_913#1, %cond3A_913#2, %cond3A_913#3 : i32, f32, i32, i32
      }
      %scan3A_661 = arith.constant 16 : i32
      %get3A_662 = arith.constant 15 : index
      %get3A_663 = tpu.vector_load %arg24[%get3A_662] {strides = array<i32>} : memref<32xf32, #tpu.memory_space<vmem>>, vector<16xf32>,
      %slice3A_664 = vector.extract_strided_slice %get3A_663 {offsets = [0], sizes = [1], strides = [1]} : vector<16xf32> to vector<1xf32>
      %squeeze3A_665 = vector.extract %slice3A_664[0] : f32 from vector<1xf32>
      %mul3A_666 = arith.constant 4 : i32
      %mul3A_667 = arith.muli %mul3A_666, %while3A_427 : i32
      %add3A_668 = arith.constant 2 : i32
      %add3A_669 = arith.addi %mul3A_667, %add3A_668 : i32
      %add3A_670 = arith.constant 4 : i32
      %add3A_671 = arith.addi %add3A_669, %add3A_670 : i32
      %sub3A_672 = arith.constant 1 : i32
      %sub3A_673 = arith.subi %add3A_671, %sub3A_672 : i32
      %and3A_674 = arith.constant 63 : i32
      %and3A_675 = arith.andi %sub3A_673, %and3A_674 : i32
      %eq3A_676 = arith.constant 0 : i32
      %eq3A_677 = arith.cmpi eq, %and3A_675, %eq3A_676 : i32
      %convert_element_type3A_678 = arith.extui %eq3A_677 : i1 to i32
      %cond3A_679 = arith.constant 0 : i32
      %cond3A_680 = arith.constant 0 : i32
      %cond3A_681 = arith.cmpi ne, %convert_element_type3A_678, %cond3A_680 : i32
      %cond3A_682 = scf.if %cond3A_681 -> (i32) {
        %mul3A_896 = arith.constant 16 : i32
        %mul3A_897 = arith.muli %sub3A_673, %mul3A_896 : i32
        %add3A_898 = arith.addi %squeeze3A, %mul3A_897 : i32
        %multiple_of3A = tpu.assume_multiple %add3A_898, 8 : i32
        "tpu.region"() ({
          %run_scoped3A = tpu.sem_alloc : memref<!tpu.dma_semaphore, #tpu.memory_space<semaphore_mem>>
          %dma_start3A_900 = tpu.memref_slice %arg2[%multiple_of3A] : memref<270611xi32, #tpu.memory_space<hbm>> -> memref<1024xi32, #tpu.memory_space<hbm>>
          %dma_start3A_901 = tpu.memref_slice %arg2[%multiple_of3A] : memref<270611xi32, #tpu.memory_space<hbm>> -> memref<1024xi32, #tpu.memory_space<hbm>>
          tpu.enqueue_dma source(%dma_start3A_901 : memref<1024xi32, #tpu.memory_space<hbm>>) target(%arg9 : memref<1024xi32, #tpu.memory_space<vmem>>) target_semaphore(%run_scoped3A : memref<!tpu.dma_semaphore, #tpu.memory_space<semaphore_mem>>)
          %dma_wait3A_902 = tpu.memref_slice %arg2[%multiple_of3A] : memref<270611xi32, #tpu.memory_space<hbm>> -> memref<1024xi32, #tpu.memory_space<hbm>>
          %dma_wait3A_903 = tpu.memref_slice %arg2[%multiple_of3A] : memref<270611xi32, #tpu.memory_space<hbm>> -> memref<1024xi32, #tpu.memory_space<hbm>>
          tpu.wait_dma2 semaphore(%run_scoped3A : memref<!tpu.dma_semaphore, #tpu.memory_space<semaphore_mem>>) src(%dma_wait3A_903 : memref<1024xi32, #tpu.memory_space<hbm>>) dst(%arg9 : memref<1024xi32, #tpu.memory_space<vmem>>)
          tpu.yield
        }) : () -> ()
        %cond3A_899 = arith.constant 0 : i32
        scf.yield %cond3A_899 : i32
      } else {
        %cond3A_896 = arith.constant 0 : i32
        scf.yield %cond3A_896 : i32
      }
      %and3A_683 = arith.constant 63 : i32
      %and3A_684 = arith.andi %sub3A_673, %and3A_683 : i32
      %mul3A_685 = arith.constant 16 : i32
      %mul3A_686 = arith.muli %and3A_684, %mul3A_685 : i32
      %get3A_687 = arith.index_cast %mul3A_686 : i32 to index
      %get3A_688 = tpu.vector_load %arg9[%get3A_687] {strides = array<i32>} : memref<1024xi32, #tpu.memory_space<vmem>>, vector<16xi32>,
      %broadcast_in_dim3A_689 = vector.broadcast %squeeze3A_645 : i32 to vector<16xi32>
      %swap3A_690 = arith.constant 0 : index
      %swap3A_691 = tpu.vector_load %arg10[%swap3A_690] {strides = array<i32>} : memref<24xi32, #tpu.memory_space<vmem>>, vector<16xi32>,
      tpu.vector_store %arg10[%swap3A_690], %broadcast_in_dim3A_689 {strides = array<i32>} : memref<24xi32, #tpu.memory_space<vmem>>, vector<16xi32>,
      %swap3A_692 = arith.constant 1 : index
      %swap3A_693 = tpu.vector_load %arg10[%swap3A_692] {strides = array<i32>} : memref<24xi32, #tpu.memory_space<vmem>>, vector<16xi32>,
      tpu.vector_store %arg10[%swap3A_692], %get3A_688 {strides = array<i32>} : memref<24xi32, #tpu.memory_space<vmem>>, vector<16xi32>,
      %get3A_694 = arith.constant 0 : index
      %get3A_695 = tpu.vector_load %arg10[%get3A_694] {strides = array<i32>} : memref<24xi32, #tpu.memory_space<vmem>>, vector<16xi32>,
      %eq3A_696 = arith.cmpi eq, %get3A_688, %get3A_695 : vector<16xi32>
      %jit3A_697 = arith.constant -536870912 : i32
      %broadcast_in_dim3A_698 = vector.broadcast %jit3A_697 : i32 to vector<16xi32>
      %select_n3A_699 = arith.select %eq3A_696, %broadcast_in_dim3A_698, %iota3A : vector<16xi1>, vector<16xi32>
      %eq3A_700 = arith.constant 0 : i32
      %eq3A_701 = vector.broadcast %eq3A_700 : i32 to vector<16xi32>
      %eq3A_702 = arith.cmpi eq, %iota3A, %eq3A_701 : vector<16xi32>
      %and3A_703 = arith.andi %eq3A_702, %eq3A_696 : vector<16xi1>
      %neg3A_704 = arith.constant 0 : i32
      %neg3A_705 = arith.subi %neg3A_704, %squeeze3A_647 : i32
      %broadcast_in_dim3A_706 = vector.broadcast %neg3A_705 : i32 to vector<16xi32>
      %select_n3A_707 = arith.select %and3A_703, %broadcast_in_dim3A_706, %select_n3A_699 : vector<16xi1>, vector<16xi32>
      %broadcast_in_dim3A_708 = arith.constant true
      %broadcast_in_dim3A_709 = vector.broadcast %broadcast_in_dim3A_708 : i1 to vector<16xi1>
      %masked_cummax3A_710 = arith.constant -2147483648 : i32
      %masked_cummax3A_711 = vector.broadcast %masked_cummax3A_710 : i32 to vector<16xi32>
      %masked_cummax3A_712 = arith.xori %select_n3A_707, %masked_cummax3A_711 : vector<16xi32>
      %masked_cummax3A_713 = tpu.scan <max>, %masked_cummax3A_712 masked %broadcast_in_dim3A_709 : vector<16xi32>, vector<16xi1> -> vector<16xi32>
      %masked_cummax3A_714 = arith.xori %masked_cummax3A_713, %masked_cummax3A_711 : vector<16xi32>
      %sub3A_715 = arith.subi %iota3A, %masked_cummax3A_714 : vector<16xi32>
      %add3A_716 = arith.constant 1 : i32
      %add3A_717 = vector.broadcast %add3A_716 : i32 to vector<16xi32>
      %add3A_718 = arith.addi %sub3A_715, %add3A_717 : vector<16xi32>
      %shift_right_logical3A_719 = arith.constant 14 : i32
      %shift_right_logical3A_720 = vector.broadcast %shift_right_logical3A_719 : i32 to vector<16xi32>
      %shift_right_logical3A_721 = arith.shrui %get3A_688, %shift_right_logical3A_720 : vector<16xi32>
      %and3A_722 = arith.constant 16383 : i32
      %and3A_723 = vector.broadcast %and3A_722 : i32 to vector<16xi32>
      %and3A_724 = arith.andi %get3A_688, %and3A_723 : vector<16xi32>
      %ge3A_725 = vector.broadcast %mul3A_2 : i32 to vector<16xi32>
      %ge3A_726 = arith.cmpi sge, %shift_right_logical3A_721, %ge3A_725 : vector<16xi32>
      %add3A_727 = arith.constant 512 : i32
      %add3A_728 = arith.addi %mul3A_2, %add3A_727 : i32
      %lt3A_729 = vector.broadcast %add3A_728 : i32 to vector<16xi32>
      %lt3A_730 = arith.cmpi slt, %shift_right_logical3A_721, %lt3A_729 : vector<16xi32>
      %and3A_731 = arith.andi %ge3A_726, %lt3A_730 : vector<16xi1>
      %convert_element_type3A_732 = arith.sitofp %add3A_718 : vector<16xi32> to vector<16xf32>
      %exp3A_733 = math.exp %convert_element_type3A_732 : vector<16xf32>
      %eq3A_734 = arith.constant 1 : i32
      %eq3A_735 = vector.broadcast %eq3A_734 : i32 to vector<16xi32>
      %eq3A_736 = arith.cmpi eq, %add3A_718, %eq3A_735 : vector<16xi32>
      %sub3A_737 = arith.constant 1.000000e+00 : f32
      %sub3A_738 = vector.broadcast %sub3A_737 : f32 to vector<16xf32>
      %sub3A_739 = arith.subf %convert_element_type3A_732, %sub3A_738 : vector<16xf32>
      %exp3A_740 = math.exp %sub3A_739 : vector<16xf32>
      %sub3A_741 = arith.subf %exp3A_733, %exp3A_740 : vector<16xf32>
      %select_n3A_742 = arith.select %eq3A_736, %exp3A_733, %sub3A_741 : vector<16xi1>, vector<16xf32>
      %jit3A_743 = arith.constant 0.000000e+00 : f32
      %broadcast_in_dim3A_744 = vector.broadcast %jit3A_743 : f32 to vector<16xf32>
      %select_n3A_745 = arith.select %and3A_731, %select_n3A_742, %broadcast_in_dim3A_744 : vector<16xi1>, vector<16xf32>
      %broadcast_in_dim3A_746 = arith.constant true
      %broadcast_in_dim3A_747 = vector.broadcast %broadcast_in_dim3A_746 : i1 to vector<16xi1>
      %masked_cumsum3A_748 = tpu.scan <sum>, %select_n3A_745 masked %broadcast_in_dim3A_747 : vector<16xf32>, vector<16xi1> -> vector<16xf32>
      %broadcast_in_dim3A_749 = vector.broadcast %squeeze3A_649 : f32 to vector<16xf32>
      %add3A_750 = arith.addf %masked_cumsum3A_748, %broadcast_in_dim3A_749 : vector<16xf32>
      %swap3A_751 = arith.constant 0 : index
      %swap3A_752 = tpu.vector_load %arg12[%swap3A_751] {strides = array<i32>} : memref<16xi32, #tpu.memory_space<vmem>>, vector<16xi32>,
      tpu.vector_store %arg12[%swap3A_751], %and3A_724 {strides = array<i32>} : memref<16xi32, #tpu.memory_space<vmem>>, vector<16xi32>,
      %swap3A_753 = arith.constant 0 : index
      %swap3A_754 = tpu.vector_load %arg16[%swap3A_753] {strides = array<i32>} : memref<32xi32, #tpu.memory_space<vmem>>, vector<16xi32>,
      tpu.vector_store %arg16[%swap3A_753], %shift_right_logical3A_721 {strides = array<i32>} : memref<32xi32, #tpu.memory_space<vmem>>, vector<16xi32>,
      %swap3A_755 = arith.constant 0 : index
      %swap3A_756 = tpu.vector_load %arg20[%swap3A_755] {strides = array<i32>} : memref<32xf32, #tpu.memory_space<vmem>>, vector<16xf32>,
      tpu.vector_store %arg20[%swap3A_755], %select_n3A_745 {strides = array<i32>} : memref<32xf32, #tpu.memory_space<vmem>>, vector<16xf32>,
      %swap3A_757 = arith.constant 0 : index
      %swap3A_758 = tpu.vector_load %arg24[%swap3A_757] {strides = array<i32>} : memref<32xf32, #tpu.memory_space<vmem>>, vector<16xf32>,
      tpu.vector_store %arg24[%swap3A_757], %add3A_750 {strides = array<i32>} : memref<32xf32, #tpu.memory_space<vmem>>, vector<16xf32>,
      %slice3A_759 = vector.extract_strided_slice %get3A_688 {offsets = [15], sizes = [1], strides = [1]} : vector<16xi32> to vector<1xi32>
      %squeeze3A_760 = vector.extract %slice3A_759[0] : i32 from vector<1xi32>
      %slice3A_761 = vector.extract_strided_slice %add3A_718 {offsets = [15], sizes = [1], strides = [1]} : vector<16xi32> to vector<1xi32>
      %squeeze3A_762 = vector.extract %slice3A_761[0] : i32 from vector<1xi32>
      %slice3A_763 = vector.extract_strided_slice %add3A_750 {offsets = [15], sizes = [1], strides = [1]} : vector<16xf32> to vector<1xf32>
      %squeeze3A_764 = vector.extract %slice3A_763[0] : f32 from vector<1xf32>
      %dma_start3A_765 = arith.constant 0 : i32
      %dma_start3A_766 = arith.constant 0 : i32
      %dma_start3A_767 = tpu.memref_slice %arg5[%dma_start3A_765, %dma_start3A_766] : memref<16384x1024xf32, #tpu.memory_space<hbm>> -> memref<16384x1024xf32, #tpu.memory_space<hbm>>
      tpu.enqueue_indirect_dma source(%dma_start3A_767 : memref<16384x1024xf32, #tpu.memory_space<hbm>>) target(%arg28 : memref<16x1024xf32, #tpu.memory_space<vmem>>) offsets(%arg12 : memref<16xi32, #tpu.memory_space<vmem>>) semaphore(%arg34 : memref<!tpu.dma_semaphore, #tpu.memory_space<semaphore_mem>>)
      %dma_wait3A_768 = arith.constant 0 : i32
      %dma_wait3A_769 = arith.constant 0 : i32
      %dma_wait3A_770 = tpu.memref_slice %arg5[%dma_wait3A_768, %dma_wait3A_769] : memref<16384x1024xf32, #tpu.memory_space<hbm>> -> memref<16384x1024xf32, #tpu.memory_space<hbm>>
      tpu.wait_indirect_dma semaphore(%arg35 : memref<!tpu.dma_semaphore, #tpu.memory_space<semaphore_mem>>) src(%dma_wait3A_770 : memref<16384x1024xf32, #tpu.memory_space<hbm>>) dst(%arg29 : memref<16x1024xf32, #tpu.memory_space<vmem>>)
      %scan3A_771 = arith.constant 0 : i32
      %scan3A_772 = arith.constant 16 : i32
      %scan3A_773 = arith.addi %scan3A_771, %scan3A_772 : i32
      %scan3A_774 = arith.constant 1 : i32
      %scan3A_775:4 = scf.for %scan3A_896 = %scan3A_771 to %scan3A_773 step %scan3A_774 iter_args(%scan3A_897 = %scan3A_660#0, %scan3A_898 = %scan3A_660#1, %scan3A_899 = %scan3A_660#2, %scan3A_900 = %scan3A_660#3) -> (i32, f32, i32, i32)  : i32 {
        %get3A_901 = arith.index_cast %scan3A_896 : i32 to index
        %get3A_902 = tpu.vector_load %arg17[%get3A_901] {strides = array<i32>} : memref<32xi32, #tpu.memory_space<vmem>>, vector<16xi32>,
        %slice3A_903 = vector.extract_strided_slice %get3A_902 {offsets = [0], sizes = [1], strides = [1]} : vector<16xi32> to vector<1xi32>
        %squeeze3A_904 = vector.extract %slice3A_903[0] : i32 from vector<1xi32>
        %ge3A_905 = arith.cmpi sge, %squeeze3A_904, %mul3A_2 : i32
        %add3A_906 = arith.constant 512 : i32
        %add3A_907 = arith.addi %mul3A_2, %add3A_906 : i32
        %lt3A_908 = arith.cmpi slt, %squeeze3A_904, %add3A_907 : i32
        %and3A_909 = arith.andi %ge3A_905, %lt3A_908 : i1
        %convert_element_type3A_910 = arith.extui %and3A_909 : i1 to i32
        %cond3A_911 = arith.constant 0 : i32
        %cond3A_912 = arith.cmpi ne, %convert_element_type3A_910, %cond3A_911 : i32
        %cond3A_913:4 = scf.if %cond3A_912 -> (i32, f32, i32, i32) {
          %eq3A_914 = arith.constant 0 : i32
          %eq3A_915 = arith.cmpi eq, %scan3A_896, %eq3A_914 : i32
          %sub3A_916 = arith.constant 1 : i32
          %sub3A_917 = arith.subi %scan3A_896, %sub3A_916 : i32
          %max3A = arith.constant 0 : i32
          %max3A_918 = arith.maxsi %sub3A_917, %max3A : i32
          %get3A_919 = arith.index_cast %max3A_918 : i32 to index
          %get3A_920 = tpu.vector_load %arg25[%get3A_919] {strides = array<i32>} : memref<32xf32, #tpu.memory_space<vmem>>, vector<16xf32>,
          %slice3A_921 = vector.extract_strided_slice %get3A_920 {offsets = [0], sizes = [1], strides = [1]} : vector<16xf32> to vector<1xf32>
          %squeeze3A_922 = vector.extract %slice3A_921[0] : f32 from vector<1xf32>
          %select_n3A_923 = arith.select %eq3A_915, %squeeze3A_665, %squeeze3A_922 : f32
          %ne3A_924 = arith.cmpi ne, %squeeze3A_904, %scan3A_897 : i32
          %convert_element_type3A_925 = arith.extui %ne3A_924 : i1 to i32
          %cond3A_926 = arith.constant 0 : i32
          %cond3A_927 = arith.cmpi ne, %convert_element_type3A_925, %cond3A_926 : i32
          %cond3A_928:4 = scf.if %cond3A_927 -> (i32, f32, i32, i32) {
            %ge3A_939 = arith.constant 0 : i32
            %ge3A_940 = arith.cmpi sge, %scan3A_897, %ge3A_939 : i32
            %convert_element_type3A_941 = arith.extui %ge3A_940 : i1 to i32
            %cond3A_942 = arith.constant 0 : i32
            %cond3A_943 = arith.constant 0 : i32
            %cond3A_944 = arith.cmpi ne, %convert_element_type3A_941, %cond3A_943 : i32
            %cond3A_945:2 = scf.if %cond3A_944 -> (i32, i32) {
              %broadcast_in_dim3A_946 = vector.broadcast %select_n3A_923 : f32 to vector<16xf32>
              %broadcast_in_dim3A_947 = vector.broadcast %scan3A_898 : f32 to vector<16xf32>
              %sub3A_948 = arith.subf %broadcast_in_dim3A_946, %broadcast_in_dim3A_947 : vector<16xf32>
              %broadcast_in_dim3A_949 = arith.constant 1.000000e+00 : f32
              %broadcast_in_dim3A_950 = vector.broadcast %broadcast_in_dim3A_949 : f32 to vector<16xf32>
              %div3A_951 = arith.divf %broadcast_in_dim3A_950, %sub3A_948 : vector<16xf32>
              %mul3A_952 = arith.constant 1024 : i32
              %mul3A_953 = arith.muli %scan3A_899, %mul3A_952 : i32
              %parallel_loop3A_954 = arith.constant 0 : i32
              %parallel_loop3A_955 = arith.constant 64 : i32
              %parallel_loop3A_956 = arith.constant 1 : i32
              scf.for %parallel_loop3A_986 = %parallel_loop3A_954 to %parallel_loop3A_955 step %parallel_loop3A_956  : i32 {
                %parallel_loop3A_987 = arith.constant 16 : i32
                %parallel_loop3A_988 = arith.muli %parallel_loop3A_986, %parallel_loop3A_987 : i32
                %parallel_loop3A_989 = arith.addi %mul3A_953, %parallel_loop3A_988 : i32
                %parallel_loop3A_990 = arith.index_cast %parallel_loop3A_989 : i32 to index
                %parallel_loop3A_991 = tpu.vector_load %arg31[%parallel_loop3A_990] {strides = array<i32>} : memref<4096xf32, #tpu.memory_space<vmem>>, vector<16xf32>,
                %parallel_loop3A_992 = arith.mulf %parallel_loop3A_991, %div3A_951 : vector<16xf32>
                %parallel_loop3A_993 = arith.constant 16 : i32
                %parallel_loop3A_994 = arith.muli %parallel_loop3A_986, %parallel_loop3A_993 : i32
                %parallel_loop3A_995 = arith.addi %mul3A_953, %parallel_loop3A_994 : i32
                %parallel_loop3A_996 = arith.index_cast %parallel_loop3A_995 : i32 to index
                %parallel_loop3A_997 = tpu.vector_load %arg31[%parallel_loop3A_996] {strides = array<i32>} : memref<4096xf32, #tpu.memory_space<vmem>>, vector<16xf32>,
                tpu.vector_store %arg31[%parallel_loop3A_996], %parallel_loop3A_992 {strides = array<i32>} : memref<4096xf32, #tpu.memory_space<vmem>>, vector<16xf32>,
              } {sc.loop_unroll_factor = 8 : i64, sc.parallel_access}
              %mul3A_957 = arith.constant 1024 : i32
              %mul3A_958 = arith.muli %scan3A_899, %mul3A_957 : i32
              %multiple_of3A = tpu.assume_multiple %mul3A_958, 8 : i32
              %mul3A_959 = arith.constant 1024 : i32
              %mul3A_960 = arith.muli %scan3A_897, %mul3A_959 : i32
              %multiple_of3A_961 = tpu.assume_multiple %mul3A_960, 8 : i32
              %dma_start3A_962 = tpu.memref_slice %arg31[%multiple_of3A] : memref<4096xf32, #tpu.memory_space<vmem>> -> memref<1024xf32, #tpu.memory_space<vmem>>
              %dma_start3A_963 = tpu.memref_slice %arg6[%multiple_of3A_961] : memref<16777216xf32, #tpu.memory_space<hbm>> -> memref<1024xf32, #tpu.memory_space<hbm>>
              %dma_start3A_964 = tpu.memref_slice %arg6[%multiple_of3A_961] : memref<16777216xf32, #tpu.memory_space<hbm>> -> memref<1024xf32, #tpu.memory_space<hbm>>
              %dma_start3A_965 = tpu.memref_slice %arg31[%multiple_of3A] : memref<4096xf32, #tpu.memory_space<vmem>> -> memref<1024xf32, #tpu.memory_space<vmem>>
              tpu.enqueue_dma source(%dma_start3A_965 : memref<1024xf32, #tpu.memory_space<vmem>>) target(%dma_start3A_964 : memref<1024xf32, #tpu.memory_space<hbm>>) target_semaphore(%arg37 : memref<!tpu.dma_semaphore, #tpu.memory_space<semaphore_mem>>)
              %add3A_966 = arith.constant 1 : i32
              %add3A_967 = arith.addi %scan3A_900, %add3A_966 : i32
              %ge3A_968 = arith.constant 4 : i32
              %ge3A_969 = arith.cmpi sge, %add3A_967, %ge3A_968 : i32
              %convert_element_type3A_970 = arith.extui %ge3A_969 : i1 to i32
              %cond3A_971 = arith.constant 0 : i32
              %cond3A_972 = arith.constant 0 : i32
              %cond3A_973 = arith.cmpi ne, %convert_element_type3A_970, %cond3A_972 : i32
              %cond3A_974 = scf.if %cond3A_973 -> (i32) {
                %dma_wait3A_986 = arith.constant 0 : i32
                %dma_wait3A_987 = tpu.memref_slice %arg31[%dma_wait3A_986] : memref<4096xf32, #tpu.memory_space<vmem>> -> memref<1024xf32, #tpu.memory_space<vmem>>
                %dma_wait3A_988 = arith.constant 0 : i32
                %dma_wait3A_989 = tpu.memref_slice %arg6[%dma_wait3A_988] : memref<16777216xf32, #tpu.memory_space<hbm>> -> memref<1024xf32, #tpu.memory_space<hbm>>
                %dma_wait3A_990 = arith.constant 0 : i32
                %dma_wait3A_991 = tpu.memref_slice %arg6[%dma_wait3A_990] : memref<16777216xf32, #tpu.memory_space<hbm>> -> memref<1024xf32, #tpu.memory_space<hbm>>
                %dma_wait3A_992 = arith.constant 0 : i32
                %dma_wait3A_993 = tpu.memref_slice %arg31[%dma_wait3A_992] : memref<4096xf32, #tpu.memory_space<vmem>> -> memref<1024xf32, #tpu.memory_space<vmem>>
                tpu.wait_dma2 semaphore(%arg37 : memref<!tpu.dma_semaphore, #tpu.memory_space<semaphore_mem>>) src(%dma_wait3A_993 : memref<1024xf32, #tpu.memory_space<vmem>>) dst(%dma_wait3A_991 : memref<1024xf32, #tpu.memory_space<hbm>>)
                %cond3A_994 = arith.constant 0 : i32
                scf.yield %cond3A_994 : i32
              } else {
                %cond3A_986 = arith.constant 0 : i32
                scf.yield %cond3A_986 : i32
              }
              %add3A_975 = arith.constant 1 : i32
              %add3A_976 = arith.addi %scan3A_899, %add3A_975 : i32
              %rem3A_977 = arith.constant 4 : i32
              %rem3A_978 = arith.remsi %add3A_976, %rem3A_977 : i32
              %mul3A_979 = arith.constant 1024 : i32
              %mul3A_980 = arith.muli %rem3A_978, %mul3A_979 : i32
              %broadcast_in_dim3A_981 = arith.constant 0.000000e+00 : f32
              %broadcast_in_dim3A_982 = vector.broadcast %broadcast_in_dim3A_981 : f32 to vector<16xf32>
              %parallel_loop3A_983 = arith.constant 0 : i32
              %parallel_loop3A_984 = arith.constant 64 : i32
              %parallel_loop3A_985 = arith.constant 1 : i32
              scf.for %parallel_loop3A_986 = %parallel_loop3A_983 to %parallel_loop3A_984 step %parallel_loop3A_985  : i32 {
                %parallel_loop3A_987 = arith.constant 16 : i32
                %parallel_loop3A_988 = arith.muli %parallel_loop3A_986, %parallel_loop3A_987 : i32
                %parallel_loop3A_989 = arith.addi %mul3A_980, %parallel_loop3A_988 : i32
                %parallel_loop3A_990 = arith.index_cast %parallel_loop3A_989 : i32 to index
                %parallel_loop3A_991 = tpu.vector_load %arg31[%parallel_loop3A_990] {strides = array<i32>} : memref<4096xf32, #tpu.memory_space<vmem>>, vector<16xf32>,
                tpu.vector_store %arg31[%parallel_loop3A_990], %broadcast_in_dim3A_982 {strides = array<i32>} : memref<4096xf32, #tpu.memory_space<vmem>>, vector<16xf32>,
              } {sc.loop_unroll_factor = 8 : i64, sc.parallel_access}
              scf.yield %rem3A_978, %add3A_967 : i32, i32
            } else {
              scf.yield %scan3A_899, %scan3A_900 : i32, i32
            }
            scf.yield %squeeze3A_904, %select_n3A_923, %cond3A_945#0, %cond3A_945#1 : i32, f32, i32, i32
          } else {
            scf.yield %scan3A_897, %scan3A_898, %scan3A_899, %scan3A_900 : i32, f32, i32, i32
          }
          %get3A_929 = arith.index_cast %scan3A_896 : i32 to index
          %get3A_930 = tpu.vector_load %arg21[%get3A_929] {strides = array<i32>} : memref<32xf32, #tpu.memory_space<vmem>>, vector<16xf32>,
          %slice3A_931 = vector.extract_strided_slice %get3A_930 {offsets = [0], sizes = [1], strides = [1]} : vector<16xf32> to vector<1xf32>
          %squeeze3A_932 = vector.extract %slice3A_931[0] : f32 from vector<1xf32>
          %broadcast_in_dim3A_933 = vector.broadcast %squeeze3A_932 : f32 to vector<16xf32>
          %mul3A_934 = arith.constant 1024 : i32
          %mul3A_935 = arith.muli %cond3A_928#2, %mul3A_934 : i32
          %parallel_loop3A_936 = arith.constant 0 : i32
          %parallel_loop3A_937 = arith.constant 64 : i32
          %parallel_loop3A_938 = arith.constant 1 : i32
          scf.for %parallel_loop3A_939 = %parallel_loop3A_936 to %parallel_loop3A_937 step %parallel_loop3A_938  : i32 {
            %parallel_loop3A_940 = arith.constant 16 : i32
            %parallel_loop3A_941 = arith.muli %parallel_loop3A_939, %parallel_loop3A_940 : i32
            %parallel_loop3A_942 = arith.index_cast %scan3A_896 : i32 to index
            %parallel_loop3A_943 = arith.index_cast %parallel_loop3A_941 : i32 to index
            %parallel_loop3A_944 = tpu.vector_load %arg29[%parallel_loop3A_942, %parallel_loop3A_943] {strides = array<i32>} : memref<16x1024xf32, #tpu.memory_space<vmem>>, vector<16xf32>,
            %parallel_loop3A_945 = arith.constant 16 : i32
            %parallel_loop3A_946 = arith.muli %parallel_loop3A_939, %parallel_loop3A_945 : i32
            %parallel_loop3A_947 = arith.addi %mul3A_935, %parallel_loop3A_946 : i32
            %parallel_loop3A_948 = arith.mulf %broadcast_in_dim3A_933, %parallel_loop3A_944 : vector<16xf32>
            %parallel_loop3A_949 = arith.index_cast %parallel_loop3A_947 : i32 to index
            %parallel_loop3A_950 = tpu.vector_load %arg31[%parallel_loop3A_949] {strides = array<i32>} : memref<4096xf32, #tpu.memory_space<vmem>>, vector<16xf32>,
            tpu.vector_store %arg31[%parallel_loop3A_949], %parallel_loop3A_948 {add = true, strides = array<i32>} : memref<4096xf32, #tpu.memory_space<vmem>>, vector<16xf32>,
          } {sc.loop_unroll_factor = 8 : i64, sc.parallel_access}
          scf.yield %cond3A_928#0, %cond3A_928#1, %cond3A_928#2, %cond3A_928#3 : i32, f32, i32, i32
        } else {
          scf.yield %scan3A_897, %scan3A_898, %scan3A_899, %scan3A_900 : i32, f32, i32, i32
        }
        scf.yield %cond3A_913#0, %cond3A_913#1, %cond3A_913#2, %cond3A_913#3 : i32, f32, i32, i32
      }
      %scan3A_776 = arith.constant 16 : i32
      %get3A_777 = arith.constant 15 : index
      %get3A_778 = tpu.vector_load %arg25[%get3A_777] {strides = array<i32>} : memref<32xf32, #tpu.memory_space<vmem>>, vector<16xf32>,
      %slice3A_779 = vector.extract_strided_slice %get3A_778 {offsets = [0], sizes = [1], strides = [1]} : vector<16xf32> to vector<1xf32>
      %squeeze3A_780 = vector.extract %slice3A_779[0] : f32 from vector<1xf32>
      %mul3A_781 = arith.constant 4 : i32
      %mul3A_782 = arith.muli %mul3A_781, %while3A_427 : i32
      %add3A_783 = arith.constant 3 : i32
      %add3A_784 = arith.addi %mul3A_782, %add3A_783 : i32
      %add3A_785 = arith.constant 4 : i32
      %add3A_786 = arith.addi %add3A_784, %add3A_785 : i32
      %sub3A_787 = arith.constant 1 : i32
      %sub3A_788 = arith.subi %add3A_786, %sub3A_787 : i32
      %and3A_789 = arith.constant 63 : i32
      %and3A_790 = arith.andi %sub3A_788, %and3A_789 : i32
      %eq3A_791 = arith.constant 0 : i32
      %eq3A_792 = arith.cmpi eq, %and3A_790, %eq3A_791 : i32
      %convert_element_type3A_793 = arith.extui %eq3A_792 : i1 to i32
      %cond3A_794 = arith.constant 0 : i32
      %cond3A_795 = arith.constant 0 : i32
      %cond3A_796 = arith.cmpi ne, %convert_element_type3A_793, %cond3A_795 : i32
      %cond3A_797 = scf.if %cond3A_796 -> (i32) {
        %mul3A_896 = arith.constant 16 : i32
        %mul3A_897 = arith.muli %sub3A_788, %mul3A_896 : i32
        %add3A_898 = arith.addi %squeeze3A, %mul3A_897 : i32
        %multiple_of3A = tpu.assume_multiple %add3A_898, 8 : i32
        "tpu.region"() ({
          %run_scoped3A = tpu.sem_alloc : memref<!tpu.dma_semaphore, #tpu.memory_space<semaphore_mem>>
          %dma_start3A_900 = tpu.memref_slice %arg2[%multiple_of3A] : memref<270611xi32, #tpu.memory_space<hbm>> -> memref<1024xi32, #tpu.memory_space<hbm>>
          %dma_start3A_901 = tpu.memref_slice %arg2[%multiple_of3A] : memref<270611xi32, #tpu.memory_space<hbm>> -> memref<1024xi32, #tpu.memory_space<hbm>>
          tpu.enqueue_dma source(%dma_start3A_901 : memref<1024xi32, #tpu.memory_space<hbm>>) target(%arg9 : memref<1024xi32, #tpu.memory_space<vmem>>) target_semaphore(%run_scoped3A : memref<!tpu.dma_semaphore, #tpu.memory_space<semaphore_mem>>)
          %dma_wait3A_902 = tpu.memref_slice %arg2[%multiple_of3A] : memref<270611xi32, #tpu.memory_space<hbm>> -> memref<1024xi32, #tpu.memory_space<hbm>>
          %dma_wait3A_903 = tpu.memref_slice %arg2[%multiple_of3A] : memref<270611xi32, #tpu.memory_space<hbm>> -> memref<1024xi32, #tpu.memory_space<hbm>>
          tpu.wait_dma2 semaphore(%run_scoped3A : memref<!tpu.dma_semaphore, #tpu.memory_space<semaphore_mem>>) src(%dma_wait3A_903 : memref<1024xi32, #tpu.memory_space<hbm>>) dst(%arg9 : memref<1024xi32, #tpu.memory_space<vmem>>)
          tpu.yield
        }) : () -> ()
        %cond3A_899 = arith.constant 0 : i32
        scf.yield %cond3A_899 : i32
      } else {
        %cond3A_896 = arith.constant 0 : i32
        scf.yield %cond3A_896 : i32
      }
      %and3A_798 = arith.constant 63 : i32
      %and3A_799 = arith.andi %sub3A_788, %and3A_798 : i32
      %mul3A_800 = arith.constant 16 : i32
      %mul3A_801 = arith.muli %and3A_799, %mul3A_800 : i32
      %get3A_802 = arith.index_cast %mul3A_801 : i32 to index
      %get3A_803 = tpu.vector_load %arg9[%get3A_802] {strides = array<i32>} : memref<1024xi32, #tpu.memory_space<vmem>>, vector<16xi32>,
      %broadcast_in_dim3A_804 = vector.broadcast %squeeze3A_760 : i32 to vector<16xi32>
      %swap3A_805 = arith.constant 0 : index
      %swap3A_806 = tpu.vector_load %arg10[%swap3A_805] {strides = array<i32>} : memref<24xi32, #tpu.memory_space<vmem>>, vector<16xi32>,
      tpu.vector_store %arg10[%swap3A_805], %broadcast_in_dim3A_804 {strides = array<i32>} : memref<24xi32, #tpu.memory_space<vmem>>, vector<16xi32>,
      %swap3A_807 = arith.constant 1 : index
      %swap3A_808 = tpu.vector_load %arg10[%swap3A_807] {strides = array<i32>} : memref<24xi32, #tpu.memory_space<vmem>>, vector<16xi32>,
      tpu.vector_store %arg10[%swap3A_807], %get3A_803 {strides = array<i32>} : memref<24xi32, #tpu.memory_space<vmem>>, vector<16xi32>,
      %get3A_809 = arith.constant 0 : index
      %get3A_810 = tpu.vector_load %arg10[%get3A_809] {strides = array<i32>} : memref<24xi32, #tpu.memory_space<vmem>>, vector<16xi32>,
      %eq3A_811 = arith.cmpi eq, %get3A_803, %get3A_810 : vector<16xi32>
      %jit3A_812 = arith.constant -536870912 : i32
      %broadcast_in_dim3A_813 = vector.broadcast %jit3A_812 : i32 to vector<16xi32>
      %select_n3A_814 = arith.select %eq3A_811, %broadcast_in_dim3A_813, %iota3A : vector<16xi1>, vector<16xi32>
      %eq3A_815 = arith.constant 0 : i32
      %eq3A_816 = vector.broadcast %eq3A_815 : i32 to vector<16xi32>
      %eq3A_817 = arith.cmpi eq, %iota3A, %eq3A_816 : vector<16xi32>
      %and3A_818 = arith.andi %eq3A_817, %eq3A_811 : vector<16xi1>
      %neg3A_819 = arith.constant 0 : i32
      %neg3A_820 = arith.subi %neg3A_819, %squeeze3A_762 : i32
      %broadcast_in_dim3A_821 = vector.broadcast %neg3A_820 : i32 to vector<16xi32>
      %select_n3A_822 = arith.select %and3A_818, %broadcast_in_dim3A_821, %select_n3A_814 : vector<16xi1>, vector<16xi32>
      %broadcast_in_dim3A_823 = arith.constant true
      %broadcast_in_dim3A_824 = vector.broadcast %broadcast_in_dim3A_823 : i1 to vector<16xi1>
      %masked_cummax3A_825 = arith.constant -2147483648 : i32
      %masked_cummax3A_826 = vector.broadcast %masked_cummax3A_825 : i32 to vector<16xi32>
      %masked_cummax3A_827 = arith.xori %select_n3A_822, %masked_cummax3A_826 : vector<16xi32>
      %masked_cummax3A_828 = tpu.scan <max>, %masked_cummax3A_827 masked %broadcast_in_dim3A_824 : vector<16xi32>, vector<16xi1> -> vector<16xi32>
      %masked_cummax3A_829 = arith.xori %masked_cummax3A_828, %masked_cummax3A_826 : vector<16xi32>
      %sub3A_830 = arith.subi %iota3A, %masked_cummax3A_829 : vector<16xi32>
      %add3A_831 = arith.constant 1 : i32
      %add3A_832 = vector.broadcast %add3A_831 : i32 to vector<16xi32>
      %add3A_833 = arith.addi %sub3A_830, %add3A_832 : vector<16xi32>
      %shift_right_logical3A_834 = arith.constant 14 : i32
      %shift_right_logical3A_835 = vector.broadcast %shift_right_logical3A_834 : i32 to vector<16xi32>
      %shift_right_logical3A_836 = arith.shrui %get3A_803, %shift_right_logical3A_835 : vector<16xi32>
      %and3A_837 = arith.constant 16383 : i32
      %and3A_838 = vector.broadcast %and3A_837 : i32 to vector<16xi32>
      %and3A_839 = arith.andi %get3A_803, %and3A_838 : vector<16xi32>
      %ge3A_840 = vector.broadcast %mul3A_2 : i32 to vector<16xi32>
      %ge3A_841 = arith.cmpi sge, %shift_right_logical3A_836, %ge3A_840 : vector<16xi32>
      %add3A_842 = arith.constant 512 : i32
      %add3A_843 = arith.addi %mul3A_2, %add3A_842 : i32
      %lt3A_844 = vector.broadcast %add3A_843 : i32 to vector<16xi32>
      %lt3A_845 = arith.cmpi slt, %shift_right_logical3A_836, %lt3A_844 : vector<16xi32>
      %and3A_846 = arith.andi %ge3A_841, %lt3A_845 : vector<16xi1>
      %convert_element_type3A_847 = arith.sitofp %add3A_833 : vector<16xi32> to vector<16xf32>
      %exp3A_848 = math.exp %convert_element_type3A_847 : vector<16xf32>
      %eq3A_849 = arith.constant 1 : i32
      %eq3A_850 = vector.broadcast %eq3A_849 : i32 to vector<16xi32>
      %eq3A_851 = arith.cmpi eq, %add3A_833, %eq3A_850 : vector<16xi32>
      %sub3A_852 = arith.constant 1.000000e+00 : f32
      %sub3A_853 = vector.broadcast %sub3A_852 : f32 to vector<16xf32>
      %sub3A_854 = arith.subf %convert_element_type3A_847, %sub3A_853 : vector<16xf32>
      %exp3A_855 = math.exp %sub3A_854 : vector<16xf32>
      %sub3A_856 = arith.subf %exp3A_848, %exp3A_855 : vector<16xf32>
      %select_n3A_857 = arith.select %eq3A_851, %exp3A_848, %sub3A_856 : vector<16xi1>, vector<16xf32>
      %jit3A_858 = arith.constant 0.000000e+00 : f32
      %broadcast_in_dim3A_859 = vector.broadcast %jit3A_858 : f32 to vector<16xf32>
      %select_n3A_860 = arith.select %and3A_846, %select_n3A_857, %broadcast_in_dim3A_859 : vector<16xi1>, vector<16xf32>
      %broadcast_in_dim3A_861 = arith.constant true
      %broadcast_in_dim3A_862 = vector.broadcast %broadcast_in_dim3A_861 : i1 to vector<16xi1>
      %masked_cumsum3A_863 = tpu.scan <sum>, %select_n3A_860 masked %broadcast_in_dim3A_862 : vector<16xf32>, vector<16xi1> -> vector<16xf32>
      %broadcast_in_dim3A_864 = vector.broadcast %squeeze3A_764 : f32 to vector<16xf32>
      %add3A_865 = arith.addf %masked_cumsum3A_863, %broadcast_in_dim3A_864 : vector<16xf32>
      %swap3A_866 = arith.constant 0 : index
      %swap3A_867 = tpu.vector_load %arg13[%swap3A_866] {strides = array<i32>} : memref<16xi32, #tpu.memory_space<vmem>>, vector<16xi32>,
      tpu.vector_store %arg13[%swap3A_866], %and3A_839 {strides = array<i32>} : memref<16xi32, #tpu.memory_space<vmem>>, vector<16xi32>,
      %swap3A_868 = arith.constant 0 : index
      %swap3A_869 = tpu.vector_load %arg17[%swap3A_868] {strides = array<i32>} : memref<32xi32, #tpu.memory_space<vmem>>, vector<16xi32>,
      tpu.vector_store %arg17[%swap3A_868], %shift_right_logical3A_836 {strides = array<i32>} : memref<32xi32, #tpu.memory_space<vmem>>, vector<16xi32>,
      %swap3A_870 = arith.constant 0 : index
      %swap3A_871 = tpu.vector_load %arg21[%swap3A_870] {strides = array<i32>} : memref<32xf32, #tpu.memory_space<vmem>>, vector<16xf32>,
      tpu.vector_store %arg21[%swap3A_870], %select_n3A_860 {strides = array<i32>} : memref<32xf32, #tpu.memory_space<vmem>>, vector<16xf32>,
      %swap3A_872 = arith.constant 0 : index
      %swap3A_873 = tpu.vector_load %arg25[%swap3A_872] {strides = array<i32>} : memref<32xf32, #tpu.memory_space<vmem>>, vector<16xf32>,
      tpu.vector_store %arg25[%swap3A_872], %add3A_865 {strides = array<i32>} : memref<32xf32, #tpu.memory_space<vmem>>, vector<16xf32>,
      %slice3A_874 = vector.extract_strided_slice %get3A_803 {offsets = [15], sizes = [1], strides = [1]} : vector<16xi32> to vector<1xi32>
      %squeeze3A_875 = vector.extract %slice3A_874[0] : i32 from vector<1xi32>
      %slice3A_876 = vector.extract_strided_slice %add3A_833 {offsets = [15], sizes = [1], strides = [1]} : vector<16xi32> to vector<1xi32>
      %squeeze3A_877 = vector.extract %slice3A_876[0] : i32 from vector<1xi32>
      %slice3A_878 = vector.extract_strided_slice %add3A_865 {offsets = [15], sizes = [1], strides = [1]} : vector<16xf32> to vector<1xf32>
      %squeeze3A_879 = vector.extract %slice3A_878[0] : f32 from vector<1xf32>
      %dma_start3A_880 = arith.constant 0 : i32
      %dma_start3A_881 = arith.constant 0 : i32
      %dma_start3A_882 = tpu.memref_slice %arg5[%dma_start3A_880, %dma_start3A_881] : memref<16384x1024xf32, #tpu.memory_space<hbm>> -> memref<16384x1024xf32, #tpu.memory_space<hbm>>
      tpu.enqueue_indirect_dma source(%dma_start3A_882 : memref<16384x1024xf32, #tpu.memory_space<hbm>>) target(%arg29 : memref<16x1024xf32, #tpu.memory_space<vmem>>) offsets(%arg13 : memref<16xi32, #tpu.memory_space<vmem>>) semaphore(%arg35 : memref<!tpu.dma_semaphore, #tpu.memory_space<semaphore_mem>>)
      %dma_wait3A_883 = arith.constant 0 : i32
      %dma_wait3A_884 = arith.constant 0 : i32
      %dma_wait3A_885 = tpu.memref_slice %arg5[%dma_wait3A_883, %dma_wait3A_884] : memref<16384x1024xf32, #tpu.memory_space<hbm>> -> memref<16384x1024xf32, #tpu.memory_space<hbm>>
      tpu.wait_indirect_dma semaphore(%arg36 : memref<!tpu.dma_semaphore, #tpu.memory_space<semaphore_mem>>) src(%dma_wait3A_885 : memref<16384x1024xf32, #tpu.memory_space<hbm>>) dst(%arg30 : memref<16x1024xf32, #tpu.memory_space<vmem>>)
      %scan3A_886 = arith.constant 0 : i32
      %scan3A_887 = arith.constant 16 : i32
      %scan3A_888 = arith.addi %scan3A_886, %scan3A_887 : i32
      %scan3A_889 = arith.constant 1 : i32
      %scan3A_890:4 = scf.for %scan3A_896 = %scan3A_886 to %scan3A_888 step %scan3A_889 iter_args(%scan3A_897 = %scan3A_775#0, %scan3A_898 = %scan3A_775#1, %scan3A_899 = %scan3A_775#2, %scan3A_900 = %scan3A_775#3) -> (i32, f32, i32, i32)  : i32 {
        %get3A_901 = arith.index_cast %scan3A_896 : i32 to index
        %get3A_902 = tpu.vector_load %arg18[%get3A_901] {strides = array<i32>} : memref<32xi32, #tpu.memory_space<vmem>>, vector<16xi32>,
        %slice3A_903 = vector.extract_strided_slice %get3A_902 {offsets = [0], sizes = [1], strides = [1]} : vector<16xi32> to vector<1xi32>
        %squeeze3A_904 = vector.extract %slice3A_903[0] : i32 from vector<1xi32>
        %ge3A_905 = arith.cmpi sge, %squeeze3A_904, %mul3A_2 : i32
        %add3A_906 = arith.constant 512 : i32
        %add3A_907 = arith.addi %mul3A_2, %add3A_906 : i32
        %lt3A_908 = arith.cmpi slt, %squeeze3A_904, %add3A_907 : i32
        %and3A_909 = arith.andi %ge3A_905, %lt3A_908 : i1
        %convert_element_type3A_910 = arith.extui %and3A_909 : i1 to i32
        %cond3A_911 = arith.constant 0 : i32
        %cond3A_912 = arith.cmpi ne, %convert_element_type3A_910, %cond3A_911 : i32
        %cond3A_913:4 = scf.if %cond3A_912 -> (i32, f32, i32, i32) {
          %eq3A_914 = arith.constant 0 : i32
          %eq3A_915 = arith.cmpi eq, %scan3A_896, %eq3A_914 : i32
          %sub3A_916 = arith.constant 1 : i32
          %sub3A_917 = arith.subi %scan3A_896, %sub3A_916 : i32
          %max3A = arith.constant 0 : i32
          %max3A_918 = arith.maxsi %sub3A_917, %max3A : i32
          %get3A_919 = arith.index_cast %max3A_918 : i32 to index
          %get3A_920 = tpu.vector_load %arg26[%get3A_919] {strides = array<i32>} : memref<32xf32, #tpu.memory_space<vmem>>, vector<16xf32>,
          %slice3A_921 = vector.extract_strided_slice %get3A_920 {offsets = [0], sizes = [1], strides = [1]} : vector<16xf32> to vector<1xf32>
          %squeeze3A_922 = vector.extract %slice3A_921[0] : f32 from vector<1xf32>
          %select_n3A_923 = arith.select %eq3A_915, %squeeze3A_780, %squeeze3A_922 : f32
          %ne3A_924 = arith.cmpi ne, %squeeze3A_904, %scan3A_897 : i32
          %convert_element_type3A_925 = arith.extui %ne3A_924 : i1 to i32
          %cond3A_926 = arith.constant 0 : i32
          %cond3A_927 = arith.cmpi ne, %convert_element_type3A_925, %cond3A_926 : i32
          %cond3A_928:4 = scf.if %cond3A_927 -> (i32, f32, i32, i32) {
            %ge3A_939 = arith.constant 0 : i32
            %ge3A_940 = arith.cmpi sge, %scan3A_897, %ge3A_939 : i32
            %convert_element_type3A_941 = arith.extui %ge3A_940 : i1 to i32
            %cond3A_942 = arith.constant 0 : i32
            %cond3A_943 = arith.constant 0 : i32
            %cond3A_944 = arith.cmpi ne, %convert_element_type3A_941, %cond3A_943 : i32
            %cond3A_945:2 = scf.if %cond3A_944 -> (i32, i32) {
              %broadcast_in_dim3A_946 = vector.broadcast %select_n3A_923 : f32 to vector<16xf32>
              %broadcast_in_dim3A_947 = vector.broadcast %scan3A_898 : f32 to vector<16xf32>
              %sub3A_948 = arith.subf %broadcast_in_dim3A_946, %broadcast_in_dim3A_947 : vector<16xf32>
              %broadcast_in_dim3A_949 = arith.constant 1.000000e+00 : f32
              %broadcast_in_dim3A_950 = vector.broadcast %broadcast_in_dim3A_949 : f32 to vector<16xf32>
              %div3A_951 = arith.divf %broadcast_in_dim3A_950, %sub3A_948 : vector<16xf32>
              %mul3A_952 = arith.constant 1024 : i32
              %mul3A_953 = arith.muli %scan3A_899, %mul3A_952 : i32
              %parallel_loop3A_954 = arith.constant 0 : i32
              %parallel_loop3A_955 = arith.constant 64 : i32
              %parallel_loop3A_956 = arith.constant 1 : i32
              scf.for %parallel_loop3A_986 = %parallel_loop3A_954 to %parallel_loop3A_955 step %parallel_loop3A_956  : i32 {
                %parallel_loop3A_987 = arith.constant 16 : i32
                %parallel_loop3A_988 = arith.muli %parallel_loop3A_986, %parallel_loop3A_987 : i32
                %parallel_loop3A_989 = arith.addi %mul3A_953, %parallel_loop3A_988 : i32
                %parallel_loop3A_990 = arith.index_cast %parallel_loop3A_989 : i32 to index
                %parallel_loop3A_991 = tpu.vector_load %arg31[%parallel_loop3A_990] {strides = array<i32>} : memref<4096xf32, #tpu.memory_space<vmem>>, vector<16xf32>,
                %parallel_loop3A_992 = arith.mulf %parallel_loop3A_991, %div3A_951 : vector<16xf32>
                %parallel_loop3A_993 = arith.constant 16 : i32
                %parallel_loop3A_994 = arith.muli %parallel_loop3A_986, %parallel_loop3A_993 : i32
                %parallel_loop3A_995 = arith.addi %mul3A_953, %parallel_loop3A_994 : i32
                %parallel_loop3A_996 = arith.index_cast %parallel_loop3A_995 : i32 to index
                %parallel_loop3A_997 = tpu.vector_load %arg31[%parallel_loop3A_996] {strides = array<i32>} : memref<4096xf32, #tpu.memory_space<vmem>>, vector<16xf32>,
                tpu.vector_store %arg31[%parallel_loop3A_996], %parallel_loop3A_992 {strides = array<i32>} : memref<4096xf32, #tpu.memory_space<vmem>>, vector<16xf32>,
              } {sc.loop_unroll_factor = 8 : i64, sc.parallel_access}
              %mul3A_957 = arith.constant 1024 : i32
              %mul3A_958 = arith.muli %scan3A_899, %mul3A_957 : i32
              %multiple_of3A = tpu.assume_multiple %mul3A_958, 8 : i32
              %mul3A_959 = arith.constant 1024 : i32
              %mul3A_960 = arith.muli %scan3A_897, %mul3A_959 : i32
              %multiple_of3A_961 = tpu.assume_multiple %mul3A_960, 8 : i32
              %dma_start3A_962 = tpu.memref_slice %arg31[%multiple_of3A] : memref<4096xf32, #tpu.memory_space<vmem>> -> memref<1024xf32, #tpu.memory_space<vmem>>
              %dma_start3A_963 = tpu.memref_slice %arg6[%multiple_of3A_961] : memref<16777216xf32, #tpu.memory_space<hbm>> -> memref<1024xf32, #tpu.memory_space<hbm>>
              %dma_start3A_964 = tpu.memref_slice %arg6[%multiple_of3A_961] : memref<16777216xf32, #tpu.memory_space<hbm>> -> memref<1024xf32, #tpu.memory_space<hbm>>
              %dma_start3A_965 = tpu.memref_slice %arg31[%multiple_of3A] : memref<4096xf32, #tpu.memory_space<vmem>> -> memref<1024xf32, #tpu.memory_space<vmem>>
              tpu.enqueue_dma source(%dma_start3A_965 : memref<1024xf32, #tpu.memory_space<vmem>>) target(%dma_start3A_964 : memref<1024xf32, #tpu.memory_space<hbm>>) target_semaphore(%arg37 : memref<!tpu.dma_semaphore, #tpu.memory_space<semaphore_mem>>)
              %add3A_966 = arith.constant 1 : i32
              %add3A_967 = arith.addi %scan3A_900, %add3A_966 : i32
              %ge3A_968 = arith.constant 4 : i32
              %ge3A_969 = arith.cmpi sge, %add3A_967, %ge3A_968 : i32
              %convert_element_type3A_970 = arith.extui %ge3A_969 : i1 to i32
              %cond3A_971 = arith.constant 0 : i32
              %cond3A_972 = arith.constant 0 : i32
              %cond3A_973 = arith.cmpi ne, %convert_element_type3A_970, %cond3A_972 : i32
              %cond3A_974 = scf.if %cond3A_973 -> (i32) {
                %dma_wait3A_986 = arith.constant 0 : i32
                %dma_wait3A_987 = tpu.memref_slice %arg31[%dma_wait3A_986] : memref<4096xf32, #tpu.memory_space<vmem>> -> memref<1024xf32, #tpu.memory_space<vmem>>
                %dma_wait3A_988 = arith.constant 0 : i32
                %dma_wait3A_989 = tpu.memref_slice %arg6[%dma_wait3A_988] : memref<16777216xf32, #tpu.memory_space<hbm>> -> memref<1024xf32, #tpu.memory_space<hbm>>
                %dma_wait3A_990 = arith.constant 0 : i32
                %dma_wait3A_991 = tpu.memref_slice %arg6[%dma_wait3A_990] : memref<16777216xf32, #tpu.memory_space<hbm>> -> memref<1024xf32, #tpu.memory_space<hbm>>
                %dma_wait3A_992 = arith.constant 0 : i32
                %dma_wait3A_993 = tpu.memref_slice %arg31[%dma_wait3A_992] : memref<4096xf32, #tpu.memory_space<vmem>> -> memref<1024xf32, #tpu.memory_space<vmem>>
                tpu.wait_dma2 semaphore(%arg37 : memref<!tpu.dma_semaphore, #tpu.memory_space<semaphore_mem>>) src(%dma_wait3A_993 : memref<1024xf32, #tpu.memory_space<vmem>>) dst(%dma_wait3A_991 : memref<1024xf32, #tpu.memory_space<hbm>>)
                %cond3A_994 = arith.constant 0 : i32
                scf.yield %cond3A_994 : i32
              } else {
                %cond3A_986 = arith.constant 0 : i32
                scf.yield %cond3A_986 : i32
              }
              %add3A_975 = arith.constant 1 : i32
              %add3A_976 = arith.addi %scan3A_899, %add3A_975 : i32
              %rem3A_977 = arith.constant 4 : i32
              %rem3A_978 = arith.remsi %add3A_976, %rem3A_977 : i32
              %mul3A_979 = arith.constant 1024 : i32
              %mul3A_980 = arith.muli %rem3A_978, %mul3A_979 : i32
              %broadcast_in_dim3A_981 = arith.constant 0.000000e+00 : f32
              %broadcast_in_dim3A_982 = vector.broadcast %broadcast_in_dim3A_981 : f32 to vector<16xf32>
              %parallel_loop3A_983 = arith.constant 0 : i32
              %parallel_loop3A_984 = arith.constant 64 : i32
              %parallel_loop3A_985 = arith.constant 1 : i32
              scf.for %parallel_loop3A_986 = %parallel_loop3A_983 to %parallel_loop3A_984 step %parallel_loop3A_985  : i32 {
                %parallel_loop3A_987 = arith.constant 16 : i32
                %parallel_loop3A_988 = arith.muli %parallel_loop3A_986, %parallel_loop3A_987 : i32
                %parallel_loop3A_989 = arith.addi %mul3A_980, %parallel_loop3A_988 : i32
                %parallel_loop3A_990 = arith.index_cast %parallel_loop3A_989 : i32 to index
                %parallel_loop3A_991 = tpu.vector_load %arg31[%parallel_loop3A_990] {strides = array<i32>} : memref<4096xf32, #tpu.memory_space<vmem>>, vector<16xf32>,
                tpu.vector_store %arg31[%parallel_loop3A_990], %broadcast_in_dim3A_982 {strides = array<i32>} : memref<4096xf32, #tpu.memory_space<vmem>>, vector<16xf32>,
              } {sc.loop_unroll_factor = 8 : i64, sc.parallel_access}
              scf.yield %rem3A_978, %add3A_967 : i32, i32
            } else {
              scf.yield %scan3A_899, %scan3A_900 : i32, i32
            }
            scf.yield %squeeze3A_904, %select_n3A_923, %cond3A_945#0, %cond3A_945#1 : i32, f32, i32, i32
          } else {
            scf.yield %scan3A_897, %scan3A_898, %scan3A_899, %scan3A_900 : i32, f32, i32, i32
          }
          %get3A_929 = arith.index_cast %scan3A_896 : i32 to index
          %get3A_930 = tpu.vector_load %arg22[%get3A_929] {strides = array<i32>} : memref<32xf32, #tpu.memory_space<vmem>>, vector<16xf32>,
          %slice3A_931 = vector.extract_strided_slice %get3A_930 {offsets = [0], sizes = [1], strides = [1]} : vector<16xf32> to vector<1xf32>
          %squeeze3A_932 = vector.extract %slice3A_931[0] : f32 from vector<1xf32>
          %broadcast_in_dim3A_933 = vector.broadcast %squeeze3A_932 : f32 to vector<16xf32>
          %mul3A_934 = arith.constant 1024 : i32
          %mul3A_935 = arith.muli %cond3A_928#2, %mul3A_934 : i32
          %parallel_loop3A_936 = arith.constant 0 : i32
          %parallel_loop3A_937 = arith.constant 64 : i32
          %parallel_loop3A_938 = arith.constant 1 : i32
          scf.for %parallel_loop3A_939 = %parallel_loop3A_936 to %parallel_loop3A_937 step %parallel_loop3A_938  : i32 {
            %parallel_loop3A_940 = arith.constant 16 : i32
            %parallel_loop3A_941 = arith.muli %parallel_loop3A_939, %parallel_loop3A_940 : i32
            %parallel_loop3A_942 = arith.index_cast %scan3A_896 : i32 to index
            %parallel_loop3A_943 = arith.index_cast %parallel_loop3A_941 : i32 to index
            %parallel_loop3A_944 = tpu.vector_load %arg30[%parallel_loop3A_942, %parallel_loop3A_943] {strides = array<i32>} : memref<16x1024xf32, #tpu.memory_space<vmem>>, vector<16xf32>,
            %parallel_loop3A_945 = arith.constant 16 : i32
            %parallel_loop3A_946 = arith.muli %parallel_loop3A_939, %parallel_loop3A_945 : i32
            %parallel_loop3A_947 = arith.addi %mul3A_935, %parallel_loop3A_946 : i32
            %parallel_loop3A_948 = arith.mulf %broadcast_in_dim3A_933, %parallel_loop3A_944 : vector<16xf32>
            %parallel_loop3A_949 = arith.index_cast %parallel_loop3A_947 : i32 to index
            %parallel_loop3A_950 = tpu.vector_load %arg31[%parallel_loop3A_949] {strides = array<i32>} : memref<4096xf32, #tpu.memory_space<vmem>>, vector<16xf32>,
            tpu.vector_store %arg31[%parallel_loop3A_949], %parallel_loop3A_948 {add = true, strides = array<i32>} : memref<4096xf32, #tpu.memory_space<vmem>>, vector<16xf32>,
          } {sc.loop_unroll_factor = 8 : i64, sc.parallel_access}
          scf.yield %cond3A_928#0, %cond3A_928#1, %cond3A_928#2, %cond3A_928#3 : i32, f32, i32, i32
        } else {
          scf.yield %scan3A_897, %scan3A_898, %scan3A_899, %scan3A_900 : i32, f32, i32, i32
        }
        scf.yield %cond3A_913#0, %cond3A_913#1, %cond3A_913#2, %cond3A_913#3 : i32, f32, i32, i32
      }
      %scan3A_891 = arith.constant 16 : i32
      %get3A_892 = arith.constant 15 : index
      %get3A_893 = tpu.vector_load %arg26[%get3A_892] {strides = array<i32>} : memref<32xf32, #tpu.memory_space<vmem>>, vector<16xf32>,
      %slice3A_894 = vector.extract_strided_slice %get3A_893 {offsets = [0], sizes = [1], strides = [1]} : vector<16xf32> to vector<1xf32>
      %squeeze3A_895 = vector.extract %slice3A_894[0] : f32 from vector<1xf32>
      scf.yield %squeeze3A_875, %squeeze3A_877, %squeeze3A_879, %squeeze3A_895, %scan3A_890#0, %scan3A_890#1, %scan3A_890#2, %scan3A_890#3 : i32, i32, f32, f32, i32, f32, i32, i32
    }
    %while3A_390 = arith.constant 1 : i32
    %while3A_391:8 = scf.for %while3A_427 = %while3A_387 to %while3A_383 step %while3A_390 iter_args(%while3A_428 = %while3A_389#0, %while3A_429 = %while3A_389#1, %while3A_430 = %while3A_389#2, %while3A_431 = %while3A_389#3, %while3A_432 = %while3A_389#4, %while3A_433 = %while3A_389#5, %while3A_434 = %while3A_389#6, %while3A_435 = %while3A_389#7) -> (i32, i32, f32, f32, i32, f32, i32, i32)  : i32 {
      %mul3A_436 = arith.constant 4 : i32
      %mul3A_437 = arith.muli %mul3A_436, %while3A_427 : i32
      %add3A_438 = arith.constant 0 : i32
      %add3A_439 = arith.addi %mul3A_437, %add3A_438 : i32
      %add3A_440 = arith.constant 4 : i32
      %add3A_441 = arith.addi %add3A_439, %add3A_440 : i32
      %sub3A_442 = arith.constant 1 : i32
      %sub3A_443 = arith.subi %add3A_441, %sub3A_442 : i32
      %and3A_444 = arith.constant 63 : i32
      %and3A_445 = arith.andi %sub3A_443, %and3A_444 : i32
      %eq3A_446 = arith.constant 0 : i32
      %eq3A_447 = arith.cmpi eq, %and3A_445, %eq3A_446 : i32
      %convert_element_type3A_448 = arith.extui %eq3A_447 : i1 to i32
      %cond3A_449 = arith.constant 0 : i32
      %cond3A_450 = arith.constant 0 : i32
      %cond3A_451 = arith.cmpi ne, %convert_element_type3A_448, %cond3A_450 : i32
      %cond3A_452 = scf.if %cond3A_451 -> (i32) {
        %mul3A_896 = arith.constant 16 : i32
        %mul3A_897 = arith.muli %sub3A_443, %mul3A_896 : i32
        %add3A_898 = arith.addi %squeeze3A, %mul3A_897 : i32
        %multiple_of3A = tpu.assume_multiple %add3A_898, 8 : i32
        "tpu.region"() ({
          %run_scoped3A = tpu.sem_alloc : memref<!tpu.dma_semaphore, #tpu.memory_space<semaphore_mem>>
          %dma_start3A_900 = tpu.memref_slice %arg2[%multiple_of3A] : memref<270611xi32, #tpu.memory_space<hbm>> -> memref<1024xi32, #tpu.memory_space<hbm>>
          %dma_start3A_901 = tpu.memref_slice %arg2[%multiple_of3A] : memref<270611xi32, #tpu.memory_space<hbm>> -> memref<1024xi32, #tpu.memory_space<hbm>>
          tpu.enqueue_dma source(%dma_start3A_901 : memref<1024xi32, #tpu.memory_space<hbm>>) target(%arg9 : memref<1024xi32, #tpu.memory_space<vmem>>) target_semaphore(%run_scoped3A : memref<!tpu.dma_semaphore, #tpu.memory_space<semaphore_mem>>)
          %dma_wait3A_902 = tpu.memref_slice %arg2[%multiple_of3A] : memref<270611xi32, #tpu.memory_space<hbm>> -> memref<1024xi32, #tpu.memory_space<hbm>>
          %dma_wait3A_903 = tpu.memref_slice %arg2[%multiple_of3A] : memref<270611xi32, #tpu.memory_space<hbm>> -> memref<1024xi32, #tpu.memory_space<hbm>>
          tpu.wait_dma2 semaphore(%run_scoped3A : memref<!tpu.dma_semaphore, #tpu.memory_space<semaphore_mem>>) src(%dma_wait3A_903 : memref<1024xi32, #tpu.memory_space<hbm>>) dst(%arg9 : memref<1024xi32, #tpu.memory_space<vmem>>)
          tpu.yield
        }) : () -> ()
        %cond3A_899 = arith.constant 0 : i32
        scf.yield %cond3A_899 : i32
      } else {
        %cond3A_896 = arith.constant 0 : i32
        scf.yield %cond3A_896 : i32
      }
      %and3A_453 = arith.constant 63 : i32
      %and3A_454 = arith.andi %sub3A_443, %and3A_453 : i32
      %mul3A_455 = arith.constant 16 : i32
      %mul3A_456 = arith.muli %and3A_454, %mul3A_455 : i32
      %get3A_457 = arith.index_cast %mul3A_456 : i32 to index
      %get3A_458 = tpu.vector_load %arg9[%get3A_457] {strides = array<i32>} : memref<1024xi32, #tpu.memory_space<vmem>>, vector<16xi32>,
      %broadcast_in_dim3A_459 = vector.broadcast %while3A_428 : i32 to vector<16xi32>
      %swap3A_460 = arith.constant 0 : index
      %swap3A_461 = tpu.vector_load %arg10[%swap3A_460] {strides = array<i32>} : memref<24xi32, #tpu.memory_space<vmem>>, vector<16xi32>,
      tpu.vector_store %arg10[%swap3A_460], %broadcast_in_dim3A_459 {strides = array<i32>} : memref<24xi32, #tpu.memory_space<vmem>>, vector<16xi32>,
      %swap3A_462 = arith.constant 1 : index
      %swap3A_463 = tpu.vector_load %arg10[%swap3A_462] {strides = array<i32>} : memref<24xi32, #tpu.memory_space<vmem>>, vector<16xi32>,
      tpu.vector_store %arg10[%swap3A_462], %get3A_458 {strides = array<i32>} : memref<24xi32, #tpu.memory_space<vmem>>, vector<16xi32>,
      %get3A_464 = arith.constant 0 : index
      %get3A_465 = tpu.vector_load %arg10[%get3A_464] {strides = array<i32>} : memref<24xi32, #tpu.memory_space<vmem>>, vector<16xi32>,
      %eq3A_466 = arith.cmpi eq, %get3A_458, %get3A_465 : vector<16xi32>
      %jit3A_467 = arith.constant -536870912 : i32
      %broadcast_in_dim3A_468 = vector.broadcast %jit3A_467 : i32 to vector<16xi32>
      %select_n3A_469 = arith.select %eq3A_466, %broadcast_in_dim3A_468, %iota3A : vector<16xi1>, vector<16xi32>
      %eq3A_470 = arith.constant 0 : i32
      %eq3A_471 = vector.broadcast %eq3A_470 : i32 to vector<16xi32>
      %eq3A_472 = arith.cmpi eq, %iota3A, %eq3A_471 : vector<16xi32>
      %and3A_473 = arith.andi %eq3A_472, %eq3A_466 : vector<16xi1>
      %neg3A_474 = arith.constant 0 : i32
      %neg3A_475 = arith.subi %neg3A_474, %while3A_429 : i32
      %broadcast_in_dim3A_476 = vector.broadcast %neg3A_475 : i32 to vector<16xi32>
      %select_n3A_477 = arith.select %and3A_473, %broadcast_in_dim3A_476, %select_n3A_469 : vector<16xi1>, vector<16xi32>
      %broadcast_in_dim3A_478 = arith.constant true
      %broadcast_in_dim3A_479 = vector.broadcast %broadcast_in_dim3A_478 : i1 to vector<16xi1>
      %masked_cummax3A_480 = arith.constant -2147483648 : i32
      %masked_cummax3A_481 = vector.broadcast %masked_cummax3A_480 : i32 to vector<16xi32>
      %masked_cummax3A_482 = arith.xori %select_n3A_477, %masked_cummax3A_481 : vector<16xi32>
      %masked_cummax3A_483 = tpu.scan <max>, %masked_cummax3A_482 masked %broadcast_in_dim3A_479 : vector<16xi32>, vector<16xi1> -> vector<16xi32>
      %masked_cummax3A_484 = arith.xori %masked_cummax3A_483, %masked_cummax3A_481 : vector<16xi32>
      %sub3A_485 = arith.subi %iota3A, %masked_cummax3A_484 : vector<16xi32>
      %add3A_486 = arith.constant 1 : i32
      %add3A_487 = vector.broadcast %add3A_486 : i32 to vector<16xi32>
      %add3A_488 = arith.addi %sub3A_485, %add3A_487 : vector<16xi32>
      %shift_right_logical3A_489 = arith.constant 14 : i32
      %shift_right_logical3A_490 = vector.broadcast %shift_right_logical3A_489 : i32 to vector<16xi32>
      %shift_right_logical3A_491 = arith.shrui %get3A_458, %shift_right_logical3A_490 : vector<16xi32>
      %and3A_492 = arith.constant 16383 : i32
      %and3A_493 = vector.broadcast %and3A_492 : i32 to vector<16xi32>
      %and3A_494 = arith.andi %get3A_458, %and3A_493 : vector<16xi32>
      %ge3A_495 = vector.broadcast %mul3A_2 : i32 to vector<16xi32>
      %ge3A_496 = arith.cmpi sge, %shift_right_logical3A_491, %ge3A_495 : vector<16xi32>
      %add3A_497 = arith.constant 512 : i32
      %add3A_498 = arith.addi %mul3A_2, %add3A_497 : i32
      %lt3A_499 = vector.broadcast %add3A_498 : i32 to vector<16xi32>
      %lt3A_500 = arith.cmpi slt, %shift_right_logical3A_491, %lt3A_499 : vector<16xi32>
      %and3A_501 = arith.andi %ge3A_496, %lt3A_500 : vector<16xi1>
      %convert_element_type3A_502 = arith.sitofp %add3A_488 : vector<16xi32> to vector<16xf32>
      %exp3A_503 = math.exp %convert_element_type3A_502 : vector<16xf32>
      %eq3A_504 = arith.constant 1 : i32
      %eq3A_505 = vector.broadcast %eq3A_504 : i32 to vector<16xi32>
      %eq3A_506 = arith.cmpi eq, %add3A_488, %eq3A_505 : vector<16xi32>
      %sub3A_507 = arith.constant 1.000000e+00 : f32
      %sub3A_508 = vector.broadcast %sub3A_507 : f32 to vector<16xf32>
      %sub3A_509 = arith.subf %convert_element_type3A_502, %sub3A_508 : vector<16xf32>
      %exp3A_510 = math.exp %sub3A_509 : vector<16xf32>
      %sub3A_511 = arith.subf %exp3A_503, %exp3A_510 : vector<16xf32>
      %select_n3A_512 = arith.select %eq3A_506, %exp3A_503, %sub3A_511 : vector<16xi1>, vector<16xf32>
      %jit3A_513 = arith.constant 0.000000e+00 : f32
      %broadcast_in_dim3A_514 = vector.broadcast %jit3A_513 : f32 to vector<16xf32>
      %select_n3A_515 = arith.select %and3A_501, %select_n3A_512, %broadcast_in_dim3A_514 : vector<16xi1>, vector<16xf32>
      %broadcast_in_dim3A_516 = arith.constant true
      %broadcast_in_dim3A_517 = vector.broadcast %broadcast_in_dim3A_516 : i1 to vector<16xi1>
      %masked_cumsum3A_518 = tpu.scan <sum>, %select_n3A_515 masked %broadcast_in_dim3A_517 : vector<16xf32>, vector<16xi1> -> vector<16xf32>
      %broadcast_in_dim3A_519 = vector.broadcast %while3A_430 : f32 to vector<16xf32>
      %add3A_520 = arith.addf %masked_cumsum3A_518, %broadcast_in_dim3A_519 : vector<16xf32>
      %swap3A_521 = arith.constant 0 : index
      %swap3A_522 = tpu.vector_load %arg14[%swap3A_521] {strides = array<i32>} : memref<16xi32, #tpu.memory_space<vmem>>, vector<16xi32>,
      tpu.vector_store %arg14[%swap3A_521], %and3A_494 {strides = array<i32>} : memref<16xi32, #tpu.memory_space<vmem>>, vector<16xi32>,
      %swap3A_523 = arith.constant 0 : index
      %swap3A_524 = tpu.vector_load %arg18[%swap3A_523] {strides = array<i32>} : memref<32xi32, #tpu.memory_space<vmem>>, vector<16xi32>,
      tpu.vector_store %arg18[%swap3A_523], %shift_right_logical3A_491 {strides = array<i32>} : memref<32xi32, #tpu.memory_space<vmem>>, vector<16xi32>,
      %swap3A_525 = arith.constant 0 : index
      %swap3A_526 = tpu.vector_load %arg22[%swap3A_525] {strides = array<i32>} : memref<32xf32, #tpu.memory_space<vmem>>, vector<16xf32>,
      tpu.vector_store %arg22[%swap3A_525], %select_n3A_515 {strides = array<i32>} : memref<32xf32, #tpu.memory_space<vmem>>, vector<16xf32>,
      %swap3A_527 = arith.constant 0 : index
      %swap3A_528 = tpu.vector_load %arg26[%swap3A_527] {strides = array<i32>} : memref<32xf32, #tpu.memory_space<vmem>>, vector<16xf32>,
      tpu.vector_store %arg26[%swap3A_527], %add3A_520 {strides = array<i32>} : memref<32xf32, #tpu.memory_space<vmem>>, vector<16xf32>,
      %slice3A_529 = vector.extract_strided_slice %get3A_458 {offsets = [15], sizes = [1], strides = [1]} : vector<16xi32> to vector<1xi32>
      %squeeze3A_530 = vector.extract %slice3A_529[0] : i32 from vector<1xi32>
      %slice3A_531 = vector.extract_strided_slice %add3A_488 {offsets = [15], sizes = [1], strides = [1]} : vector<16xi32> to vector<1xi32>
      %squeeze3A_532 = vector.extract %slice3A_531[0] : i32 from vector<1xi32>
      %slice3A_533 = vector.extract_strided_slice %add3A_520 {offsets = [15], sizes = [1], strides = [1]} : vector<16xf32> to vector<1xf32>
      %squeeze3A_534 = vector.extract %slice3A_533[0] : f32 from vector<1xf32>
      %dma_start3A_535 = arith.constant 0 : i32
      %dma_start3A_536 = arith.constant 0 : i32
      %dma_start3A_537 = tpu.memref_slice %arg5[%dma_start3A_535, %dma_start3A_536] : memref<16384x1024xf32, #tpu.memory_space<hbm>> -> memref<16384x1024xf32, #tpu.memory_space<hbm>>
      tpu.enqueue_indirect_dma source(%dma_start3A_537 : memref<16384x1024xf32, #tpu.memory_space<hbm>>) target(%arg30 : memref<16x1024xf32, #tpu.memory_space<vmem>>) offsets(%arg14 : memref<16xi32, #tpu.memory_space<vmem>>) semaphore(%arg36 : memref<!tpu.dma_semaphore, #tpu.memory_space<semaphore_mem>>)
      %dma_wait3A_538 = arith.constant 0 : i32
      %dma_wait3A_539 = arith.constant 0 : i32
      %dma_wait3A_540 = tpu.memref_slice %arg5[%dma_wait3A_538, %dma_wait3A_539] : memref<16384x1024xf32, #tpu.memory_space<hbm>> -> memref<16384x1024xf32, #tpu.memory_space<hbm>>
      tpu.wait_indirect_dma semaphore(%arg33 : memref<!tpu.dma_semaphore, #tpu.memory_space<semaphore_mem>>) src(%dma_wait3A_540 : memref<16384x1024xf32, #tpu.memory_space<hbm>>) dst(%arg27 : memref<16x1024xf32, #tpu.memory_space<vmem>>)
      %scan3A_541 = arith.constant 0 : i32
      %scan3A_542 = arith.constant 16 : i32
      %scan3A_543 = arith.addi %scan3A_541, %scan3A_542 : i32
      %scan3A_544 = arith.constant 1 : i32
      %scan3A_545:4 = scf.for %scan3A_896 = %scan3A_541 to %scan3A_543 step %scan3A_544 iter_args(%scan3A_897 = %while3A_432, %scan3A_898 = %while3A_433, %scan3A_899 = %while3A_434, %scan3A_900 = %while3A_435) -> (i32, f32, i32, i32)  : i32 {
        %get3A_901 = arith.index_cast %scan3A_896 : i32 to index
        %get3A_902 = tpu.vector_load %arg15[%get3A_901] {strides = array<i32>} : memref<32xi32, #tpu.memory_space<vmem>>, vector<16xi32>,
        %slice3A_903 = vector.extract_strided_slice %get3A_902 {offsets = [0], sizes = [1], strides = [1]} : vector<16xi32> to vector<1xi32>
        %squeeze3A_904 = vector.extract %slice3A_903[0] : i32 from vector<1xi32>
        %ge3A_905 = arith.cmpi sge, %squeeze3A_904, %mul3A_2 : i32
        %add3A_906 = arith.constant 512 : i32
        %add3A_907 = arith.addi %mul3A_2, %add3A_906 : i32
        %lt3A_908 = arith.cmpi slt, %squeeze3A_904, %add3A_907 : i32
        %and3A_909 = arith.andi %ge3A_905, %lt3A_908 : i1
        %convert_element_type3A_910 = arith.extui %and3A_909 : i1 to i32
        %cond3A_911 = arith.constant 0 : i32
        %cond3A_912 = arith.cmpi ne, %convert_element_type3A_910, %cond3A_911 : i32
        %cond3A_913:4 = scf.if %cond3A_912 -> (i32, f32, i32, i32) {
          %eq3A_914 = arith.constant 0 : i32
          %eq3A_915 = arith.cmpi eq, %scan3A_896, %eq3A_914 : i32
          %sub3A_916 = arith.constant 1 : i32
          %sub3A_917 = arith.subi %scan3A_896, %sub3A_916 : i32
          %max3A = arith.constant 0 : i32
          %max3A_918 = arith.maxsi %sub3A_917, %max3A : i32
          %get3A_919 = arith.index_cast %max3A_918 : i32 to index
          %get3A_920 = tpu.vector_load %arg23[%get3A_919] {strides = array<i32>} : memref<32xf32, #tpu.memory_space<vmem>>, vector<16xf32>,
          %slice3A_921 = vector.extract_strided_slice %get3A_920 {offsets = [0], sizes = [1], strides = [1]} : vector<16xf32> to vector<1xf32>
          %squeeze3A_922 = vector.extract %slice3A_921[0] : f32 from vector<1xf32>
          %select_n3A_923 = arith.select %eq3A_915, %while3A_431, %squeeze3A_922 : f32
          %ne3A_924 = arith.cmpi ne, %squeeze3A_904, %scan3A_897 : i32
          %convert_element_type3A_925 = arith.extui %ne3A_924 : i1 to i32
          %cond3A_926 = arith.constant 0 : i32
          %cond3A_927 = arith.cmpi ne, %convert_element_type3A_925, %cond3A_926 : i32
          %cond3A_928:4 = scf.if %cond3A_927 -> (i32, f32, i32, i32) {
            %ge3A_939 = arith.constant 0 : i32
            %ge3A_940 = arith.cmpi sge, %scan3A_897, %ge3A_939 : i32
            %convert_element_type3A_941 = arith.extui %ge3A_940 : i1 to i32
            %cond3A_942 = arith.constant 0 : i32
            %cond3A_943 = arith.constant 0 : i32
            %cond3A_944 = arith.cmpi ne, %convert_element_type3A_941, %cond3A_943 : i32
            %cond3A_945:2 = scf.if %cond3A_944 -> (i32, i32) {
              %broadcast_in_dim3A_946 = vector.broadcast %select_n3A_923 : f32 to vector<16xf32>
              %broadcast_in_dim3A_947 = vector.broadcast %scan3A_898 : f32 to vector<16xf32>
              %sub3A_948 = arith.subf %broadcast_in_dim3A_946, %broadcast_in_dim3A_947 : vector<16xf32>
              %broadcast_in_dim3A_949 = arith.constant 1.000000e+00 : f32
              %broadcast_in_dim3A_950 = vector.broadcast %broadcast_in_dim3A_949 : f32 to vector<16xf32>
              %div3A_951 = arith.divf %broadcast_in_dim3A_950, %sub3A_948 : vector<16xf32>
              %mul3A_952 = arith.constant 1024 : i32
              %mul3A_953 = arith.muli %scan3A_899, %mul3A_952 : i32
              %parallel_loop3A_954 = arith.constant 0 : i32
              %parallel_loop3A_955 = arith.constant 64 : i32
              %parallel_loop3A_956 = arith.constant 1 : i32
              scf.for %parallel_loop3A_986 = %parallel_loop3A_954 to %parallel_loop3A_955 step %parallel_loop3A_956  : i32 {
                %parallel_loop3A_987 = arith.constant 16 : i32
                %parallel_loop3A_988 = arith.muli %parallel_loop3A_986, %parallel_loop3A_987 : i32
                %parallel_loop3A_989 = arith.addi %mul3A_953, %parallel_loop3A_988 : i32
                %parallel_loop3A_990 = arith.index_cast %parallel_loop3A_989 : i32 to index
                %parallel_loop3A_991 = tpu.vector_load %arg31[%parallel_loop3A_990] {strides = array<i32>} : memref<4096xf32, #tpu.memory_space<vmem>>, vector<16xf32>,
                %parallel_loop3A_992 = arith.mulf %parallel_loop3A_991, %div3A_951 : vector<16xf32>
                %parallel_loop3A_993 = arith.constant 16 : i32
                %parallel_loop3A_994 = arith.muli %parallel_loop3A_986, %parallel_loop3A_993 : i32
                %parallel_loop3A_995 = arith.addi %mul3A_953, %parallel_loop3A_994 : i32
                %parallel_loop3A_996 = arith.index_cast %parallel_loop3A_995 : i32 to index
                %parallel_loop3A_997 = tpu.vector_load %arg31[%parallel_loop3A_996] {strides = array<i32>} : memref<4096xf32, #tpu.memory_space<vmem>>, vector<16xf32>,
                tpu.vector_store %arg31[%parallel_loop3A_996], %parallel_loop3A_992 {strides = array<i32>} : memref<4096xf32, #tpu.memory_space<vmem>>, vector<16xf32>,
              } {sc.loop_unroll_factor = 8 : i64, sc.parallel_access}
              %mul3A_957 = arith.constant 1024 : i32
              %mul3A_958 = arith.muli %scan3A_899, %mul3A_957 : i32
              %multiple_of3A = tpu.assume_multiple %mul3A_958, 8 : i32
              %mul3A_959 = arith.constant 1024 : i32
              %mul3A_960 = arith.muli %scan3A_897, %mul3A_959 : i32
              %multiple_of3A_961 = tpu.assume_multiple %mul3A_960, 8 : i32
              %dma_start3A_962 = tpu.memref_slice %arg31[%multiple_of3A] : memref<4096xf32, #tpu.memory_space<vmem>> -> memref<1024xf32, #tpu.memory_space<vmem>>
              %dma_start3A_963 = tpu.memref_slice %arg6[%multiple_of3A_961] : memref<16777216xf32, #tpu.memory_space<hbm>> -> memref<1024xf32, #tpu.memory_space<hbm>>
              %dma_start3A_964 = tpu.memref_slice %arg6[%multiple_of3A_961] : memref<16777216xf32, #tpu.memory_space<hbm>> -> memref<1024xf32, #tpu.memory_space<hbm>>
              %dma_start3A_965 = tpu.memref_slice %arg31[%multiple_of3A] : memref<4096xf32, #tpu.memory_space<vmem>> -> memref<1024xf32, #tpu.memory_space<vmem>>
              tpu.enqueue_dma source(%dma_start3A_965 : memref<1024xf32, #tpu.memory_space<vmem>>) target(%dma_start3A_964 : memref<1024xf32, #tpu.memory_space<hbm>>) target_semaphore(%arg37 : memref<!tpu.dma_semaphore, #tpu.memory_space<semaphore_mem>>)
              %add3A_966 = arith.constant 1 : i32
              %add3A_967 = arith.addi %scan3A_900, %add3A_966 : i32
              %ge3A_968 = arith.constant 4 : i32
              %ge3A_969 = arith.cmpi sge, %add3A_967, %ge3A_968 : i32
              %convert_element_type3A_970 = arith.extui %ge3A_969 : i1 to i32
              %cond3A_971 = arith.constant 0 : i32
              %cond3A_972 = arith.constant 0 : i32
              %cond3A_973 = arith.cmpi ne, %convert_element_type3A_970, %cond3A_972 : i32
              %cond3A_974 = scf.if %cond3A_973 -> (i32) {
                %dma_wait3A_986 = arith.constant 0 : i32
                %dma_wait3A_987 = tpu.memref_slice %arg31[%dma_wait3A_986] : memref<4096xf32, #tpu.memory_space<vmem>> -> memref<1024xf32, #tpu.memory_space<vmem>>
                %dma_wait3A_988 = arith.constant 0 : i32
                %dma_wait3A_989 = tpu.memref_slice %arg6[%dma_wait3A_988] : memref<16777216xf32, #tpu.memory_space<hbm>> -> memref<1024xf32, #tpu.memory_space<hbm>>
                %dma_wait3A_990 = arith.constant 0 : i32
                %dma_wait3A_991 = tpu.memref_slice %arg6[%dma_wait3A_990] : memref<16777216xf32, #tpu.memory_space<hbm>> -> memref<1024xf32, #tpu.memory_space<hbm>>
                %dma_wait3A_992 = arith.constant 0 : i32
                %dma_wait3A_993 = tpu.memref_slice %arg31[%dma_wait3A_992] : memref<4096xf32, #tpu.memory_space<vmem>> -> memref<1024xf32, #tpu.memory_space<vmem>>
                tpu.wait_dma2 semaphore(%arg37 : memref<!tpu.dma_semaphore, #tpu.memory_space<semaphore_mem>>) src(%dma_wait3A_993 : memref<1024xf32, #tpu.memory_space<vmem>>) dst(%dma_wait3A_991 : memref<1024xf32, #tpu.memory_space<hbm>>)
                %cond3A_994 = arith.constant 0 : i32
                scf.yield %cond3A_994 : i32
              } else {
                %cond3A_986 = arith.constant 0 : i32
                scf.yield %cond3A_986 : i32
              }
              %add3A_975 = arith.constant 1 : i32
              %add3A_976 = arith.addi %scan3A_899, %add3A_975 : i32
              %rem3A_977 = arith.constant 4 : i32
              %rem3A_978 = arith.remsi %add3A_976, %rem3A_977 : i32
              %mul3A_979 = arith.constant 1024 : i32
              %mul3A_980 = arith.muli %rem3A_978, %mul3A_979 : i32
              %broadcast_in_dim3A_981 = arith.constant 0.000000e+00 : f32
              %broadcast_in_dim3A_982 = vector.broadcast %broadcast_in_dim3A_981 : f32 to vector<16xf32>
              %parallel_loop3A_983 = arith.constant 0 : i32
              %parallel_loop3A_984 = arith.constant 64 : i32
              %parallel_loop3A_985 = arith.constant 1 : i32
              scf.for %parallel_loop3A_986 = %parallel_loop3A_983 to %parallel_loop3A_984 step %parallel_loop3A_985  : i32 {
                %parallel_loop3A_987 = arith.constant 16 : i32
                %parallel_loop3A_988 = arith.muli %parallel_loop3A_986, %parallel_loop3A_987 : i32
                %parallel_loop3A_989 = arith.addi %mul3A_980, %parallel_loop3A_988 : i32
                %parallel_loop3A_990 = arith.index_cast %parallel_loop3A_989 : i32 to index
                %parallel_loop3A_991 = tpu.vector_load %arg31[%parallel_loop3A_990] {strides = array<i32>} : memref<4096xf32, #tpu.memory_space<vmem>>, vector<16xf32>,
                tpu.vector_store %arg31[%parallel_loop3A_990], %broadcast_in_dim3A_982 {strides = array<i32>} : memref<4096xf32, #tpu.memory_space<vmem>>, vector<16xf32>,
              } {sc.loop_unroll_factor = 8 : i64, sc.parallel_access}
              scf.yield %rem3A_978, %add3A_967 : i32, i32
            } else {
              scf.yield %scan3A_899, %scan3A_900 : i32, i32
            }
            scf.yield %squeeze3A_904, %select_n3A_923, %cond3A_945#0, %cond3A_945#1 : i32, f32, i32, i32
          } else {
            scf.yield %scan3A_897, %scan3A_898, %scan3A_899, %scan3A_900 : i32, f32, i32, i32
          }
          %get3A_929 = arith.index_cast %scan3A_896 : i32 to index
          %get3A_930 = tpu.vector_load %arg19[%get3A_929] {strides = array<i32>} : memref<32xf32, #tpu.memory_space<vmem>>, vector<16xf32>,
          %slice3A_931 = vector.extract_strided_slice %get3A_930 {offsets = [0], sizes = [1], strides = [1]} : vector<16xf32> to vector<1xf32>
          %squeeze3A_932 = vector.extract %slice3A_931[0] : f32 from vector<1xf32>
          %broadcast_in_dim3A_933 = vector.broadcast %squeeze3A_932 : f32 to vector<16xf32>
          %mul3A_934 = arith.constant 1024 : i32
          %mul3A_935 = arith.muli %cond3A_928#2, %mul3A_934 : i32
          %parallel_loop3A_936 = arith.constant 0 : i32
          %parallel_loop3A_937 = arith.constant 64 : i32
          %parallel_loop3A_938 = arith.constant 1 : i32
          scf.for %parallel_loop3A_939 = %parallel_loop3A_936 to %parallel_loop3A_937 step %parallel_loop3A_938  : i32 {
            %parallel_loop3A_940 = arith.constant 16 : i32
            %parallel_loop3A_941 = arith.muli %parallel_loop3A_939, %parallel_loop3A_940 : i32
            %parallel_loop3A_942 = arith.index_cast %scan3A_896 : i32 to index
            %parallel_loop3A_943 = arith.index_cast %parallel_loop3A_941 : i32 to index
            %parallel_loop3A_944 = tpu.vector_load %arg27[%parallel_loop3A_942, %parallel_loop3A_943] {strides = array<i32>} : memref<16x1024xf32, #tpu.memory_space<vmem>>, vector<16xf32>,
            %parallel_loop3A_945 = arith.constant 16 : i32
            %parallel_loop3A_946 = arith.muli %parallel_loop3A_939, %parallel_loop3A_945 : i32
            %parallel_loop3A_947 = arith.addi %mul3A_935, %parallel_loop3A_946 : i32
            %parallel_loop3A_948 = arith.mulf %broadcast_in_dim3A_933, %parallel_loop3A_944 : vector<16xf32>
            %parallel_loop3A_949 = arith.index_cast %parallel_loop3A_947 : i32 to index
            %parallel_loop3A_950 = tpu.vector_load %arg31[%parallel_loop3A_949] {strides = array<i32>} : memref<4096xf32, #tpu.memory_space<vmem>>, vector<16xf32>,
            tpu.vector_store %arg31[%parallel_loop3A_949], %parallel_loop3A_948 {add = true, strides = array<i32>} : memref<4096xf32, #tpu.memory_space<vmem>>, vector<16xf32>,
          } {sc.loop_unroll_factor = 8 : i64, sc.parallel_access}
          scf.yield %cond3A_928#0, %cond3A_928#1, %cond3A_928#2, %cond3A_928#3 : i32, f32, i32, i32
        } else {
          scf.yield %scan3A_897, %scan3A_898, %scan3A_899, %scan3A_900 : i32, f32, i32, i32
        }
        scf.yield %cond3A_913#0, %cond3A_913#1, %cond3A_913#2, %cond3A_913#3 : i32, f32, i32, i32
      }
      %scan3A_546 = arith.constant 16 : i32
      %get3A_547 = arith.constant 15 : index
      %get3A_548 = tpu.vector_load %arg23[%get3A_547] {strides = array<i32>} : memref<32xf32, #tpu.memory_space<vmem>>, vector<16xf32>,
      %slice3A_549 = vector.extract_strided_slice %get3A_548 {offsets = [0], sizes = [1], strides = [1]} : vector<16xf32> to vector<1xf32>
      %squeeze3A_550 = vector.extract %slice3A_549[0] : f32 from vector<1xf32>
      %mul3A_551 = arith.constant 4 : i32
      %mul3A_552 = arith.muli %mul3A_551, %while3A_427 : i32
      %add3A_553 = arith.constant 1 : i32
      %add3A_554 = arith.addi %mul3A_552, %add3A_553 : i32
      %add3A_555 = arith.constant 4 : i32
      %add3A_556 = arith.addi %add3A_554, %add3A_555 : i32
      %sub3A_557 = arith.constant 1 : i32
      %sub3A_558 = arith.subi %add3A_556, %sub3A_557 : i32
      %and3A_559 = arith.constant 63 : i32
      %and3A_560 = arith.andi %sub3A_558, %and3A_559 : i32
      %eq3A_561 = arith.constant 0 : i32
      %eq3A_562 = arith.cmpi eq, %and3A_560, %eq3A_561 : i32
      %convert_element_type3A_563 = arith.extui %eq3A_562 : i1 to i32
      %cond3A_564 = arith.constant 0 : i32
      %cond3A_565 = arith.constant 0 : i32
      %cond3A_566 = arith.cmpi ne, %convert_element_type3A_563, %cond3A_565 : i32
      %cond3A_567 = scf.if %cond3A_566 -> (i32) {
        %mul3A_896 = arith.constant 16 : i32
        %mul3A_897 = arith.muli %sub3A_558, %mul3A_896 : i32
        %add3A_898 = arith.addi %squeeze3A, %mul3A_897 : i32
        %multiple_of3A = tpu.assume_multiple %add3A_898, 8 : i32
        "tpu.region"() ({
          %run_scoped3A = tpu.sem_alloc : memref<!tpu.dma_semaphore, #tpu.memory_space<semaphore_mem>>
          %dma_start3A_900 = tpu.memref_slice %arg2[%multiple_of3A] : memref<270611xi32, #tpu.memory_space<hbm>> -> memref<1024xi32, #tpu.memory_space<hbm>>
          %dma_start3A_901 = tpu.memref_slice %arg2[%multiple_of3A] : memref<270611xi32, #tpu.memory_space<hbm>> -> memref<1024xi32, #tpu.memory_space<hbm>>
          tpu.enqueue_dma source(%dma_start3A_901 : memref<1024xi32, #tpu.memory_space<hbm>>) target(%arg9 : memref<1024xi32, #tpu.memory_space<vmem>>) target_semaphore(%run_scoped3A : memref<!tpu.dma_semaphore, #tpu.memory_space<semaphore_mem>>)
          %dma_wait3A_902 = tpu.memref_slice %arg2[%multiple_of3A] : memref<270611xi32, #tpu.memory_space<hbm>> -> memref<1024xi32, #tpu.memory_space<hbm>>
          %dma_wait3A_903 = tpu.memref_slice %arg2[%multiple_of3A] : memref<270611xi32, #tpu.memory_space<hbm>> -> memref<1024xi32, #tpu.memory_space<hbm>>
          tpu.wait_dma2 semaphore(%run_scoped3A : memref<!tpu.dma_semaphore, #tpu.memory_space<semaphore_mem>>) src(%dma_wait3A_903 : memref<1024xi32, #tpu.memory_space<hbm>>) dst(%arg9 : memref<1024xi32, #tpu.memory_space<vmem>>)
          tpu.yield
        }) : () -> ()
        %cond3A_899 = arith.constant 0 : i32
        scf.yield %cond3A_899 : i32
      } else {
        %cond3A_896 = arith.constant 0 : i32
        scf.yield %cond3A_896 : i32
      }
      %and3A_568 = arith.constant 63 : i32
      %and3A_569 = arith.andi %sub3A_558, %and3A_568 : i32
      %mul3A_570 = arith.constant 16 : i32
      %mul3A_571 = arith.muli %and3A_569, %mul3A_570 : i32
      %get3A_572 = arith.index_cast %mul3A_571 : i32 to index
      %get3A_573 = tpu.vector_load %arg9[%get3A_572] {strides = array<i32>} : memref<1024xi32, #tpu.memory_space<vmem>>, vector<16xi32>,
      %broadcast_in_dim3A_574 = vector.broadcast %squeeze3A_530 : i32 to vector<16xi32>
      %swap3A_575 = arith.constant 0 : index
      %swap3A_576 = tpu.vector_load %arg10[%swap3A_575] {strides = array<i32>} : memref<24xi32, #tpu.memory_space<vmem>>, vector<16xi32>,
      tpu.vector_store %arg10[%swap3A_575], %broadcast_in_dim3A_574 {strides = array<i32>} : memref<24xi32, #tpu.memory_space<vmem>>, vector<16xi32>,
      %swap3A_577 = arith.constant 1 : index
      %swap3A_578 = tpu.vector_load %arg10[%swap3A_577] {strides = array<i32>} : memref<24xi32, #tpu.memory_space<vmem>>, vector<16xi32>,
      tpu.vector_store %arg10[%swap3A_577], %get3A_573 {strides = array<i32>} : memref<24xi32, #tpu.memory_space<vmem>>, vector<16xi32>,
      %get3A_579 = arith.constant 0 : index
      %get3A_580 = tpu.vector_load %arg10[%get3A_579] {strides = array<i32>} : memref<24xi32, #tpu.memory_space<vmem>>, vector<16xi32>,
      %eq3A_581 = arith.cmpi eq, %get3A_573, %get3A_580 : vector<16xi32>
      %jit3A_582 = arith.constant -536870912 : i32
      %broadcast_in_dim3A_583 = vector.broadcast %jit3A_582 : i32 to vector<16xi32>
      %select_n3A_584 = arith.select %eq3A_581, %broadcast_in_dim3A_583, %iota3A : vector<16xi1>, vector<16xi32>
      %eq3A_585 = arith.constant 0 : i32
      %eq3A_586 = vector.broadcast %eq3A_585 : i32 to vector<16xi32>
      %eq3A_587 = arith.cmpi eq, %iota3A, %eq3A_586 : vector<16xi32>
      %and3A_588 = arith.andi %eq3A_587, %eq3A_581 : vector<16xi1>
      %neg3A_589 = arith.constant 0 : i32
      %neg3A_590 = arith.subi %neg3A_589, %squeeze3A_532 : i32
      %broadcast_in_dim3A_591 = vector.broadcast %neg3A_590 : i32 to vector<16xi32>
      %select_n3A_592 = arith.select %and3A_588, %broadcast_in_dim3A_591, %select_n3A_584 : vector<16xi1>, vector<16xi32>
      %broadcast_in_dim3A_593 = arith.constant true
      %broadcast_in_dim3A_594 = vector.broadcast %broadcast_in_dim3A_593 : i1 to vector<16xi1>
      %masked_cummax3A_595 = arith.constant -2147483648 : i32
      %masked_cummax3A_596 = vector.broadcast %masked_cummax3A_595 : i32 to vector<16xi32>
      %masked_cummax3A_597 = arith.xori %select_n3A_592, %masked_cummax3A_596 : vector<16xi32>
      %masked_cummax3A_598 = tpu.scan <max>, %masked_cummax3A_597 masked %broadcast_in_dim3A_594 : vector<16xi32>, vector<16xi1> -> vector<16xi32>
      %masked_cummax3A_599 = arith.xori %masked_cummax3A_598, %masked_cummax3A_596 : vector<16xi32>
      %sub3A_600 = arith.subi %iota3A, %masked_cummax3A_599 : vector<16xi32>
      %add3A_601 = arith.constant 1 : i32
      %add3A_602 = vector.broadcast %add3A_601 : i32 to vector<16xi32>
      %add3A_603 = arith.addi %sub3A_600, %add3A_602 : vector<16xi32>
      %shift_right_logical3A_604 = arith.constant 14 : i32
      %shift_right_logical3A_605 = vector.broadcast %shift_right_logical3A_604 : i32 to vector<16xi32>
      %shift_right_logical3A_606 = arith.shrui %get3A_573, %shift_right_logical3A_605 : vector<16xi32>
      %and3A_607 = arith.constant 16383 : i32
      %and3A_608 = vector.broadcast %and3A_607 : i32 to vector<16xi32>
      %and3A_609 = arith.andi %get3A_573, %and3A_608 : vector<16xi32>
      %ge3A_610 = vector.broadcast %mul3A_2 : i32 to vector<16xi32>
      %ge3A_611 = arith.cmpi sge, %shift_right_logical3A_606, %ge3A_610 : vector<16xi32>
      %add3A_612 = arith.constant 512 : i32
      %add3A_613 = arith.addi %mul3A_2, %add3A_612 : i32
      %lt3A_614 = vector.broadcast %add3A_613 : i32 to vector<16xi32>
      %lt3A_615 = arith.cmpi slt, %shift_right_logical3A_606, %lt3A_614 : vector<16xi32>
      %and3A_616 = arith.andi %ge3A_611, %lt3A_615 : vector<16xi1>
      %convert_element_type3A_617 = arith.sitofp %add3A_603 : vector<16xi32> to vector<16xf32>
      %exp3A_618 = math.exp %convert_element_type3A_617 : vector<16xf32>
      %eq3A_619 = arith.constant 1 : i32
      %eq3A_620 = vector.broadcast %eq3A_619 : i32 to vector<16xi32>
      %eq3A_621 = arith.cmpi eq, %add3A_603, %eq3A_620 : vector<16xi32>
      %sub3A_622 = arith.constant 1.000000e+00 : f32
      %sub3A_623 = vector.broadcast %sub3A_622 : f32 to vector<16xf32>
      %sub3A_624 = arith.subf %convert_element_type3A_617, %sub3A_623 : vector<16xf32>
      %exp3A_625 = math.exp %sub3A_624 : vector<16xf32>
      %sub3A_626 = arith.subf %exp3A_618, %exp3A_625 : vector<16xf32>
      %select_n3A_627 = arith.select %eq3A_621, %exp3A_618, %sub3A_626 : vector<16xi1>, vector<16xf32>
      %jit3A_628 = arith.constant 0.000000e+00 : f32
      %broadcast_in_dim3A_629 = vector.broadcast %jit3A_628 : f32 to vector<16xf32>
      %select_n3A_630 = arith.select %and3A_616, %select_n3A_627, %broadcast_in_dim3A_629 : vector<16xi1>, vector<16xf32>
      %broadcast_in_dim3A_631 = arith.constant true
      %broadcast_in_dim3A_632 = vector.broadcast %broadcast_in_dim3A_631 : i1 to vector<16xi1>
      %masked_cumsum3A_633 = tpu.scan <sum>, %select_n3A_630 masked %broadcast_in_dim3A_632 : vector<16xf32>, vector<16xi1> -> vector<16xf32>
      %broadcast_in_dim3A_634 = vector.broadcast %squeeze3A_534 : f32 to vector<16xf32>
      %add3A_635 = arith.addf %masked_cumsum3A_633, %broadcast_in_dim3A_634 : vector<16xf32>
      %swap3A_636 = arith.constant 0 : index
      %swap3A_637 = tpu.vector_load %arg11[%swap3A_636] {strides = array<i32>} : memref<16xi32, #tpu.memory_space<vmem>>, vector<16xi32>,
      tpu.vector_store %arg11[%swap3A_636], %and3A_609 {strides = array<i32>} : memref<16xi32, #tpu.memory_space<vmem>>, vector<16xi32>,
      %swap3A_638 = arith.constant 0 : index
      %swap3A_639 = tpu.vector_load %arg15[%swap3A_638] {strides = array<i32>} : memref<32xi32, #tpu.memory_space<vmem>>, vector<16xi32>,
      tpu.vector_store %arg15[%swap3A_638], %shift_right_logical3A_606 {strides = array<i32>} : memref<32xi32, #tpu.memory_space<vmem>>, vector<16xi32>,
      %swap3A_640 = arith.constant 0 : index
      %swap3A_641 = tpu.vector_load %arg19[%swap3A_640] {strides = array<i32>} : memref<32xf32, #tpu.memory_space<vmem>>, vector<16xf32>,
      tpu.vector_store %arg19[%swap3A_640], %select_n3A_630 {strides = array<i32>} : memref<32xf32, #tpu.memory_space<vmem>>, vector<16xf32>,
      %swap3A_642 = arith.constant 0 : index
      %swap3A_643 = tpu.vector_load %arg23[%swap3A_642] {strides = array<i32>} : memref<32xf32, #tpu.memory_space<vmem>>, vector<16xf32>,
      tpu.vector_store %arg23[%swap3A_642], %add3A_635 {strides = array<i32>} : memref<32xf32, #tpu.memory_space<vmem>>, vector<16xf32>,
      %slice3A_644 = vector.extract_strided_slice %get3A_573 {offsets = [15], sizes = [1], strides = [1]} : vector<16xi32> to vector<1xi32>
      %squeeze3A_645 = vector.extract %slice3A_644[0] : i32 from vector<1xi32>
      %slice3A_646 = vector.extract_strided_slice %add3A_603 {offsets = [15], sizes = [1], strides = [1]} : vector<16xi32> to vector<1xi32>
      %squeeze3A_647 = vector.extract %slice3A_646[0] : i32 from vector<1xi32>
      %slice3A_648 = vector.extract_strided_slice %add3A_635 {offsets = [15], sizes = [1], strides = [1]} : vector<16xf32> to vector<1xf32>
      %squeeze3A_649 = vector.extract %slice3A_648[0] : f32 from vector<1xf32>
      %dma_start3A_650 = arith.constant 0 : i32
      %dma_start3A_651 = arith.constant 0 : i32
      %dma_start3A_652 = tpu.memref_slice %arg5[%dma_start3A_650, %dma_start3A_651] : memref<16384x1024xf32, #tpu.memory_space<hbm>> -> memref<16384x1024xf32, #tpu.memory_space<hbm>>
      tpu.enqueue_indirect_dma source(%dma_start3A_652 : memref<16384x1024xf32, #tpu.memory_space<hbm>>) target(%arg27 : memref<16x1024xf32, #tpu.memory_space<vmem>>) offsets(%arg11 : memref<16xi32, #tpu.memory_space<vmem>>) semaphore(%arg33 : memref<!tpu.dma_semaphore, #tpu.memory_space<semaphore_mem>>)
      %dma_wait3A_653 = arith.constant 0 : i32
      %dma_wait3A_654 = arith.constant 0 : i32
      %dma_wait3A_655 = tpu.memref_slice %arg5[%dma_wait3A_653, %dma_wait3A_654] : memref<16384x1024xf32, #tpu.memory_space<hbm>> -> memref<16384x1024xf32, #tpu.memory_space<hbm>>
      tpu.wait_indirect_dma semaphore(%arg34 : memref<!tpu.dma_semaphore, #tpu.memory_space<semaphore_mem>>) src(%dma_wait3A_655 : memref<16384x1024xf32, #tpu.memory_space<hbm>>) dst(%arg28 : memref<16x1024xf32, #tpu.memory_space<vmem>>)
      %scan3A_656 = arith.constant 0 : i32
      %scan3A_657 = arith.constant 16 : i32
      %scan3A_658 = arith.addi %scan3A_656, %scan3A_657 : i32
      %scan3A_659 = arith.constant 1 : i32
      %scan3A_660:4 = scf.for %scan3A_896 = %scan3A_656 to %scan3A_658 step %scan3A_659 iter_args(%scan3A_897 = %scan3A_545#0, %scan3A_898 = %scan3A_545#1, %scan3A_899 = %scan3A_545#2, %scan3A_900 = %scan3A_545#3) -> (i32, f32, i32, i32)  : i32 {
        %get3A_901 = arith.index_cast %scan3A_896 : i32 to index
        %get3A_902 = tpu.vector_load %arg16[%get3A_901] {strides = array<i32>} : memref<32xi32, #tpu.memory_space<vmem>>, vector<16xi32>,
        %slice3A_903 = vector.extract_strided_slice %get3A_902 {offsets = [0], sizes = [1], strides = [1]} : vector<16xi32> to vector<1xi32>
        %squeeze3A_904 = vector.extract %slice3A_903[0] : i32 from vector<1xi32>
        %ge3A_905 = arith.cmpi sge, %squeeze3A_904, %mul3A_2 : i32
        %add3A_906 = arith.constant 512 : i32
        %add3A_907 = arith.addi %mul3A_2, %add3A_906 : i32
        %lt3A_908 = arith.cmpi slt, %squeeze3A_904, %add3A_907 : i32
        %and3A_909 = arith.andi %ge3A_905, %lt3A_908 : i1
        %convert_element_type3A_910 = arith.extui %and3A_909 : i1 to i32
        %cond3A_911 = arith.constant 0 : i32
        %cond3A_912 = arith.cmpi ne, %convert_element_type3A_910, %cond3A_911 : i32
        %cond3A_913:4 = scf.if %cond3A_912 -> (i32, f32, i32, i32) {
          %eq3A_914 = arith.constant 0 : i32
          %eq3A_915 = arith.cmpi eq, %scan3A_896, %eq3A_914 : i32
          %sub3A_916 = arith.constant 1 : i32
          %sub3A_917 = arith.subi %scan3A_896, %sub3A_916 : i32
          %max3A = arith.constant 0 : i32
          %max3A_918 = arith.maxsi %sub3A_917, %max3A : i32
          %get3A_919 = arith.index_cast %max3A_918 : i32 to index
          %get3A_920 = tpu.vector_load %arg24[%get3A_919] {strides = array<i32>} : memref<32xf32, #tpu.memory_space<vmem>>, vector<16xf32>,
          %slice3A_921 = vector.extract_strided_slice %get3A_920 {offsets = [0], sizes = [1], strides = [1]} : vector<16xf32> to vector<1xf32>
          %squeeze3A_922 = vector.extract %slice3A_921[0] : f32 from vector<1xf32>
          %select_n3A_923 = arith.select %eq3A_915, %squeeze3A_550, %squeeze3A_922 : f32
          %ne3A_924 = arith.cmpi ne, %squeeze3A_904, %scan3A_897 : i32
          %convert_element_type3A_925 = arith.extui %ne3A_924 : i1 to i32
          %cond3A_926 = arith.constant 0 : i32
          %cond3A_927 = arith.cmpi ne, %convert_element_type3A_925, %cond3A_926 : i32
          %cond3A_928:4 = scf.if %cond3A_927 -> (i32, f32, i32, i32) {
            %ge3A_939 = arith.constant 0 : i32
            %ge3A_940 = arith.cmpi sge, %scan3A_897, %ge3A_939 : i32
            %convert_element_type3A_941 = arith.extui %ge3A_940 : i1 to i32
            %cond3A_942 = arith.constant 0 : i32
            %cond3A_943 = arith.constant 0 : i32
            %cond3A_944 = arith.cmpi ne, %convert_element_type3A_941, %cond3A_943 : i32
            %cond3A_945:2 = scf.if %cond3A_944 -> (i32, i32) {
              %broadcast_in_dim3A_946 = vector.broadcast %select_n3A_923 : f32 to vector<16xf32>
              %broadcast_in_dim3A_947 = vector.broadcast %scan3A_898 : f32 to vector<16xf32>
              %sub3A_948 = arith.subf %broadcast_in_dim3A_946, %broadcast_in_dim3A_947 : vector<16xf32>
              %broadcast_in_dim3A_949 = arith.constant 1.000000e+00 : f32
              %broadcast_in_dim3A_950 = vector.broadcast %broadcast_in_dim3A_949 : f32 to vector<16xf32>
              %div3A_951 = arith.divf %broadcast_in_dim3A_950, %sub3A_948 : vector<16xf32>
              %mul3A_952 = arith.constant 1024 : i32
              %mul3A_953 = arith.muli %scan3A_899, %mul3A_952 : i32
              %parallel_loop3A_954 = arith.constant 0 : i32
              %parallel_loop3A_955 = arith.constant 64 : i32
              %parallel_loop3A_956 = arith.constant 1 : i32
              scf.for %parallel_loop3A_986 = %parallel_loop3A_954 to %parallel_loop3A_955 step %parallel_loop3A_956  : i32 {
                %parallel_loop3A_987 = arith.constant 16 : i32
                %parallel_loop3A_988 = arith.muli %parallel_loop3A_986, %parallel_loop3A_987 : i32
                %parallel_loop3A_989 = arith.addi %mul3A_953, %parallel_loop3A_988 : i32
                %parallel_loop3A_990 = arith.index_cast %parallel_loop3A_989 : i32 to index
                %parallel_loop3A_991 = tpu.vector_load %arg31[%parallel_loop3A_990] {strides = array<i32>} : memref<4096xf32, #tpu.memory_space<vmem>>, vector<16xf32>,
                %parallel_loop3A_992 = arith.mulf %parallel_loop3A_991, %div3A_951 : vector<16xf32>
                %parallel_loop3A_993 = arith.constant 16 : i32
                %parallel_loop3A_994 = arith.muli %parallel_loop3A_986, %parallel_loop3A_993 : i32
                %parallel_loop3A_995 = arith.addi %mul3A_953, %parallel_loop3A_994 : i32
                %parallel_loop3A_996 = arith.index_cast %parallel_loop3A_995 : i32 to index
                %parallel_loop3A_997 = tpu.vector_load %arg31[%parallel_loop3A_996] {strides = array<i32>} : memref<4096xf32, #tpu.memory_space<vmem>>, vector<16xf32>,
                tpu.vector_store %arg31[%parallel_loop3A_996], %parallel_loop3A_992 {strides = array<i32>} : memref<4096xf32, #tpu.memory_space<vmem>>, vector<16xf32>,
              } {sc.loop_unroll_factor = 8 : i64, sc.parallel_access}
              %mul3A_957 = arith.constant 1024 : i32
              %mul3A_958 = arith.muli %scan3A_899, %mul3A_957 : i32
              %multiple_of3A = tpu.assume_multiple %mul3A_958, 8 : i32
              %mul3A_959 = arith.constant 1024 : i32
              %mul3A_960 = arith.muli %scan3A_897, %mul3A_959 : i32
              %multiple_of3A_961 = tpu.assume_multiple %mul3A_960, 8 : i32
              %dma_start3A_962 = tpu.memref_slice %arg31[%multiple_of3A] : memref<4096xf32, #tpu.memory_space<vmem>> -> memref<1024xf32, #tpu.memory_space<vmem>>
              %dma_start3A_963 = tpu.memref_slice %arg6[%multiple_of3A_961] : memref<16777216xf32, #tpu.memory_space<hbm>> -> memref<1024xf32, #tpu.memory_space<hbm>>
              %dma_start3A_964 = tpu.memref_slice %arg6[%multiple_of3A_961] : memref<16777216xf32, #tpu.memory_space<hbm>> -> memref<1024xf32, #tpu.memory_space<hbm>>
              %dma_start3A_965 = tpu.memref_slice %arg31[%multiple_of3A] : memref<4096xf32, #tpu.memory_space<vmem>> -> memref<1024xf32, #tpu.memory_space<vmem>>
              tpu.enqueue_dma source(%dma_start3A_965 : memref<1024xf32, #tpu.memory_space<vmem>>) target(%dma_start3A_964 : memref<1024xf32, #tpu.memory_space<hbm>>) target_semaphore(%arg37 : memref<!tpu.dma_semaphore, #tpu.memory_space<semaphore_mem>>)
              %add3A_966 = arith.constant 1 : i32
              %add3A_967 = arith.addi %scan3A_900, %add3A_966 : i32
              %ge3A_968 = arith.constant 4 : i32
              %ge3A_969 = arith.cmpi sge, %add3A_967, %ge3A_968 : i32
              %convert_element_type3A_970 = arith.extui %ge3A_969 : i1 to i32
              %cond3A_971 = arith.constant 0 : i32
              %cond3A_972 = arith.constant 0 : i32
              %cond3A_973 = arith.cmpi ne, %convert_element_type3A_970, %cond3A_972 : i32
              %cond3A_974 = scf.if %cond3A_973 -> (i32) {
                %dma_wait3A_986 = arith.constant 0 : i32
                %dma_wait3A_987 = tpu.memref_slice %arg31[%dma_wait3A_986] : memref<4096xf32, #tpu.memory_space<vmem>> -> memref<1024xf32, #tpu.memory_space<vmem>>
                %dma_wait3A_988 = arith.constant 0 : i32
                %dma_wait3A_989 = tpu.memref_slice %arg6[%dma_wait3A_988] : memref<16777216xf32, #tpu.memory_space<hbm>> -> memref<1024xf32, #tpu.memory_space<hbm>>
                %dma_wait3A_990 = arith.constant 0 : i32
                %dma_wait3A_991 = tpu.memref_slice %arg6[%dma_wait3A_990] : memref<16777216xf32, #tpu.memory_space<hbm>> -> memref<1024xf32, #tpu.memory_space<hbm>>
                %dma_wait3A_992 = arith.constant 0 : i32
                %dma_wait3A_993 = tpu.memref_slice %arg31[%dma_wait3A_992] : memref<4096xf32, #tpu.memory_space<vmem>> -> memref<1024xf32, #tpu.memory_space<vmem>>
                tpu.wait_dma2 semaphore(%arg37 : memref<!tpu.dma_semaphore, #tpu.memory_space<semaphore_mem>>) src(%dma_wait3A_993 : memref<1024xf32, #tpu.memory_space<vmem>>) dst(%dma_wait3A_991 : memref<1024xf32, #tpu.memory_space<hbm>>)
                %cond3A_994 = arith.constant 0 : i32
                scf.yield %cond3A_994 : i32
              } else {
                %cond3A_986 = arith.constant 0 : i32
                scf.yield %cond3A_986 : i32
              }
              %add3A_975 = arith.constant 1 : i32
              %add3A_976 = arith.addi %scan3A_899, %add3A_975 : i32
              %rem3A_977 = arith.constant 4 : i32
              %rem3A_978 = arith.remsi %add3A_976, %rem3A_977 : i32
              %mul3A_979 = arith.constant 1024 : i32
              %mul3A_980 = arith.muli %rem3A_978, %mul3A_979 : i32
              %broadcast_in_dim3A_981 = arith.constant 0.000000e+00 : f32
              %broadcast_in_dim3A_982 = vector.broadcast %broadcast_in_dim3A_981 : f32 to vector<16xf32>
              %parallel_loop3A_983 = arith.constant 0 : i32
              %parallel_loop3A_984 = arith.constant 64 : i32
              %parallel_loop3A_985 = arith.constant 1 : i32
              scf.for %parallel_loop3A_986 = %parallel_loop3A_983 to %parallel_loop3A_984 step %parallel_loop3A_985  : i32 {
                %parallel_loop3A_987 = arith.constant 16 : i32
                %parallel_loop3A_988 = arith.muli %parallel_loop3A_986, %parallel_loop3A_987 : i32
                %parallel_loop3A_989 = arith.addi %mul3A_980, %parallel_loop3A_988 : i32
                %parallel_loop3A_990 = arith.index_cast %parallel_loop3A_989 : i32 to index
                %parallel_loop3A_991 = tpu.vector_load %arg31[%parallel_loop3A_990] {strides = array<i32>} : memref<4096xf32, #tpu.memory_space<vmem>>, vector<16xf32>,
                tpu.vector_store %arg31[%parallel_loop3A_990], %broadcast_in_dim3A_982 {strides = array<i32>} : memref<4096xf32, #tpu.memory_space<vmem>>, vector<16xf32>,
              } {sc.loop_unroll_factor = 8 : i64, sc.parallel_access}
              scf.yield %rem3A_978, %add3A_967 : i32, i32
            } else {
              scf.yield %scan3A_899, %scan3A_900 : i32, i32
            }
            scf.yield %squeeze3A_904, %select_n3A_923, %cond3A_945#0, %cond3A_945#1 : i32, f32, i32, i32
          } else {
            scf.yield %scan3A_897, %scan3A_898, %scan3A_899, %scan3A_900 : i32, f32, i32, i32
          }
          %get3A_929 = arith.index_cast %scan3A_896 : i32 to index
          %get3A_930 = tpu.vector_load %arg20[%get3A_929] {strides = array<i32>} : memref<32xf32, #tpu.memory_space<vmem>>, vector<16xf32>,
          %slice3A_931 = vector.extract_strided_slice %get3A_930 {offsets = [0], sizes = [1], strides = [1]} : vector<16xf32> to vector<1xf32>
          %squeeze3A_932 = vector.extract %slice3A_931[0] : f32 from vector<1xf32>
          %broadcast_in_dim3A_933 = vector.broadcast %squeeze3A_932 : f32 to vector<16xf32>
          %mul3A_934 = arith.constant 1024 : i32
          %mul3A_935 = arith.muli %cond3A_928#2, %mul3A_934 : i32
          %parallel_loop3A_936 = arith.constant 0 : i32
          %parallel_loop3A_937 = arith.constant 64 : i32
          %parallel_loop3A_938 = arith.constant 1 : i32
          scf.for %parallel_loop3A_939 = %parallel_loop3A_936 to %parallel_loop3A_937 step %parallel_loop3A_938  : i32 {
            %parallel_loop3A_940 = arith.constant 16 : i32
            %parallel_loop3A_941 = arith.muli %parallel_loop3A_939, %parallel_loop3A_940 : i32
            %parallel_loop3A_942 = arith.index_cast %scan3A_896 : i32 to index
            %parallel_loop3A_943 = arith.index_cast %parallel_loop3A_941 : i32 to index
            %parallel_loop3A_944 = tpu.vector_load %arg28[%parallel_loop3A_942, %parallel_loop3A_943] {strides = array<i32>} : memref<16x1024xf32, #tpu.memory_space<vmem>>, vector<16xf32>,
            %parallel_loop3A_945 = arith.constant 16 : i32
            %parallel_loop3A_946 = arith.muli %parallel_loop3A_939, %parallel_loop3A_945 : i32
            %parallel_loop3A_947 = arith.addi %mul3A_935, %parallel_loop3A_946 : i32
            %parallel_loop3A_948 = arith.mulf %broadcast_in_dim3A_933, %parallel_loop3A_944 : vector<16xf32>
            %parallel_loop3A_949 = arith.index_cast %parallel_loop3A_947 : i32 to index
            %parallel_loop3A_950 = tpu.vector_load %arg31[%parallel_loop3A_949] {strides = array<i32>} : memref<4096xf32, #tpu.memory_space<vmem>>, vector<16xf32>,
            tpu.vector_store %arg31[%parallel_loop3A_949], %parallel_loop3A_948 {add = true, strides = array<i32>} : memref<4096xf32, #tpu.memory_space<vmem>>, vector<16xf32>,
          } {sc.loop_unroll_factor = 8 : i64, sc.parallel_access}
          scf.yield %cond3A_928#0, %cond3A_928#1, %cond3A_928#2, %cond3A_928#3 : i32, f32, i32, i32
        } else {
          scf.yield %scan3A_897, %scan3A_898, %scan3A_899, %scan3A_900 : i32, f32, i32, i32
        }
        scf.yield %cond3A_913#0, %cond3A_913#1, %cond3A_913#2, %cond3A_913#3 : i32, f32, i32, i32
      }
      %scan3A_661 = arith.constant 16 : i32
      %get3A_662 = arith.constant 15 : index
      %get3A_663 = tpu.vector_load %arg24[%get3A_662] {strides = array<i32>} : memref<32xf32, #tpu.memory_space<vmem>>, vector<16xf32>,
      %slice3A_664 = vector.extract_strided_slice %get3A_663 {offsets = [0], sizes = [1], strides = [1]} : vector<16xf32> to vector<1xf32>
      %squeeze3A_665 = vector.extract %slice3A_664[0] : f32 from vector<1xf32>
      %mul3A_666 = arith.constant 4 : i32
      %mul3A_667 = arith.muli %mul3A_666, %while3A_427 : i32
      %add3A_668 = arith.constant 2 : i32
      %add3A_669 = arith.addi %mul3A_667, %add3A_668 : i32
      %add3A_670 = arith.constant 4 : i32
      %add3A_671 = arith.addi %add3A_669, %add3A_670 : i32
      %sub3A_672 = arith.constant 1 : i32
      %sub3A_673 = arith.subi %add3A_671, %sub3A_672 : i32
      %and3A_674 = arith.constant 63 : i32
      %and3A_675 = arith.andi %sub3A_673, %and3A_674 : i32
      %eq3A_676 = arith.constant 0 : i32
      %eq3A_677 = arith.cmpi eq, %and3A_675, %eq3A_676 : i32
      %convert_element_type3A_678 = arith.extui %eq3A_677 : i1 to i32
      %cond3A_679 = arith.constant 0 : i32
      %cond3A_680 = arith.constant 0 : i32
      %cond3A_681 = arith.cmpi ne, %convert_element_type3A_678, %cond3A_680 : i32
      %cond3A_682 = scf.if %cond3A_681 -> (i32) {
        %mul3A_896 = arith.constant 16 : i32
        %mul3A_897 = arith.muli %sub3A_673, %mul3A_896 : i32
        %add3A_898 = arith.addi %squeeze3A, %mul3A_897 : i32
        %multiple_of3A = tpu.assume_multiple %add3A_898, 8 : i32
        "tpu.region"() ({
          %run_scoped3A = tpu.sem_alloc : memref<!tpu.dma_semaphore, #tpu.memory_space<semaphore_mem>>
          %dma_start3A_900 = tpu.memref_slice %arg2[%multiple_of3A] : memref<270611xi32, #tpu.memory_space<hbm>> -> memref<1024xi32, #tpu.memory_space<hbm>>
          %dma_start3A_901 = tpu.memref_slice %arg2[%multiple_of3A] : memref<270611xi32, #tpu.memory_space<hbm>> -> memref<1024xi32, #tpu.memory_space<hbm>>
          tpu.enqueue_dma source(%dma_start3A_901 : memref<1024xi32, #tpu.memory_space<hbm>>) target(%arg9 : memref<1024xi32, #tpu.memory_space<vmem>>) target_semaphore(%run_scoped3A : memref<!tpu.dma_semaphore, #tpu.memory_space<semaphore_mem>>)
          %dma_wait3A_902 = tpu.memref_slice %arg2[%multiple_of3A] : memref<270611xi32, #tpu.memory_space<hbm>> -> memref<1024xi32, #tpu.memory_space<hbm>>
          %dma_wait3A_903 = tpu.memref_slice %arg2[%multiple_of3A] : memref<270611xi32, #tpu.memory_space<hbm>> -> memref<1024xi32, #tpu.memory_space<hbm>>
          tpu.wait_dma2 semaphore(%run_scoped3A : memref<!tpu.dma_semaphore, #tpu.memory_space<semaphore_mem>>) src(%dma_wait3A_903 : memref<1024xi32, #tpu.memory_space<hbm>>) dst(%arg9 : memref<1024xi32, #tpu.memory_space<vmem>>)
          tpu.yield
        }) : () -> ()
        %cond3A_899 = arith.constant 0 : i32
        scf.yield %cond3A_899 : i32
      } else {
        %cond3A_896 = arith.constant 0 : i32
        scf.yield %cond3A_896 : i32
      }
      %and3A_683 = arith.constant 63 : i32
      %and3A_684 = arith.andi %sub3A_673, %and3A_683 : i32
      %mul3A_685 = arith.constant 16 : i32
      %mul3A_686 = arith.muli %and3A_684, %mul3A_685 : i32
      %get3A_687 = arith.index_cast %mul3A_686 : i32 to index
      %get3A_688 = tpu.vector_load %arg9[%get3A_687] {strides = array<i32>} : memref<1024xi32, #tpu.memory_space<vmem>>, vector<16xi32>,
      %broadcast_in_dim3A_689 = vector.broadcast %squeeze3A_645 : i32 to vector<16xi32>
      %swap3A_690 = arith.constant 0 : index
      %swap3A_691 = tpu.vector_load %arg10[%swap3A_690] {strides = array<i32>} : memref<24xi32, #tpu.memory_space<vmem>>, vector<16xi32>,
      tpu.vector_store %arg10[%swap3A_690], %broadcast_in_dim3A_689 {strides = array<i32>} : memref<24xi32, #tpu.memory_space<vmem>>, vector<16xi32>,
      %swap3A_692 = arith.constant 1 : index
      %swap3A_693 = tpu.vector_load %arg10[%swap3A_692] {strides = array<i32>} : memref<24xi32, #tpu.memory_space<vmem>>, vector<16xi32>,
      tpu.vector_store %arg10[%swap3A_692], %get3A_688 {strides = array<i32>} : memref<24xi32, #tpu.memory_space<vmem>>, vector<16xi32>,
      %get3A_694 = arith.constant 0 : index
      %get3A_695 = tpu.vector_load %arg10[%get3A_694] {strides = array<i32>} : memref<24xi32, #tpu.memory_space<vmem>>, vector<16xi32>,
      %eq3A_696 = arith.cmpi eq, %get3A_688, %get3A_695 : vector<16xi32>
      %jit3A_697 = arith.constant -536870912 : i32
      %broadcast_in_dim3A_698 = vector.broadcast %jit3A_697 : i32 to vector<16xi32>
      %select_n3A_699 = arith.select %eq3A_696, %broadcast_in_dim3A_698, %iota3A : vector<16xi1>, vector<16xi32>
      %eq3A_700 = arith.constant 0 : i32
      %eq3A_701 = vector.broadcast %eq3A_700 : i32 to vector<16xi32>
      %eq3A_702 = arith.cmpi eq, %iota3A, %eq3A_701 : vector<16xi32>
      %and3A_703 = arith.andi %eq3A_702, %eq3A_696 : vector<16xi1>
      %neg3A_704 = arith.constant 0 : i32
      %neg3A_705 = arith.subi %neg3A_704, %squeeze3A_647 : i32
      %broadcast_in_dim3A_706 = vector.broadcast %neg3A_705 : i32 to vector<16xi32>
      %select_n3A_707 = arith.select %and3A_703, %broadcast_in_dim3A_706, %select_n3A_699 : vector<16xi1>, vector<16xi32>
      %broadcast_in_dim3A_708 = arith.constant true
      %broadcast_in_dim3A_709 = vector.broadcast %broadcast_in_dim3A_708 : i1 to vector<16xi1>
      %masked_cummax3A_710 = arith.constant -2147483648 : i32
      %masked_cummax3A_711 = vector.broadcast %masked_cummax3A_710 : i32 to vector<16xi32>
      %masked_cummax3A_712 = arith.xori %select_n3A_707, %masked_cummax3A_711 : vector<16xi32>
      %masked_cummax3A_713 = tpu.scan <max>, %masked_cummax3A_712 masked %broadcast_in_dim3A_709 : vector<16xi32>, vector<16xi1> -> vector<16xi32>
      %masked_cummax3A_714 = arith.xori %masked_cummax3A_713, %masked_cummax3A_711 : vector<16xi32>
      %sub3A_715 = arith.subi %iota3A, %masked_cummax3A_714 : vector<16xi32>
      %add3A_716 = arith.constant 1 : i32
      %add3A_717 = vector.broadcast %add3A_716 : i32 to vector<16xi32>
      %add3A_718 = arith.addi %sub3A_715, %add3A_717 : vector<16xi32>
      %shift_right_logical3A_719 = arith.constant 14 : i32
      %shift_right_logical3A_720 = vector.broadcast %shift_right_logical3A_719 : i32 to vector<16xi32>
      %shift_right_logical3A_721 = arith.shrui %get3A_688, %shift_right_logical3A_720 : vector<16xi32>
      %and3A_722 = arith.constant 16383 : i32
      %and3A_723 = vector.broadcast %and3A_722 : i32 to vector<16xi32>
      %and3A_724 = arith.andi %get3A_688, %and3A_723 : vector<16xi32>
      %ge3A_725 = vector.broadcast %mul3A_2 : i32 to vector<16xi32>
      %ge3A_726 = arith.cmpi sge, %shift_right_logical3A_721, %ge3A_725 : vector<16xi32>
      %add3A_727 = arith.constant 512 : i32
      %add3A_728 = arith.addi %mul3A_2, %add3A_727 : i32
      %lt3A_729 = vector.broadcast %add3A_728 : i32 to vector<16xi32>
      %lt3A_730 = arith.cmpi slt, %shift_right_logical3A_721, %lt3A_729 : vector<16xi32>
      %and3A_731 = arith.andi %ge3A_726, %lt3A_730 : vector<16xi1>
      %convert_element_type3A_732 = arith.sitofp %add3A_718 : vector<16xi32> to vector<16xf32>
      %exp3A_733 = math.exp %convert_element_type3A_732 : vector<16xf32>
      %eq3A_734 = arith.constant 1 : i32
      %eq3A_735 = vector.broadcast %eq3A_734 : i32 to vector<16xi32>
      %eq3A_736 = arith.cmpi eq, %add3A_718, %eq3A_735 : vector<16xi32>
      %sub3A_737 = arith.constant 1.000000e+00 : f32
      %sub3A_738 = vector.broadcast %sub3A_737 : f32 to vector<16xf32>
      %sub3A_739 = arith.subf %convert_element_type3A_732, %sub3A_738 : vector<16xf32>
      %exp3A_740 = math.exp %sub3A_739 : vector<16xf32>
      %sub3A_741 = arith.subf %exp3A_733, %exp3A_740 : vector<16xf32>
      %select_n3A_742 = arith.select %eq3A_736, %exp3A_733, %sub3A_741 : vector<16xi1>, vector<16xf32>
      %jit3A_743 = arith.constant 0.000000e+00 : f32
      %broadcast_in_dim3A_744 = vector.broadcast %jit3A_743 : f32 to vector<16xf32>
      %select_n3A_745 = arith.select %and3A_731, %select_n3A_742, %broadcast_in_dim3A_744 : vector<16xi1>, vector<16xf32>
      %broadcast_in_dim3A_746 = arith.constant true
      %broadcast_in_dim3A_747 = vector.broadcast %broadcast_in_dim3A_746 : i1 to vector<16xi1>
      %masked_cumsum3A_748 = tpu.scan <sum>, %select_n3A_745 masked %broadcast_in_dim3A_747 : vector<16xf32>, vector<16xi1> -> vector<16xf32>
      %broadcast_in_dim3A_749 = vector.broadcast %squeeze3A_649 : f32 to vector<16xf32>
      %add3A_750 = arith.addf %masked_cumsum3A_748, %broadcast_in_dim3A_749 : vector<16xf32>
      %swap3A_751 = arith.constant 0 : index
      %swap3A_752 = tpu.vector_load %arg12[%swap3A_751] {strides = array<i32>} : memref<16xi32, #tpu.memory_space<vmem>>, vector<16xi32>,
      tpu.vector_store %arg12[%swap3A_751], %and3A_724 {strides = array<i32>} : memref<16xi32, #tpu.memory_space<vmem>>, vector<16xi32>,
      %swap3A_753 = arith.constant 0 : index
      %swap3A_754 = tpu.vector_load %arg16[%swap3A_753] {strides = array<i32>} : memref<32xi32, #tpu.memory_space<vmem>>, vector<16xi32>,
      tpu.vector_store %arg16[%swap3A_753], %shift_right_logical3A_721 {strides = array<i32>} : memref<32xi32, #tpu.memory_space<vmem>>, vector<16xi32>,
      %swap3A_755 = arith.constant 0 : index
      %swap3A_756 = tpu.vector_load %arg20[%swap3A_755] {strides = array<i32>} : memref<32xf32, #tpu.memory_space<vmem>>, vector<16xf32>,
      tpu.vector_store %arg20[%swap3A_755], %select_n3A_745 {strides = array<i32>} : memref<32xf32, #tpu.memory_space<vmem>>, vector<16xf32>,
      %swap3A_757 = arith.constant 0 : index
      %swap3A_758 = tpu.vector_load %arg24[%swap3A_757] {strides = array<i32>} : memref<32xf32, #tpu.memory_space<vmem>>, vector<16xf32>,
      tpu.vector_store %arg24[%swap3A_757], %add3A_750 {strides = array<i32>} : memref<32xf32, #tpu.memory_space<vmem>>, vector<16xf32>,
      %slice3A_759 = vector.extract_strided_slice %get3A_688 {offsets = [15], sizes = [1], strides = [1]} : vector<16xi32> to vector<1xi32>
      %squeeze3A_760 = vector.extract %slice3A_759[0] : i32 from vector<1xi32>
      %slice3A_761 = vector.extract_strided_slice %add3A_718 {offsets = [15], sizes = [1], strides = [1]} : vector<16xi32> to vector<1xi32>
      %squeeze3A_762 = vector.extract %slice3A_761[0] : i32 from vector<1xi32>
      %slice3A_763 = vector.extract_strided_slice %add3A_750 {offsets = [15], sizes = [1], strides = [1]} : vector<16xf32> to vector<1xf32>
      %squeeze3A_764 = vector.extract %slice3A_763[0] : f32 from vector<1xf32>
      %dma_start3A_765 = arith.constant 0 : i32
      %dma_start3A_766 = arith.constant 0 : i32
      %dma_start3A_767 = tpu.memref_slice %arg5[%dma_start3A_765, %dma_start3A_766] : memref<16384x1024xf32, #tpu.memory_space<hbm>> -> memref<16384x1024xf32, #tpu.memory_space<hbm>>
      tpu.enqueue_indirect_dma source(%dma_start3A_767 : memref<16384x1024xf32, #tpu.memory_space<hbm>>) target(%arg28 : memref<16x1024xf32, #tpu.memory_space<vmem>>) offsets(%arg12 : memref<16xi32, #tpu.memory_space<vmem>>) semaphore(%arg34 : memref<!tpu.dma_semaphore, #tpu.memory_space<semaphore_mem>>)
      %dma_wait3A_768 = arith.constant 0 : i32
      %dma_wait3A_769 = arith.constant 0 : i32
      %dma_wait3A_770 = tpu.memref_slice %arg5[%dma_wait3A_768, %dma_wait3A_769] : memref<16384x1024xf32, #tpu.memory_space<hbm>> -> memref<16384x1024xf32, #tpu.memory_space<hbm>>
      tpu.wait_indirect_dma semaphore(%arg35 : memref<!tpu.dma_semaphore, #tpu.memory_space<semaphore_mem>>) src(%dma_wait3A_770 : memref<16384x1024xf32, #tpu.memory_space<hbm>>) dst(%arg29 : memref<16x1024xf32, #tpu.memory_space<vmem>>)
      %scan3A_771 = arith.constant 0 : i32
      %scan3A_772 = arith.constant 16 : i32
      %scan3A_773 = arith.addi %scan3A_771, %scan3A_772 : i32
      %scan3A_774 = arith.constant 1 : i32
      %scan3A_775:4 = scf.for %scan3A_896 = %scan3A_771 to %scan3A_773 step %scan3A_774 iter_args(%scan3A_897 = %scan3A_660#0, %scan3A_898 = %scan3A_660#1, %scan3A_899 = %scan3A_660#2, %scan3A_900 = %scan3A_660#3) -> (i32, f32, i32, i32)  : i32 {
        %get3A_901 = arith.index_cast %scan3A_896 : i32 to index
        %get3A_902 = tpu.vector_load %arg17[%get3A_901] {strides = array<i32>} : memref<32xi32, #tpu.memory_space<vmem>>, vector<16xi32>,
        %slice3A_903 = vector.extract_strided_slice %get3A_902 {offsets = [0], sizes = [1], strides = [1]} : vector<16xi32> to vector<1xi32>
        %squeeze3A_904 = vector.extract %slice3A_903[0] : i32 from vector<1xi32>
        %ge3A_905 = arith.cmpi sge, %squeeze3A_904, %mul3A_2 : i32
        %add3A_906 = arith.constant 512 : i32
        %add3A_907 = arith.addi %mul3A_2, %add3A_906 : i32
        %lt3A_908 = arith.cmpi slt, %squeeze3A_904, %add3A_907 : i32
        %and3A_909 = arith.andi %ge3A_905, %lt3A_908 : i1
        %convert_element_type3A_910 = arith.extui %and3A_909 : i1 to i32
        %cond3A_911 = arith.constant 0 : i32
        %cond3A_912 = arith.cmpi ne, %convert_element_type3A_910, %cond3A_911 : i32
        %cond3A_913:4 = scf.if %cond3A_912 -> (i32, f32, i32, i32) {
          %eq3A_914 = arith.constant 0 : i32
          %eq3A_915 = arith.cmpi eq, %scan3A_896, %eq3A_914 : i32
          %sub3A_916 = arith.constant 1 : i32
          %sub3A_917 = arith.subi %scan3A_896, %sub3A_916 : i32
          %max3A = arith.constant 0 : i32
          %max3A_918 = arith.maxsi %sub3A_917, %max3A : i32
          %get3A_919 = arith.index_cast %max3A_918 : i32 to index
          %get3A_920 = tpu.vector_load %arg25[%get3A_919] {strides = array<i32>} : memref<32xf32, #tpu.memory_space<vmem>>, vector<16xf32>,
          %slice3A_921 = vector.extract_strided_slice %get3A_920 {offsets = [0], sizes = [1], strides = [1]} : vector<16xf32> to vector<1xf32>
          %squeeze3A_922 = vector.extract %slice3A_921[0] : f32 from vector<1xf32>
          %select_n3A_923 = arith.select %eq3A_915, %squeeze3A_665, %squeeze3A_922 : f32
          %ne3A_924 = arith.cmpi ne, %squeeze3A_904, %scan3A_897 : i32
          %convert_element_type3A_925 = arith.extui %ne3A_924 : i1 to i32
          %cond3A_926 = arith.constant 0 : i32
          %cond3A_927 = arith.cmpi ne, %convert_element_type3A_925, %cond3A_926 : i32
          %cond3A_928:4 = scf.if %cond3A_927 -> (i32, f32, i32, i32) {
            %ge3A_939 = arith.constant 0 : i32
            %ge3A_940 = arith.cmpi sge, %scan3A_897, %ge3A_939 : i32
            %convert_element_type3A_941 = arith.extui %ge3A_940 : i1 to i32
            %cond3A_942 = arith.constant 0 : i32
            %cond3A_943 = arith.constant 0 : i32
            %cond3A_944 = arith.cmpi ne, %convert_element_type3A_941, %cond3A_943 : i32
            %cond3A_945:2 = scf.if %cond3A_944 -> (i32, i32) {
              %broadcast_in_dim3A_946 = vector.broadcast %select_n3A_923 : f32 to vector<16xf32>
              %broadcast_in_dim3A_947 = vector.broadcast %scan3A_898 : f32 to vector<16xf32>
              %sub3A_948 = arith.subf %broadcast_in_dim3A_946, %broadcast_in_dim3A_947 : vector<16xf32>
              %broadcast_in_dim3A_949 = arith.constant 1.000000e+00 : f32
              %broadcast_in_dim3A_950 = vector.broadcast %broadcast_in_dim3A_949 : f32 to vector<16xf32>
              %div3A_951 = arith.divf %broadcast_in_dim3A_950, %sub3A_948 : vector<16xf32>
              %mul3A_952 = arith.constant 1024 : i32
              %mul3A_953 = arith.muli %scan3A_899, %mul3A_952 : i32
              %parallel_loop3A_954 = arith.constant 0 : i32
              %parallel_loop3A_955 = arith.constant 64 : i32
              %parallel_loop3A_956 = arith.constant 1 : i32
              scf.for %parallel_loop3A_986 = %parallel_loop3A_954 to %parallel_loop3A_955 step %parallel_loop3A_956  : i32 {
                %parallel_loop3A_987 = arith.constant 16 : i32
                %parallel_loop3A_988 = arith.muli %parallel_loop3A_986, %parallel_loop3A_987 : i32
                %parallel_loop3A_989 = arith.addi %mul3A_953, %parallel_loop3A_988 : i32
                %parallel_loop3A_990 = arith.index_cast %parallel_loop3A_989 : i32 to index
                %parallel_loop3A_991 = tpu.vector_load %arg31[%parallel_loop3A_990] {strides = array<i32>} : memref<4096xf32, #tpu.memory_space<vmem>>, vector<16xf32>,
                %parallel_loop3A_992 = arith.mulf %parallel_loop3A_991, %div3A_951 : vector<16xf32>
                %parallel_loop3A_993 = arith.constant 16 : i32
                %parallel_loop3A_994 = arith.muli %parallel_loop3A_986, %parallel_loop3A_993 : i32
                %parallel_loop3A_995 = arith.addi %mul3A_953, %parallel_loop3A_994 : i32
                %parallel_loop3A_996 = arith.index_cast %parallel_loop3A_995 : i32 to index
                %parallel_loop3A_997 = tpu.vector_load %arg31[%parallel_loop3A_996] {strides = array<i32>} : memref<4096xf32, #tpu.memory_space<vmem>>, vector<16xf32>,
                tpu.vector_store %arg31[%parallel_loop3A_996], %parallel_loop3A_992 {strides = array<i32>} : memref<4096xf32, #tpu.memory_space<vmem>>, vector<16xf32>,
              } {sc.loop_unroll_factor = 8 : i64, sc.parallel_access}
              %mul3A_957 = arith.constant 1024 : i32
              %mul3A_958 = arith.muli %scan3A_899, %mul3A_957 : i32
              %multiple_of3A = tpu.assume_multiple %mul3A_958, 8 : i32
              %mul3A_959 = arith.constant 1024 : i32
              %mul3A_960 = arith.muli %scan3A_897, %mul3A_959 : i32
              %multiple_of3A_961 = tpu.assume_multiple %mul3A_960, 8 : i32
              %dma_start3A_962 = tpu.memref_slice %arg31[%multiple_of3A] : memref<4096xf32, #tpu.memory_space<vmem>> -> memref<1024xf32, #tpu.memory_space<vmem>>
              %dma_start3A_963 = tpu.memref_slice %arg6[%multiple_of3A_961] : memref<16777216xf32, #tpu.memory_space<hbm>> -> memref<1024xf32, #tpu.memory_space<hbm>>
              %dma_start3A_964 = tpu.memref_slice %arg6[%multiple_of3A_961] : memref<16777216xf32, #tpu.memory_space<hbm>> -> memref<1024xf32, #tpu.memory_space<hbm>>
              %dma_start3A_965 = tpu.memref_slice %arg31[%multiple_of3A] : memref<4096xf32, #tpu.memory_space<vmem>> -> memref<1024xf32, #tpu.memory_space<vmem>>
              tpu.enqueue_dma source(%dma_start3A_965 : memref<1024xf32, #tpu.memory_space<vmem>>) target(%dma_start3A_964 : memref<1024xf32, #tpu.memory_space<hbm>>) target_semaphore(%arg37 : memref<!tpu.dma_semaphore, #tpu.memory_space<semaphore_mem>>)
              %add3A_966 = arith.constant 1 : i32
              %add3A_967 = arith.addi %scan3A_900, %add3A_966 : i32
              %ge3A_968 = arith.constant 4 : i32
              %ge3A_969 = arith.cmpi sge, %add3A_967, %ge3A_968 : i32
              %convert_element_type3A_970 = arith.extui %ge3A_969 : i1 to i32
              %cond3A_971 = arith.constant 0 : i32
              %cond3A_972 = arith.constant 0 : i32
              %cond3A_973 = arith.cmpi ne, %convert_element_type3A_970, %cond3A_972 : i32
              %cond3A_974 = scf.if %cond3A_973 -> (i32) {
                %dma_wait3A_986 = arith.constant 0 : i32
                %dma_wait3A_987 = tpu.memref_slice %arg31[%dma_wait3A_986] : memref<4096xf32, #tpu.memory_space<vmem>> -> memref<1024xf32, #tpu.memory_space<vmem>>
                %dma_wait3A_988 = arith.constant 0 : i32
                %dma_wait3A_989 = tpu.memref_slice %arg6[%dma_wait3A_988] : memref<16777216xf32, #tpu.memory_space<hbm>> -> memref<1024xf32, #tpu.memory_space<hbm>>
                %dma_wait3A_990 = arith.constant 0 : i32
                %dma_wait3A_991 = tpu.memref_slice %arg6[%dma_wait3A_990] : memref<16777216xf32, #tpu.memory_space<hbm>> -> memref<1024xf32, #tpu.memory_space<hbm>>
                %dma_wait3A_992 = arith.constant 0 : i32
                %dma_wait3A_993 = tpu.memref_slice %arg31[%dma_wait3A_992] : memref<4096xf32, #tpu.memory_space<vmem>> -> memref<1024xf32, #tpu.memory_space<vmem>>
                tpu.wait_dma2 semaphore(%arg37 : memref<!tpu.dma_semaphore, #tpu.memory_space<semaphore_mem>>) src(%dma_wait3A_993 : memref<1024xf32, #tpu.memory_space<vmem>>) dst(%dma_wait3A_991 : memref<1024xf32, #tpu.memory_space<hbm>>)
                %cond3A_994 = arith.constant 0 : i32
                scf.yield %cond3A_994 : i32
              } else {
                %cond3A_986 = arith.constant 0 : i32
                scf.yield %cond3A_986 : i32
              }
              %add3A_975 = arith.constant 1 : i32
              %add3A_976 = arith.addi %scan3A_899, %add3A_975 : i32
              %rem3A_977 = arith.constant 4 : i32
              %rem3A_978 = arith.remsi %add3A_976, %rem3A_977 : i32
              %mul3A_979 = arith.constant 1024 : i32
              %mul3A_980 = arith.muli %rem3A_978, %mul3A_979 : i32
              %broadcast_in_dim3A_981 = arith.constant 0.000000e+00 : f32
              %broadcast_in_dim3A_982 = vector.broadcast %broadcast_in_dim3A_981 : f32 to vector<16xf32>
              %parallel_loop3A_983 = arith.constant 0 : i32
              %parallel_loop3A_984 = arith.constant 64 : i32
              %parallel_loop3A_985 = arith.constant 1 : i32
              scf.for %parallel_loop3A_986 = %parallel_loop3A_983 to %parallel_loop3A_984 step %parallel_loop3A_985  : i32 {
                %parallel_loop3A_987 = arith.constant 16 : i32
                %parallel_loop3A_988 = arith.muli %parallel_loop3A_986, %parallel_loop3A_987 : i32
                %parallel_loop3A_989 = arith.addi %mul3A_980, %parallel_loop3A_988 : i32
                %parallel_loop3A_990 = arith.index_cast %parallel_loop3A_989 : i32 to index
                %parallel_loop3A_991 = tpu.vector_load %arg31[%parallel_loop3A_990] {strides = array<i32>} : memref<4096xf32, #tpu.memory_space<vmem>>, vector<16xf32>,
                tpu.vector_store %arg31[%parallel_loop3A_990], %broadcast_in_dim3A_982 {strides = array<i32>} : memref<4096xf32, #tpu.memory_space<vmem>>, vector<16xf32>,
              } {sc.loop_unroll_factor = 8 : i64, sc.parallel_access}
              scf.yield %rem3A_978, %add3A_967 : i32, i32
            } else {
              scf.yield %scan3A_899, %scan3A_900 : i32, i32
            }
            scf.yield %squeeze3A_904, %select_n3A_923, %cond3A_945#0, %cond3A_945#1 : i32, f32, i32, i32
          } else {
            scf.yield %scan3A_897, %scan3A_898, %scan3A_899, %scan3A_900 : i32, f32, i32, i32
          }
          %get3A_929 = arith.index_cast %scan3A_896 : i32 to index
          %get3A_930 = tpu.vector_load %arg21[%get3A_929] {strides = array<i32>} : memref<32xf32, #tpu.memory_space<vmem>>, vector<16xf32>,
          %slice3A_931 = vector.extract_strided_slice %get3A_930 {offsets = [0], sizes = [1], strides = [1]} : vector<16xf32> to vector<1xf32>
          %squeeze3A_932 = vector.extract %slice3A_931[0] : f32 from vector<1xf32>
          %broadcast_in_dim3A_933 = vector.broadcast %squeeze3A_932 : f32 to vector<16xf32>
          %mul3A_934 = arith.constant 1024 : i32
          %mul3A_935 = arith.muli %cond3A_928#2, %mul3A_934 : i32
          %parallel_loop3A_936 = arith.constant 0 : i32
          %parallel_loop3A_937 = arith.constant 64 : i32
          %parallel_loop3A_938 = arith.constant 1 : i32
          scf.for %parallel_loop3A_939 = %parallel_loop3A_936 to %parallel_loop3A_937 step %parallel_loop3A_938  : i32 {
            %parallel_loop3A_940 = arith.constant 16 : i32
            %parallel_loop3A_941 = arith.muli %parallel_loop3A_939, %parallel_loop3A_940 : i32
            %parallel_loop3A_942 = arith.index_cast %scan3A_896 : i32 to index
            %parallel_loop3A_943 = arith.index_cast %parallel_loop3A_941 : i32 to index
            %parallel_loop3A_944 = tpu.vector_load %arg29[%parallel_loop3A_942, %parallel_loop3A_943] {strides = array<i32>} : memref<16x1024xf32, #tpu.memory_space<vmem>>, vector<16xf32>,
            %parallel_loop3A_945 = arith.constant 16 : i32
            %parallel_loop3A_946 = arith.muli %parallel_loop3A_939, %parallel_loop3A_945 : i32
            %parallel_loop3A_947 = arith.addi %mul3A_935, %parallel_loop3A_946 : i32
            %parallel_loop3A_948 = arith.mulf %broadcast_in_dim3A_933, %parallel_loop3A_944 : vector<16xf32>
            %parallel_loop3A_949 = arith.index_cast %parallel_loop3A_947 : i32 to index
            %parallel_loop3A_950 = tpu.vector_load %arg31[%parallel_loop3A_949] {strides = array<i32>} : memref<4096xf32, #tpu.memory_space<vmem>>, vector<16xf32>,
            tpu.vector_store %arg31[%parallel_loop3A_949], %parallel_loop3A_948 {add = true, strides = array<i32>} : memref<4096xf32, #tpu.memory_space<vmem>>, vector<16xf32>,
          } {sc.loop_unroll_factor = 8 : i64, sc.parallel_access}
          scf.yield %cond3A_928#0, %cond3A_928#1, %cond3A_928#2, %cond3A_928#3 : i32, f32, i32, i32
        } else {
          scf.yield %scan3A_897, %scan3A_898, %scan3A_899, %scan3A_900 : i32, f32, i32, i32
        }
        scf.yield %cond3A_913#0, %cond3A_913#1, %cond3A_913#2, %cond3A_913#3 : i32, f32, i32, i32
      }
      %scan3A_776 = arith.constant 16 : i32
      %get3A_777 = arith.constant 15 : index
      %get3A_778 = tpu.vector_load %arg25[%get3A_777] {strides = array<i32>} : memref<32xf32, #tpu.memory_space<vmem>>, vector<16xf32>,
      %slice3A_779 = vector.extract_strided_slice %get3A_778 {offsets = [0], sizes = [1], strides = [1]} : vector<16xf32> to vector<1xf32>
      %squeeze3A_780 = vector.extract %slice3A_779[0] : f32 from vector<1xf32>
      %mul3A_781 = arith.constant 4 : i32
      %mul3A_782 = arith.muli %mul3A_781, %while3A_427 : i32
      %add3A_783 = arith.constant 3 : i32
      %add3A_784 = arith.addi %mul3A_782, %add3A_783 : i32
      %add3A_785 = arith.constant 4 : i32
      %add3A_786 = arith.addi %add3A_784, %add3A_785 : i32
      %sub3A_787 = arith.constant 1 : i32
      %sub3A_788 = arith.subi %add3A_786, %sub3A_787 : i32
      %and3A_789 = arith.constant 63 : i32
      %and3A_790 = arith.andi %sub3A_788, %and3A_789 : i32
      %eq3A_791 = arith.constant 0 : i32
      %eq3A_792 = arith.cmpi eq, %and3A_790, %eq3A_791 : i32
      %convert_element_type3A_793 = arith.extui %eq3A_792 : i1 to i32
      %cond3A_794 = arith.constant 0 : i32
      %cond3A_795 = arith.constant 0 : i32
      %cond3A_796 = arith.cmpi ne, %convert_element_type3A_793, %cond3A_795 : i32
      %cond3A_797 = scf.if %cond3A_796 -> (i32) {
        %mul3A_896 = arith.constant 16 : i32
        %mul3A_897 = arith.muli %sub3A_788, %mul3A_896 : i32
        %add3A_898 = arith.addi %squeeze3A, %mul3A_897 : i32
        %multiple_of3A = tpu.assume_multiple %add3A_898, 8 : i32
        "tpu.region"() ({
          %run_scoped3A = tpu.sem_alloc : memref<!tpu.dma_semaphore, #tpu.memory_space<semaphore_mem>>
          %dma_start3A_900 = tpu.memref_slice %arg2[%multiple_of3A] : memref<270611xi32, #tpu.memory_space<hbm>> -> memref<1024xi32, #tpu.memory_space<hbm>>
          %dma_start3A_901 = tpu.memref_slice %arg2[%multiple_of3A] : memref<270611xi32, #tpu.memory_space<hbm>> -> memref<1024xi32, #tpu.memory_space<hbm>>
          tpu.enqueue_dma source(%dma_start3A_901 : memref<1024xi32, #tpu.memory_space<hbm>>) target(%arg9 : memref<1024xi32, #tpu.memory_space<vmem>>) target_semaphore(%run_scoped3A : memref<!tpu.dma_semaphore, #tpu.memory_space<semaphore_mem>>)
          %dma_wait3A_902 = tpu.memref_slice %arg2[%multiple_of3A] : memref<270611xi32, #tpu.memory_space<hbm>> -> memref<1024xi32, #tpu.memory_space<hbm>>
          %dma_wait3A_903 = tpu.memref_slice %arg2[%multiple_of3A] : memref<270611xi32, #tpu.memory_space<hbm>> -> memref<1024xi32, #tpu.memory_space<hbm>>
          tpu.wait_dma2 semaphore(%run_scoped3A : memref<!tpu.dma_semaphore, #tpu.memory_space<semaphore_mem>>) src(%dma_wait3A_903 : memref<1024xi32, #tpu.memory_space<hbm>>) dst(%arg9 : memref<1024xi32, #tpu.memory_space<vmem>>)
          tpu.yield
        }) : () -> ()
        %cond3A_899 = arith.constant 0 : i32
        scf.yield %cond3A_899 : i32
      } else {
        %cond3A_896 = arith.constant 0 : i32
        scf.yield %cond3A_896 : i32
      }
      %and3A_798 = arith.constant 63 : i32
      %and3A_799 = arith.andi %sub3A_788, %and3A_798 : i32
      %mul3A_800 = arith.constant 16 : i32
      %mul3A_801 = arith.muli %and3A_799, %mul3A_800 : i32
      %get3A_802 = arith.index_cast %mul3A_801 : i32 to index
      %get3A_803 = tpu.vector_load %arg9[%get3A_802] {strides = array<i32>} : memref<1024xi32, #tpu.memory_space<vmem>>, vector<16xi32>,
      %broadcast_in_dim3A_804 = vector.broadcast %squeeze3A_760 : i32 to vector<16xi32>
      %swap3A_805 = arith.constant 0 : index
      %swap3A_806 = tpu.vector_load %arg10[%swap3A_805] {strides = array<i32>} : memref<24xi32, #tpu.memory_space<vmem>>, vector<16xi32>,
      tpu.vector_store %arg10[%swap3A_805], %broadcast_in_dim3A_804 {strides = array<i32>} : memref<24xi32, #tpu.memory_space<vmem>>, vector<16xi32>,
      %swap3A_807 = arith.constant 1 : index
      %swap3A_808 = tpu.vector_load %arg10[%swap3A_807] {strides = array<i32>} : memref<24xi32, #tpu.memory_space<vmem>>, vector<16xi32>,
      tpu.vector_store %arg10[%swap3A_807], %get3A_803 {strides = array<i32>} : memref<24xi32, #tpu.memory_space<vmem>>, vector<16xi32>,
      %get3A_809 = arith.constant 0 : index
      %get3A_810 = tpu.vector_load %arg10[%get3A_809] {strides = array<i32>} : memref<24xi32, #tpu.memory_space<vmem>>, vector<16xi32>,
      %eq3A_811 = arith.cmpi eq, %get3A_803, %get3A_810 : vector<16xi32>
      %jit3A_812 = arith.constant -536870912 : i32
      %broadcast_in_dim3A_813 = vector.broadcast %jit3A_812 : i32 to vector<16xi32>
      %select_n3A_814 = arith.select %eq3A_811, %broadcast_in_dim3A_813, %iota3A : vector<16xi1>, vector<16xi32>
      %eq3A_815 = arith.constant 0 : i32
      %eq3A_816 = vector.broadcast %eq3A_815 : i32 to vector<16xi32>
      %eq3A_817 = arith.cmpi eq, %iota3A, %eq3A_816 : vector<16xi32>
      %and3A_818 = arith.andi %eq3A_817, %eq3A_811 : vector<16xi1>
      %neg3A_819 = arith.constant 0 : i32
      %neg3A_820 = arith.subi %neg3A_819, %squeeze3A_762 : i32
      %broadcast_in_dim3A_821 = vector.broadcast %neg3A_820 : i32 to vector<16xi32>
      %select_n3A_822 = arith.select %and3A_818, %broadcast_in_dim3A_821, %select_n3A_814 : vector<16xi1>, vector<16xi32>
      %broadcast_in_dim3A_823 = arith.constant true
      %broadcast_in_dim3A_824 = vector.broadcast %broadcast_in_dim3A_823 : i1 to vector<16xi1>
      %masked_cummax3A_825 = arith.constant -2147483648 : i32
      %masked_cummax3A_826 = vector.broadcast %masked_cummax3A_825 : i32 to vector<16xi32>
      %masked_cummax3A_827 = arith.xori %select_n3A_822, %masked_cummax3A_826 : vector<16xi32>
      %masked_cummax3A_828 = tpu.scan <max>, %masked_cummax3A_827 masked %broadcast_in_dim3A_824 : vector<16xi32>, vector<16xi1> -> vector<16xi32>
      %masked_cummax3A_829 = arith.xori %masked_cummax3A_828, %masked_cummax3A_826 : vector<16xi32>
      %sub3A_830 = arith.subi %iota3A, %masked_cummax3A_829 : vector<16xi32>
      %add3A_831 = arith.constant 1 : i32
      %add3A_832 = vector.broadcast %add3A_831 : i32 to vector<16xi32>
      %add3A_833 = arith.addi %sub3A_830, %add3A_832 : vector<16xi32>
      %shift_right_logical3A_834 = arith.constant 14 : i32
      %shift_right_logical3A_835 = vector.broadcast %shift_right_logical3A_834 : i32 to vector<16xi32>
      %shift_right_logical3A_836 = arith.shrui %get3A_803, %shift_right_logical3A_835 : vector<16xi32>
      %and3A_837 = arith.constant 16383 : i32
      %and3A_838 = vector.broadcast %and3A_837 : i32 to vector<16xi32>
      %and3A_839 = arith.andi %get3A_803, %and3A_838 : vector<16xi32>
      %ge3A_840 = vector.broadcast %mul3A_2 : i32 to vector<16xi32>
      %ge3A_841 = arith.cmpi sge, %shift_right_logical3A_836, %ge3A_840 : vector<16xi32>
      %add3A_842 = arith.constant 512 : i32
      %add3A_843 = arith.addi %mul3A_2, %add3A_842 : i32
      %lt3A_844 = vector.broadcast %add3A_843 : i32 to vector<16xi32>
      %lt3A_845 = arith.cmpi slt, %shift_right_logical3A_836, %lt3A_844 : vector<16xi32>
      %and3A_846 = arith.andi %ge3A_841, %lt3A_845 : vector<16xi1>
      %convert_element_type3A_847 = arith.sitofp %add3A_833 : vector<16xi32> to vector<16xf32>
      %exp3A_848 = math.exp %convert_element_type3A_847 : vector<16xf32>
      %eq3A_849 = arith.constant 1 : i32
      %eq3A_850 = vector.broadcast %eq3A_849 : i32 to vector<16xi32>
      %eq3A_851 = arith.cmpi eq, %add3A_833, %eq3A_850 : vector<16xi32>
      %sub3A_852 = arith.constant 1.000000e+00 : f32
      %sub3A_853 = vector.broadcast %sub3A_852 : f32 to vector<16xf32>
      %sub3A_854 = arith.subf %convert_element_type3A_847, %sub3A_853 : vector<16xf32>
      %exp3A_855 = math.exp %sub3A_854 : vector<16xf32>
      %sub3A_856 = arith.subf %exp3A_848, %exp3A_855 : vector<16xf32>
      %select_n3A_857 = arith.select %eq3A_851, %exp3A_848, %sub3A_856 : vector<16xi1>, vector<16xf32>
      %jit3A_858 = arith.constant 0.000000e+00 : f32
      %broadcast_in_dim3A_859 = vector.broadcast %jit3A_858 : f32 to vector<16xf32>
      %select_n3A_860 = arith.select %and3A_846, %select_n3A_857, %broadcast_in_dim3A_859 : vector<16xi1>, vector<16xf32>
      %broadcast_in_dim3A_861 = arith.constant true
      %broadcast_in_dim3A_862 = vector.broadcast %broadcast_in_dim3A_861 : i1 to vector<16xi1>
      %masked_cumsum3A_863 = tpu.scan <sum>, %select_n3A_860 masked %broadcast_in_dim3A_862 : vector<16xf32>, vector<16xi1> -> vector<16xf32>
      %broadcast_in_dim3A_864 = vector.broadcast %squeeze3A_764 : f32 to vector<16xf32>
      %add3A_865 = arith.addf %masked_cumsum3A_863, %broadcast_in_dim3A_864 : vector<16xf32>
      %swap3A_866 = arith.constant 0 : index
      %swap3A_867 = tpu.vector_load %arg13[%swap3A_866] {strides = array<i32>} : memref<16xi32, #tpu.memory_space<vmem>>, vector<16xi32>,
      tpu.vector_store %arg13[%swap3A_866], %and3A_839 {strides = array<i32>} : memref<16xi32, #tpu.memory_space<vmem>>, vector<16xi32>,
      %swap3A_868 = arith.constant 0 : index
      %swap3A_869 = tpu.vector_load %arg17[%swap3A_868] {strides = array<i32>} : memref<32xi32, #tpu.memory_space<vmem>>, vector<16xi32>,
      tpu.vector_store %arg17[%swap3A_868], %shift_right_logical3A_836 {strides = array<i32>} : memref<32xi32, #tpu.memory_space<vmem>>, vector<16xi32>,
      %swap3A_870 = arith.constant 0 : index
      %swap3A_871 = tpu.vector_load %arg21[%swap3A_870] {strides = array<i32>} : memref<32xf32, #tpu.memory_space<vmem>>, vector<16xf32>,
      tpu.vector_store %arg21[%swap3A_870], %select_n3A_860 {strides = array<i32>} : memref<32xf32, #tpu.memory_space<vmem>>, vector<16xf32>,
      %swap3A_872 = arith.constant 0 : index
      %swap3A_873 = tpu.vector_load %arg25[%swap3A_872] {strides = array<i32>} : memref<32xf32, #tpu.memory_space<vmem>>, vector<16xf32>,
      tpu.vector_store %arg25[%swap3A_872], %add3A_865 {strides = array<i32>} : memref<32xf32, #tpu.memory_space<vmem>>, vector<16xf32>,
      %slice3A_874 = vector.extract_strided_slice %get3A_803 {offsets = [15], sizes = [1], strides = [1]} : vector<16xi32> to vector<1xi32>
      %squeeze3A_875 = vector.extract %slice3A_874[0] : i32 from vector<1xi32>
      %slice3A_876 = vector.extract_strided_slice %add3A_833 {offsets = [15], sizes = [1], strides = [1]} : vector<16xi32> to vector<1xi32>
      %squeeze3A_877 = vector.extract %slice3A_876[0] : i32 from vector<1xi32>
      %slice3A_878 = vector.extract_strided_slice %add3A_865 {offsets = [15], sizes = [1], strides = [1]} : vector<16xf32> to vector<1xf32>
      %squeeze3A_879 = vector.extract %slice3A_878[0] : f32 from vector<1xf32>
      %dma_start3A_880 = arith.constant 0 : i32
      %dma_start3A_881 = arith.constant 0 : i32
      %dma_start3A_882 = tpu.memref_slice %arg5[%dma_start3A_880, %dma_start3A_881] : memref<16384x1024xf32, #tpu.memory_space<hbm>> -> memref<16384x1024xf32, #tpu.memory_space<hbm>>
      tpu.enqueue_indirect_dma source(%dma_start3A_882 : memref<16384x1024xf32, #tpu.memory_space<hbm>>) target(%arg29 : memref<16x1024xf32, #tpu.memory_space<vmem>>) offsets(%arg13 : memref<16xi32, #tpu.memory_space<vmem>>) semaphore(%arg35 : memref<!tpu.dma_semaphore, #tpu.memory_space<semaphore_mem>>)
      %dma_wait3A_883 = arith.constant 0 : i32
      %dma_wait3A_884 = arith.constant 0 : i32
      %dma_wait3A_885 = tpu.memref_slice %arg5[%dma_wait3A_883, %dma_wait3A_884] : memref<16384x1024xf32, #tpu.memory_space<hbm>> -> memref<16384x1024xf32, #tpu.memory_space<hbm>>
      tpu.wait_indirect_dma semaphore(%arg36 : memref<!tpu.dma_semaphore, #tpu.memory_space<semaphore_mem>>) src(%dma_wait3A_885 : memref<16384x1024xf32, #tpu.memory_space<hbm>>) dst(%arg30 : memref<16x1024xf32, #tpu.memory_space<vmem>>)
      %scan3A_886 = arith.constant 0 : i32
      %scan3A_887 = arith.constant 16 : i32
      %scan3A_888 = arith.addi %scan3A_886, %scan3A_887 : i32
      %scan3A_889 = arith.constant 1 : i32
      %scan3A_890:4 = scf.for %scan3A_896 = %scan3A_886 to %scan3A_888 step %scan3A_889 iter_args(%scan3A_897 = %scan3A_775#0, %scan3A_898 = %scan3A_775#1, %scan3A_899 = %scan3A_775#2, %scan3A_900 = %scan3A_775#3) -> (i32, f32, i32, i32)  : i32 {
        %get3A_901 = arith.index_cast %scan3A_896 : i32 to index
        %get3A_902 = tpu.vector_load %arg18[%get3A_901] {strides = array<i32>} : memref<32xi32, #tpu.memory_space<vmem>>, vector<16xi32>,
        %slice3A_903 = vector.extract_strided_slice %get3A_902 {offsets = [0], sizes = [1], strides = [1]} : vector<16xi32> to vector<1xi32>
        %squeeze3A_904 = vector.extract %slice3A_903[0] : i32 from vector<1xi32>
        %ge3A_905 = arith.cmpi sge, %squeeze3A_904, %mul3A_2 : i32
        %add3A_906 = arith.constant 512 : i32
        %add3A_907 = arith.addi %mul3A_2, %add3A_906 : i32
        %lt3A_908 = arith.cmpi slt, %squeeze3A_904, %add3A_907 : i32
        %and3A_909 = arith.andi %ge3A_905, %lt3A_908 : i1
        %convert_element_type3A_910 = arith.extui %and3A_909 : i1 to i32
        %cond3A_911 = arith.constant 0 : i32
        %cond3A_912 = arith.cmpi ne, %convert_element_type3A_910, %cond3A_911 : i32
        %cond3A_913:4 = scf.if %cond3A_912 -> (i32, f32, i32, i32) {
          %eq3A_914 = arith.constant 0 : i32
          %eq3A_915 = arith.cmpi eq, %scan3A_896, %eq3A_914 : i32
          %sub3A_916 = arith.constant 1 : i32
          %sub3A_917 = arith.subi %scan3A_896, %sub3A_916 : i32
          %max3A = arith.constant 0 : i32
          %max3A_918 = arith.maxsi %sub3A_917, %max3A : i32
          %get3A_919 = arith.index_cast %max3A_918 : i32 to index
          %get3A_920 = tpu.vector_load %arg26[%get3A_919] {strides = array<i32>} : memref<32xf32, #tpu.memory_space<vmem>>, vector<16xf32>,
          %slice3A_921 = vector.extract_strided_slice %get3A_920 {offsets = [0], sizes = [1], strides = [1]} : vector<16xf32> to vector<1xf32>
          %squeeze3A_922 = vector.extract %slice3A_921[0] : f32 from vector<1xf32>
          %select_n3A_923 = arith.select %eq3A_915, %squeeze3A_780, %squeeze3A_922 : f32
          %ne3A_924 = arith.cmpi ne, %squeeze3A_904, %scan3A_897 : i32
          %convert_element_type3A_925 = arith.extui %ne3A_924 : i1 to i32
          %cond3A_926 = arith.constant 0 : i32
          %cond3A_927 = arith.cmpi ne, %convert_element_type3A_925, %cond3A_926 : i32
          %cond3A_928:4 = scf.if %cond3A_927 -> (i32, f32, i32, i32) {
            %ge3A_939 = arith.constant 0 : i32
            %ge3A_940 = arith.cmpi sge, %scan3A_897, %ge3A_939 : i32
            %convert_element_type3A_941 = arith.extui %ge3A_940 : i1 to i32
            %cond3A_942 = arith.constant 0 : i32
            %cond3A_943 = arith.constant 0 : i32
            %cond3A_944 = arith.cmpi ne, %convert_element_type3A_941, %cond3A_943 : i32
            %cond3A_945:2 = scf.if %cond3A_944 -> (i32, i32) {
              %broadcast_in_dim3A_946 = vector.broadcast %select_n3A_923 : f32 to vector<16xf32>
              %broadcast_in_dim3A_947 = vector.broadcast %scan3A_898 : f32 to vector<16xf32>
              %sub3A_948 = arith.subf %broadcast_in_dim3A_946, %broadcast_in_dim3A_947 : vector<16xf32>
              %broadcast_in_dim3A_949 = arith.constant 1.000000e+00 : f32
              %broadcast_in_dim3A_950 = vector.broadcast %broadcast_in_dim3A_949 : f32 to vector<16xf32>
              %div3A_951 = arith.divf %broadcast_in_dim3A_950, %sub3A_948 : vector<16xf32>
              %mul3A_952 = arith.constant 1024 : i32
              %mul3A_953 = arith.muli %scan3A_899, %mul3A_952 : i32
              %parallel_loop3A_954 = arith.constant 0 : i32
              %parallel_loop3A_955 = arith.constant 64 : i32
              %parallel_loop3A_956 = arith.constant 1 : i32
              scf.for %parallel_loop3A_986 = %parallel_loop3A_954 to %parallel_loop3A_955 step %parallel_loop3A_956  : i32 {
                %parallel_loop3A_987 = arith.constant 16 : i32
                %parallel_loop3A_988 = arith.muli %parallel_loop3A_986, %parallel_loop3A_987 : i32
                %parallel_loop3A_989 = arith.addi %mul3A_953, %parallel_loop3A_988 : i32
                %parallel_loop3A_990 = arith.index_cast %parallel_loop3A_989 : i32 to index
                %parallel_loop3A_991 = tpu.vector_load %arg31[%parallel_loop3A_990] {strides = array<i32>} : memref<4096xf32, #tpu.memory_space<vmem>>, vector<16xf32>,
                %parallel_loop3A_992 = arith.mulf %parallel_loop3A_991, %div3A_951 : vector<16xf32>
                %parallel_loop3A_993 = arith.constant 16 : i32
                %parallel_loop3A_994 = arith.muli %parallel_loop3A_986, %parallel_loop3A_993 : i32
                %parallel_loop3A_995 = arith.addi %mul3A_953, %parallel_loop3A_994 : i32
                %parallel_loop3A_996 = arith.index_cast %parallel_loop3A_995 : i32 to index
                %parallel_loop3A_997 = tpu.vector_load %arg31[%parallel_loop3A_996] {strides = array<i32>} : memref<4096xf32, #tpu.memory_space<vmem>>, vector<16xf32>,
                tpu.vector_store %arg31[%parallel_loop3A_996], %parallel_loop3A_992 {strides = array<i32>} : memref<4096xf32, #tpu.memory_space<vmem>>, vector<16xf32>,
              } {sc.loop_unroll_factor = 8 : i64, sc.parallel_access}
              %mul3A_957 = arith.constant 1024 : i32
              %mul3A_958 = arith.muli %scan3A_899, %mul3A_957 : i32
              %multiple_of3A = tpu.assume_multiple %mul3A_958, 8 : i32
              %mul3A_959 = arith.constant 1024 : i32
              %mul3A_960 = arith.muli %scan3A_897, %mul3A_959 : i32
              %multiple_of3A_961 = tpu.assume_multiple %mul3A_960, 8 : i32
              %dma_start3A_962 = tpu.memref_slice %arg31[%multiple_of3A] : memref<4096xf32, #tpu.memory_space<vmem>> -> memref<1024xf32, #tpu.memory_space<vmem>>
              %dma_start3A_963 = tpu.memref_slice %arg6[%multiple_of3A_961] : memref<16777216xf32, #tpu.memory_space<hbm>> -> memref<1024xf32, #tpu.memory_space<hbm>>
              %dma_start3A_964 = tpu.memref_slice %arg6[%multiple_of3A_961] : memref<16777216xf32, #tpu.memory_space<hbm>> -> memref<1024xf32, #tpu.memory_space<hbm>>
              %dma_start3A_965 = tpu.memref_slice %arg31[%multiple_of3A] : memref<4096xf32, #tpu.memory_space<vmem>> -> memref<1024xf32, #tpu.memory_space<vmem>>
              tpu.enqueue_dma source(%dma_start3A_965 : memref<1024xf32, #tpu.memory_space<vmem>>) target(%dma_start3A_964 : memref<1024xf32, #tpu.memory_space<hbm>>) target_semaphore(%arg37 : memref<!tpu.dma_semaphore, #tpu.memory_space<semaphore_mem>>)
              %add3A_966 = arith.constant 1 : i32
              %add3A_967 = arith.addi %scan3A_900, %add3A_966 : i32
              %ge3A_968 = arith.constant 4 : i32
              %ge3A_969 = arith.cmpi sge, %add3A_967, %ge3A_968 : i32
              %convert_element_type3A_970 = arith.extui %ge3A_969 : i1 to i32
              %cond3A_971 = arith.constant 0 : i32
              %cond3A_972 = arith.constant 0 : i32
              %cond3A_973 = arith.cmpi ne, %convert_element_type3A_970, %cond3A_972 : i32
              %cond3A_974 = scf.if %cond3A_973 -> (i32) {
                %dma_wait3A_986 = arith.constant 0 : i32
                %dma_wait3A_987 = tpu.memref_slice %arg31[%dma_wait3A_986] : memref<4096xf32, #tpu.memory_space<vmem>> -> memref<1024xf32, #tpu.memory_space<vmem>>
                %dma_wait3A_988 = arith.constant 0 : i32
                %dma_wait3A_989 = tpu.memref_slice %arg6[%dma_wait3A_988] : memref<16777216xf32, #tpu.memory_space<hbm>> -> memref<1024xf32, #tpu.memory_space<hbm>>
                %dma_wait3A_990 = arith.constant 0 : i32
                %dma_wait3A_991 = tpu.memref_slice %arg6[%dma_wait3A_990] : memref<16777216xf32, #tpu.memory_space<hbm>> -> memref<1024xf32, #tpu.memory_space<hbm>>
                %dma_wait3A_992 = arith.constant 0 : i32
                %dma_wait3A_993 = tpu.memref_slice %arg31[%dma_wait3A_992] : memref<4096xf32, #tpu.memory_space<vmem>> -> memref<1024xf32, #tpu.memory_space<vmem>>
                tpu.wait_dma2 semaphore(%arg37 : memref<!tpu.dma_semaphore, #tpu.memory_space<semaphore_mem>>) src(%dma_wait3A_993 : memref<1024xf32, #tpu.memory_space<vmem>>) dst(%dma_wait3A_991 : memref<1024xf32, #tpu.memory_space<hbm>>)
                %cond3A_994 = arith.constant 0 : i32
                scf.yield %cond3A_994 : i32
              } else {
                %cond3A_986 = arith.constant 0 : i32
                scf.yield %cond3A_986 : i32
              }
              %add3A_975 = arith.constant 1 : i32
              %add3A_976 = arith.addi %scan3A_899, %add3A_975 : i32
              %rem3A_977 = arith.constant 4 : i32
              %rem3A_978 = arith.remsi %add3A_976, %rem3A_977 : i32
              %mul3A_979 = arith.constant 1024 : i32
              %mul3A_980 = arith.muli %rem3A_978, %mul3A_979 : i32
              %broadcast_in_dim3A_981 = arith.constant 0.000000e+00 : f32
              %broadcast_in_dim3A_982 = vector.broadcast %broadcast_in_dim3A_981 : f32 to vector<16xf32>
              %parallel_loop3A_983 = arith.constant 0 : i32
              %parallel_loop3A_984 = arith.constant 64 : i32
              %parallel_loop3A_985 = arith.constant 1 : i32
              scf.for %parallel_loop3A_986 = %parallel_loop3A_983 to %parallel_loop3A_984 step %parallel_loop3A_985  : i32 {
                %parallel_loop3A_987 = arith.constant 16 : i32
                %parallel_loop3A_988 = arith.muli %parallel_loop3A_986, %parallel_loop3A_987 : i32
                %parallel_loop3A_989 = arith.addi %mul3A_980, %parallel_loop3A_988 : i32
                %parallel_loop3A_990 = arith.index_cast %parallel_loop3A_989 : i32 to index
                %parallel_loop3A_991 = tpu.vector_load %arg31[%parallel_loop3A_990] {strides = array<i32>} : memref<4096xf32, #tpu.memory_space<vmem>>, vector<16xf32>,
                tpu.vector_store %arg31[%parallel_loop3A_990], %broadcast_in_dim3A_982 {strides = array<i32>} : memref<4096xf32, #tpu.memory_space<vmem>>, vector<16xf32>,
              } {sc.loop_unroll_factor = 8 : i64, sc.parallel_access}
              scf.yield %rem3A_978, %add3A_967 : i32, i32
            } else {
              scf.yield %scan3A_899, %scan3A_900 : i32, i32
            }
            scf.yield %squeeze3A_904, %select_n3A_923, %cond3A_945#0, %cond3A_945#1 : i32, f32, i32, i32
          } else {
            scf.yield %scan3A_897, %scan3A_898, %scan3A_899, %scan3A_900 : i32, f32, i32, i32
          }
          %get3A_929 = arith.index_cast %scan3A_896 : i32 to index
          %get3A_930 = tpu.vector_load %arg22[%get3A_929] {strides = array<i32>} : memref<32xf32, #tpu.memory_space<vmem>>, vector<16xf32>,
          %slice3A_931 = vector.extract_strided_slice %get3A_930 {offsets = [0], sizes = [1], strides = [1]} : vector<16xf32> to vector<1xf32>
          %squeeze3A_932 = vector.extract %slice3A_931[0] : f32 from vector<1xf32>
          %broadcast_in_dim3A_933 = vector.broadcast %squeeze3A_932 : f32 to vector<16xf32>
          %mul3A_934 = arith.constant 1024 : i32
          %mul3A_935 = arith.muli %cond3A_928#2, %mul3A_934 : i32
          %parallel_loop3A_936 = arith.constant 0 : i32
          %parallel_loop3A_937 = arith.constant 64 : i32
          %parallel_loop3A_938 = arith.constant 1 : i32
          scf.for %parallel_loop3A_939 = %parallel_loop3A_936 to %parallel_loop3A_937 step %parallel_loop3A_938  : i32 {
            %parallel_loop3A_940 = arith.constant 16 : i32
            %parallel_loop3A_941 = arith.muli %parallel_loop3A_939, %parallel_loop3A_940 : i32
            %parallel_loop3A_942 = arith.index_cast %scan3A_896 : i32 to index
            %parallel_loop3A_943 = arith.index_cast %parallel_loop3A_941 : i32 to index
            %parallel_loop3A_944 = tpu.vector_load %arg30[%parallel_loop3A_942, %parallel_loop3A_943] {strides = array<i32>} : memref<16x1024xf32, #tpu.memory_space<vmem>>, vector<16xf32>,
            %parallel_loop3A_945 = arith.constant 16 : i32
            %parallel_loop3A_946 = arith.muli %parallel_loop3A_939, %parallel_loop3A_945 : i32
            %parallel_loop3A_947 = arith.addi %mul3A_935, %parallel_loop3A_946 : i32
            %parallel_loop3A_948 = arith.mulf %broadcast_in_dim3A_933, %parallel_loop3A_944 : vector<16xf32>
            %parallel_loop3A_949 = arith.index_cast %parallel_loop3A_947 : i32 to index
            %parallel_loop3A_950 = tpu.vector_load %arg31[%parallel_loop3A_949] {strides = array<i32>} : memref<4096xf32, #tpu.memory_space<vmem>>, vector<16xf32>,
            tpu.vector_store %arg31[%parallel_loop3A_949], %parallel_loop3A_948 {add = true, strides = array<i32>} : memref<4096xf32, #tpu.memory_space<vmem>>, vector<16xf32>,
          } {sc.loop_unroll_factor = 8 : i64, sc.parallel_access}
          scf.yield %cond3A_928#0, %cond3A_928#1, %cond3A_928#2, %cond3A_928#3 : i32, f32, i32, i32
        } else {
          scf.yield %scan3A_897, %scan3A_898, %scan3A_899, %scan3A_900 : i32, f32, i32, i32
        }
        scf.yield %cond3A_913#0, %cond3A_913#1, %cond3A_913#2, %cond3A_913#3 : i32, f32, i32, i32
      }
      %scan3A_891 = arith.constant 16 : i32
      %get3A_892 = arith.constant 15 : index
      %get3A_893 = tpu.vector_load %arg26[%get3A_892] {strides = array<i32>} : memref<32xf32, #tpu.memory_space<vmem>>, vector<16xf32>,
      %slice3A_894 = vector.extract_strided_slice %get3A_893 {offsets = [0], sizes = [1], strides = [1]} : vector<16xf32> to vector<1xf32>
      %squeeze3A_895 = vector.extract %slice3A_894[0] : f32 from vector<1xf32>
      scf.yield %squeeze3A_875, %squeeze3A_877, %squeeze3A_879, %squeeze3A_895, %scan3A_890#0, %scan3A_890#1, %scan3A_890#2, %scan3A_890#3 : i32, i32, f32, f32, i32, f32, i32, i32
    }
    %dma_wait3A = arith.constant 0 : i32
    %dma_wait3A_392 = arith.constant 0 : i32
    %dma_wait3A_393 = tpu.memref_slice %arg5[%dma_wait3A, %dma_wait3A_392] : memref<16384x1024xf32, #tpu.memory_space<hbm>> -> memref<16384x1024xf32, #tpu.memory_space<hbm>>
    tpu.wait_indirect_dma semaphore(%arg33 : memref<!tpu.dma_semaphore, #tpu.memory_space<semaphore_mem>>) src(%dma_wait3A_393 : memref<16384x1024xf32, #tpu.memory_space<hbm>>) dst(%arg27 : memref<16x1024xf32, #tpu.memory_space<vmem>>)
    %dma_wait3A_394 = arith.constant 0 : i32
    %dma_wait3A_395 = arith.constant 0 : i32
    %dma_wait3A_396 = tpu.memref_slice %arg5[%dma_wait3A_394, %dma_wait3A_395] : memref<16384x1024xf32, #tpu.memory_space<hbm>> -> memref<16384x1024xf32, #tpu.memory_space<hbm>>
    tpu.wait_indirect_dma semaphore(%arg34 : memref<!tpu.dma_semaphore, #tpu.memory_space<semaphore_mem>>) src(%dma_wait3A_396 : memref<16384x1024xf32, #tpu.memory_space<hbm>>) dst(%arg28 : memref<16x1024xf32, #tpu.memory_space<vmem>>)
    %dma_wait3A_397 = arith.constant 0 : i32
    %dma_wait3A_398 = arith.constant 0 : i32
    %dma_wait3A_399 = tpu.memref_slice %arg5[%dma_wait3A_397, %dma_wait3A_398] : memref<16384x1024xf32, #tpu.memory_space<hbm>> -> memref<16384x1024xf32, #tpu.memory_space<hbm>>
    tpu.wait_indirect_dma semaphore(%arg35 : memref<!tpu.dma_semaphore, #tpu.memory_space<semaphore_mem>>) src(%dma_wait3A_399 : memref<16384x1024xf32, #tpu.memory_space<hbm>>) dst(%arg29 : memref<16x1024xf32, #tpu.memory_space<vmem>>)
    %ge3A_400 = arith.constant 0 : i32
    %ge3A_401 = arith.cmpi sge, %while3A_391#4, %ge3A_400 : i32
    %convert_element_type3A_402 = arith.extui %ge3A_401 : i1 to i32
    %cond3A_403 = arith.constant 0 : i32
    %cond3A_404 = arith.cmpi ne, %convert_element_type3A_402, %cond3A_403 : i32
    %cond3A_405:2 = scf.if %cond3A_404 -> (i32, i32) {
      %broadcast_in_dim3A_427 = vector.broadcast %while3A_391#3 : f32 to vector<16xf32>
      %broadcast_in_dim3A_428 = vector.broadcast %while3A_391#5 : f32 to vector<16xf32>
      %sub3A_429 = arith.subf %broadcast_in_dim3A_427, %broadcast_in_dim3A_428 : vector<16xf32>
      %broadcast_in_dim3A_430 = arith.constant 1.000000e+00 : f32
      %broadcast_in_dim3A_431 = vector.broadcast %broadcast_in_dim3A_430 : f32 to vector<16xf32>
      %div3A_432 = arith.divf %broadcast_in_dim3A_431, %sub3A_429 : vector<16xf32>
      %mul3A_433 = arith.constant 1024 : i32
      %mul3A_434 = arith.muli %while3A_391#6, %mul3A_433 : i32
      %parallel_loop3A_435 = arith.constant 0 : i32
      %parallel_loop3A_436 = arith.constant 64 : i32
      %parallel_loop3A_437 = arith.constant 1 : i32
      scf.for %parallel_loop3A_467 = %parallel_loop3A_435 to %parallel_loop3A_436 step %parallel_loop3A_437  : i32 {
        %parallel_loop3A_468 = arith.constant 16 : i32
        %parallel_loop3A_469 = arith.muli %parallel_loop3A_467, %parallel_loop3A_468 : i32
        %parallel_loop3A_470 = arith.addi %mul3A_434, %parallel_loop3A_469 : i32
        %parallel_loop3A_471 = arith.index_cast %parallel_loop3A_470 : i32 to index
        %parallel_loop3A_472 = tpu.vector_load %arg31[%parallel_loop3A_471] {strides = array<i32>} : memref<4096xf32, #tpu.memory_space<vmem>>, vector<16xf32>,
        %parallel_loop3A_473 = arith.mulf %parallel_loop3A_472, %div3A_432 : vector<16xf32>
        %parallel_loop3A_474 = arith.constant 16 : i32
        %parallel_loop3A_475 = arith.muli %parallel_loop3A_467, %parallel_loop3A_474 : i32
        %parallel_loop3A_476 = arith.addi %mul3A_434, %parallel_loop3A_475 : i32
        %parallel_loop3A_477 = arith.index_cast %parallel_loop3A_476 : i32 to index
        %parallel_loop3A_478 = tpu.vector_load %arg31[%parallel_loop3A_477] {strides = array<i32>} : memref<4096xf32, #tpu.memory_space<vmem>>, vector<16xf32>,
        tpu.vector_store %arg31[%parallel_loop3A_477], %parallel_loop3A_473 {strides = array<i32>} : memref<4096xf32, #tpu.memory_space<vmem>>, vector<16xf32>,
      } {sc.loop_unroll_factor = 8 : i64, sc.parallel_access}
      %mul3A_438 = arith.constant 1024 : i32
      %mul3A_439 = arith.muli %while3A_391#6, %mul3A_438 : i32
      %multiple_of3A = tpu.assume_multiple %mul3A_439, 8 : i32
      %mul3A_440 = arith.constant 1024 : i32
      %mul3A_441 = arith.muli %while3A_391#4, %mul3A_440 : i32
      %multiple_of3A_442 = tpu.assume_multiple %mul3A_441, 8 : i32
      %dma_start3A_443 = tpu.memref_slice %arg31[%multiple_of3A] : memref<4096xf32, #tpu.memory_space<vmem>> -> memref<1024xf32, #tpu.memory_space<vmem>>
      %dma_start3A_444 = tpu.memref_slice %arg6[%multiple_of3A_442] : memref<16777216xf32, #tpu.memory_space<hbm>> -> memref<1024xf32, #tpu.memory_space<hbm>>
      %dma_start3A_445 = tpu.memref_slice %arg6[%multiple_of3A_442] : memref<16777216xf32, #tpu.memory_space<hbm>> -> memref<1024xf32, #tpu.memory_space<hbm>>
      %dma_start3A_446 = tpu.memref_slice %arg31[%multiple_of3A] : memref<4096xf32, #tpu.memory_space<vmem>> -> memref<1024xf32, #tpu.memory_space<vmem>>
      tpu.enqueue_dma source(%dma_start3A_446 : memref<1024xf32, #tpu.memory_space<vmem>>) target(%dma_start3A_445 : memref<1024xf32, #tpu.memory_space<hbm>>) target_semaphore(%arg37 : memref<!tpu.dma_semaphore, #tpu.memory_space<semaphore_mem>>)
      %add3A_447 = arith.constant 1 : i32
      %add3A_448 = arith.addi %while3A_391#7, %add3A_447 : i32
      %ge3A_449 = arith.constant 4 : i32
      %ge3A_450 = arith.cmpi sge, %add3A_448, %ge3A_449 : i32
      %convert_element_type3A_451 = arith.extui %ge3A_450 : i1 to i32
      %cond3A_452 = arith.constant 0 : i32
      %cond3A_453 = arith.constant 0 : i32
      %cond3A_454 = arith.cmpi ne, %convert_element_type3A_451, %cond3A_453 : i32
      %cond3A_455 = scf.if %cond3A_454 -> (i32) {
        %dma_wait3A_467 = arith.constant 0 : i32
        %dma_wait3A_468 = tpu.memref_slice %arg31[%dma_wait3A_467] : memref<4096xf32, #tpu.memory_space<vmem>> -> memref<1024xf32, #tpu.memory_space<vmem>>
        %dma_wait3A_469 = arith.constant 0 : i32
        %dma_wait3A_470 = tpu.memref_slice %arg6[%dma_wait3A_469] : memref<16777216xf32, #tpu.memory_space<hbm>> -> memref<1024xf32, #tpu.memory_space<hbm>>
        %dma_wait3A_471 = arith.constant 0 : i32
        %dma_wait3A_472 = tpu.memref_slice %arg6[%dma_wait3A_471] : memref<16777216xf32, #tpu.memory_space<hbm>> -> memref<1024xf32, #tpu.memory_space<hbm>>
        %dma_wait3A_473 = arith.constant 0 : i32
        %dma_wait3A_474 = tpu.memref_slice %arg31[%dma_wait3A_473] : memref<4096xf32, #tpu.memory_space<vmem>> -> memref<1024xf32, #tpu.memory_space<vmem>>
        tpu.wait_dma2 semaphore(%arg37 : memref<!tpu.dma_semaphore, #tpu.memory_space<semaphore_mem>>) src(%dma_wait3A_474 : memref<1024xf32, #tpu.memory_space<vmem>>) dst(%dma_wait3A_472 : memref<1024xf32, #tpu.memory_space<hbm>>)
        %cond3A_475 = arith.constant 0 : i32
        scf.yield %cond3A_475 : i32
      } else {
        %cond3A_467 = arith.constant 0 : i32
        scf.yield %cond3A_467 : i32
      }
      %add3A_456 = arith.constant 1 : i32
      %add3A_457 = arith.addi %while3A_391#6, %add3A_456 : i32
      %rem3A_458 = arith.constant 4 : i32
      %rem3A_459 = arith.remsi %add3A_457, %rem3A_458 : i32
      %mul3A_460 = arith.constant 1024 : i32
      %mul3A_461 = arith.muli %rem3A_459, %mul3A_460 : i32
      %broadcast_in_dim3A_462 = arith.constant 0.000000e+00 : f32
      %broadcast_in_dim3A_463 = vector.broadcast %broadcast_in_dim3A_462 : f32 to vector<16xf32>
      %parallel_loop3A_464 = arith.constant 0 : i32
      %parallel_loop3A_465 = arith.constant 64 : i32
      %parallel_loop3A_466 = arith.constant 1 : i32
      scf.for %parallel_loop3A_467 = %parallel_loop3A_464 to %parallel_loop3A_465 step %parallel_loop3A_466  : i32 {
        %parallel_loop3A_468 = arith.constant 16 : i32
        %parallel_loop3A_469 = arith.muli %parallel_loop3A_467, %parallel_loop3A_468 : i32
        %parallel_loop3A_470 = arith.addi %mul3A_461, %parallel_loop3A_469 : i32
        %parallel_loop3A_471 = arith.index_cast %parallel_loop3A_470 : i32 to index
        %parallel_loop3A_472 = tpu.vector_load %arg31[%parallel_loop3A_471] {strides = array<i32>} : memref<4096xf32, #tpu.memory_space<vmem>>, vector<16xf32>,
        tpu.vector_store %arg31[%parallel_loop3A_471], %broadcast_in_dim3A_463 {strides = array<i32>} : memref<4096xf32, #tpu.memory_space<vmem>>, vector<16xf32>,
      } {sc.loop_unroll_factor = 8 : i64, sc.parallel_access}
      scf.yield %rem3A_459, %add3A_448 : i32, i32
    } else {
      scf.yield %while3A_391#6, %while3A_391#7 : i32, i32
    }
    %min3A = arith.constant 3 : i32
    %min3A_406 = arith.minsi %cond3A_405#1, %min3A : i32
    %gt3A = arith.constant 0 : i32
    %gt3A_407 = arith.cmpi sgt, %min3A_406, %gt3A : i32
    %convert_element_type3A_408 = arith.extui %gt3A_407 : i1 to i32
    %cond3A_409 = arith.constant 0 : i32
    %cond3A_410 = arith.constant 0 : i32
    %cond3A_411 = arith.cmpi ne, %convert_element_type3A_408, %cond3A_410 : i32
    %cond3A_412 = scf.if %cond3A_411 -> (i32) {
      %dma_wait3A_427 = arith.constant 0 : i32
      %dma_wait3A_428 = tpu.memref_slice %arg31[%dma_wait3A_427] : memref<4096xf32, #tpu.memory_space<vmem>> -> memref<1024xf32, #tpu.memory_space<vmem>>
      %dma_wait3A_429 = arith.constant 0 : i32
      %dma_wait3A_430 = tpu.memref_slice %arg6[%dma_wait3A_429] : memref<16777216xf32, #tpu.memory_space<hbm>> -> memref<1024xf32, #tpu.memory_space<hbm>>
      %dma_wait3A_431 = arith.constant 0 : i32
      %dma_wait3A_432 = tpu.memref_slice %arg6[%dma_wait3A_431] : memref<16777216xf32, #tpu.memory_space<hbm>> -> memref<1024xf32, #tpu.memory_space<hbm>>
      %dma_wait3A_433 = arith.constant 0 : i32
      %dma_wait3A_434 = tpu.memref_slice %arg31[%dma_wait3A_433] : memref<4096xf32, #tpu.memory_space<vmem>> -> memref<1024xf32, #tpu.memory_space<vmem>>
      tpu.wait_dma2 semaphore(%arg37 : memref<!tpu.dma_semaphore, #tpu.memory_space<semaphore_mem>>) src(%dma_wait3A_434 : memref<1024xf32, #tpu.memory_space<vmem>>) dst(%dma_wait3A_432 : memref<1024xf32, #tpu.memory_space<hbm>>)
      %cond3A_435 = arith.constant 0 : i32
      scf.yield %cond3A_435 : i32
    } else {
      %cond3A_427 = arith.constant 0 : i32
      scf.yield %cond3A_427 : i32
    }
    %gt3A_413 = arith.constant 1 : i32
    %gt3A_414 = arith.cmpi sgt, %min3A_406, %gt3A_413 : i32
    %convert_element_type3A_415 = arith.extui %gt3A_414 : i1 to i32
    %cond3A_416 = arith.constant 0 : i32
    %cond3A_417 = arith.constant 0 : i32
    %cond3A_418 = arith.cmpi ne, %convert_element_type3A_415, %cond3A_417 : i32
    %cond3A_419 = scf.if %cond3A_418 -> (i32) {
      %dma_wait3A_427 = arith.constant 0 : i32
      %dma_wait3A_428 = tpu.memref_slice %arg31[%dma_wait3A_427] : memref<4096xf32, #tpu.memory_space<vmem>> -> memref<1024xf32, #tpu.memory_space<vmem>>
      %dma_wait3A_429 = arith.constant 0 : i32
      %dma_wait3A_430 = tpu.memref_slice %arg6[%dma_wait3A_429] : memref<16777216xf32, #tpu.memory_space<hbm>> -> memref<1024xf32, #tpu.memory_space<hbm>>
      %dma_wait3A_431 = arith.constant 0 : i32
      %dma_wait3A_432 = tpu.memref_slice %arg6[%dma_wait3A_431] : memref<16777216xf32, #tpu.memory_space<hbm>> -> memref<1024xf32, #tpu.memory_space<hbm>>
      %dma_wait3A_433 = arith.constant 0 : i32
      %dma_wait3A_434 = tpu.memref_slice %arg31[%dma_wait3A_433] : memref<4096xf32, #tpu.memory_space<vmem>> -> memref<1024xf32, #tpu.memory_space<vmem>>
      tpu.wait_dma2 semaphore(%arg37 : memref<!tpu.dma_semaphore, #tpu.memory_space<semaphore_mem>>) src(%dma_wait3A_434 : memref<1024xf32, #tpu.memory_space<vmem>>) dst(%dma_wait3A_432 : memref<1024xf32, #tpu.memory_space<hbm>>)
      %cond3A_435 = arith.constant 0 : i32
      scf.yield %cond3A_435 : i32
    } else {
      %cond3A_427 = arith.constant 0 : i32
      scf.yield %cond3A_427 : i32
    }
    %gt3A_420 = arith.constant 2 : i32
    %gt3A_421 = arith.cmpi sgt, %min3A_406, %gt3A_420 : i32
    %convert_element_type3A_422 = arith.extui %gt3A_421 : i1 to i32
    %cond3A_423 = arith.constant 0 : i32
    %cond3A_424 = arith.constant 0 : i32
    %cond3A_425 = arith.cmpi ne, %convert_element_type3A_422, %cond3A_424 : i32
    %cond3A_426 = scf.if %cond3A_425 -> (i32) {
      %dma_wait3A_427 = arith.constant 0 : i32
      %dma_wait3A_428 = tpu.memref_slice %arg31[%dma_wait3A_427] : memref<4096xf32, #tpu.memory_space<vmem>> -> memref<1024xf32, #tpu.memory_space<vmem>>
      %dma_wait3A_429 = arith.constant 0 : i32
      %dma_wait3A_430 = tpu.memref_slice %arg6[%dma_wait3A_429] : memref<16777216xf32, #tpu.memory_space<hbm>> -> memref<1024xf32, #tpu.memory_space<hbm>>
      %dma_wait3A_431 = arith.constant 0 : i32
      %dma_wait3A_432 = tpu.memref_slice %arg6[%dma_wait3A_431] : memref<16777216xf32, #tpu.memory_space<hbm>> -> memref<1024xf32, #tpu.memory_space<hbm>>
      %dma_wait3A_433 = arith.constant 0 : i32
      %dma_wait3A_434 = tpu.memref_slice %arg31[%dma_wait3A_433] : memref<4096xf32, #tpu.memory_space<vmem>> -> memref<1024xf32, #tpu.memory_space<vmem>>
      tpu.wait_dma2 semaphore(%arg37 : memref<!tpu.dma_semaphore, #tpu.memory_space<semaphore_mem>>) src(%dma_wait3A_434 : memref<1024xf32, #tpu.memory_space<vmem>>) dst(%dma_wait3A_432 : memref<1024xf32, #tpu.memory_space<hbm>>)
      %cond3A_435 = arith.constant 0 : i32
      scf.yield %cond3A_435 : i32
    } else {
      %cond3A_427 = arith.constant 0 : i32
      scf.yield %cond3A_427 : i32
    }
    return
  }
}

</mosaic_0001>

<sc_bundles>
// kernel: kernel.3.cloned.1.call-start
scs
__scs_entry_jumppad:
0x0: {  	(pc) =	sbr.rel $0x88, $3  }
0x1: {  	(tag) =	ssettag $0x0;
	lr =	simm.s32 $0x1  }
0x2: {  	[smem:$0x3F9F] =	sst lr;
	_ =	strace $0xD0000000  }
0x3: {  	_ = 	snop  }
0x4: {  	_ = 	snop  }
0x5: {  	_ = 	snop  }
0x6: {  	_ = 	snop  }
0x7: {  	_ = 	snop  }
__scs_overlays_trampoline_lowered:
0x8: {  	[smem:$0x3FAE] =	sst s0  }
0x9: {  	[smem:$0x3FAF] =	sst s1  }
0xa: {  	[smem:$0x3FB0] =	sst s2  }
0xb: {  	[smem:$0x3FB1] =	sst s3  }
0xc: {  	[smem:$0x3FB2] =	sst s4  }
0xd: {  	[smem:$0x3FB3] =	sst s5  }
0xe: {  	[smem:$0x3FB4] =	sst s6  }
0xf: {  	[smem:$0x3FB5] =	sst s7  }
0x10: {  	[smem:$0x3FB6] =	sst s8  }
0x11: {  	[smem:$0x3FB7] =	sst s9;
	s0 =	simm.s32 @!p0 $0x0  }
0x12: {  	s1 =	sld [smem:$0x3F9D];
	s0 =	simm.s32 @p0 $0x1  }
0x13: {  	[smem:$0x3FB8] =	sst s0;
	s0 =	simm.s32 @!p1 $0x0  }
0x14: {  	s2 =	sld [smem:$0x3F9C];
	s0 =	simm.s32 @p1 $0x1  }
0x15: {  	[smem:$0x3FB9] =	sst s0;
	s0 =	simm.s32 @!p2 $0x0  }
0x16: {  	s3 =	sld [smem:$0x3FDB];
	s0 =	simm.s32 @p2 $0x1  }
0x17: {  	s4 =	simm.s32 $0x1BF5;
	[smem:$0x3FBB] =	sst s0  }
0x18: {  	s0 =	sld [smem:$0x3F9E];
	_ =	swait.ge [sflag:s4], $0x0  }
0x19: {  	s7 =	sld [smem:$0x3F9F]  }
0x1a: {  	s8 =	sadd.s32 $0xFFFFE003, lr  }
0x1b: {  	s9 =	sadd.s32 $0xFFFFFEF7, lr;
	s5 =	simm.s32 $0xFFFFFFFF;
	p2 =	slt.u32 s8, $0xFFFFF086  }
0x1c: {  	p1 =	slt.u32 s9, $0xF7A;
	s5 =	simm.s32 @!p2 $0x0  }
0x1d: {  	s5 =	simm.s32 @p1 $0x1;
	p0 =	seq.s32 s7, s2  }
0x1e: {  	s7 =	smul.u32 @!p0 $0xF7A, s2;
	p2 =	seq.s32 @!p0 s5, $0x0  }
0x1f: {  	s9 =	smul.u32 $0xF7A, s1;
	s8 =	simm.s32 @!p0 $0x1BF5;
	p2 =	por !p2, p0  }
0x20: {  	[sflag:s8] =	ssyncset.s32 @!p0 $0xFFFFF086;
	s6 =	sadd.s32 @!p0 s3, s7;
	s7 =	simm.s32 @!p0 $0x108  }
0x21: {  	s3 =	sadd.s32 s3, s9;
	s6 =	sadd.s32 @!p0 $0x88, s6;
	s7 =	simm.s32 @p2 $0x1082  }
0x22: {  	[simem:s7], [sflag:s8] =	dma.local @!p0 [hbm:s6], $0xF7A  }
0x23: {  	s9 =	sor.u32 $0xD0000000, s2;
	s6 =	simm.s32 $0x108;
	_ =	swait.ge @!p0 [sflag:s8], $0x0  }
0x24: {  	s3 =	sadd.s32 $0x88, s3;
	s6 =	simm.s32 @!p1 $0x1082;
	[sflag:s4] =	ssyncset.s32 $0xFFFFF086  }
0x25: {  	[simem:s6], [sflag:s4] =	dma.local [hbm:s3], $0xF7A  }
0x26: {  	[smem:$0x3F9F] =	sst s1;
	(tag) =	ssettag s2;
	_ =	strace s9  }
0x27: {  	s1 =	sld [smem:$0x3FAF]  }
0x28: {  	s2 =	sld [smem:$0x3FB0]  }
0x29: {  	s4 =	sld [smem:$0x3FB2]  }
0x2a: {  	p0 =	seq.s32 s5, $0x0;
	s5 =	sld [smem:$0x3FB3]  }
0x2b: {  	s6 =	sld [smem:$0x3FB4]  }
0x2c: {  	s7 =	sld [smem:$0x3FB5]  }
0x2d: {  	s3 =	simm.s32 $0x108;
	s8 =	sld [smem:$0x3FB6]  }
0x2e: {  	s3 =	simm.s32 @!p0 $0x1082;
	s9 =	sld [smem:$0x3FB7]  }
0x2f: {  	lr =	sadd.s32 s0, s3;
	s0 =	sld [smem:$0x3FAE]  }
0x30: {  	s3 =	sld [smem:$0x3FB1]  }
0x31: {  	[smem:$0x3FBA] =	sst s10  }
0x32: {  	s10 =	sld [smem:$0x3FB8];
	_ =	sdelay $0x3  }
0x33: {  	p0 =	seq.s32 s10, $0x1;
	s10 =	sld [smem:$0x3FBA];
	_ =	sdelay $0x3  }
0x34: {  	[smem:$0x3FBA] =	sst s10  }
0x35: {  	s10 =	sld [smem:$0x3FB9];
	_ =	sdelay $0x3  }
0x36: {  	p1 =	seq.s32 s10, $0x1;
	s10 =	sld [smem:$0x3FBA];
	_ =	sdelay $0x3  }
0x37: {  	[smem:$0x3FBA] =	sst s10  }
0x38: {  	s10 =	sld [smem:$0x3FBB]  }
0x39: {  	_ = 	snop;
	(pc) =	sbr.ind lr, $3  }
0x3a: {  	_ = 	snop  }
0x3b: {  	_ = 	snop  }
0x3c: {  	p2 =	seq.s32 s10, $0x1;
	s10 =	sld [smem:$0x3FBA]  }
0x3d: {  	_ =	shalt  }
0x3e: {  	_ =	shalt  }
0x3f: {  	_ =	shalt  }
0x40: {  	_ =	shalt  }
0x41: {  	_ =	shalt  }
0x42: {  	_ =	shalt  }
0x43: {  	_ =	shalt  }
0x44: {  	_ =	shalt  }
0x45: {  	_ =	shalt  }
0x46: {  	_ =	shalt  }
0x47: {  	_ =	shalt  }
0x48: {  	_ =	shalt  }
0x49: {  	_ =	shalt  }
0x4a: {  	_ =	shalt  }
0x4b: {  	_ =	shalt  }
0x4c: {  	_ =	shalt  }
0x4d: {  	_ =	shalt  }
0x4e: {  	_ =	shalt  }
0x4f: {  	_ =	shalt  }
0x50: {  	_ =	shalt  }
0x51: {  	_ =	shalt  }
0x52: {  	_ =	shalt  }
0x53: {  	_ =	shalt  }
0x54: {  	_ =	shalt  }
0x55: {  	_ =	shalt  }
0x56: {  	_ =	shalt  }
0x57: {  	_ =	shalt  }
0x58: {  	_ =	shalt  }
0x59: {  	_ =	shalt  }
0x5a: {  	_ =	shalt  }
0x5b: {  	_ =	shalt  }
0x5c: {  	_ =	shalt  }
0x5d: {  	_ =	shalt  }
0x5e: {  	_ =	shalt  }
0x5f: {  	_ =	shalt  }
0x60: {  	_ =	shalt  }
0x61: {  	_ =	shalt  }
0x62: {  	_ =	shalt  }
0x63: {  	_ =	shalt  }
0x64: {  	_ =	shalt  }
0x65: {  	_ =	shalt  }
0x66: {  	_ =	shalt  }
0x67: {  	_ =	shalt  }
0x68: {  	_ =	shalt  }
0x69: {  	_ =	shalt  }
0x6a: {  	_ =	shalt  }
0x6b: {  	_ =	shalt  }
0x6c: {  	_ =	shalt  }
0x6d: {  	_ =	shalt  }
0x6e: {  	_ =	shalt  }
0x6f: {  	_ =	shalt  }
0x70: {  	_ =	shalt  }
0x71: {  	_ =	shalt  }
0x72: {  	_ =	shalt  }
0x73: {  	_ =	shalt  }
0x74: {  	_ =	shalt  }
0x75: {  	_ =	shalt  }
0x76: {  	_ =	shalt  }
0x77: {  	_ =	shalt  }
0x78: {  	_ =	shalt  }
0x79: {  	_ =	shalt  }
0x7a: {  	_ =	shalt  }
0x7b: {  	_ =	shalt  }
0x7c: {  	_ =	shalt  }
0x7d: {  	_ =	shalt  }
0x7e: {  	_ =	shalt  }
0x7f: {  	_ =	shalt  }
0x80: {  	_ =	shalt  }
0x81: {  	_ =	shalt  }
0x82: {  	_ =	shalt  }
0x83: {  	_ =	shalt  }
0x84: {  	_ =	shalt  }
0x85: {  	_ =	shalt  }
0x86: {  	_ =	shalt  }
0x87: {  	_ =	shalt  }
.Lfunc_end0:
.L_simem_size_0:
called_computation_lowered:
.L_overlay_start_0:
0x88: {  	s2 =	sld [smem:$0x3FD9]  }
0x89: {  	s3 =	sld [smem:$0x3FFE];
	_ =	sdelay $0x1  }
0x8a: {  	s1 =	srdreg.scid  }
0x8b: {  	s0 =	sand.u32 $0x1, s1  }
0x8c: {  	s17 =	sshll.u32 s0, $0xA;
	s2 =	sadd.s32 s3, s2  }
0x8d: {  	s2 =	sadd.s32 s2, s17  }
0x8e: {  	[smem:$0x3FC6] =	sst s2  }
0x8f: {  	_ = 	snop  }
0x90: {  	s2 =	sld [smem:$0x3FC8]  }
0x91: {  	s18 =	sld [smem:$0x3FD0];
	(tm) =	ssettm $0x1  }
0x92: {  	s4 =	sld [smem:$0x3FFB];
	_ =	sdelay $0x3  }
0x93: {  	_ =	strace s4  }
0x94: {  	s4 =	sld [smem:$0x3FFC];
	_ =	sdelay $0x3  }
0x95: {  	_ =	strace s4  }
0x96: {  	s4 =	sld [smem:$0x3FFD];
	_ =	sdelay $0x3  }
0x97: {  	_ =	strace s4  }
0x98: {  	_ =	strace $0x8FFFFFFF  }
0x99: {  	s19 =	sld [smem:$0x3FDB];
	_ =	sdelay $0x1  }
0x9a: {  	s5 =	simm.s32 $_scs_section_size  }
0x9b: {  	s6 =	simm.s32 $_size__tile_overlayer_lowered;
	s7 =	simm.s32 $_tile_overlayer_lowered  }
0x9c: {  	s22 =	simm.s32 $0x1BFF;
	s21 =	sshll.u32 s7, $0x1;
	s4 =	sadd.s32 s5, s19  }
0x9d: {  	s8 =	simm.s32 $0x0;
	s20 =	sshll.u32 s6, $0x1;
	s6 =	sadd.s32 s21, s4  }
0x9e: {  	[timem:s8], [sflag:s22] =	dma.local [hbm:s6], s20  }
0x9f: {  	_ =	swait.ge [sflag:s22], s20  }
0xa0: {  	s5 =	ssub.s32 $0x0, s20;
	[sflag:s22] =	ssyncset.done $0x0  }
0xa1: {  	[sflag:s22] =	ssyncadd.s32 s5;
	_ =	sdelay $0x1  }
0xa2: {  	s23 =	simm.s32 $0x1B8B  }
0xa3: {  	_ =	swait.ge [sflag:s23], $0x1  }
0xa4: {  	[sflag:s23] =	ssyncset.done $0x0  }
0xa5: {  	s25 =	simm.s32 $0x1B8E;
	s24 =	sld [smem:$0x3FFE];
	[sflag:s23] =	ssyncadd.s32 $0xFFFFFFFF  }
0xa6: {  	s26 =	simm.s32 $execute0_lowered;
	[smem:$0x3FD2] =	sst s25  }
0xa7: {  	s6 =	sshll.u32 s26, $0x1;
	_ =	strace $0x80000046;
	[dreg:$0x1] =	wrdreg $0xFFFFFFFF  }
0xa8: {  	s28 =	simm.s32 $_size_execute0_lowered;
	s4 =	sadd.s32 s4, s6;
	[dreg:$0x0] =	wrdreg $0x0  }
0xa9: {  	s6 =	sshll.u32 s28, $0x1;
	[dreg:$0x2] =	wrdreg s4  }
0xaa: {  	[dreg:$0x3] =	wrdreg s6  }
0xab: {  	[dreg:$0x4] =	wrdreg $0xC0  }
0xac: {  	_ =	task [dreg:s8], $0x5FFFF  }
0xad: {  	[dreg:$0x1] =	wrdreg $0xFFFFFFFF  }
0xae: {  	[dreg:$0x0] =	wrdreg $0x60  }
0xaf: {  	[dreg:$0x2] =	wrdreg s18  }
0xb0: {  	[dreg:$0x3] =	wrdreg s24  }
0xb1: {  	[dreg:$0x4] =	wrdreg s2  }
0xb2: {  	[dreg:$0x5] =	wrdreg $0x9  }
0xb3: {  	_ =	task.clear_ibuf [dreg:s8], $0x6FFFF;
	_ =	strace $0x90000046  }
0xb4: {  	s29 =	simm.s32 $0x9;
	_ =	strace $0x80000048  }
0xb5: {  	_ =	swait.ge [sflag:s29], $0x1  }
0xb6: {  	[sflag:s29] =	ssyncadd.s32 $0xFFFFFFFF  }
0xb7: {  	_ =	strace $0x90000048  }
0xb8: {  	_ =	sfence  }
0xb9: {  	s30 =	sld [smem:$0x0];
	_ =	sdelay $0x2  }
0xba: {  	s31 =	sshll.u32 s1, $0xD;
	s1 =	sshrl.u32 s1, $0x2  }
0xbb: {  	s3 =	sand.u32 $0x4000, s31;
	s1 =	sadd.s32 s1, s30  }
0xbc: {  	s0 =	sor.u32 s3, s0;
	s1 =	sshll.u32 s1, $0x11  }
0xbd: {  	s0 =	sor.u32 s1, s0  }
0xbe: {  	s0 =	sadd.s32 $0x8F2B, s0  }
0xbf: {  	[sflag:s0] =	ssyncadd.remote.s32 $0x1  }
0xc0: {  	_ =	sfence.sel $0xFFFF  }
0xc1: {  	[dreg:$0x0] =	wrdreg $0xFFFFFFFF;
	(pc) =	sbr.abs _section_cstart, $3  }
0xc2: {  	[dreg:$0x1] =	wrdreg $0xFFFFFFFF  }
0xc3: {  	_ =	task.clear_ibuf [dreg:s8], $0x2FFFF;
	_ =	strace $0x9FFFFFFF  }
0xc4: {  	(tm) =	ssettm $0x7FFFFFFF  }
0xc5: {  	_ =	shalt  }
tec
execute0_lowered:
.L_overlay_start_1:
0x0: {  	(tag) =	ssettag $0x1  }
0x1: {  	s4 =	rddreg [dreg:$0x1]  }
0x2: {  	s3 =	rddreg [dreg:$0x2]  }
0x3: {  	s5 =	simm.s32 $0x0;
	s0 =	srdreg.scid;
	s6 =	stileid.u32  }
0x4: {  	s16 =	simm.s32 $0x6;
	s18 =	simm.s32 $0x11D80;
	s19 =	simm.s32 $0x1  }
0x5: {  	s28 =	simm.s32 $0x3;
	[smem:$0x7FF] =	sst s5;
	s0 =	sand.u32 $0x1, s0  }
0x6: {  	s1 =	sshll.u32 s6, $0x1;
	s2 =	sadd.s32 $0x200, s4;
	s8 =	sadd.s32 $0x400, s4  }
0x7: {  	s11 =	sadd.s32 $0x100, s3;
	s12 =	sadd.s32 $0x200, s3;
	s13 =	sadd.s32 $0x300, s3  }
0x8: {  	s30 =	sshll.u32 s6, $0x11;
	_ =	strace $0x80000047;
	[dreg:$0x4] =	wrdreg s2  }
.Ltmp0:
0x9: {  	v2 =	vimm.f32 $0.0e+00;
	v5 =	vimm.s32 $0x60000000;
	vm0 =	vcmask $0x300;
	s26 =	ssub.s32 $0x2, s0;
	s7 =	sor.u32 s0, s1;
	(pc) =	sbr.rel .LBB2_1-.Ltmp0, $4  }
0xa: {  	v3 =	vlaneseq.u32;
	v4 =	vimm.s32 $0xFFFFFFFF;
	vm1 =	vmmov $0xffff;
	s31 =	sadd.s32 s30, s8;
	s0 =	sshll.u32 s0, $0x10;
	s29 =	sshrl.u32 s26, $0x1  }
0xb: {  	v5 =	vsel vm0, $0x80000000, v5;
	v6 =	vor.u32 $0x80000000, v3;
	v7 =	vadd.s32 $0x1, v3;
	s2 =	simm.s32 $0x0;
	s9 =	sshll.u32 s7, $0x9;
	s1 =	ssub.s32 s26, s29  }
0xc: {  	v9 =	vshrl.u32 v3, $0x3;
	v8 =	vand.u32 $0x7, v3;
	v10 =	vor.u32 $0x8, v3;
	[dreg:$0x5] =	wrdreg s7;
	s10 =	sadd.s32 $0x200, s9;
	s1 =	smax.u32 s1, $0x1  }
0xd: {  	v9 =	vmul.u32 $0x8, v9;
	s15 =	sadd.s32 s0, s31;
	v0 =	vmov s9;
	s26 =	simm.s32 $0x2;
	v1 =	vmov s10;
	[dreg:$0x6] =	wrdreg s1  }
.LBB2_60:
0xe: {  	s2 =	rddreg [dreg:$0x7]  }
.LBB2_66:
0xf: {  	p0 =	slt.s32 s0, $0x1  }
0x10: {  	s1 =	simm.s32 @!p0 $0x5  }
0x11: {  	p1 =	seq.s32 @!p0 s0, $0x1;
	_ =	swait.ge @!p0 [sflag:s1], $0x400  }
0x12: {  	p2 =	por p1, p0;
	[sflag:s1] =	ssyncset.done @!p0 $0x0  }
0x13: {  	p3 =	slt.u32 @!p2 s0, $0x3;
	[sflag:s1] =	ssyncadd.s32 @!p0 $0xFFFFFC00;
	s1 =	simm.s32 @!p2 $0x5  }
0x14: {  	p1 =	por @!p0 p3, p1;
	_ =	swait.ge @!p2 [sflag:s1], $0x400  }
0x15: {  	p0 =	por p1, p0;
	[sflag:s1] =	ssyncset.done @!p2 $0x0  }
0x16: {  	s0 =	simm.s32 @!p0 $0x5;
	[sflag:s1] =	ssyncadd.s32 @!p2 $0xFFFFFC00  }
0x17: {  	_ =	swait.ge @!p0 [sflag:s0], $0x400  }
0x18: {  	s2 =	sadd.s32 $0x1, s2;
	s31 =	rddreg [dreg:$0x6]  }
0x19: {  	p1 =	sne.s32 s2, s31  }
.Ltmp1:
0x1a: {  	_ = 	snop;
	(pc) =	sbr.rel @!p1 .LBB2_67-.Ltmp1, $3  }
0x1b: {  	_ =	sdelay $0x1  }
0x1c: {  	[sflag:s0] =	ssyncset.done @!p0 $0x0  }
0x1d: {  	[sflag:s0] =	ssyncadd.s32 @!p0 $0xFFFFFC00  }
.LBB2_1:
0x1e: {  	[dreg:$0x7] =	wrdreg s2  }
0x1f: {  	s0 =	rddreg [dreg:$0x4]  }
0x20: {  	[tilespmem:s5], [sflag:$0x6] =	stream.linear.gather [hbm4b:s0+s5], $0x80, $0x38;
	[tilespmem:$0x13D80] =	vst v63  }
0x21: {  	_ =	swait.ge [sflag:s16], $0x80  }
0x22: {  	[sflag:s16] =	ssyncset.done $0x0  }
0x23: {  	[sflag:s16] =	ssyncadd.s32 $0xFFFFFF80  }
0x24: {  	s1 =	simm.s32 $0x80;
	s30 =	rddreg [dreg:$0x1]  }
0x25: {  	[tilespmem:s1], [sflag:$0x6] =	stream.linear.gather [hbm4b:s30+s5], $0x80, $0x38;
	[tilespmem:$0x13D80] =	vst v63  }
0x26: {  	_ =	swait.ge [sflag:s16], $0x80  }
0x27: {  	[sflag:s16] =	ssyncset.done $0x0  }
0x28: {  	s31 =	rddreg [dreg:$0x5];
	[sflag:s16] =	ssyncadd.s32 $0xFFFFFF80  }
0x29: {  	s1 =	simm.s32 $0x10DC0;
	v11 =	vld [tilespmem:s31+$0x0]  }
0x2a: {  	v12 =	vld [tilespmem:s31+$0x80];
	[tilespmem:s1+$0xFFFFFFC0] =	vst v2  }
0x2b: {  	[tilespmem:s1+$0x30] =	vst v2  }
0x2c: {  	[tilespmem:s1+$0x20] =	vst v2  }
0x2d: {  	[tilespmem:s1+$0x10] =	vst v2  }
0x2e: {  	[tilespmem:s1+$0x0] =	vst v2  }
0x2f: {  	[tilespmem:s1+$0xFFFFFFF0] =	vst v2  }
0x30: {  	s2 =	simm.s32 $0x0;
	[tilespmem:s1+$0xFFFFFFE0] =	vst v2  }
.LBB2_2:
0x31: {  	s2 =	sadd.s32 $0x8, s2;
	[tilespmem:s1+$0xFFFFFFD0] =	vst v2;
	s1 =	sadd.s32 $0x80, s1;
	s0 =	simm.s32 $0x11DC0  }
0x32: {  	[tilespmem:s1+$0xFFFFFFC0] =	vst v2;
	p0 =	slt.u32 s2, $0xF8  }
0x33: {  	[tilespmem:s1+$0x30] =	vst v2  }
.Ltmp2:
0x34: {  	[tilespmem:s1+$0x20] =	vst v2;
	(pc) =	sbr.rel @p0 .LBB2_2-.Ltmp2, $4  }
0x35: {  	[tilespmem:s1+$0x10] =	vst v2  }
0x36: {  	[tilespmem:s1+$0x0] =	vst v2  }
0x37: {  	[tilespmem:s1+$0xFFFFFFF0] =	vst v2  }
0x38: {  	[tilespmem:s1+$0xFFFFFFE0] =	vst v2  }
0x39: {  	[tilespmem:s1+$0xFFFFFFD0] =	vst v2  }
0x3a: {  	[tilespmem:s0+$0xFFFFFFC0] =	vst v2  }
0x3b: {  	[tilespmem:s0+$0x30] =	vst v2  }
0x3c: {  	[tilespmem:s0+$0x20] =	vst v2  }
0x3d: {  	[tilespmem:s0+$0x10] =	vst v2  }
0x3e: {  	[tilespmem:s0+$0x0] =	vst v2  }
0x3f: {  	[tilespmem:s0+$0xFFFFFFF0] =	vst v2  }
0x40: {  	s1 =	simm.s32 $0x0;
	[tilespmem:s0+$0xFFFFFFE0] =	vst v2  }
.LBB2_4:
0x41: {  	s1 =	sadd.s32 $0x8, s1;
	[tilespmem:s0+$0xFFFFFFD0] =	vst v2;
	s0 =	sadd.s32 $0x80, s0  }
0x42: {  	[tilespmem:s0+$0xFFFFFFC0] =	vst v2;
	p0 =	slt.u32 s1, $0x1F8  }
0x43: {  	[tilespmem:s0+$0x30] =	vst v2  }
.Ltmp3:
0x44: {  	[tilespmem:s0+$0x20] =	vst v2;
	(pc) =	sbr.rel @p0 .LBB2_4-.Ltmp3, $4  }
0x45: {  	[tilespmem:s0+$0x10] =	vst v2  }
0x46: {  	[tilespmem:s0+$0x0] =	vst v2  }
0x47: {  	[tilespmem:s0+$0xFFFFFFF0] =	vst v2  }
0x48: {  	[tilespmem:s0+$0xFFFFFFE0] =	vst v2  }
0x49: {  	[tilespmem:s0+$0xFFFFFFD0] =	vst v2;
	s31 =	sadd.s32 $0x0, s15  }
0x4a: {  	[hbm4b:s31+s5] =	stream.linear.scatter [tilespmem:s18], [sflag:$0x6], $0x2000, $0x38;
	[tilespmem:$0x13D80] =	vst v63  }
0x4b: {  	_ =	swait.ge [sflag:s16], $0x2000  }
0x4c: {  	s0 =	simm.s32 $0x400;
	[sflag:s16] =	ssyncset.done $0x0  }
.LBB2_6:
0x4d: {  	s1 =	sadd.s32 s0, s15;
	[sflag:s16] =	ssyncadd.s32 $0xFFFFE000;
	p0 =	sne.s32 s0, $0xFC00  }
0x4e: {  	[hbm4b:s1+s5] =	stream.linear.scatter [tilespmem:s18], [sflag:$0x6], $0x2000, $0x38;
	[tilespmem:$0x13D80] =	vst v63  }
.Ltmp4:
0x4f: {  	_ = 	snop;
	(pc) =	sbr.rel @p0 .LBB2_6-.Ltmp4, $4  }
0x50: {  	_ = 	snop  }
0x51: {  	s0 =	sadd.s32 $0x400, s0  }
0x52: {  	_ =	swait.ge [sflag:s16], $0x2000  }
0x53: {  	[sflag:s16] =	ssyncset.done $0x0  }
0x54: {  	(v2sf) =	vpush v11, $0x0;
	_ =	sdelay $0x1  }
0x55: {  	(v2sf) =	vpush v12, $0x0;
	_ =	sdelay $0xc  }
0x56: {  	[sflag:s16] =	ssyncadd.s32 $0xFFFFE000;
	s4 =	spop (v2sf)  }
0x57: {  	s30 =	simm.s32 $0x0;
	s2 =	rddreg [dreg:$0x0];
	s1 =	sshrl.u32 s4, $0x3  }
0x58: {  	s22 =	simm.s32 $0x100;
	s0 =	spop (v2sf);
	s1 =	sadd.s32 s2, s1  }
0x59: {  	[tilespmem:s22], [sflag:$0x6] =	stream.linear.gather [hbm4b:s1+s30], $0x400, $0x38;
	[tilespmem:$0x13D80] =	vst v63  }
0x5a: {  	_ =	swait.ge [sflag:s16], $0x400  }
0x5b: {  	[sflag:s16] =	ssyncset.done $0x0  }
0x5c: {  	[sflag:s16] =	ssyncadd.s32 $0xFFFFFC00  }
0x5d: {  	v11 =	vld [tilespmem:$0x100];
	_ =	sdelay $0x3  }
0x5e: {  	[tilespmem:$0x500] =	vst v4  }
0x5f: {  	[tilespmem:$0x501] =	vst v11  }
0x60: {  	v12 =	vld [tilespmem:$0x500];
	_ =	sdelay $0x4  }
0x61: {  	vm2 =	veq.s32 v11, v12  }
0x62: {  	v12 =	vsel vm2, v5, v6  }
0x63: {  	(xrf0) =	vmax.scan.msk.u32 $0xffff, v12;
	_ =	sdelay $0x5  }
0x64: {  	v12, _, _ =	vpop (xrf0)  }
0x65: {  	v12 =	vxor.u32 $0x80000000, v12  }
0x66: {  	v13 =	vsub.s32 v7, v12  }
0x67: {  	v13 =	vcvt.s32.f32 v13;
	_ =	sdelay $0x1  }
0x68: {  	v14 =	vadd.f32 $-1.000000000e+00, v13  }
0x69: {  	v13 =	vmul.f32 $1.442695020e+00, v13  }
0x6a: {  	v14 =	vmul.f32 $1.442695020e+00, v14  }
0x6b: {  	(erf) = vpow2.f32 v13  }
0x6c: {  	(erf) = vpow2.f32 v14;
	_ =	sdelay $0x7  }
0x6d: {  	v13 =	vpop (erf)  }
0x6e: {  	v14 =	vpop (erf)  }
0x6f: {  	v15 =	vshrl.u32 v11, $0xE;
	v16 =	vand.u32 $0x3FFF, v11;
	v14 =	vsub.f32 v13, v14  }
0x70: {  	vm3 =	vlt.u32 v15, v1;
	vm2 =	vge.u32 v15, v0;
	vm4 =	veq.s32 v12, v3  }
0x71: {  	[tilespmem:$0x580] =	vst v16;
	vm2 =	vmand vm2, vm3;
	v13 =	vsel vm4, v13, v14  }
0x72: {  	v14 =	vld [tilespmem:$0x580];
	v13 =	vnsel vm2, $0x0, v13  }
0x73: {  	(xrf2) =	vadd.scan.msk.f32 $0xffff, v13;
	_ =	sdelay $0x3  }
0x74: {  	v58 =	vshll.u32 v14, $0x3  }
0x75: {  	v14 =	vand.u32 $0x7, v14;
	v16 =	vand.u32 $0xFFFFFFC0, v58  }
0x76: {  	v14 =	vor.u32 v14, v16  }
0x77: {  	v16 =	vperm.xlane v14, v8;
	_ =	sdelay $0x1  }
0x78: {  	v16 =	vadd.s32 v9, v16  }
0x79: {  	v17, _, _ =	vpop (xrf2)  }
0x7a: {  	[tilespmem:$0x780] =	vst v15;
	v17 =	vadd.f32 $0.0e+00, v17  }
0x7b: {  	[tilespmem:$0x980] =	vst v13  }
0x7c: {  	s23 =	simm.s32 $0xD80;
	[tilespmem:$0xB80] =	vst v17  }
0x7d: {  	[tilespmem:s23], [sflag:$0x1] =	stream.indirect_vreg.gather [hbm4b:s3+s30], $0x80, v16, vm1, $0xb8;
	[tilespmem:$0x13D80] =	vst v63  }
0x7e: {  	s24 =	simm.s32 $0x1580;
	v13 =	vperm.xlane v14, v10  }
0x7f: {  	[tilespmem:s24], [sflag:$0x1] =	stream.indirect_vreg.gather [hbm4b:s11+s30], $0x80, v16, vm1, $0xb8;
	[tilespmem:$0x13D80] =	vst v63  }
0x80: {  	s25 =	simm.s32 $0x1D80;
	v13 =	vadd.s32 v9, v13  }
0x81: {  	[tilespmem:s25], [sflag:$0x1] =	stream.indirect_vreg.gather [hbm4b:s12+s30], $0x80, v16, vm1, $0xb8;
	[tilespmem:$0x13D80] =	vst v63  }
0x82: {  	s29 =	simm.s32 $0x2580  }
0x83: {  	[tilespmem:s29], [sflag:$0x1] =	stream.indirect_vreg.gather [hbm4b:s13+s30], $0x80, v16, vm1, $0xb8;
	[tilespmem:$0x13D80] =	vst v63  }
0x84: {  	s31 =	simm.s32 $0x2D80;
	(v2sf) =	vpush v12, $0xF  }
0x85: {  	[tilespmem:s31], [sflag:$0x1] =	stream.indirect_vreg.gather [hbm4b:s3+s30], $0x80, v13, vm1, $0xb8;
	[tilespmem:$0x13D80] =	vst v63  }
0x86: {  	s2 =	simm.s32 $0x3580  }
0x87: {  	[tilespmem:s2], [sflag:$0x1] =	stream.indirect_vreg.gather [hbm4b:s11+s30], $0x80, v13, vm1, $0xb8;
	[tilespmem:$0x13D80] =	vst v63  }
0x88: {  	s6 =	simm.s32 $0x3D80  }
0x89: {  	[tilespmem:s6], [sflag:$0x1] =	stream.indirect_vreg.gather [hbm4b:s12+s30], $0x80, v13, vm1, $0xb8;
	[tilespmem:$0x13D80] =	vst v63  }
0x8a: {  	s7 =	simm.s32 $0x4580  }
0x8b: {  	[tilespmem:s7], [sflag:$0x1] =	stream.indirect_vreg.gather [hbm4b:s13+s30], $0x80, v13, vm1, $0xb8;
	[tilespmem:$0x13D80] =	vst v63  }
0x8c: {  	v12 =	vld [tilespmem:$0x110];
	_ =	sdelay $0x1  }
0x8d: {  	v11 =	vbroadcast v11, $0xF;
	_ =	sdelay $0x1  }
0x8e: {  	[tilespmem:$0x500] =	vst v11  }
0x8f: {  	[tilespmem:$0x501] =	vst v12  }
0x90: {  	v11 =	vld [tilespmem:$0x500]  }
0x91: {  	s14 =	spop (v2sf)  }
0x92: {  	s1 =	sadd.s32 $0xFFFFFFF0, s14  }
0x93: {  	vm2 =	veq.s32 v3, $0x0;
	v13 =	vmov s1  }
0x94: {  	v13 =	vnsel vm2, $0xE0000000, v13  }
0x95: {  	vm3 =	veq.s32 v12, v11;
	v11 =	vxor.u32 $0x80000000, v13  }
0x96: {  	v11 =	vsel vm3, v11, v6  }
0x97: {  	(xrf0) =	vmax.scan.msk.u32 $0xffff, v11;
	_ =	sdelay $0x5  }
0x98: {  	v11, _, _ =	vpop (xrf0)  }
0x99: {  	v11 =	vxor.u32 $0x80000000, v11  }
0x9a: {  	v13 =	vsub.s32 v7, v11  }
0x9b: {  	v13 =	vcvt.s32.f32 v13;
	_ =	sdelay $0x1  }
0x9c: {  	v14 =	vadd.f32 $-1.000000000e+00, v13  }
0x9d: {  	v13 =	vmul.f32 $1.442695020e+00, v13  }
0x9e: {  	v14 =	vmul.f32 $1.442695020e+00, v14  }
0x9f: {  	(erf) = vpow2.f32 v13  }
0xa0: {  	(erf) = vpow2.f32 v14;
	_ =	sdelay $0x7  }
0xa1: {  	v13 =	vpop (erf)  }
0xa2: {  	v14 =	vpop (erf)  }
0xa3: {  	v15 =	vshrl.u32 v12, $0xE;
	v59 =	vand.u32 $0x3FFF, v12;
	v14 =	vsub.f32 v13, v14  }
0xa4: {  	vm14 =	vlt.u32 v15, v1;
	vm3 =	vge.u32 v15, v0;
	vm5 =	veq.s32 v11, v3  }
0xa5: {  	[tilespmem:$0x600] =	vst v59;
	vm3 =	vmand vm3, vm14;
	v13 =	vsel vm5, v13, v14  }
0xa6: {  	v14 =	vld [tilespmem:$0x600];
	v13 =	vnsel vm3, $0x0, v13  }
0xa7: {  	(xrf2) =	vadd.scan.msk.f32 $0xffff, v13;
	_ =	sdelay $0x3  }
0xa8: {  	v60 =	vshll.u32 v14, $0x3  }
0xa9: {  	v14 =	vand.u32 $0x7, v14;
	v16 =	vand.u32 $0xFFFFFFC0, v60  }
0xaa: {  	v14 =	vor.u32 v14, v16  }
0xab: {  	v16 =	vperm.xlane v14, v8;
	_ =	sdelay $0x1  }
0xac: {  	v17 =	vbroadcast v17, $0xF;
	v16 =	vadd.s32 v9, v16  }
0xad: {  	v18, _, _ =	vpop (xrf2)  }
0xae: {  	[tilespmem:$0x800] =	vst v15;
	v17 =	vadd.f32 v18, v17  }
0xaf: {  	[tilespmem:$0xA00] =	vst v13  }
0xb0: {  	s17 =	simm.s32 $0x4D80;
	[tilespmem:$0xC00] =	vst v17  }
0xb1: {  	[tilespmem:s17], [sflag:$0x2] =	stream.indirect_vreg.gather [hbm4b:s3+s30], $0x80, v16, vm1, $0xb8;
	[tilespmem:$0x13D80] =	vst v63  }
0xb2: {  	s20 =	simm.s32 $0x5580;
	v13 =	vperm.xlane v14, v10  }
0xb3: {  	[tilespmem:s20], [sflag:$0x2] =	stream.indirect_vreg.gather [hbm4b:s11+s30], $0x80, v16, vm1, $0xb8;
	[tilespmem:$0x13D80] =	vst v63  }
0xb4: {  	s21 =	simm.s32 $0x5D80;
	v13 =	vadd.s32 v9, v13  }
0xb5: {  	[tilespmem:s21], [sflag:$0x2] =	stream.indirect_vreg.gather [hbm4b:s12+s30], $0x80, v16, vm1, $0xb8;
	[tilespmem:$0x13D80] =	vst v63  }
0xb6: {  	s22 =	simm.s32 $0x6580  }
0xb7: {  	[tilespmem:s22], [sflag:$0x2] =	stream.indirect_vreg.gather [hbm4b:s13+s30], $0x80, v16, vm1, $0xb8;
	[tilespmem:$0x13D80] =	vst v63  }
0xb8: {  	s23 =	simm.s32 $0x6D80;
	(v2sf) =	vpush v11, $0xF  }
0xb9: {  	[tilespmem:s23], [sflag:$0x2] =	stream.indirect_vreg.gather [hbm4b:s3+s30], $0x80, v13, vm1, $0xb8;
	[tilespmem:$0x13D80] =	vst v63  }
0xba: {  	s24 =	simm.s32 $0x7580  }
0xbb: {  	[tilespmem:s24], [sflag:$0x2] =	stream.indirect_vreg.gather [hbm4b:s11+s30], $0x80, v13, vm1, $0xb8;
	[tilespmem:$0x13D80] =	vst v63  }
0xbc: {  	s25 =	simm.s32 $0x7D80  }
0xbd: {  	[tilespmem:s25], [sflag:$0x2] =	stream.indirect_vreg.gather [hbm4b:s12+s30], $0x80, v13, vm1, $0xb8;
	[tilespmem:$0x13D80] =	vst v63  }
0xbe: {  	s29 =	simm.s32 $0x8580  }
0xbf: {  	[tilespmem:s29], [sflag:$0x2] =	stream.indirect_vreg.gather [hbm4b:s13+s30], $0x80, v13, vm1, $0xb8;
	[tilespmem:$0x13D80] =	vst v63  }
0xc0: {  	v11 =	vld [tilespmem:$0x120];
	_ =	sdelay $0x1  }
0xc1: {  	v12 =	vbroadcast v12, $0xF;
	_ =	sdelay $0x1  }
0xc2: {  	[tilespmem:$0x500] =	vst v12  }
0xc3: {  	[tilespmem:$0x501] =	vst v11  }
0xc4: {  	v12 =	vld [tilespmem:$0x500]  }
0xc5: {  	s31 =	spop (v2sf)  }
0xc6: {  	s1 =	sadd.s32 $0xFFFFFFF0, s31  }
0xc7: {  	v13 =	vmov s1  }
0xc8: {  	v13 =	vnsel vm2, $0xE0000000, v13  }
0xc9: {  	vm2 =	veq.s32 v11, v12;
	v12 =	vxor.u32 $0x80000000, v13  }
0xca: {  	v12 =	vsel vm2, v12, v6  }
0xcb: {  	(xrf0) =	vmax.scan.msk.u32 $0xffff, v12;
	_ =	sdelay $0x5  }
0xcc: {  	v12, _, _ =	vpop (xrf0)  }
0xcd: {  	v13 =	vxor.u32 $0x80000000, v12  }
0xce: {  	v12 =	vsub.s32 v7, v13  }
0xcf: {  	v14 =	vcvt.s32.f32 v12;
	_ =	sdelay $0x1  }
0xd0: {  	v15 =	vadd.f32 $-1.000000000e+00, v14  }
0xd1: {  	v14 =	vmul.f32 $1.442695020e+00, v14  }
0xd2: {  	v15 =	vmul.f32 $1.442695020e+00, v15  }
0xd3: {  	(erf) = vpow2.f32 v14  }
0xd4: {  	(erf) = vpow2.f32 v15;
	_ =	sdelay $0x7  }
0xd5: {  	v14 =	vpop (erf)  }
0xd6: {  	v15 =	vpop (erf)  }
0xd7: {  	v61 =	vshrl.u32 v11, $0xE;
	v62 =	vand.u32 $0x3FFF, v11;
	v15 =	vsub.f32 v14, v15  }
0xd8: {  	vm3 =	vlt.u32 v61, v1;
	vm2 =	vge.u32 v61, v0;
	vm15 =	veq.s32 v13, v3  }
0xd9: {  	[tilespmem:$0x680] =	vst v62;
	vm2 =	vmand vm2, vm3;
	v13 =	vsel vm15, v14, v15  }
0xda: {  	v14 =	vnsel vm2, $0x0, v13;
	v13 =	vld [tilespmem:$0x680];
	_ =	sdelay $0x1  }
0xdb: {  	(xrf2) =	vadd.scan.msk.f32 $0xffff, v14;
	_ =	sdelay $0x2  }
0xdc: {  	s0 =	ssub.s32 s0, s4;
	v15 =	vshll.u32 v13, $0x3  }
0xdd: {  	s0 =	sadd.s32 $0xF, s0;
	v13 =	vand.u32 $0x7, v13;
	v15 =	vand.u32 $0xFFFFFFC0, v15  }
0xde: {  	[dreg:$0x8] =	wrdreg s4;
	s2 =	sand.u32 $0xF, s0;
	v15 =	vor.u32 v13, v15  }
0xdf: {  	s4 =	sshra.s32 s0, $0x1F;
	p0 =	slt.s32 s0, $0x1;
	p1 =	sne.s32 s2, $0x0;
	v13 =	vperm.xlane v15, v8  }
0xe0: {  	s6 =	sshrl.u32 s4, $0x1C;
	p0 =	por !p0, !p1  }
0xe1: {  	s0 =	sadd.s32 s6, s0;
	p0 =	por !p0, !p0;
	s1 =	simm.s32 $0x1  }
0xe2: {  	s0 =	sshra.s32 s0, $0x4;
	v17 =	vbroadcast v17, $0xF;
	s1 =	simm.s32 @!p0 $0x0;
	v63 =	vadd.s32 v9, v13  }
0xe3: {  	s0 =	ssub.s32 s0, s1;
	v13, _, _ =	vpop (xrf2)  }
0xe4: {  	s14 =	sadd.s32 $0x3, s0;
	[tilespmem:$0x880] =	vst v61;
	v13 =	vadd.f32 v13, v17  }
0xe5: {  	s7 =	simm.s32 $0x8D80;
	s20 =	sand.u32 $0x3, s14;
	[tilespmem:$0xA80] =	vst v14  }
0xe6: {  	s17 =	simm.s32 $0x9580;
	p5 =	slt.s32 s0, $0xFFFFFFFE;
	p6 =	sne.s32 s20, $0x0;
	[tilespmem:$0xC80] =	vst v13  }
0xe7: {  	[tilespmem:s7], [sflag:$0x3] =	stream.indirect_vreg.gather [hbm4b:s3+s30], $0x80, v63, vm1, $0xb8;
	[tilespmem:$0x13D80] =	vst v63  }
0xe8: {  	s21 =	simm.s32 $0x9D80;
	s23 =	sshrl.u32 s14, $0x1E;
	p0 =	por !p5, !p6;
	v14 =	vperm.xlane v15, v10  }
0xe9: {  	[tilespmem:s17], [sflag:$0x3] =	stream.indirect_vreg.gather [hbm4b:s11+s30], $0x80, v63, vm1, $0xb8;
	[tilespmem:$0x13D80] =	vst v63  }
0xea: {  	s1 =	simm.s32 $0x1;
	s0 =	sadd.s32 s23, s14;
	p0 =	por !p0, !p0;
	v14 =	vadd.s32 v9, v14  }
0xeb: {  	[tilespmem:s21], [sflag:$0x3] =	stream.indirect_vreg.gather [hbm4b:s12+s30], $0x80, v63, vm1, $0xb8;
	[tilespmem:$0x13D80] =	vst v63  }
0xec: {  	s22 =	simm.s32 $0xA580;
	s0 =	sshra.s32 s0, $0x2;
	s1 =	simm.s32 @!p0 $0x0  }
0xed: {  	[tilespmem:s22], [sflag:$0x3] =	stream.indirect_vreg.gather [hbm4b:s13+s30], $0x80, v63, vm1, $0xb8;
	[tilespmem:$0x13D80] =	vst v63  }
0xee: {  	s24 =	simm.s32 $0xAD80;
	s1 =	ssub.s32 s0, s1  }
0xef: {  	[tilespmem:s24], [sflag:$0x3] =	stream.indirect_vreg.gather [hbm4b:s3+s30], $0x80, v14, vm1, $0xb8;
	[tilespmem:$0x13D80] =	vst v63  }
0xf0: {  	s25 =	simm.s32 $0xB580;
	p0 =	slt.s32 s1, $0x1  }
0xf1: {  	[tilespmem:s25], [sflag:$0x3] =	stream.indirect_vreg.gather [hbm4b:s11+s30], $0x80, v14, vm1, $0xb8;
	[tilespmem:$0x13D80] =	vst v63  }
.Ltmp5:
0xf2: {  	_ = 	snop;
	(pc) =	sbr.rel @p0 .LBB2_8-.Ltmp5, $4  }
0xf3: {  	s29 =	simm.s32 $0xBD80  }
0xf4: {  	[tilespmem:s29], [sflag:$0x3] =	stream.indirect_vreg.gather [hbm4b:s12+s30], $0x80, v14, vm1, $0xb8;
	[tilespmem:$0x13D80] =	vst v63  }
0xf5: {  	s31 =	simm.s32 $0xC580;
	[dreg:$0x9] =	wrdreg s1  }
0xf6: {  	[tilespmem:s31], [sflag:$0x3] =	stream.indirect_vreg.gather [hbm4b:s13+s30], $0x80, v14, vm1, $0xb8;
	[tilespmem:$0x13D80] =	vst v63  }
0xf7: {  	(v2sf) =	vpush v13, $0xF  }
0xf8: {  	(v2sf) =	vpush v12, $0xF  }
0xf9: {  	(v2sf) =	vpush v11, $0xF;
	_ =	sdelay $0xa  }
.Ltmp6:
0xfa: {  	_ = 	snop;
	(pc) =	sbr.rel .LBB2_10-.Ltmp6, $4  }
0xfb: {  	s4 =	simm.s32 $0xFFFFFFFF  }
0xfc: {  	s17 =	simm.f32 $0.0e+00;
	s2 =	simm.s32 $0x0;
	s1 =	spop (v2sf)  }
0xfd: {  	s0 =	simm.s32 $0x0;
	s30 =	simm.s32 $0x0;
	s20 =	spop (v2sf)  }
0xfe: {  	s7 =	simm.f32 $0.0e+00;
	s6 =	simm.s32 $0x0;
	s21 =	spop (v2sf)  }
.LBB2_58:
0xff: {  	v14 =	vld [tilespmem:$0xD0F];
	_ =	sdelay $0x1  }
0x100: {  	(v2sf) =	vpush v12, $0xF  }
0x101: {  	(v2sf) =	vpush v11, $0xF  }
0x102: {  	(v2sf) =	vpush v13, $0xF  }
0x103: {  	(v2sf) =	vpush v14, $0x0;
	_ =	sdelay $0x8  }
0x104: {  	s6 =	sadd.s32 $0x1, s6;
	s7 =	rddreg [dreg:$0x9]  }
0x105: {  	p0 =	sne.s32 s6, s7  }
.Ltmp7:
0x106: {  	_ = 	snop;
	(pc) =	sbr.rel @!p0 .LBB2_59-.Ltmp7, $4  }
0x107: {  	s21 =	spop (v2sf)  }
0x108: {  	s20 =	spop (v2sf)  }
0x109: {  	s1 =	spop (v2sf)  }
0x10a: {  	s7 =	spop (v2sf)  }
.LBB2_10:
0x10b: {  	s14 =	sshll.u32 s6, $0x6  }
0x10c: {  	s22 =	sand.u32 $0x3C0, s14  }
0x10d: {  	v11 =	vld [tilespmem:s22+$0x130];
	_ =	sdelay $0x2  }
0x10e: {  	v12 =	vmov s21  }
0x10f: {  	[tilespmem:$0x500] =	vst v12  }
0x110: {  	[tilespmem:$0x501] =	vst v11  }
0x111: {  	v12 =	vld [tilespmem:$0x500];
	_ =	sdelay $0x1  }
0x112: {  	s20 =	ssub.s32 $0x0, s20  }
0x113: {  	v13 =	vmov s20  }
0x114: {  	v13 =	vnsel vm0, $0xE0000000, v13  }
0x115: {  	vm2 =	veq.s32 v11, v12;
	v12 =	vxor.u32 $0x80000000, v13  }
0x116: {  	v12 =	vsel vm2, v12, v6  }
0x117: {  	(xrf0) =	vmax.scan.msk.u32 $0xffff, v12;
	_ =	sdelay $0x5  }
0x118: {  	v12, _, _ =	vpop (xrf0)  }
0x119: {  	v13 =	vxor.u32 $0x80000000, v12  }
0x11a: {  	v12 =	vsub.s32 v7, v13  }
0x11b: {  	v12 =	vcvt.s32.f32 v12;
	_ =	sdelay $0x1  }
0x11c: {  	v14 =	vadd.f32 $-1.000000000e+00, v12  }
0x11d: {  	v12 =	vmul.f32 $1.442695020e+00, v12  }
0x11e: {  	v14 =	vmul.f32 $1.442695020e+00, v14  }
0x11f: {  	(erf) = vpow2.f32 v12  }
0x120: {  	(erf) = vpow2.f32 v14;
	_ =	sdelay $0x7  }
0x121: {  	v12 =	vpop (erf)  }
0x122: {  	v14 =	vpop (erf)  }
0x123: {  	v15 =	vshrl.u32 v11, $0xE;
	v16 =	vand.u32 $0x3FFF, v11;
	v14 =	vsub.f32 v12, v14  }
0x124: {  	vm3 =	vlt.u32 v15, v1;
	vm2 =	vge.u32 v15, v0;
	vm4 =	veq.s32 v13, v3  }
0x125: {  	[tilespmem:$0x700] =	vst v16;
	vm2 =	vmand vm2, vm3;
	v12 =	vsel vm4, v12, v14  }
0x126: {  	v14 =	vnsel vm2, $0x0, v12;
	v12 =	vld [tilespmem:$0x700];
	_ =	sdelay $0x1  }
0x127: {  	(xrf2) =	vadd.scan.msk.f32 $0xffff, v14;
	_ =	sdelay $0x2  }
0x128: {  	v63 =	vshll.u32 v12, $0x3  }
0x129: {  	v12 =	vand.u32 $0x7, v12;
	v16 =	vand.u32 $0xFFFFFFC0, v63  }
0x12a: {  	v16 =	vor.u32 v12, v16  }
0x12b: {  	v12 =	vperm.xlane v16, v8;
	_ =	sdelay $0x2  }
0x12c: {  	v17 =	vadd.s32 v9, v12  }
0x12d: {  	v12, _, _ =	vpop (xrf2)  }
0x12e: {  	[tilespmem:$0x900] =	vst v15;
	v12 =	vadd.f32 s1, v12  }
0x12f: {  	[tilespmem:$0xB00] =	vst v14  }
0x130: {  	s20 =	simm.s32 $0xCD80;
	[tilespmem:$0xD00] =	vst v12  }
0x131: {  	[tilespmem:s20], [sflag:$0x4] =	stream.indirect_vreg.gather [hbm4b:s3+s2], $0x80, v17, vm1, $0xb8;
	[tilespmem:$0x13D80] =	vst v63  }
0x132: {  	s21 =	simm.s32 $0xD580;
	v14 =	vperm.xlane v16, v10  }
0x133: {  	[tilespmem:s21], [sflag:$0x4] =	stream.indirect_vreg.gather [hbm4b:s11+s2], $0x80, v17, vm1, $0xb8;
	[tilespmem:$0x13D80] =	vst v63  }
0x134: {  	s22 =	simm.s32 $0xDD80;
	v14 =	vadd.s32 v9, v14  }
0x135: {  	[tilespmem:s22], [sflag:$0x4] =	stream.indirect_vreg.gather [hbm4b:s12+s2], $0x80, v17, vm1, $0xb8;
	[tilespmem:$0x13D80] =	vst v63  }
0x136: {  	s23 =	simm.s32 $0xE580  }
0x137: {  	[tilespmem:s23], [sflag:$0x4] =	stream.indirect_vreg.gather [hbm4b:s13+s2], $0x80, v17, vm1, $0xb8;
	[tilespmem:$0x13D80] =	vst v63  }
0x138: {  	s24 =	simm.s32 $0xED80  }
0x139: {  	[tilespmem:s24], [sflag:$0x4] =	stream.indirect_vreg.gather [hbm4b:s3+s2], $0x80, v14, vm1, $0xb8;
	[tilespmem:$0x13D80] =	vst v63  }
0x13a: {  	s25 =	simm.s32 $0xF580  }
0x13b: {  	[tilespmem:s25], [sflag:$0x4] =	stream.indirect_vreg.gather [hbm4b:s11+s2], $0x80, v14, vm1, $0xb8;
	[tilespmem:$0x13D80] =	vst v63  }
0x13c: {  	s29 =	simm.s32 $0xFD80  }
0x13d: {  	[tilespmem:s29], [sflag:$0x4] =	stream.indirect_vreg.gather [hbm4b:s12+s2], $0x80, v14, vm1, $0xb8;
	[tilespmem:$0x13D80] =	vst v63  }
.Ltmp8:
0x13e: {  	s31 =	simm.s32 $0x10580;
	(pc) =	sbr.rel .LBB2_11-.Ltmp8, $4  }
0x13f: {  	[tilespmem:s31], [sflag:$0x4] =	stream.indirect_vreg.gather [hbm4b:s13+s2], $0x80, v14, vm1, $0xb8;
	[tilespmem:$0x13D80] =	vst v63  }
0x140: {  	_ =	swait.ge [sflag:s19], $0x4000  }
0x141: {  	s1 =	simm.s32 $0x0;
	[sflag:s19] =	ssyncset.done $0x0  }
0x142: {  	s21 =	simm.s32 $0x0;
	s22 =	simm.s32 $0x0;
	[sflag:s19] =	ssyncadd.s32 $0xFFFFC000  }
.LBB2_21:
0x143: {  	s22 =	sadd.s32 $0x1, s22  }
0x144: {  	p1 =	sne.s32 s22, $0x10  }
.Ltmp9:
0x145: {  	_ = 	snop;
	(pc) =	sbr.rel @!p1 .LBB2_22-.Ltmp9, $2  }
0x146: {  	_ =	sdelay $0x2  }
0x147: {  	s4 =	smov.u32 @p0 s23;
	s21 =	sadd.s32 $0x400, s21;
	s1 =	sadd.s32 $0x1, s1  }
.LBB2_11:
0x148: {  	v14 =	vld [tilespmem:s22+$0x780];
	_ =	sdelay $0x4  }
0x149: {  	(v2sf) =	vpush v14, $0x0;
	_ =	sdelay $0xe  }
0x14a: {  	s23 =	spop (v2sf)  }
0x14b: {  	p0 =	sge.s32 s23, s9;
	p1 =	slt.s32 s23, s10  }
0x14c: {  	p0 =	por !p0, !p1  }
0x14d: {  	p0 =	por !p0, !p0  }
.Ltmp10:
0x14e: {  	_ = 	snop;
	(pc) =	sbr.rel @!p0 .LBB2_21-.Ltmp10, $1  }
0x14f: {  	_ =	sdelay $0x3  }
0x150: {  	s20 =	smax.u32 s22, $0x1  }
0x151: {  	v14 =	vld [tilespmem:s20+$0xB7F];
	_ =	sdelay $0x4  }
0x152: {  	(v2sf) =	vpush v14, $0x0;
	_ =	sdelay $0x8  }
0x153: {  	p1 =	slt.s32 s4, $0x0  }
0x154: {  	p2 =	sne.s32 @!p1 s23, s4  }
0x155: {  	p1 =	por p1, !p2  }
.Ltmp11:
0x156: {  	_ = 	snop;
	(pc) =	sbr.rel @p1 .LBB2_13-.Ltmp11, $3  }
0x157: {  	_ =	sdelay $0x1  }
0x158: {  	p3 =	seq.s32 s22, $0x0;
	s24 =	spop (v2sf)  }
0x159: {  	s24 =	smov.u32 @p3 s7  }
0x15a: {  	s20 =	ssub.f32 s24, s17;
	_ =	sdelay $0x1  }
0x15b: {  	v14 =	vmov s20  }
0x15c: {  	(erf) = vrcp.f32 v14;
	_ =	sdelay $0x1  }
0x15d: {  	s25 =	sshll.u32 s30, $0xC  }
0x15e: {  	s20 =	sshra.s32 s25, $0x2  }
0x15f: {  	s25 =	sadd.s32 $0x10DC0, s20  }
0x160: {  	v17 =	vld [tilespmem:s25+$0x30]  }
0x161: {  	v19 =	vld [tilespmem:s25+$0xFFFFFFD0]  }
0x162: {  	v21 =	vld [tilespmem:s25+$0xFFFFFFE0]  }
0x163: {  	v18 =	vld [tilespmem:s25+$0xFFFFFFF0]  }
0x164: {  	v16 =	vld [tilespmem:s25+$0x0];
	v14 =	vpop (erf)  }
0x165: {  	v15 =	vld [tilespmem:s25+$0x10];
	v22 =	vmul.f32 v17, v14  }
0x166: {  	v17 =	vld [tilespmem:s25+$0x20];
	v20 =	vmul.f32 v19, v14  }
0x167: {  	s31 =	sadd.s32 $0x10D80, s20;
	s20 =	simm.s32 $0x0;
	s29 =	sadd.s32 $0x80, s25;
	v19 =	vld [tilespmem:s25+$0xFFFFFFC0];
	v21 =	vmul.f32 v21, v14;
	[tilespmem:s25+$0x30] =	vst v22  }
.LBB2_15:
0x168: {  	v22 =	vld [tilespmem:s29+$0x30];
	s20 =	sadd.s32 $0x8, s20;
	[tilespmem:s25+$0xFFFFFFD0] =	vst v20;
	v18 =	vmul.f32 v18, v14  }
0x169: {  	v20 =	vld [tilespmem:s29+$0xFFFFFFD0];
	p1 =	slt.u32 s20, $0x38;
	[tilespmem:s25+$0xFFFFFFE0] =	vst v21;
	v16 =	vmul.f32 v16, v14  }
0x16a: {  	v21 =	vld [tilespmem:s29+$0xFFFFFFE0];
	[tilespmem:s25+$0xFFFFFFF0] =	vst v18;
	v15 =	vmul.f32 v15, v14  }
.Ltmp12:
0x16b: {  	v18 =	vld [tilespmem:s29+$0xFFFFFFF0];
	[tilespmem:s25+$0x0] =	vst v16;
	v17 =	vmul.f32 v17, v14;
	(pc) =	sbr.rel @p1 .LBB2_15-.Ltmp12, $4  }
0x16c: {  	v16 =	vld [tilespmem:s29+$0x0];
	v19 =	vmul.f32 v19, v14;
	[tilespmem:s25+$0x10] =	vst v15  }
0x16d: {  	v15 =	vld [tilespmem:s29+$0x10];
	v22 =	vmul.f32 v22, v14;
	[tilespmem:s25+$0x20] =	vst v17  }
0x16e: {  	v20 =	vmul.f32 v20, v14;
	v17 =	vld [tilespmem:s29+$0x20];
	[tilespmem:s25+$0xFFFFFFC0] =	vst v19;
	s25 =	smov.u32 s29  }
0x16f: {  	s29 =	sadd.s32 $0x80, s29;
	v19 =	vld [tilespmem:s25+$0xFFFFFFC0];
	v21 =	vmul.f32 v21, v14;
	[tilespmem:s25+$0x30] =	vst v22  }
0x170: {  	[tilespmem:s25+$0xFFFFFFD0] =	vst v20;
	v18 =	vmul.f32 v18, v14  }
0x171: {  	[tilespmem:s25+$0xFFFFFFE0] =	vst v21;
	v16 =	vmul.f32 v16, v14  }
0x172: {  	[tilespmem:s25+$0xFFFFFFF0] =	vst v18;
	v15 =	vmul.f32 v15, v14  }
0x173: {  	[tilespmem:s25+$0x0] =	vst v16;
	v63 =	vmul.f32 v17, v14  }
0x174: {  	s20 =	sshll.u32 s4, $0x7;
	v14 =	vmul.f32 v19, v14;
	[tilespmem:s25+$0x10] =	vst v15  }
0x175: {  	s20 =	sand.u32 $0x1FFFFF80, s20;
	[tilespmem:s25+$0x20] =	vst v63  }
0x176: {  	s20 =	sadd.s32 s8, s20;
	[tilespmem:s25+$0xFFFFFFC0] =	vst v14  }
0x177: {  	[hbm4b:s20+s5] =	stream.linear.scatter [tilespmem:s31], [sflag:$0x5], $0x400, $0x38;
	[tilespmem:$0x13D80] =	vst v63  }
0x178: {  	s20 =	sadd.s32 $0x1, s30  }
0x179: {  	s31 =	sshra.s32 s20, $0x1F  }
0x17a: {  	s25 =	sshrl.u32 s31, $0x1E  }
0x17b: {  	s0 =	sadd.s32 $0x1, s0;
	s25 =	sadd.s32 s25, s20  }
0x17c: {  	p1 =	slt.s32 s0, $0x4;
	s25 =	sand.u32 $0xFFFFFFFC, s25  }
0x17d: {  	s29 =	simm.s32 @!p1 $0x5;
	s30 =	ssub.s32 s20, s25  }
0x17e: {  	_ =	swait.ge @!p1 [sflag:s29], $0x400;
	s25 =	sshll.u32 s30, $0xC  }
0x17f: {  	[sflag:s29] =	ssyncset.done @!p1 $0x0;
	s31 =	sshra.s32 s25, $0x2  }
0x180: {  	[sflag:s29] =	ssyncadd.s32 @!p1 $0xFFFFFC00;
	s20 =	sadd.s32 $0x10DC0, s31  }
0x181: {  	[tilespmem:s20+$0xFFFFFFC0] =	vst v2  }
0x182: {  	[tilespmem:s20+$0x30] =	vst v2  }
0x183: {  	[tilespmem:s20+$0x20] =	vst v2  }
0x184: {  	[tilespmem:s20+$0x10] =	vst v2  }
0x185: {  	[tilespmem:s20+$0x0] =	vst v2  }
0x186: {  	[tilespmem:s20+$0xFFFFFFF0] =	vst v2  }
0x187: {  	s29 =	simm.s32 $0x0;
	[tilespmem:s20+$0xFFFFFFE0] =	vst v2  }
.LBB2_17:
0x188: {  	s29 =	sadd.s32 $0x8, s29;
	[tilespmem:s20+$0xFFFFFFD0] =	vst v2;
	s20 =	sadd.s32 $0x80, s20  }
0x189: {  	[tilespmem:s20+$0xFFFFFFC0] =	vst v2;
	p1 =	slt.u32 s29, $0x38  }
0x18a: {  	[tilespmem:s20+$0x30] =	vst v2  }
.Ltmp13:
0x18b: {  	[tilespmem:s20+$0x20] =	vst v2;
	(pc) =	sbr.rel @p1 .LBB2_17-.Ltmp13, $4  }
0x18c: {  	[tilespmem:s20+$0x10] =	vst v2  }
0x18d: {  	[tilespmem:s20+$0x0] =	vst v2  }
0x18e: {  	[tilespmem:s20+$0xFFFFFFF0] =	vst v2  }
0x18f: {  	[tilespmem:s20+$0xFFFFFFE0] =	vst v2  }
.Ltmp14:
0x190: {  	(pc) =	sbr.rel .LBB2_19-.Ltmp14, $2  }
0x191: {  	_ =	sdelay $0x2  }
0x192: {  	[tilespmem:s20+$0xFFFFFFD0] =	vst v2  }
.LBB2_13:
0x193: {  	s25 =	sshll.u32 s30, $0xC  }
.LBB2_19:
0x194: {  	s20 =	sshll.u32 s21, $0x2;
	s29 =	sand.u32 $0x7, s1  }
0x195: {  	s20 =	sand.u32 $0xFFFF8000, s20;
	s29 =	sshll.u32 s29, $0x9  }
0x196: {  	s20 =	sor.u32 s29, s20  }
0x197: {  	s20 =	sshrl.u32 s20, $0x2  }
0x198: {  	v14 =	vld.msk [tilespmem:s22+$0x980 ss:$0x0], $0xffff;
	s20 =	sadd.s32 $0xDC0, s20  }
0x199: {  	v15 =	vld [tilespmem:s20+$0x30]  }
0x19a: {  	v16 =	vld [tilespmem:s20+$0xFFFFFFD0]  }
0x19b: {  	v17 =	vld [tilespmem:s20+$0xFFFFFFE0]  }
0x19c: {  	v18 =	vld [tilespmem:s20+$0xFFFFFFF0]  }
0x19d: {  	v19 =	vld [tilespmem:s20+$0x0]  }
0x19e: {  	v21 =	vld [tilespmem:s20+$0x20]  }
0x19f: {  	s25 =	sshra.s32 s25, $0x2;
	v20 =	vld [tilespmem:s20+$0x10];
	v15 =	vmul.f32 v15, v14  }
0x1a0: {  	s25 =	sadd.s32 $0x10DF0, s25;
	v60 =	vld [tilespmem:s20+$0xFFFFFFC0];
	v16 =	vmul.f32 v16, v14  }
0x1a1: {  	v18 =	vmul.f32 v18, v14;
	[tilespmem:s25+$0x0] =	vst.add.f32.msk $0xffff, v15  }
0x1a2: {  	v61 =	vmul.f32 v19, v14;
	[tilespmem:s25+$0xFFFFFFA0] =	vst.add.f32.msk $0xffff, v16  }
0x1a3: {  	v62 =	vmul.f32 v21, v14;
	[tilespmem:s25+$0xFFFFFFC0] =	vst.add.f32.msk $0xffff, v18  }
0x1a4: {  	v15 =	vmul.f32 v17, v14;
	[tilespmem:s25+$0xFFFFFFD0] =	vst.add.f32.msk $0xffff, v61  }
0x1a5: {  	v63 =	vmul.f32 v60, v14;
	[tilespmem:s25+$0xFFFFFFF0] =	vst.add.f32.msk $0xffff, v62  }
0x1a6: {  	[tilespmem:s25+$0xFFFFFFB0] =	vst.add.f32.msk $0xffff, v15;
	v15 =	vmul.f32 v20, v14  }
0x1a7: {  	p1 =	sne.s32 s23, s4;
	[tilespmem:s25+$0xFFFFFF90] =	vst.add.f32.msk $0xffff, v63  }
0x1a8: {  	s17 =	smov.u32 @p1 s24;
	s24 =	simm.s32 $0x0;
	s31 =	sadd.s32 $0x400, s20;
	[tilespmem:s25+$0xFFFFFFE0] =	vst.add.f32.msk $0xffff, v15  }
.LBB2_20:
0x1a9: {  	v15 =	vld [tilespmem:s31+$0x30];
	s24 =	sadd.s32 $0x8, s24  }
0x1aa: {  	v16 =	vld [tilespmem:s31+$0xFFFFFFD0];
	p1 =	slt.u32 s24, $0x38  }
0x1ab: {  	v17 =	vld [tilespmem:s31+$0xFFFFFFE0]  }
0x1ac: {  	v18 =	vld [tilespmem:s31+$0xFFFFFFF0]  }
0x1ad: {  	v19 =	vld [tilespmem:s31+$0x0]  }
0x1ae: {  	v20 =	vld [tilespmem:s31+$0x10];
	v15 =	vmul.f32 v15, v14  }
0x1af: {  	s25 =	sadd.s32 $0x80, s25;
	v16 =	vmul.f32 v16, v14;
	v21 =	vld [tilespmem:s31+$0x20]  }
0x1b0: {  	v17 =	vmul.f32 v17, v14;
	[tilespmem:s25+$0x0] =	vst.add.f32.msk $0xffff, v15  }
0x1b1: {  	v15 =	vld [tilespmem:s31+$0xFFFFFFC0];
	v18 =	vmul.f32 v18, v14  }
0x1b2: {  	[tilespmem:s25+$0xFFFFFFA0] =	vst.add.f32.msk $0xffff, v16;
	v16 =	vmul.f32 v19, v14  }
0x1b3: {  	[tilespmem:s25+$0xFFFFFFB0] =	vst.add.f32.msk $0xffff, v17;
	v17 =	vmul.f32 v20, v14  }
.Ltmp15:
0x1b4: {  	[tilespmem:s25+$0xFFFFFFC0] =	vst.add.f32.msk $0xffff, v18;
	v18 =	vmul.f32 v21, v14;
	(pc) =	sbr.rel @p1 .LBB2_20-.Ltmp15, $4  }
0x1b5: {  	[tilespmem:s25+$0xFFFFFFD0] =	vst.add.f32.msk $0xffff, v16  }
0x1b6: {  	v15 =	vmul.f32 v15, v14;
	[tilespmem:s25+$0xFFFFFFE0] =	vst.add.f32.msk $0xffff, v17  }
0x1b7: {  	[tilespmem:s25+$0xFFFFFFF0] =	vst.add.f32.msk $0xffff, v18  }
0x1b8: {  	s31 =	sadd.s32 $0x400, s31;
	[tilespmem:s25+$0xFFFFFF90] =	vst.add.f32.msk $0xffff, v15  }
.Ltmp16:
0x1b9: {  	_ = 	snop;
	(pc) =	sbr.rel .LBB2_21-.Ltmp16, $1  }
0x1ba: {  	_ =	sdelay $0x3  }
.LBB2_22:
0x1bb: {  	v14 =	vld [tilespmem:$0xB8F];
	_ =	sdelay $0x3  }
0x1bc: {  	(v2sf) =	vpush v13, $0xF  }
0x1bd: {  	(v2sf) =	vpush v14, $0x0;
	_ =	sdelay $0x4  }
0x1be: {  	s1 =	sshll.u32 s6, $0x2  }
0x1bf: {  	s1 =	sadd.s32 $0x4, s1  }
0x1c0: {  	s20 =	sand.u32 $0x3C, s1  }
0x1c1: {  	p0 =	sne.s32 s20, $0x0  }
0x1c2: {  	s7 =	rddreg [dreg:$0x8];
	s1 =	sshll.u32 @!p0 s1, $0x4  }
0x1c3: {  	s1 =	sadd.s32 @!p0 s7, s1  }
0x1c4: {  	s7 =	rddreg [dreg:$0x0];
	s1 =	sshrl.u32 @!p0 s1, $0x3  }
0x1c5: {  	s22 =	simm.s32 @!p0 $0x100;
	s1 =	sadd.s32 @!p0 s7, s1;
	s7 =	simm.s32 @!p0 $0x0  }
0x1c6: {  	[tilespmem:s22], [sflag:$0x6] =	stream.linear.gather @!p0 [hbm4b:s1+s7], $0x400, $0x38;
	[tilespmem:$0x13D80] =	vst v63  }
0x1c7: {  	s21 =	spop (v2sf)  }
0x1c8: {  	s1 =	simm.s32 @!p0 $0x6;
	s7 =	spop (v2sf)  }
0x1c9: {  	_ =	swait.ge @!p0 [sflag:s1], $0x400  }
0x1ca: {  	s20 =	sshll.u32 s20, $0x4;
	[sflag:s1] =	ssyncset.done @!p0 $0x0  }
0x1cb: {  	s25 =	sand.u32 $0x3C0, s20;
	[sflag:s1] =	ssyncadd.s32 @!p0 $0xFFFFFC00  }
0x1cc: {  	v13 =	vld [tilespmem:s25+$0x100];
	_ =	sdelay $0x1  }
0x1cd: {  	v11 =	vbroadcast v11, $0xF;
	_ =	sdelay $0x1  }
0x1ce: {  	[tilespmem:$0x500] =	vst v11  }
0x1cf: {  	[tilespmem:$0x501] =	vst v13  }
0x1d0: {  	v11 =	vld [tilespmem:$0x500];
	_ =	sdelay $0x1  }
0x1d1: {  	s29 =	sadd.s32 $0xFFFFFFF0, s21  }
0x1d2: {  	v14 =	vmov s29  }
0x1d3: {  	v14 =	vnsel vm0, $0xE0000000, v14  }
0x1d4: {  	vm2 =	veq.s32 v13, v11;
	v11 =	vxor.u32 $0x80000000, v14  }
0x1d5: {  	v11 =	vsel vm2, v11, v6  }
0x1d6: {  	(xrf0) =	vmax.scan.msk.u32 $0xffff, v11;
	_ =	sdelay $0x5  }
0x1d7: {  	v11, _, _ =	vpop (xrf0)  }
0x1d8: {  	v11 =	vxor.u32 $0x80000000, v11  }
0x1d9: {  	v14 =	vsub.s32 v7, v11  }
0x1da: {  	v14 =	vcvt.s32.f32 v14;
	_ =	sdelay $0x1  }
0x1db: {  	v15 =	vadd.f32 $-1.000000000e+00, v14  }
0x1dc: {  	v14 =	vmul.f32 $1.442695020e+00, v14  }
0x1dd: {  	v15 =	vmul.f32 $1.442695020e+00, v15  }
0x1de: {  	(erf) = vpow2.f32 v14  }
0x1df: {  	(erf) = vpow2.f32 v15;
	_ =	sdelay $0x7  }
0x1e0: {  	v14 =	vpop (erf)  }
0x1e1: {  	v15 =	vpop (erf)  }
0x1e2: {  	v16 =	vshrl.u32 v13, $0xE;
	v17 =	vand.u32 $0x3FFF, v13;
	v15 =	vsub.f32 v14, v15  }
0x1e3: {  	vm3 =	vlt.u32 v16, v1;
	vm2 =	vge.u32 v16, v0;
	vm4 =	veq.s32 v11, v3  }
0x1e4: {  	[tilespmem:$0x580] =	vst v17;
	vm2 =	vmand vm2, vm3;
	v14 =	vsel vm4, v14, v15  }
0x1e5: {  	v15 =	vld [tilespmem:$0x580];
	v14 =	vnsel vm2, $0x0, v14  }
0x1e6: {  	(xrf2) =	vadd.scan.msk.f32 $0xffff, v14;
	_ =	sdelay $0x3  }
0x1e7: {  	v63 =	vshll.u32 v15, $0x3  }
0x1e8: {  	v15 =	vand.u32 $0x7, v15;
	v17 =	vand.u32 $0xFFFFFFC0, v63  }
0x1e9: {  	v15 =	vor.u32 v15, v17  }
0x1ea: {  	v17 =	vperm.xlane v15, v8;
	_ =	sdelay $0x1  }
0x1eb: {  	v12 =	vbroadcast v12, $0xF;
	v17 =	vadd.s32 v9, v17  }
0x1ec: {  	v18, _, _ =	vpop (xrf2)  }
0x1ed: {  	[tilespmem:$0x780] =	vst v16;
	v12 =	vadd.f32 v18, v12  }
0x1ee: {  	[tilespmem:$0x980] =	vst v14  }
0x1ef: {  	s31 =	simm.s32 $0xD80;
	s1 =	simm.s32 $0x0;
	[tilespmem:$0xB80] =	vst v12  }
0x1f0: {  	[tilespmem:s31], [sflag:$0x1] =	stream.indirect_vreg.gather [hbm4b:s3+s1], $0x80, v17, vm1, $0xb8;
	[tilespmem:$0x13D80] =	vst v63  }
0x1f1: {  	s21 =	simm.s32 $0x1580;
	v14 =	vperm.xlane v15, v10  }
0x1f2: {  	[tilespmem:s21], [sflag:$0x1] =	stream.indirect_vreg.gather [hbm4b:s11+s1], $0x80, v17, vm1, $0xb8;
	[tilespmem:$0x13D80] =	vst v63  }
0x1f3: {  	s22 =	simm.s32 $0x1D80;
	v14 =	vadd.s32 v9, v14  }
0x1f4: {  	[tilespmem:s22], [sflag:$0x1] =	stream.indirect_vreg.gather [hbm4b:s12+s1], $0x80, v17, vm1, $0xb8;
	[tilespmem:$0x13D80] =	vst v63  }
0x1f5: {  	s23 =	simm.s32 $0x2580  }
0x1f6: {  	[tilespmem:s23], [sflag:$0x1] =	stream.indirect_vreg.gather [hbm4b:s13+s1], $0x80, v17, vm1, $0xb8;
	[tilespmem:$0x13D80] =	vst v63  }
0x1f7: {  	s24 =	simm.s32 $0x2D80  }
0x1f8: {  	[tilespmem:s24], [sflag:$0x1] =	stream.indirect_vreg.gather [hbm4b:s3+s1], $0x80, v14, vm1, $0xb8;
	[tilespmem:$0x13D80] =	vst v63  }
0x1f9: {  	s25 =	simm.s32 $0x3580  }
0x1fa: {  	[tilespmem:s25], [sflag:$0x1] =	stream.indirect_vreg.gather [hbm4b:s11+s1], $0x80, v14, vm1, $0xb8;
	[tilespmem:$0x13D80] =	vst v63  }
0x1fb: {  	s29 =	simm.s32 $0x3D80  }
0x1fc: {  	[tilespmem:s29], [sflag:$0x1] =	stream.indirect_vreg.gather [hbm4b:s12+s1], $0x80, v14, vm1, $0xb8;
	[tilespmem:$0x13D80] =	vst v63  }
.Ltmp17:
0x1fd: {  	s31 =	simm.s32 $0x4580;
	(pc) =	sbr.rel .LBB2_23-.Ltmp17, $4  }
0x1fe: {  	[tilespmem:s31], [sflag:$0x1] =	stream.indirect_vreg.gather [hbm4b:s13+s1], $0x80, v14, vm1, $0xb8;
	[tilespmem:$0x13D80] =	vst v63  }
0x1ff: {  	_ =	swait.ge [sflag:s26], $0x4000  }
0x200: {  	[sflag:s26] =	ssyncset.done $0x0  }
0x201: {  	s21 =	simm.s32 $0x0;
	s22 =	simm.s32 $0x0;
	[sflag:s26] =	ssyncadd.s32 $0xFFFFC000  }
.LBB2_33:
0x202: {  	s22 =	sadd.s32 $0x1, s22  }
0x203: {  	p1 =	sne.s32 s22, $0x10  }
.Ltmp18:
0x204: {  	_ = 	snop;
	(pc) =	sbr.rel @!p1 .LBB2_34-.Ltmp18, $2  }
0x205: {  	_ =	sdelay $0x2  }
0x206: {  	s4 =	smov.u32 @p0 s23;
	s21 =	sadd.s32 $0x400, s21;
	s1 =	sadd.s32 $0x1, s1  }
.LBB2_23:
0x207: {  	v14 =	vld [tilespmem:s22+$0x800];
	_ =	sdelay $0x4  }
0x208: {  	(v2sf) =	vpush v14, $0x0;
	_ =	sdelay $0xe  }
0x209: {  	s23 =	spop (v2sf)  }
0x20a: {  	p0 =	sge.s32 s23, s9;
	p1 =	slt.s32 s23, s10  }
0x20b: {  	p0 =	por !p0, !p1  }
0x20c: {  	p0 =	por !p0, !p0  }
.Ltmp19:
0x20d: {  	_ = 	snop;
	(pc) =	sbr.rel @!p0 .LBB2_33-.Ltmp19, $1  }
0x20e: {  	_ =	sdelay $0x3  }
0x20f: {  	s20 =	smax.u32 s22, $0x1  }
0x210: {  	v14 =	vld [tilespmem:s20+$0xBFF];
	_ =	sdelay $0x4  }
0x211: {  	(v2sf) =	vpush v14, $0x0;
	_ =	sdelay $0x8  }
0x212: {  	p1 =	slt.s32 s4, $0x0  }
0x213: {  	p2 =	sne.s32 @!p1 s23, s4  }
0x214: {  	p1 =	por p1, !p2  }
.Ltmp20:
0x215: {  	_ = 	snop;
	(pc) =	sbr.rel @p1 .LBB2_25-.Ltmp20, $3  }
0x216: {  	_ =	sdelay $0x1  }
0x217: {  	p3 =	seq.s32 s22, $0x0;
	s24 =	spop (v2sf)  }
0x218: {  	s24 =	smov.u32 @p3 s7  }
0x219: {  	s20 =	ssub.f32 s24, s17;
	_ =	sdelay $0x1  }
0x21a: {  	v14 =	vmov s20  }
0x21b: {  	(erf) = vrcp.f32 v14;
	_ =	sdelay $0x1  }
0x21c: {  	s25 =	sshll.u32 s30, $0xC  }
0x21d: {  	s20 =	sshra.s32 s25, $0x2  }
0x21e: {  	s25 =	sadd.s32 $0x10DC0, s20  }
0x21f: {  	v17 =	vld [tilespmem:s25+$0x30]  }
0x220: {  	v19 =	vld [tilespmem:s25+$0xFFFFFFD0]  }
0x221: {  	v21 =	vld [tilespmem:s25+$0xFFFFFFE0]  }
0x222: {  	v18 =	vld [tilespmem:s25+$0xFFFFFFF0]  }
0x223: {  	v16 =	vld [tilespmem:s25+$0x0];
	v14 =	vpop (erf)  }
0x224: {  	v15 =	vld [tilespmem:s25+$0x10];
	v22 =	vmul.f32 v17, v14  }
0x225: {  	v17 =	vld [tilespmem:s25+$0x20];
	v20 =	vmul.f32 v19, v14  }
0x226: {  	s31 =	sadd.s32 $0x10D80, s20;
	s20 =	simm.s32 $0x0;
	s29 =	sadd.s32 $0x80, s25;
	v19 =	vld [tilespmem:s25+$0xFFFFFFC0];
	v21 =	vmul.f32 v21, v14;
	[tilespmem:s25+$0x30] =	vst v22  }
.LBB2_27:
0x227: {  	v22 =	vld [tilespmem:s29+$0x30];
	s20 =	sadd.s32 $0x8, s20;
	[tilespmem:s25+$0xFFFFFFD0] =	vst v20;
	v18 =	vmul.f32 v18, v14  }
0x228: {  	v20 =	vld [tilespmem:s29+$0xFFFFFFD0];
	p1 =	slt.u32 s20, $0x38;
	[tilespmem:s25+$0xFFFFFFE0] =	vst v21;
	v16 =	vmul.f32 v16, v14  }
0x229: {  	v21 =	vld [tilespmem:s29+$0xFFFFFFE0];
	[tilespmem:s25+$0xFFFFFFF0] =	vst v18;
	v15 =	vmul.f32 v15, v14  }
.Ltmp21:
0x22a: {  	v18 =	vld [tilespmem:s29+$0xFFFFFFF0];
	[tilespmem:s25+$0x0] =	vst v16;
	v17 =	vmul.f32 v17, v14;
	(pc) =	sbr.rel @p1 .LBB2_27-.Ltmp21, $4  }
0x22b: {  	v16 =	vld [tilespmem:s29+$0x0];
	v19 =	vmul.f32 v19, v14;
	[tilespmem:s25+$0x10] =	vst v15  }
0x22c: {  	v15 =	vld [tilespmem:s29+$0x10];
	v22 =	vmul.f32 v22, v14;
	[tilespmem:s25+$0x20] =	vst v17  }
0x22d: {  	v20 =	vmul.f32 v20, v14;
	v17 =	vld [tilespmem:s29+$0x20];
	[tilespmem:s25+$0xFFFFFFC0] =	vst v19;
	s25 =	smov.u32 s29  }
0x22e: {  	s29 =	sadd.s32 $0x80, s29;
	v19 =	vld [tilespmem:s25+$0xFFFFFFC0];
	v21 =	vmul.f32 v21, v14;
	[tilespmem:s25+$0x30] =	vst v22  }
0x22f: {  	[tilespmem:s25+$0xFFFFFFD0] =	vst v20;
	v18 =	vmul.f32 v18, v14  }
0x230: {  	[tilespmem:s25+$0xFFFFFFE0] =	vst v21;
	v16 =	vmul.f32 v16, v14  }
0x231: {  	[tilespmem:s25+$0xFFFFFFF0] =	vst v18;
	v15 =	vmul.f32 v15, v14  }
0x232: {  	[tilespmem:s25+$0x0] =	vst v16;
	v63 =	vmul.f32 v17, v14  }
0x233: {  	s20 =	sshll.u32 s4, $0x7;
	v14 =	vmul.f32 v19, v14;
	[tilespmem:s25+$0x10] =	vst v15  }
0x234: {  	s20 =	sand.u32 $0x1FFFFF80, s20;
	[tilespmem:s25+$0x20] =	vst v63  }
0x235: {  	s20 =	sadd.s32 s8, s20;
	[tilespmem:s25+$0xFFFFFFC0] =	vst v14  }
0x236: {  	[hbm4b:s20+s5] =	stream.linear.scatter [tilespmem:s31], [sflag:$0x5], $0x400, $0x38;
	[tilespmem:$0x13D80] =	vst v63  }
0x237: {  	s20 =	sadd.s32 $0x1, s30  }
0x238: {  	s31 =	sshra.s32 s20, $0x1F  }
0x239: {  	s25 =	sshrl.u32 s31, $0x1E  }
0x23a: {  	s0 =	sadd.s32 $0x1, s0;
	s25 =	sadd.s32 s25, s20  }
0x23b: {  	p1 =	slt.s32 s0, $0x4;
	s25 =	sand.u32 $0xFFFFFFFC, s25  }
0x23c: {  	s29 =	simm.s32 @!p1 $0x5;
	s30 =	ssub.s32 s20, s25  }
0x23d: {  	_ =	swait.ge @!p1 [sflag:s29], $0x400;
	s25 =	sshll.u32 s30, $0xC  }
0x23e: {  	[sflag:s29] =	ssyncset.done @!p1 $0x0;
	s31 =	sshra.s32 s25, $0x2  }
0x23f: {  	[sflag:s29] =	ssyncadd.s32 @!p1 $0xFFFFFC00;
	s20 =	sadd.s32 $0x10DC0, s31  }
0x240: {  	[tilespmem:s20+$0xFFFFFFC0] =	vst v2  }
0x241: {  	[tilespmem:s20+$0x30] =	vst v2  }
0x242: {  	[tilespmem:s20+$0x20] =	vst v2  }
0x243: {  	[tilespmem:s20+$0x10] =	vst v2  }
0x244: {  	[tilespmem:s20+$0x0] =	vst v2  }
0x245: {  	[tilespmem:s20+$0xFFFFFFF0] =	vst v2  }
0x246: {  	s29 =	simm.s32 $0x0;
	[tilespmem:s20+$0xFFFFFFE0] =	vst v2  }
.LBB2_29:
0x247: {  	s29 =	sadd.s32 $0x8, s29;
	[tilespmem:s20+$0xFFFFFFD0] =	vst v2;
	s20 =	sadd.s32 $0x80, s20  }
0x248: {  	[tilespmem:s20+$0xFFFFFFC0] =	vst v2;
	p1 =	slt.u32 s29, $0x38  }
0x249: {  	[tilespmem:s20+$0x30] =	vst v2  }
.Ltmp22:
0x24a: {  	[tilespmem:s20+$0x20] =	vst v2;
	(pc) =	sbr.rel @p1 .LBB2_29-.Ltmp22, $4  }
0x24b: {  	[tilespmem:s20+$0x10] =	vst v2  }
0x24c: {  	[tilespmem:s20+$0x0] =	vst v2  }
0x24d: {  	[tilespmem:s20+$0xFFFFFFF0] =	vst v2  }
0x24e: {  	[tilespmem:s20+$0xFFFFFFE0] =	vst v2  }
.Ltmp23:
0x24f: {  	(pc) =	sbr.rel .LBB2_31-.Ltmp23, $2  }
0x250: {  	_ =	sdelay $0x2  }
0x251: {  	[tilespmem:s20+$0xFFFFFFD0] =	vst v2  }
.LBB2_25:
0x252: {  	s25 =	sshll.u32 s30, $0xC  }
.LBB2_31:
0x253: {  	s20 =	sshll.u32 s21, $0x2;
	s29 =	sand.u32 $0x7, s1  }
0x254: {  	s20 =	sand.u32 $0xFFFF8000, s20;
	s29 =	sshll.u32 s29, $0x9  }
0x255: {  	s20 =	sor.u32 s29, s20  }
0x256: {  	s20 =	sshrl.u32 s20, $0x2  }
0x257: {  	v14 =	vld.msk [tilespmem:s22+$0xA00 ss:$0x0], $0xffff;
	s20 =	sadd.s32 $0x4DC0, s20  }
0x258: {  	v15 =	vld [tilespmem:s20+$0x30]  }
0x259: {  	v16 =	vld [tilespmem:s20+$0xFFFFFFD0]  }
0x25a: {  	v17 =	vld [tilespmem:s20+$0xFFFFFFE0]  }
0x25b: {  	v18 =	vld [tilespmem:s20+$0xFFFFFFF0]  }
0x25c: {  	v19 =	vld [tilespmem:s20+$0x0]  }
0x25d: {  	v21 =	vld [tilespmem:s20+$0x20]  }
0x25e: {  	s25 =	sshra.s32 s25, $0x2;
	v20 =	vld [tilespmem:s20+$0x10];
	v15 =	vmul.f32 v15, v14  }
0x25f: {  	s25 =	sadd.s32 $0x10DF0, s25;
	v60 =	vld [tilespmem:s20+$0xFFFFFFC0];
	v16 =	vmul.f32 v16, v14  }
0x260: {  	v18 =	vmul.f32 v18, v14;
	[tilespmem:s25+$0x0] =	vst.add.f32.msk $0xffff, v15  }
0x261: {  	v61 =	vmul.f32 v19, v14;
	[tilespmem:s25+$0xFFFFFFA0] =	vst.add.f32.msk $0xffff, v16  }
0x262: {  	v62 =	vmul.f32 v21, v14;
	[tilespmem:s25+$0xFFFFFFC0] =	vst.add.f32.msk $0xffff, v18  }
0x263: {  	v15 =	vmul.f32 v17, v14;
	[tilespmem:s25+$0xFFFFFFD0] =	vst.add.f32.msk $0xffff, v61  }
0x264: {  	v63 =	vmul.f32 v60, v14;
	[tilespmem:s25+$0xFFFFFFF0] =	vst.add.f32.msk $0xffff, v62  }
0x265: {  	[tilespmem:s25+$0xFFFFFFB0] =	vst.add.f32.msk $0xffff, v15;
	v15 =	vmul.f32 v20, v14  }
0x266: {  	p1 =	sne.s32 s23, s4;
	[tilespmem:s25+$0xFFFFFF90] =	vst.add.f32.msk $0xffff, v63  }
0x267: {  	s17 =	smov.u32 @p1 s24;
	s24 =	simm.s32 $0x0;
	s31 =	sadd.s32 $0x400, s20;
	[tilespmem:s25+$0xFFFFFFE0] =	vst.add.f32.msk $0xffff, v15  }
.LBB2_32:
0x268: {  	v15 =	vld [tilespmem:s31+$0x30];
	s24 =	sadd.s32 $0x8, s24  }
0x269: {  	v16 =	vld [tilespmem:s31+$0xFFFFFFD0];
	p1 =	slt.u32 s24, $0x38  }
0x26a: {  	v17 =	vld [tilespmem:s31+$0xFFFFFFE0]  }
0x26b: {  	v18 =	vld [tilespmem:s31+$0xFFFFFFF0]  }
0x26c: {  	v19 =	vld [tilespmem:s31+$0x0]  }
0x26d: {  	v20 =	vld [tilespmem:s31+$0x10];
	v15 =	vmul.f32 v15, v14  }
0x26e: {  	s25 =	sadd.s32 $0x80, s25;
	v16 =	vmul.f32 v16, v14;
	v21 =	vld [tilespmem:s31+$0x20]  }
0x26f: {  	v17 =	vmul.f32 v17, v14;
	[tilespmem:s25+$0x0] =	vst.add.f32.msk $0xffff, v15  }
0x270: {  	v15 =	vld [tilespmem:s31+$0xFFFFFFC0];
	v18 =	vmul.f32 v18, v14  }
0x271: {  	[tilespmem:s25+$0xFFFFFFA0] =	vst.add.f32.msk $0xffff, v16;
	v16 =	vmul.f32 v19, v14  }
0x272: {  	[tilespmem:s25+$0xFFFFFFB0] =	vst.add.f32.msk $0xffff, v17;
	v17 =	vmul.f32 v20, v14  }
.Ltmp24:
0x273: {  	[tilespmem:s25+$0xFFFFFFC0] =	vst.add.f32.msk $0xffff, v18;
	v18 =	vmul.f32 v21, v14;
	(pc) =	sbr.rel @p1 .LBB2_32-.Ltmp24, $4  }
0x274: {  	[tilespmem:s25+$0xFFFFFFD0] =	vst.add.f32.msk $0xffff, v16  }
0x275: {  	v15 =	vmul.f32 v15, v14;
	[tilespmem:s25+$0xFFFFFFE0] =	vst.add.f32.msk $0xffff, v17  }
0x276: {  	[tilespmem:s25+$0xFFFFFFF0] =	vst.add.f32.msk $0xffff, v18  }
0x277: {  	s31 =	sadd.s32 $0x400, s31;
	[tilespmem:s25+$0xFFFFFF90] =	vst.add.f32.msk $0xffff, v15  }
.Ltmp25:
0x278: {  	_ = 	snop;
	(pc) =	sbr.rel .LBB2_33-.Ltmp25, $1  }
0x279: {  	_ =	sdelay $0x3  }
.LBB2_34:
0x27a: {  	(v2sf) =	vpush v11, $0xF;
	_ =	sdelay $0x5  }
0x27b: {  	s1 =	sadd.s32 $0x50, s14  }
0x27c: {  	s1 =	sand.u32 $0x3D0, s1  }
0x27d: {  	v11 =	vld [tilespmem:s1+$0x100];
	_ =	sdelay $0x1  }
0x27e: {  	v13 =	vbroadcast v13, $0xF;
	_ =	sdelay $0x1  }
0x27f: {  	[tilespmem:$0x500] =	vst v13  }
0x280: {  	[tilespmem:$0x501] =	vst v11  }
0x281: {  	v13 =	vld [tilespmem:$0x500]  }
0x282: {  	s20 =	spop (v2sf)  }
0x283: {  	s1 =	sadd.s32 $0xFFFFFFF0, s20  }
0x284: {  	v14 =	vmov s1  }
0x285: {  	v14 =	vnsel vm0, $0xE0000000, v14  }
0x286: {  	vm2 =	veq.s32 v11, v13;
	v13 =	vxor.u32 $0x80000000, v14  }
0x287: {  	v13 =	vsel vm2, v13, v6  }
0x288: {  	(xrf0) =	vmax.scan.msk.u32 $0xffff, v13;
	_ =	sdelay $0x5  }
0x289: {  	v13, _, _ =	vpop (xrf0)  }
0x28a: {  	v14 =	vxor.u32 $0x80000000, v13  }
0x28b: {  	v13 =	vsub.s32 v7, v14  }
0x28c: {  	v13 =	vcvt.s32.f32 v13;
	_ =	sdelay $0x1  }
0x28d: {  	v15 =	vadd.f32 $-1.000000000e+00, v13  }
0x28e: {  	v13 =	vmul.f32 $1.442695020e+00, v13  }
0x28f: {  	v15 =	vmul.f32 $1.442695020e+00, v15  }
0x290: {  	(erf) = vpow2.f32 v13  }
0x291: {  	(erf) = vpow2.f32 v15;
	_ =	sdelay $0x7  }
0x292: {  	v13 =	vpop (erf)  }
0x293: {  	v15 =	vpop (erf)  }
0x294: {  	v16 =	vshrl.u32 v11, $0xE;
	v17 =	vand.u32 $0x3FFF, v11;
	v15 =	vsub.f32 v13, v15  }
0x295: {  	vm3 =	vlt.u32 v16, v1;
	vm2 =	vge.u32 v16, v0;
	vm4 =	veq.s32 v14, v3  }
0x296: {  	[tilespmem:$0x600] =	vst v17;
	vm2 =	vmand vm2, vm3;
	v13 =	vsel vm4, v13, v15  }
0x297: {  	v15 =	vnsel vm2, $0x0, v13;
	v13 =	vld [tilespmem:$0x600];
	_ =	sdelay $0x1  }
0x298: {  	(xrf2) =	vadd.scan.msk.f32 $0xffff, v15;
	_ =	sdelay $0x2  }
0x299: {  	v63 =	vshll.u32 v13, $0x3  }
0x29a: {  	v13 =	vand.u32 $0x7, v13;
	v17 =	vand.u32 $0xFFFFFFC0, v63  }
0x29b: {  	v17 =	vor.u32 v13, v17  }
0x29c: {  	v13 =	vperm.xlane v17, v8  }
0x29d: {  	v18 =	vld [tilespmem:$0xC0F];
	_ =	sdelay $0x1  }
0x29e: {  	v12 =	vbroadcast v12, $0xF;
	v19 =	vadd.s32 v9, v13  }
0x29f: {  	v13, _, _ =	vpop (xrf2)  }
0x2a0: {  	[tilespmem:$0x800] =	vst v16;
	v13 =	vadd.f32 v13, v12  }
0x2a1: {  	(v2sf) =	vpush v18, $0x0;
	[tilespmem:$0xA00] =	vst v15  }
0x2a2: {  	s7 =	simm.s32 $0x0;
	s21 =	simm.s32 $0x4D80;
	[tilespmem:$0xC00] =	vst v13  }
0x2a3: {  	[tilespmem:s21], [sflag:$0x2] =	stream.indirect_vreg.gather [hbm4b:s3+s7], $0x80, v19, vm1, $0xb8;
	[tilespmem:$0x13D80] =	vst v63  }
0x2a4: {  	s22 =	simm.s32 $0x5580;
	v12 =	vperm.xlane v17, v10  }
0x2a5: {  	[tilespmem:s22], [sflag:$0x2] =	stream.indirect_vreg.gather [hbm4b:s11+s7], $0x80, v19, vm1, $0xb8;
	[tilespmem:$0x13D80] =	vst v63  }
0x2a6: {  	s23 =	simm.s32 $0x5D80;
	v12 =	vadd.s32 v9, v12  }
0x2a7: {  	[tilespmem:s23], [sflag:$0x2] =	stream.indirect_vreg.gather [hbm4b:s12+s7], $0x80, v19, vm1, $0xb8;
	[tilespmem:$0x13D80] =	vst v63  }
0x2a8: {  	s24 =	simm.s32 $0x6580  }
0x2a9: {  	[tilespmem:s24], [sflag:$0x2] =	stream.indirect_vreg.gather [hbm4b:s13+s7], $0x80, v19, vm1, $0xb8;
	[tilespmem:$0x13D80] =	vst v63  }
0x2aa: {  	s25 =	simm.s32 $0x6D80  }
0x2ab: {  	[tilespmem:s25], [sflag:$0x2] =	stream.indirect_vreg.gather [hbm4b:s3+s7], $0x80, v12, vm1, $0xb8;
	[tilespmem:$0x13D80] =	vst v63  }
0x2ac: {  	s29 =	simm.s32 $0x7580  }
0x2ad: {  	[tilespmem:s29], [sflag:$0x2] =	stream.indirect_vreg.gather [hbm4b:s11+s7], $0x80, v12, vm1, $0xb8;
	[tilespmem:$0x13D80] =	vst v63  }
0x2ae: {  	s31 =	simm.s32 $0x7D80  }
0x2af: {  	[tilespmem:s31], [sflag:$0x2] =	stream.indirect_vreg.gather [hbm4b:s12+s7], $0x80, v12, vm1, $0xb8;
	[tilespmem:$0x13D80] =	vst v63  }
.Ltmp26:
0x2b0: {  	s20 =	simm.s32 $0x8580;
	s1 =	spop (v2sf);
	(pc) =	sbr.rel .LBB2_35-.Ltmp26, $4  }
0x2b1: {  	[tilespmem:s20], [sflag:$0x2] =	stream.indirect_vreg.gather [hbm4b:s13+s7], $0x80, v12, vm1, $0xb8;
	[tilespmem:$0x13D80] =	vst v63  }
0x2b2: {  	_ =	swait.ge [sflag:s28], $0x4000  }
0x2b3: {  	[sflag:s28] =	ssyncset.done $0x0  }
0x2b4: {  	s21 =	simm.s32 $0x0;
	s22 =	simm.s32 $0x0;
	[sflag:s28] =	ssyncadd.s32 $0xFFFFC000  }
.LBB2_45:
0x2b5: {  	s22 =	sadd.s32 $0x1, s22  }
0x2b6: {  	p1 =	sne.s32 s22, $0x10  }
.Ltmp27:
0x2b7: {  	_ = 	snop;
	(pc) =	sbr.rel @!p1 .LBB2_46-.Ltmp27, $2  }
0x2b8: {  	_ =	sdelay $0x2  }
0x2b9: {  	s4 =	smov.u32 @p0 s23;
	s21 =	sadd.s32 $0x400, s21;
	s7 =	sadd.s32 $0x1, s7  }
.LBB2_35:
0x2ba: {  	v12 =	vld [tilespmem:s22+$0x880];
	_ =	sdelay $0x4  }
0x2bb: {  	(v2sf) =	vpush v12, $0x0;
	_ =	sdelay $0xe  }
0x2bc: {  	s23 =	spop (v2sf)  }
0x2bd: {  	p0 =	sge.s32 s23, s9;
	p1 =	slt.s32 s23, s10  }
0x2be: {  	p0 =	por !p0, !p1  }
0x2bf: {  	p0 =	por !p0, !p0  }
.Ltmp28:
0x2c0: {  	_ = 	snop;
	(pc) =	sbr.rel @!p0 .LBB2_45-.Ltmp28, $1  }
0x2c1: {  	_ =	sdelay $0x3  }
0x2c2: {  	s20 =	smax.u32 s22, $0x1  }
0x2c3: {  	v12 =	vld [tilespmem:s20+$0xC7F];
	_ =	sdelay $0x4  }
0x2c4: {  	(v2sf) =	vpush v12, $0x0;
	_ =	sdelay $0x8  }
0x2c5: {  	p1 =	slt.s32 s4, $0x0  }
0x2c6: {  	p2 =	sne.s32 @!p1 s23, s4  }
0x2c7: {  	p1 =	por p1, !p2  }
.Ltmp29:
0x2c8: {  	_ = 	snop;
	(pc) =	sbr.rel @p1 .LBB2_37-.Ltmp29, $3  }
0x2c9: {  	_ =	sdelay $0x1  }
0x2ca: {  	p3 =	seq.s32 s22, $0x0;
	s24 =	spop (v2sf)  }
0x2cb: {  	s24 =	smov.u32 @p3 s1  }
0x2cc: {  	s20 =	ssub.f32 s24, s17;
	_ =	sdelay $0x1  }
0x2cd: {  	v12 =	vmov s20  }
0x2ce: {  	(erf) = vrcp.f32 v12;
	_ =	sdelay $0x1  }
0x2cf: {  	s25 =	sshll.u32 s30, $0xC  }
0x2d0: {  	s20 =	sshra.s32 s25, $0x2  }
0x2d1: {  	s25 =	sadd.s32 $0x10DC0, s20  }
0x2d2: {  	v17 =	vld [tilespmem:s25+$0x30]  }
0x2d3: {  	v19 =	vld [tilespmem:s25+$0xFFFFFFD0]  }
0x2d4: {  	v21 =	vld [tilespmem:s25+$0xFFFFFFE0]  }
0x2d5: {  	v18 =	vld [tilespmem:s25+$0xFFFFFFF0]  }
0x2d6: {  	v16 =	vld [tilespmem:s25+$0x0];
	v12 =	vpop (erf)  }
0x2d7: {  	v15 =	vld [tilespmem:s25+$0x10];
	v22 =	vmul.f32 v17, v12  }
0x2d8: {  	v17 =	vld [tilespmem:s25+$0x20];
	v20 =	vmul.f32 v19, v12  }
0x2d9: {  	s31 =	sadd.s32 $0x10D80, s20;
	s20 =	simm.s32 $0x0;
	s29 =	sadd.s32 $0x80, s25;
	v19 =	vld [tilespmem:s25+$0xFFFFFFC0];
	v21 =	vmul.f32 v21, v12;
	[tilespmem:s25+$0x30] =	vst v22  }
.LBB2_39:
0x2da: {  	v22 =	vld [tilespmem:s29+$0x30];
	s20 =	sadd.s32 $0x8, s20;
	[tilespmem:s25+$0xFFFFFFD0] =	vst v20;
	v18 =	vmul.f32 v18, v12  }
0x2db: {  	v20 =	vld [tilespmem:s29+$0xFFFFFFD0];
	p1 =	slt.u32 s20, $0x38;
	[tilespmem:s25+$0xFFFFFFE0] =	vst v21;
	v16 =	vmul.f32 v16, v12  }
0x2dc: {  	v21 =	vld [tilespmem:s29+$0xFFFFFFE0];
	[tilespmem:s25+$0xFFFFFFF0] =	vst v18;
	v15 =	vmul.f32 v15, v12  }
.Ltmp30:
0x2dd: {  	v18 =	vld [tilespmem:s29+$0xFFFFFFF0];
	[tilespmem:s25+$0x0] =	vst v16;
	v17 =	vmul.f32 v17, v12;
	(pc) =	sbr.rel @p1 .LBB2_39-.Ltmp30, $4  }
0x2de: {  	v16 =	vld [tilespmem:s29+$0x0];
	v19 =	vmul.f32 v19, v12;
	[tilespmem:s25+$0x10] =	vst v15  }
0x2df: {  	v15 =	vld [tilespmem:s29+$0x10];
	v22 =	vmul.f32 v22, v12;
	[tilespmem:s25+$0x20] =	vst v17  }
0x2e0: {  	v20 =	vmul.f32 v20, v12;
	v17 =	vld [tilespmem:s29+$0x20];
	[tilespmem:s25+$0xFFFFFFC0] =	vst v19;
	s25 =	smov.u32 s29  }
0x2e1: {  	s29 =	sadd.s32 $0x80, s29;
	v19 =	vld [tilespmem:s25+$0xFFFFFFC0];
	v21 =	vmul.f32 v21, v12;
	[tilespmem:s25+$0x30] =	vst v22  }
0x2e2: {  	[tilespmem:s25+$0xFFFFFFD0] =	vst v20;
	v18 =	vmul.f32 v18, v12  }
0x2e3: {  	[tilespmem:s25+$0xFFFFFFE0] =	vst v21;
	v16 =	vmul.f32 v16, v12  }
0x2e4: {  	[tilespmem:s25+$0xFFFFFFF0] =	vst v18;
	v15 =	vmul.f32 v15, v12  }
0x2e5: {  	[tilespmem:s25+$0x0] =	vst v16;
	v63 =	vmul.f32 v17, v12  }
0x2e6: {  	s20 =	sshll.u32 s4, $0x7;
	v12 =	vmul.f32 v19, v12;
	[tilespmem:s25+$0x10] =	vst v15  }
0x2e7: {  	s20 =	sand.u32 $0x1FFFFF80, s20;
	[tilespmem:s25+$0x20] =	vst v63  }
0x2e8: {  	s20 =	sadd.s32 s8, s20;
	[tilespmem:s25+$0xFFFFFFC0] =	vst v12  }
0x2e9: {  	[hbm4b:s20+s5] =	stream.linear.scatter [tilespmem:s31], [sflag:$0x5], $0x400, $0x38;
	[tilespmem:$0x13D80] =	vst v63  }
0x2ea: {  	s20 =	sadd.s32 $0x1, s30  }
0x2eb: {  	s31 =	sshra.s32 s20, $0x1F  }
0x2ec: {  	s25 =	sshrl.u32 s31, $0x1E  }
0x2ed: {  	s0 =	sadd.s32 $0x1, s0;
	s25 =	sadd.s32 s25, s20  }
0x2ee: {  	p1 =	slt.s32 s0, $0x4;
	s25 =	sand.u32 $0xFFFFFFFC, s25  }
0x2ef: {  	s29 =	simm.s32 @!p1 $0x5;
	s30 =	ssub.s32 s20, s25  }
0x2f0: {  	_ =	swait.ge @!p1 [sflag:s29], $0x400;
	s25 =	sshll.u32 s30, $0xC  }
0x2f1: {  	[sflag:s29] =	ssyncset.done @!p1 $0x0;
	s31 =	sshra.s32 s25, $0x2  }
0x2f2: {  	[sflag:s29] =	ssyncadd.s32 @!p1 $0xFFFFFC00;
	s20 =	sadd.s32 $0x10DC0, s31  }
0x2f3: {  	[tilespmem:s20+$0xFFFFFFC0] =	vst v2  }
0x2f4: {  	[tilespmem:s20+$0x30] =	vst v2  }
0x2f5: {  	[tilespmem:s20+$0x20] =	vst v2  }
0x2f6: {  	[tilespmem:s20+$0x10] =	vst v2  }
0x2f7: {  	[tilespmem:s20+$0x0] =	vst v2  }
0x2f8: {  	[tilespmem:s20+$0xFFFFFFF0] =	vst v2  }
0x2f9: {  	s29 =	simm.s32 $0x0;
	[tilespmem:s20+$0xFFFFFFE0] =	vst v2  }
.LBB2_41:
0x2fa: {  	s29 =	sadd.s32 $0x8, s29;
	[tilespmem:s20+$0xFFFFFFD0] =	vst v2;
	s20 =	sadd.s32 $0x80, s20  }
0x2fb: {  	[tilespmem:s20+$0xFFFFFFC0] =	vst v2;
	p1 =	slt.u32 s29, $0x38  }
0x2fc: {  	[tilespmem:s20+$0x30] =	vst v2  }
.Ltmp31:
0x2fd: {  	[tilespmem:s20+$0x20] =	vst v2;
	(pc) =	sbr.rel @p1 .LBB2_41-.Ltmp31, $4  }
0x2fe: {  	[tilespmem:s20+$0x10] =	vst v2  }
0x2ff: {  	[tilespmem:s20+$0x0] =	vst v2  }
0x300: {  	[tilespmem:s20+$0xFFFFFFF0] =	vst v2  }
0x301: {  	[tilespmem:s20+$0xFFFFFFE0] =	vst v2  }
.Ltmp32:
0x302: {  	(pc) =	sbr.rel .LBB2_43-.Ltmp32, $2  }
0x303: {  	_ =	sdelay $0x2  }
0x304: {  	[tilespmem:s20+$0xFFFFFFD0] =	vst v2  }
.LBB2_37:
0x305: {  	s25 =	sshll.u32 s30, $0xC  }
.LBB2_43:
0x306: {  	s20 =	sshll.u32 s21, $0x2;
	s29 =	sand.u32 $0x7, s7  }
0x307: {  	s20 =	sand.u32 $0xFFFF8000, s20;
	s29 =	sshll.u32 s29, $0x9  }
0x308: {  	s20 =	sor.u32 s29, s20  }
0x309: {  	s20 =	sshrl.u32 s20, $0x2  }
0x30a: {  	v12 =	vld.msk [tilespmem:s22+$0xA80 ss:$0x0], $0xffff;
	s20 =	sadd.s32 $0x8DC0, s20  }
0x30b: {  	v15 =	vld [tilespmem:s20+$0x30]  }
0x30c: {  	v16 =	vld [tilespmem:s20+$0xFFFFFFD0]  }
0x30d: {  	v17 =	vld [tilespmem:s20+$0xFFFFFFE0]  }
0x30e: {  	v18 =	vld [tilespmem:s20+$0xFFFFFFF0]  }
0x30f: {  	v19 =	vld [tilespmem:s20+$0x0]  }
0x310: {  	v21 =	vld [tilespmem:s20+$0x20]  }
0x311: {  	s25 =	sshra.s32 s25, $0x2;
	v20 =	vld [tilespmem:s20+$0x10];
	v15 =	vmul.f32 v15, v12  }
0x312: {  	s25 =	sadd.s32 $0x10DF0, s25;
	v60 =	vld [tilespmem:s20+$0xFFFFFFC0];
	v16 =	vmul.f32 v16, v12  }
0x313: {  	v18 =	vmul.f32 v18, v12;
	[tilespmem:s25+$0x0] =	vst.add.f32.msk $0xffff, v15  }
0x314: {  	v61 =	vmul.f32 v19, v12;
	[tilespmem:s25+$0xFFFFFFA0] =	vst.add.f32.msk $0xffff, v16  }
0x315: {  	v62 =	vmul.f32 v21, v12;
	[tilespmem:s25+$0xFFFFFFC0] =	vst.add.f32.msk $0xffff, v18  }
0x316: {  	v15 =	vmul.f32 v17, v12;
	[tilespmem:s25+$0xFFFFFFD0] =	vst.add.f32.msk $0xffff, v61  }
0x317: {  	v63 =	vmul.f32 v60, v12;
	[tilespmem:s25+$0xFFFFFFF0] =	vst.add.f32.msk $0xffff, v62  }
0x318: {  	[tilespmem:s25+$0xFFFFFFB0] =	vst.add.f32.msk $0xffff, v15;
	v15 =	vmul.f32 v20, v12  }
0x319: {  	p1 =	sne.s32 s23, s4;
	[tilespmem:s25+$0xFFFFFF90] =	vst.add.f32.msk $0xffff, v63  }
0x31a: {  	s17 =	smov.u32 @p1 s24;
	s24 =	simm.s32 $0x0;
	s31 =	sadd.s32 $0x400, s20;
	[tilespmem:s25+$0xFFFFFFE0] =	vst.add.f32.msk $0xffff, v15  }
.LBB2_44:
0x31b: {  	v15 =	vld [tilespmem:s31+$0x30];
	s24 =	sadd.s32 $0x8, s24  }
0x31c: {  	v16 =	vld [tilespmem:s31+$0xFFFFFFD0];
	p1 =	slt.u32 s24, $0x38  }
0x31d: {  	v17 =	vld [tilespmem:s31+$0xFFFFFFE0]  }
0x31e: {  	v18 =	vld [tilespmem:s31+$0xFFFFFFF0]  }
0x31f: {  	v19 =	vld [tilespmem:s31+$0x0]  }
0x320: {  	v20 =	vld [tilespmem:s31+$0x10];
	v15 =	vmul.f32 v15, v12  }
0x321: {  	s25 =	sadd.s32 $0x80, s25;
	v16 =	vmul.f32 v16, v12;
	v21 =	vld [tilespmem:s31+$0x20]  }
0x322: {  	v17 =	vmul.f32 v17, v12;
	[tilespmem:s25+$0x0] =	vst.add.f32.msk $0xffff, v15  }
0x323: {  	v15 =	vld [tilespmem:s31+$0xFFFFFFC0];
	v18 =	vmul.f32 v18, v12  }
0x324: {  	[tilespmem:s25+$0xFFFFFFA0] =	vst.add.f32.msk $0xffff, v16;
	v16 =	vmul.f32 v19, v12  }
0x325: {  	[tilespmem:s25+$0xFFFFFFB0] =	vst.add.f32.msk $0xffff, v17;
	v17 =	vmul.f32 v20, v12  }
.Ltmp33:
0x326: {  	[tilespmem:s25+$0xFFFFFFC0] =	vst.add.f32.msk $0xffff, v18;
	v18 =	vmul.f32 v21, v12;
	(pc) =	sbr.rel @p1 .LBB2_44-.Ltmp33, $4  }
0x327: {  	[tilespmem:s25+$0xFFFFFFD0] =	vst.add.f32.msk $0xffff, v16  }
0x328: {  	v15 =	vmul.f32 v15, v12;
	[tilespmem:s25+$0xFFFFFFE0] =	vst.add.f32.msk $0xffff, v17  }
0x329: {  	[tilespmem:s25+$0xFFFFFFF0] =	vst.add.f32.msk $0xffff, v18  }
0x32a: {  	s31 =	sadd.s32 $0x400, s31;
	[tilespmem:s25+$0xFFFFFF90] =	vst.add.f32.msk $0xffff, v15  }
.Ltmp34:
0x32b: {  	_ = 	snop;
	(pc) =	sbr.rel .LBB2_45-.Ltmp34, $1  }
0x32c: {  	_ =	sdelay $0x3  }
.LBB2_46:
0x32d: {  	(v2sf) =	vpush v14, $0xF;
	_ =	sdelay $0x5  }
0x32e: {  	s1 =	sadd.s32 $0x60, s14  }
0x32f: {  	s1 =	sand.u32 $0x3E0, s1  }
0x330: {  	v12 =	vld [tilespmem:s1+$0x100];
	_ =	sdelay $0x1  }
0x331: {  	v11 =	vbroadcast v11, $0xF;
	_ =	sdelay $0x1  }
0x332: {  	[tilespmem:$0x500] =	vst v11  }
0x333: {  	[tilespmem:$0x501] =	vst v12  }
0x334: {  	v11 =	vld [tilespmem:$0x500]  }
0x335: {  	s7 =	spop (v2sf)  }
0x336: {  	s1 =	sadd.s32 $0xFFFFFFF0, s7  }
0x337: {  	v14 =	vmov s1  }
0x338: {  	v14 =	vnsel vm0, $0xE0000000, v14  }
0x339: {  	vm2 =	veq.s32 v12, v11;
	v11 =	vxor.u32 $0x80000000, v14  }
0x33a: {  	v11 =	vsel vm2, v11, v6  }
0x33b: {  	(xrf0) =	vmax.scan.msk.u32 $0xffff, v11;
	_ =	sdelay $0x5  }
0x33c: {  	v11, _, _ =	vpop (xrf0)  }
0x33d: {  	v14 =	vxor.u32 $0x80000000, v11  }
0x33e: {  	v11 =	vsub.s32 v7, v14  }
0x33f: {  	v15 =	vcvt.s32.f32 v11;
	_ =	sdelay $0x1  }
0x340: {  	v16 =	vadd.f32 $-1.000000000e+00, v15  }
0x341: {  	v15 =	vmul.f32 $1.442695020e+00, v15  }
0x342: {  	v16 =	vmul.f32 $1.442695020e+00, v16  }
0x343: {  	(erf) = vpow2.f32 v15  }
0x344: {  	(erf) = vpow2.f32 v16;
	_ =	sdelay $0x7  }
0x345: {  	v15 =	vpop (erf)  }
0x346: {  	v16 =	vpop (erf)  }
0x347: {  	v17 =	vshrl.u32 v12, $0xE;
	v18 =	vand.u32 $0x3FFF, v12;
	v16 =	vsub.f32 v15, v16  }
0x348: {  	vm3 =	vlt.u32 v17, v1;
	vm2 =	vge.u32 v17, v0;
	vm4 =	veq.s32 v14, v3  }
0x349: {  	[tilespmem:$0x680] =	vst v18;
	vm2 =	vmand vm2, vm3;
	v14 =	vsel vm4, v15, v16  }
0x34a: {  	v15 =	vld [tilespmem:$0x680];
	v14 =	vnsel vm2, $0x0, v14  }
0x34b: {  	(xrf2) =	vadd.scan.msk.f32 $0xffff, v14;
	_ =	sdelay $0x3  }
0x34c: {  	v61 =	vshll.u32 v15, $0x3  }
0x34d: {  	v15 =	vand.u32 $0x7, v15;
	v16 =	vand.u32 $0xFFFFFFC0, v61  }
0x34e: {  	v15 =	vor.u32 v15, v16  }
0x34f: {  	v62 =	vld [tilespmem:$0xC8F];
	v63 =	vperm.xlane v15, v8;
	_ =	sdelay $0x1  }
0x350: {  	v13 =	vbroadcast v13, $0xF;
	v18 =	vadd.s32 v9, v63  }
0x351: {  	v19, _, _ =	vpop (xrf2)  }
0x352: {  	[tilespmem:$0x880] =	vst v17;
	v13 =	vadd.f32 v19, v13  }
0x353: {  	(v2sf) =	vpush v62, $0x0;
	[tilespmem:$0xA80] =	vst v14  }
0x354: {  	s14 =	simm.s32 $0x8D80;
	s7 =	simm.s32 $0x0;
	[tilespmem:$0xC80] =	vst v13  }
0x355: {  	[tilespmem:s14], [sflag:$0x3] =	stream.indirect_vreg.gather [hbm4b:s3+s7], $0x80, v18, vm1, $0xb8;
	[tilespmem:$0x13D80] =	vst v63  }
0x356: {  	s20 =	simm.s32 $0x9580;
	v14 =	vperm.xlane v15, v10  }
0x357: {  	[tilespmem:s20], [sflag:$0x3] =	stream.indirect_vreg.gather [hbm4b:s11+s7], $0x80, v18, vm1, $0xb8;
	[tilespmem:$0x13D80] =	vst v63  }
0x358: {  	s21 =	simm.s32 $0x9D80;
	v14 =	vadd.s32 v9, v14  }
0x359: {  	[tilespmem:s21], [sflag:$0x3] =	stream.indirect_vreg.gather [hbm4b:s12+s7], $0x80, v18, vm1, $0xb8;
	[tilespmem:$0x13D80] =	vst v63  }
0x35a: {  	s22 =	simm.s32 $0xA580  }
0x35b: {  	[tilespmem:s22], [sflag:$0x3] =	stream.indirect_vreg.gather [hbm4b:s13+s7], $0x80, v18, vm1, $0xb8;
	[tilespmem:$0x13D80] =	vst v63  }
0x35c: {  	s23 =	simm.s32 $0xAD80  }
0x35d: {  	[tilespmem:s23], [sflag:$0x3] =	stream.indirect_vreg.gather [hbm4b:s3+s7], $0x80, v14, vm1, $0xb8;
	[tilespmem:$0x13D80] =	vst v63  }
0x35e: {  	s24 =	simm.s32 $0xB580  }
0x35f: {  	[tilespmem:s24], [sflag:$0x3] =	stream.indirect_vreg.gather [hbm4b:s11+s7], $0x80, v14, vm1, $0xb8;
	[tilespmem:$0x13D80] =	vst v63  }
0x360: {  	s25 =	simm.s32 $0xBD80;
	s29 =	simm.s32 $0xC580  }
0x361: {  	[tilespmem:s25], [sflag:$0x3] =	stream.indirect_vreg.gather [hbm4b:s12+s7], $0x80, v14, vm1, $0xb8;
	[tilespmem:$0x13D80] =	vst v63  }
.Ltmp35:
0x362: {  	s31 =	simm.s32 $0x4;
	s1 =	spop (v2sf);
	(pc) =	sbr.rel .LBB2_47-.Ltmp35, $4  }
0x363: {  	[tilespmem:s29], [sflag:$0x3] =	stream.indirect_vreg.gather [hbm4b:s13+s7], $0x80, v14, vm1, $0xb8;
	[tilespmem:$0x13D80] =	vst v63  }
0x364: {  	_ =	swait.ge [sflag:s31], $0x4000  }
0x365: {  	[sflag:s31] =	ssyncset.done $0x0  }
0x366: {  	s14 =	simm.s32 $0x0;
	s21 =	simm.s32 $0x0;
	[sflag:s31] =	ssyncadd.s32 $0xFFFFC000  }
.LBB2_57:
0x367: {  	s21 =	sadd.s32 $0x1, s21  }
0x368: {  	p1 =	sne.s32 s21, $0x10  }
.Ltmp36:
0x369: {  	_ = 	snop;
	(pc) =	sbr.rel @!p1 .LBB2_58-.Ltmp36, $2  }
0x36a: {  	_ =	sdelay $0x2  }
0x36b: {  	s4 =	smov.u32 @p0 s22;
	s14 =	sadd.s32 $0x400, s14;
	s7 =	sadd.s32 $0x1, s7  }
.LBB2_47:
0x36c: {  	v14 =	vld [tilespmem:s21+$0x900];
	_ =	sdelay $0x4  }
0x36d: {  	(v2sf) =	vpush v14, $0x0;
	_ =	sdelay $0xe  }
0x36e: {  	s22 =	spop (v2sf)  }
0x36f: {  	p0 =	sge.s32 s22, s9;
	p1 =	slt.s32 s22, s10  }
0x370: {  	p0 =	por !p0, !p1  }
0x371: {  	p0 =	por !p0, !p0  }
.Ltmp37:
0x372: {  	_ = 	snop;
	(pc) =	sbr.rel @!p0 .LBB2_57-.Ltmp37, $1  }
0x373: {  	_ =	sdelay $0x3  }
0x374: {  	s20 =	smax.u32 s21, $0x1  }
0x375: {  	v14 =	vld [tilespmem:s20+$0xCFF];
	_ =	sdelay $0x4  }
0x376: {  	(v2sf) =	vpush v14, $0x0;
	_ =	sdelay $0x8  }
0x377: {  	p1 =	slt.s32 s4, $0x0  }
0x378: {  	p2 =	sne.s32 @!p1 s22, s4  }
0x379: {  	p1 =	por p1, !p2  }
.Ltmp38:
0x37a: {  	_ = 	snop;
	(pc) =	sbr.rel @p1 .LBB2_49-.Ltmp38, $3  }
0x37b: {  	_ =	sdelay $0x1  }
0x37c: {  	p3 =	seq.s32 s21, $0x0;
	s23 =	spop (v2sf)  }
0x37d: {  	s23 =	smov.u32 @p3 s1  }
0x37e: {  	s20 =	ssub.f32 s23, s17;
	_ =	sdelay $0x1  }
0x37f: {  	v14 =	vmov s20  }
0x380: {  	(erf) = vrcp.f32 v14;
	_ =	sdelay $0x1  }
0x381: {  	s31 =	sshll.u32 s30, $0xC  }
0x382: {  	s20 =	sshra.s32 s31, $0x2  }
0x383: {  	s24 =	sadd.s32 $0x10DC0, s20  }
0x384: {  	v17 =	vld [tilespmem:s24+$0x30]  }
0x385: {  	v19 =	vld [tilespmem:s24+$0xFFFFFFD0]  }
0x386: {  	v21 =	vld [tilespmem:s24+$0xFFFFFFE0]  }
0x387: {  	v18 =	vld [tilespmem:s24+$0xFFFFFFF0]  }
0x388: {  	v16 =	vld [tilespmem:s24+$0x0];
	v14 =	vpop (erf)  }
0x389: {  	v15 =	vld [tilespmem:s24+$0x10];
	v22 =	vmul.f32 v17, v14  }
0x38a: {  	v17 =	vld [tilespmem:s24+$0x20];
	v20 =	vmul.f32 v19, v14  }
0x38b: {  	s25 =	sadd.s32 $0x10D80, s20;
	s20 =	simm.s32 $0x0;
	s29 =	sadd.s32 $0x80, s24;
	v19 =	vld [tilespmem:s24+$0xFFFFFFC0];
	v21 =	vmul.f32 v21, v14;
	[tilespmem:s24+$0x30] =	vst v22  }
.LBB2_51:
0x38c: {  	v22 =	vld [tilespmem:s29+$0x30];
	s20 =	sadd.s32 $0x8, s20;
	[tilespmem:s24+$0xFFFFFFD0] =	vst v20;
	v18 =	vmul.f32 v18, v14  }
0x38d: {  	v20 =	vld [tilespmem:s29+$0xFFFFFFD0];
	p1 =	slt.u32 s20, $0x38;
	[tilespmem:s24+$0xFFFFFFE0] =	vst v21;
	v16 =	vmul.f32 v16, v14  }
0x38e: {  	v21 =	vld [tilespmem:s29+$0xFFFFFFE0];
	[tilespmem:s24+$0xFFFFFFF0] =	vst v18;
	v15 =	vmul.f32 v15, v14  }
.Ltmp39:
0x38f: {  	v18 =	vld [tilespmem:s29+$0xFFFFFFF0];
	[tilespmem:s24+$0x0] =	vst v16;
	v17 =	vmul.f32 v17, v14;
	(pc) =	sbr.rel @p1 .LBB2_51-.Ltmp39, $4  }
0x390: {  	v16 =	vld [tilespmem:s29+$0x0];
	v19 =	vmul.f32 v19, v14;
	[tilespmem:s24+$0x10] =	vst v15  }
0x391: {  	v15 =	vld [tilespmem:s29+$0x10];
	v22 =	vmul.f32 v22, v14;
	[tilespmem:s24+$0x20] =	vst v17  }
0x392: {  	v20 =	vmul.f32 v20, v14;
	v17 =	vld [tilespmem:s29+$0x20];
	[tilespmem:s24+$0xFFFFFFC0] =	vst v19;
	s24 =	smov.u32 s29  }
0x393: {  	s29 =	sadd.s32 $0x80, s29;
	v19 =	vld [tilespmem:s24+$0xFFFFFFC0];
	v21 =	vmul.f32 v21, v14;
	[tilespmem:s24+$0x30] =	vst v22  }
0x394: {  	[tilespmem:s24+$0xFFFFFFD0] =	vst v20;
	v18 =	vmul.f32 v18, v14  }
0x395: {  	[tilespmem:s24+$0xFFFFFFE0] =	vst v21;
	v16 =	vmul.f32 v16, v14  }
0x396: {  	[tilespmem:s24+$0xFFFFFFF0] =	vst v18;
	v15 =	vmul.f32 v15, v14  }
0x397: {  	[tilespmem:s24+$0x0] =	vst v16;
	v63 =	vmul.f32 v17, v14  }
0x398: {  	s20 =	sshll.u32 s4, $0x7;
	s31 =	sadd.s32 $0x1, s30;
	v14 =	vmul.f32 v19, v14;
	[tilespmem:s24+$0x10] =	vst v15  }
0x399: {  	s20 =	sand.u32 $0x1FFFFF80, s20;
	s29 =	sshra.s32 s31, $0x1F;
	[tilespmem:s24+$0x20] =	vst v63  }
0x39a: {  	s20 =	sadd.s32 s8, s20;
	[tilespmem:s24+$0xFFFFFFC0] =	vst v14;
	s24 =	sshrl.u32 s29, $0x1E  }
0x39b: {  	[hbm4b:s20+s5] =	stream.linear.scatter [tilespmem:s25], [sflag:$0x5], $0x400, $0x38;
	[tilespmem:$0x13D80] =	vst v63  }
0x39c: {  	s0 =	sadd.s32 $0x1, s0;
	s24 =	sadd.s32 s24, s31  }
0x39d: {  	p1 =	slt.s32 s0, $0x4;
	s24 =	sand.u32 $0xFFFFFFFC, s24  }
0x39e: {  	s25 =	simm.s32 @!p1 $0x5;
	s30 =	ssub.s32 s31, s24  }
0x39f: {  	_ =	swait.ge @!p1 [sflag:s25], $0x400;
	s24 =	sshll.u32 s30, $0xC  }
0x3a0: {  	[sflag:s25] =	ssyncset.done @!p1 $0x0;
	s31 =	sshra.s32 s24, $0x2  }
0x3a1: {  	[sflag:s25] =	ssyncadd.s32 @!p1 $0xFFFFFC00;
	s20 =	sadd.s32 $0x10DC0, s31  }
0x3a2: {  	[tilespmem:s20+$0xFFFFFFC0] =	vst v2  }
0x3a3: {  	[tilespmem:s20+$0x30] =	vst v2  }
0x3a4: {  	[tilespmem:s20+$0x20] =	vst v2  }
0x3a5: {  	[tilespmem:s20+$0x10] =	vst v2  }
0x3a6: {  	[tilespmem:s20+$0x0] =	vst v2  }
0x3a7: {  	[tilespmem:s20+$0xFFFFFFF0] =	vst v2  }
0x3a8: {  	s25 =	simm.s32 $0x0;
	[tilespmem:s20+$0xFFFFFFE0] =	vst v2  }
.LBB2_53:
0x3a9: {  	s25 =	sadd.s32 $0x8, s25;
	[tilespmem:s20+$0xFFFFFFD0] =	vst v2;
	s20 =	sadd.s32 $0x80, s20  }
0x3aa: {  	[tilespmem:s20+$0xFFFFFFC0] =	vst v2;
	p1 =	slt.u32 s25, $0x38  }
0x3ab: {  	[tilespmem:s20+$0x30] =	vst v2  }
.Ltmp40:
0x3ac: {  	[tilespmem:s20+$0x20] =	vst v2;
	(pc) =	sbr.rel @p1 .LBB2_53-.Ltmp40, $4  }
0x3ad: {  	[tilespmem:s20+$0x10] =	vst v2  }
0x3ae: {  	[tilespmem:s20+$0x0] =	vst v2  }
0x3af: {  	[tilespmem:s20+$0xFFFFFFF0] =	vst v2  }
0x3b0: {  	[tilespmem:s20+$0xFFFFFFE0] =	vst v2  }
.Ltmp41:
0x3b1: {  	(pc) =	sbr.rel .LBB2_55-.Ltmp41, $2  }
0x3b2: {  	_ =	sdelay $0x2  }
0x3b3: {  	[tilespmem:s20+$0xFFFFFFD0] =	vst v2  }
.LBB2_49:
0x3b4: {  	s24 =	sshll.u32 s30, $0xC  }
.LBB2_55:
0x3b5: {  	s20 =	sshll.u32 s14, $0x2;
	s25 =	sand.u32 $0x7, s7  }
0x3b6: {  	s20 =	sand.u32 $0xFFFF8000, s20;
	s25 =	sshll.u32 s25, $0x9  }
0x3b7: {  	s20 =	sor.u32 s25, s20  }
0x3b8: {  	s20 =	sshrl.u32 s20, $0x2  }
0x3b9: {  	v14 =	vld.msk [tilespmem:s21+$0xB00 ss:$0x0], $0xffff;
	s20 =	sadd.s32 $0xCDC0, s20  }
0x3ba: {  	v15 =	vld [tilespmem:s20+$0x30]  }
0x3bb: {  	v16 =	vld [tilespmem:s20+$0xFFFFFFD0]  }
0x3bc: {  	v17 =	vld [tilespmem:s20+$0xFFFFFFE0]  }
0x3bd: {  	v18 =	vld [tilespmem:s20+$0xFFFFFFF0]  }
0x3be: {  	v19 =	vld [tilespmem:s20+$0x0]  }
0x3bf: {  	v21 =	vld [tilespmem:s20+$0x20]  }
0x3c0: {  	s24 =	sshra.s32 s24, $0x2;
	v20 =	vld [tilespmem:s20+$0x10];
	v15 =	vmul.f32 v15, v14  }
0x3c1: {  	s24 =	sadd.s32 $0x10DF0, s24;
	v60 =	vld [tilespmem:s20+$0xFFFFFFC0];
	v16 =	vmul.f32 v16, v14  }
0x3c2: {  	v18 =	vmul.f32 v18, v14;
	[tilespmem:s24+$0x0] =	vst.add.f32.msk $0xffff, v15  }
0x3c3: {  	v61 =	vmul.f32 v19, v14;
	[tilespmem:s24+$0xFFFFFFA0] =	vst.add.f32.msk $0xffff, v16  }
0x3c4: {  	v62 =	vmul.f32 v21, v14;
	[tilespmem:s24+$0xFFFFFFC0] =	vst.add.f32.msk $0xffff, v18  }
0x3c5: {  	v15 =	vmul.f32 v17, v14;
	[tilespmem:s24+$0xFFFFFFD0] =	vst.add.f32.msk $0xffff, v61  }
0x3c6: {  	v63 =	vmul.f32 v60, v14;
	[tilespmem:s24+$0xFFFFFFF0] =	vst.add.f32.msk $0xffff, v62  }
0x3c7: {  	[tilespmem:s24+$0xFFFFFFB0] =	vst.add.f32.msk $0xffff, v15;
	v15 =	vmul.f32 v20, v14  }
0x3c8: {  	p1 =	sne.s32 s22, s4;
	[tilespmem:s24+$0xFFFFFF90] =	vst.add.f32.msk $0xffff, v63  }
0x3c9: {  	s17 =	smov.u32 @p1 s23;
	s23 =	simm.s32 $0x0;
	s25 =	sadd.s32 $0x400, s20;
	[tilespmem:s24+$0xFFFFFFE0] =	vst.add.f32.msk $0xffff, v15  }
.LBB2_56:
0x3ca: {  	v15 =	vld [tilespmem:s25+$0x30];
	s23 =	sadd.s32 $0x8, s23  }
0x3cb: {  	v16 =	vld [tilespmem:s25+$0xFFFFFFD0];
	p1 =	slt.u32 s23, $0x38  }
0x3cc: {  	v17 =	vld [tilespmem:s25+$0xFFFFFFE0]  }
0x3cd: {  	v18 =	vld [tilespmem:s25+$0xFFFFFFF0]  }
0x3ce: {  	v19 =	vld [tilespmem:s25+$0x0]  }
0x3cf: {  	v20 =	vld [tilespmem:s25+$0x10];
	v15 =	vmul.f32 v15, v14  }
0x3d0: {  	s24 =	sadd.s32 $0x80, s24;
	v16 =	vmul.f32 v16, v14;
	v21 =	vld [tilespmem:s25+$0x20]  }
0x3d1: {  	v17 =	vmul.f32 v17, v14;
	[tilespmem:s24+$0x0] =	vst.add.f32.msk $0xffff, v15  }
0x3d2: {  	v15 =	vld [tilespmem:s25+$0xFFFFFFC0];
	v18 =	vmul.f32 v18, v14  }
0x3d3: {  	[tilespmem:s24+$0xFFFFFFA0] =	vst.add.f32.msk $0xffff, v16;
	v16 =	vmul.f32 v19, v14  }
0x3d4: {  	[tilespmem:s24+$0xFFFFFFB0] =	vst.add.f32.msk $0xffff, v17;
	v17 =	vmul.f32 v20, v14  }
.Ltmp42:
0x3d5: {  	[tilespmem:s24+$0xFFFFFFC0] =	vst.add.f32.msk $0xffff, v18;
	v18 =	vmul.f32 v21, v14;
	(pc) =	sbr.rel @p1 .LBB2_56-.Ltmp42, $4  }
0x3d6: {  	[tilespmem:s24+$0xFFFFFFD0] =	vst.add.f32.msk $0xffff, v16  }
0x3d7: {  	v15 =	vmul.f32 v15, v14;
	[tilespmem:s24+$0xFFFFFFE0] =	vst.add.f32.msk $0xffff, v17  }
0x3d8: {  	[tilespmem:s24+$0xFFFFFFF0] =	vst.add.f32.msk $0xffff, v18  }
0x3d9: {  	s25 =	sadd.s32 $0x400, s25;
	[tilespmem:s24+$0xFFFFFF90] =	vst.add.f32.msk $0xffff, v15  }
.Ltmp43:
0x3da: {  	_ = 	snop;
	(pc) =	sbr.rel .LBB2_57-.Ltmp43, $1  }
0x3db: {  	_ =	sdelay $0x3  }
.LBB2_8:
0x3dc: {  	s4 =	simm.s32 $0xFFFFFFFF  }
0x3dd: {  	s7 =	simm.f32 $0.0e+00;
	s17 =	simm.f32 $0.0e+00;
	s0 =	simm.s32 $0x0  }
.LBB2_59:
0x3de: {  	_ =	swait.ge [sflag:s19], $0x4000  }
0x3df: {  	[sflag:s19] =	ssyncset.done $0x0  }
0x3e0: {  	[sflag:s19] =	ssyncadd.s32 $0xFFFFC000  }
0x3e1: {  	p0 =	slt.s32 s4, $0x0;
	_ =	swait.ge [sflag:s26], $0x4000  }
.Ltmp44:
0x3e2: {  	[sflag:s26] =	ssyncset.done $0x0;
	(pc) =	sbr.rel @p0 .LBB2_60-.Ltmp44, $4  }
0x3e3: {  	[sflag:s26] =	ssyncadd.s32 $0xFFFFC000  }
0x3e4: {  	_ =	swait.ge [sflag:s28], $0x4000  }
0x3e5: {  	[sflag:s28] =	ssyncset.done $0x0  }
0x3e6: {  	[sflag:s28] =	ssyncadd.s32 $0xFFFFC000  }
0x3e7: {  	s1 =	ssub.f32 s7, s17;
	_ =	sdelay $0x1  }
0x3e8: {  	v11 =	vmov s1  }
0x3e9: {  	(erf) = vrcp.f32 v11;
	_ =	sdelay $0x1  }
0x3ea: {  	s31 =	sshll.u32 s30, $0xC  }
0x3eb: {  	s2 =	sshra.s32 s31, $0x2  }
0x3ec: {  	s1 =	sadd.s32 $0x10DC0, s2  }
0x3ed: {  	v14 =	vld [tilespmem:s1+$0x30]  }
0x3ee: {  	v16 =	vld [tilespmem:s1+$0xFFFFFFD0]  }
0x3ef: {  	v18 =	vld [tilespmem:s1+$0xFFFFFFE0]  }
0x3f0: {  	v15 =	vld [tilespmem:s1+$0xFFFFFFF0]  }
0x3f1: {  	v13 =	vld [tilespmem:s1+$0x0];
	v11 =	vpop (erf)  }
0x3f2: {  	v12 =	vld [tilespmem:s1+$0x10];
	v19 =	vmul.f32 v14, v11  }
0x3f3: {  	v14 =	vld [tilespmem:s1+$0x20];
	v17 =	vmul.f32 v16, v11  }
0x3f4: {  	s6 =	simm.s32 $0x0;
	s2 =	sadd.s32 $0x10D80, s2;
	s7 =	sadd.s32 $0x80, s1;
	v16 =	vld [tilespmem:s1+$0xFFFFFFC0];
	v18 =	vmul.f32 v18, v11;
	[tilespmem:s1+$0x30] =	vst v19  }
.LBB2_62:
0x3f5: {  	v19 =	vld [tilespmem:s7+$0x30];
	s6 =	sadd.s32 $0x8, s6;
	[tilespmem:s1+$0xFFFFFFD0] =	vst v17;
	v15 =	vmul.f32 v15, v11  }
0x3f6: {  	v17 =	vld [tilespmem:s7+$0xFFFFFFD0];
	p0 =	slt.u32 s6, $0x38;
	[tilespmem:s1+$0xFFFFFFE0] =	vst v18;
	v13 =	vmul.f32 v13, v11  }
0x3f7: {  	v18 =	vld [tilespmem:s7+$0xFFFFFFE0];
	[tilespmem:s1+$0xFFFFFFF0] =	vst v15;
	v12 =	vmul.f32 v12, v11  }
.Ltmp45:
0x3f8: {  	v15 =	vld [tilespmem:s7+$0xFFFFFFF0];
	[tilespmem:s1+$0x0] =	vst v13;
	v14 =	vmul.f32 v14, v11;
	(pc) =	sbr.rel @p0 .LBB2_62-.Ltmp45, $4  }
0x3f9: {  	v13 =	vld [tilespmem:s7+$0x0];
	v16 =	vmul.f32 v16, v11;
	[tilespmem:s1+$0x10] =	vst v12  }
0x3fa: {  	v12 =	vld [tilespmem:s7+$0x10];
	v19 =	vmul.f32 v19, v11;
	[tilespmem:s1+$0x20] =	vst v14  }
0x3fb: {  	v17 =	vmul.f32 v17, v11;
	v14 =	vld [tilespmem:s7+$0x20];
	[tilespmem:s1+$0xFFFFFFC0] =	vst v16;
	s1 =	smov.u32 s7  }
0x3fc: {  	s7 =	sadd.s32 $0x80, s7;
	v16 =	vld [tilespmem:s1+$0xFFFFFFC0];
	v18 =	vmul.f32 v18, v11;
	[tilespmem:s1+$0x30] =	vst v19  }
0x3fd: {  	[tilespmem:s1+$0xFFFFFFD0] =	vst v17;
	v15 =	vmul.f32 v15, v11  }
0x3fe: {  	[tilespmem:s1+$0xFFFFFFE0] =	vst v18;
	v13 =	vmul.f32 v13, v11  }
0x3ff: {  	[tilespmem:s1+$0xFFFFFFF0] =	vst v15;
	v12 =	vmul.f32 v12, v11  }
0x400: {  	[tilespmem:s1+$0x0] =	vst v13;
	v63 =	vmul.f32 v14, v11  }
0x401: {  	s4 =	sshll.u32 s4, $0x7;
	v11 =	vmul.f32 v16, v11;
	[tilespmem:s1+$0x10] =	vst v12  }
0x402: {  	s30 =	sadd.s32 $0x1, s30;
	s4 =	sand.u32 $0x1FFFFF80, s4;
	[tilespmem:s1+$0x20] =	vst v63  }
0x403: {  	s31 =	sshra.s32 s30, $0x1F;
	s29 =	sadd.s32 s8, s4;
	[tilespmem:s1+$0xFFFFFFC0] =	vst v11  }
0x404: {  	[hbm4b:s29+s5] =	stream.linear.scatter [tilespmem:s2], [sflag:$0x5], $0x400, $0x38;
	[tilespmem:$0x13D80] =	vst v63  }
0x405: {  	s2 =	sshrl.u32 s31, $0x1E  }
0x406: {  	s0 =	sadd.s32 $0x1, s0;
	s2 =	sadd.s32 s2, s30  }
0x407: {  	p0 =	slt.s32 s0, $0x4;
	s2 =	sand.u32 $0xFFFFC, s2  }
0x408: {  	s4 =	simm.s32 @!p0 $0x5;
	s1 =	ssub.s32 s30, s2  }
0x409: {  	_ =	swait.ge @!p0 [sflag:s4], $0x400;
	s1 =	sshll.u32 s1, $0xC  }
0x40a: {  	[sflag:s4] =	ssyncset.done @!p0 $0x0;
	s1 =	sshra.s32 s1, $0x2  }
0x40b: {  	[sflag:s4] =	ssyncadd.s32 @!p0 $0xFFFFFC00;
	s1 =	sadd.s32 $0x10DC0, s1  }
0x40c: {  	[tilespmem:s1+$0xFFFFFFC0] =	vst v2  }
0x40d: {  	[tilespmem:s1+$0x30] =	vst v2  }
0x40e: {  	[tilespmem:s1+$0x20] =	vst v2  }
0x40f: {  	[tilespmem:s1+$0x10] =	vst v2  }
0x410: {  	[tilespmem:s1+$0x0] =	vst v2  }
0x411: {  	[tilespmem:s1+$0xFFFFFFF0] =	vst v2  }
0x412: {  	s2 =	simm.s32 $0x0;
	[tilespmem:s1+$0xFFFFFFE0] =	vst v2  }
.LBB2_64:
0x413: {  	s2 =	sadd.s32 $0x8, s2;
	[tilespmem:s1+$0xFFFFFFD0] =	vst v2;
	s1 =	sadd.s32 $0x80, s1  }
0x414: {  	[tilespmem:s1+$0xFFFFFFC0] =	vst v2;
	p0 =	slt.u32 s2, $0x38  }
0x415: {  	[tilespmem:s1+$0x30] =	vst v2  }
.Ltmp46:
0x416: {  	[tilespmem:s1+$0x20] =	vst v2;
	(pc) =	sbr.rel @p0 .LBB2_64-.Ltmp46, $4  }
0x417: {  	[tilespmem:s1+$0x10] =	vst v2  }
0x418: {  	[tilespmem:s1+$0x0] =	vst v2  }
0x419: {  	[tilespmem:s1+$0xFFFFFFF0] =	vst v2  }
0x41a: {  	[tilespmem:s1+$0xFFFFFFE0] =	vst v2  }
.Ltmp47:
0x41b: {  	(pc) =	sbr.rel .LBB2_66-.Ltmp47, $3  }
0x41c: {  	_ =	sdelay $0x1  }
0x41d: {  	[tilespmem:s1+$0xFFFFFFD0] =	vst v2  }
0x41e: {  	s2 =	rddreg [dreg:$0x7]  }
.LBB2_67:
0x41f: {  	_ =	sfence.sel $0x180000  }
0x420: {  	[bflag:$0x0] =	sbarrier.arrive $0xFFFF  }
0x421: {  	_ =	strace $0x90000047  }
0x422: {  	s0 =	stileid.u32;
	[bflag:$0x2] =	sbarrier.arrive $0xFFFF  }
0x423: {  	p0 =	sne.s32 s0, $0x0;
	s0 =	rddreg [dreg:$0x3]  }
0x424: {  	s0 =	sadd.s32 @!p0 $0x100000, s0  }
0x425: {  	[sflag:s0] =	ssyncadd.tile.s32 @!p0 $0x1;
	_ =	shalt  }
.Lfunc_end2:
_tile_overlayer_lowered:
.L_overlay_start_2:
0x426: {  	(tag) =	ssettag $0x2  }
0x427: {  	s0 =	rddreg [dreg:$0x0];
	s2 =	stileid.u32  }
0x428: {  	s1 =	rddreg [dreg:$0x1];
	p0 =	sne.s32 s2, $0x0  }
0x429: {  	s3 =	rddreg [dreg:$0x2];
	[bflag:$0x3] =	sbarrier.arrive $0xFFFF;
	s2 =	simm.s32 @!p0 $0x1C06  }
0x42a: {  	[timem:s3], [sflag:s2] =	dma.local @!p0 [hbm:s0], s1  }
0x42b: {  	s0 =	simm.s32 @!p0 $0x6  }
0x42c: {  	_ =	swait.ge @!p0 [sflag:s0], s1  }
0x42d: {  	s1 =	ssub.s32 @!p0 $0x0, s1;
	[sflag:s0] =	ssyncset.done @!p0 $0x0  }
0x42e: {  	[sflag:s0] =	ssyncadd.s32 @!p0 s1  }
0x42f: {  	[bflag:$0x3] =	sbarrier.arrive $0xFFFF  }
0x430: {  	_ =	shalt  }

</sc_bundles>
